<compile_context>
chip_gen: v7x
topology: tpu7x:2x2x1
jax: 0.10.2.dev20260603
libtpu: 0.0.44.dev20260713+nightly
codegen_flags: <defaults>
</compile_context>

<pallas_src>
import jax
import jax.numpy as jnp
from jax import lax
from jax.experimental import pallas as pl
from jax.experimental.pallas import tpu as pltpu
from jax.experimental.pallas import tpu_sc as plsc

_CONTEXT = 20
_VOCAB = 100000
_EMBED = 64
_HIDDEN = 100

_NW = 32
_VT = 59136
_VBT = 19712
_NBT = 3
_SPAN = 1152
_CH = 512
_WIDTHS = (512, 512, 128)
_OFFS = (0, 512, 1024)
_TAILW = 6400
_TAIL0 = 15 * _TAILW
_NEG = -1e30


def _hidden_body(idx_ref, *refs):
    emb_refs = refs[:_CONTEXT]
    w1t_ref, b1_ref, h_ref = refs[_CONTEXT], refs[_CONTEXT + 1], refs[_CONTEXT + 2]
    acc = b1_ref[...]
    lane = jax.lax.broadcasted_iota(jnp.int32, (128, 1), 0)
    for t in range(_CONTEXT):
        onehot = (lane == idx_ref[t] % 128).astype(jnp.float32)
        col = jnp.dot(
            emb_refs[t][...], onehot, preferred_element_type=jnp.float32
        )
        acc = acc + jax.lax.dot_general(
            col,
            w1t_ref[:, pl.ds(t * _EMBED, _EMBED)],
            (((0,), (1,)), ((), ())),
            preferred_element_type=jnp.float32,
        )
    h_ref[...] = jnp.tanh(acc)


def _emb_spec(t):
    return pl.BlockSpec((_EMBED, 128), lambda i, idx: (0, idx[t] // 128))


def _hidden(inputs, emb_t, W1t, b1):
    return pl.pallas_call(
        _hidden_body,
        grid_spec=pltpu.PrefetchScalarGridSpec(
            num_scalar_prefetch=1,
            grid=(1,),
            in_specs=[_emb_spec(t) for t in range(_CONTEXT)]
            + [
                pl.BlockSpec(
                    (_HIDDEN, _CONTEXT * _EMBED), lambda i, idx: (0, 0)
                ),
                pl.BlockSpec((1, _HIDDEN), lambda i, idx: (0, 0)),
            ],
            out_specs=pl.BlockSpec((1, _HIDDEN), lambda i, idx: (0, 0)),
        ),
        out_shape=jax.ShapeDtypeStruct((1, _HIDDEN), jnp.float32),
    )(
        inputs.astype(jnp.int32),
        *([emb_t] * _CONTEXT),
        W1t,
        b1.reshape(1, _HIDDEN),
    )


def _sc_body(
    h_hbm,
    w2_hbm,
    b2_hbm,
    logits_hbm,
    m_hbm,
    s_hbm,
    h_vmem,
    b2_vmem,
    logits_vmem,
    stat_vmem,
    w2_a,
    w2_b,
    sem_a,
    sem_b,
    sem_c,
):
    wid = lax.axis_index("s") * 2 + lax.axis_index("c")
    pltpu.sync_copy(h_hbm, h_vmem)
    bufs = (w2_a, w2_b)
    sems = (sem_a, sem_b)

    def fma_chunk(w2_vmem, c, width):
        ng = width // 16

        def fma_body(k4, accs):
            for u in range(4):
                k = k4 * 4 + u
                hv = h_vmem[pl.ds(k * 16, 16)]
                accs = tuple(
                    accs[g] + hv * w2_vmem[k, pl.ds(g * 16, 16)]
                    for g in range(ng)
                )
            return accs

        init = tuple(
            b2_vmem[pl.ds(_OFFS[c] + g * 16, 16)] for g in range(ng)
        )
        return lax.fori_loop(0, _HIDDEN // 4, fma_body, init)

    def stats_update(m_vec, s_vec, accs):
        chunk_m = accs[0]
        for a in accs[1:]:
            chunk_m = jnp.maximum(chunk_m, a)
        m_new = jnp.maximum(m_vec, chunk_m)
        s_new = s_vec * jnp.exp(m_vec - m_new)
        for a in accs:
            s_new = s_new + jnp.exp(a - m_new)
        return m_new, s_new

    def write_stats(m_vec, s_vec):
        stat_vmem[pl.ds(0, 16)] = m_vec
        pltpu.sync_copy(
            stat_vmem.at[pl.ds(0, 16)], m_hbm.at[pl.ds(wid * 16, 16)]
        )
        stat_vmem[pl.ds(16, 16)] = s_vec
        pltpu.sync_copy(
            stat_vmem.at[pl.ds(16, 16)], s_hbm.at[pl.ds(wid * 16, 16)]
        )

    @pl.when(wid < _NW)
    def _main():
        base = _VT + wid * _SPAN
        nch = len(_WIDTHS)
        b2_cp = pltpu.async_copy(
            b2_hbm.at[pl.ds(base, _SPAN)], b2_vmem, sem_c
        )
        pending = [
            pltpu.async_copy(
                w2_hbm.at[:, pl.ds(base, _WIDTHS[0])],
                bufs[0].at[:, pl.ds(0, _WIDTHS[0])],
                sems[0],
            )
        ]
        m_vec = jnp.full((16,), _NEG, jnp.float32)
        s_vec = jnp.zeros((16,), jnp.float32)
        b2_cp.wait()
        for c in range(nch):
            w = _WIDTHS[c]
            if c + 1 < nch:
                pending.append(
                    pltpu.async_copy(
                        w2_hbm.at[:, pl.ds(base + _OFFS[c + 1], _WIDTHS[c + 1])],
                        bufs[(c + 1) % 2].at[:, pl.ds(0, _WIDTHS[c + 1])],
                        sems[(c + 1) % 2],
                    )
                )
            pending.pop(0).wait()
            accs = fma_chunk(bufs[c % 2], c, w)
            for g in range(w // 16):
                logits_vmem[pl.ds(_OFFS[c] + g * 16, 16)] = accs[g]
            m_vec, s_vec = stats_update(m_vec, s_vec, accs)
        pltpu.sync_copy(logits_vmem, logits_hbm.at[pl.ds(base, _SPAN)])
        write_stats(m_vec, s_vec)


def _sc_logits(h, W2, b2):
    mesh = plsc.VectorSubcoreMesh(core_axis_name="c", subcore_axis_name="s")
    run = pl.kernel(
        _sc_body,
        mesh=mesh,
        out_type=[
            jax.ShapeDtypeStruct((_VOCAB,), jnp.float32),
            jax.ShapeDtypeStruct((_NW * 16,), jnp.float32),
            jax.ShapeDtypeStruct((_NW * 16,), jnp.float32),
        ],
        scratch_types=[
            pltpu.VMEM((_HIDDEN * 16,), jnp.float32),
            pltpu.VMEM((_SPAN,), jnp.float32),
            pltpu.VMEM((_SPAN,), jnp.float32),
            pltpu.VMEM((32,), jnp.float32),
            pltpu.VMEM((_HIDDEN, _CH), jnp.float32),
            pltpu.VMEM((_HIDDEN, _CH), jnp.float32),
            pltpu.SemaphoreType.DMA,
            pltpu.SemaphoreType.DMA,
            pltpu.SemaphoreType.DMA,
        ],
    )
    hb = jnp.broadcast_to(h.reshape(_HIDDEN, 1), (_HIDDEN, 16)).reshape(
        _HIDDEN * 16
    )
    return run(hb, W2, b2)


_VB2 = 32768
_NB2 = 4
_LT_BLK = _TAIL0 // _VB2
_LT_BASE = _LT_BLK * _VB2
_LT_LANE = _TAIL0 - _LT_BASE


def _tc_body(
    h_ref, w2p_ref, b2p_ref, w2t_ref, b2t_ref, lp_ref, lt_ref, mt_ref, st_ref,
    stat_ref,
):
    j = pl.program_id(0)
    xp = (
        jnp.dot(h_ref[...], w2p_ref[...], preferred_element_type=jnp.float32)
        + b2p_ref[...]
    )
    lp_ref[...] = xp
    bm = jnp.max(xp)

    @pl.when(j == 0)
    def _():
        xt = (
            jnp.dot(
                h_ref[...], w2t_ref[...], preferred_element_type=jnp.float32
            )
            + b2t_ref[...]
        )
        colt = _TAIL0 + jax.lax.broadcasted_iota(jnp.int32, (1, _TAILW), 1)
        xt = jnp.where(colt < _VOCAB, xt, -jnp.inf)
        lt_ref[pl.ds(0, 1), pl.ds(_LT_LANE, _TAILW)] = xt
        mt = jnp.maximum(jnp.max(xt), bm)
        stat_ref[1] = jnp.sum(jnp.exp(xt - mt)) + jnp.sum(jnp.exp(xp - mt))
        stat_ref[0] = mt

    @pl.when(j > 0)
    def _():
        m_old = stat_ref[0]
        m_new = jnp.maximum(m_old, bm)
        stat_ref[1] = stat_ref[1] * jnp.exp(m_old - m_new) + jnp.sum(
            jnp.exp(xp - m_new)
        )
        stat_ref[0] = m_new

    @pl.when(j == _NBT - 1)
    def _():
        mt_ref[0, 0] = stat_ref[0]
        st_ref[0, 0] = stat_ref[1]


def _tc_logits(h, W2, b2_2d):
    return pl.pallas_call(
        _tc_body,
        grid=(_NBT,),
        in_specs=[
            pl.BlockSpec((1, _HIDDEN), lambda j: (0, 0)),
            pl.BlockSpec((_HIDDEN, _VBT), lambda j: (0, j)),
            pl.BlockSpec((1, _VBT), lambda j: (0, j)),
            pl.BlockSpec((_HIDDEN, _TAILW), lambda j: (0, 15)),
            pl.BlockSpec((1, _TAILW), lambda j: (0, 15)),
        ],
        out_specs=[
            pl.BlockSpec((1, _VBT), lambda j: (0, j)),
            pl.BlockSpec((1, 2 * _VB2), lambda j: (0, 0)),
            pl.BlockSpec(memory_space=pltpu.SMEM),
            pl.BlockSpec(memory_space=pltpu.SMEM),
        ],
        out_shape=[
            jax.ShapeDtypeStruct((1, _VT), jnp.float32),
            jax.ShapeDtypeStruct((1, 2 * _VB2), jnp.float32),
            jax.ShapeDtypeStruct((1, 1), jnp.float32),
            jax.ShapeDtypeStruct((1, 1), jnp.float32),
        ],
        scratch_shapes=[pltpu.SMEM((2,), jnp.float32)],
    )(h, W2, b2_2d, W2, b2_2d)


def _norm_body(
    lp_ref, ls_ref, lt_ref, m_ref, s_ref, mt_ref, st_ref, out_ref, lse_ref
):
    j = pl.program_id(0)

    @pl.when(j == 0)
    def _():
        m_sc = jnp.max(m_ref[...])
        m_g = jnp.maximum(m_sc, mt_ref[0, 0])
        s_g = jnp.sum(s_ref[...] * jnp.exp(m_ref[...] - m_g)) + st_ref[
            0, 0
        ] * jnp.exp(mt_ref[0, 0] - m_g)
        lse_ref[0] = m_g + jnp.log(s_g)

    lse = lse_ref[0]
    col = j * _VB2 + jax.lax.broadcasted_iota(jnp.int32, (1, _VB2), 1)
    v = jnp.where(col < _VT, lp_ref[...], ls_ref[...].reshape(1, _VB2))
    v = jnp.where(col >= _TAIL0, lt_ref[...], v)
    out_ref[...] = v - lse


def _normalize(lp, ls2d, lt, m_part, s_part, mt, st):
    return pl.pallas_call(
        _norm_body,
        grid=(_NB2,),
        in_specs=[
            pl.BlockSpec((1, _VB2), lambda j: (0, jnp.minimum(j, _VT // _VB2))),
            pl.BlockSpec((_VB2,), lambda j: (j,)),
            pl.BlockSpec(
                (1, _VB2), lambda j: (0, jnp.clip(j - _LT_BLK, 0, 1))
            ),
            pl.BlockSpec((1, _NW * 16), lambda j: (0, 0)),
            pl.BlockSpec((1, _NW * 16), lambda j: (0, 0)),
            pl.BlockSpec(memory_space=pltpu.SMEM),
            pl.BlockSpec(memory_space=pltpu.SMEM),
        ],
        out_specs=pl.BlockSpec((1, _VB2), lambda j: (0, j)),
        out_shape=jax.ShapeDtypeStruct((1, _VOCAB), jnp.float32),
        scratch_shapes=[pltpu.SMEM((1,), jnp.float32)],
    )(lp, ls2d, lt, m_part, s_part, mt, st)


def kernel(inputs, emb_table, W1, b1, W2, b2):
    h = _hidden(inputs, emb_table.T, W1.T, b1)
    logits, m_part, s_part = _sc_logits(h, W2, b2)
    lp, lt, mt, st = _tc_logits(h, W2, b2.reshape(1, _VOCAB))
    return _normalize(
        lp,
        logits,
        lt,
        m_part.reshape(1, _NW * 16),
        s_part.reshape(1, _NW * 16),
        mt,
        st,
    )

# --- scband reference (transcript-rebuilt; emitter-appended) ---
"""Pipeline reference for scband-nplm-66486093742457 (READ-ONLY COPY).

The authoritative reference and input builder live on the scoring server;
editing this copy changes nothing except your own understanding.
"""

import jax, jax.numpy as jnp
import numpy as np

CONTEXT = 20
VOCAB = 100000
EMBED = 64
HIDDEN = 100


def setup_inputs(seed: int = 0) -> dict:
    key = jax.random.key(seed)
    k_inp, k_emb, k_w1, k_b1, k_w2, k_b2 = jax.random.split(key, 6)
    inputs = jax.random.randint(k_inp, (CONTEXT,), 0, VOCAB, dtype=jnp.int64 if jax.config.jax_enable_x64 else jnp.int32)
    emb_table = jax.random.normal(k_emb, (VOCAB, EMBED), dtype=jnp.float32)
    W1 = jax.random.normal(k_w1, (CONTEXT * EMBED, HIDDEN), dtype=jnp.float32) * (1.0 / np.sqrt(CONTEXT * EMBED))
    b1 = jax.random.normal(k_b1, (HIDDEN,), dtype=jnp.float32) * 0.01
    W2 = jax.random.normal(k_w2, (HIDDEN, VOCAB), dtype=jnp.float32) * (1.0 / np.sqrt(HIDDEN))
    b2 = jax.random.normal(k_b2, (VOCAB,), dtype=jnp.float32) * 0.01
    return {"inputs": inputs, "emb_table": emb_table, "W1": W1, "b1": b1, "W2": W2, "b2": b2}


def reference(inputs, emb_table, W1, b1, W2, b2):
    # embedding lookup: gather rows from table, then flatten to (1, context*embed)
    embeds = jnp.take(emb_table, inputs, axis=0).reshape((1, -1))
    # linear1 + tanh
    out = jnp.tanh(embeds @ W1 + b1)
    # linear2 + log_softmax over vocab
    logits = out @ W2 + b2
    return jax.nn.log_softmax(logits, axis=-1)

if __name__ == "__main__":
    import jax
    _d = setup_inputs()
    print(jax.jit(kernel)(*tuple(_d.values())))

</pallas_src>

<mosaic_0001>
#map = affine_map<(d0, d1) -> (0)>
#map1 = affine_map<(d0, d1) -> (0, 0)>
module attributes {stable_mosaic.version = 14 : i64} {
  func.func @_sc_body(%arg0: i32, %arg1: i32, %arg2: memref<1600xf32, #tpu.memory_space<hbm>>, %arg3: memref<100x100000xf32, #tpu.memory_space<hbm>>, %arg4: memref<100000xf32, #tpu.memory_space<hbm>>, %arg5: memref<100000xf32, #tpu.memory_space<hbm>>, %arg6: memref<512xf32, #tpu.memory_space<hbm>>, %arg7: memref<512xf32, #tpu.memory_space<hbm>>, %arg8: memref<1600xf32, #tpu.memory_space<vmem>>, %arg9: memref<1152xf32, #tpu.memory_space<vmem>>, %arg10: memref<1152xf32, #tpu.memory_space<vmem>>, %arg11: memref<32xf32, #tpu.memory_space<vmem>>, %arg12: memref<100x512xf32, #tpu.memory_space<vmem>>, %arg13: memref<100x512xf32, #tpu.memory_space<vmem>>, %arg14: memref<!tpu.dma_semaphore, #tpu.memory_space<semaphore_mem>>, %arg15: memref<!tpu.dma_semaphore, #tpu.memory_space<semaphore_mem>>, %arg16: memref<!tpu.dma_semaphore, #tpu.memory_space<semaphore_mem>>) attributes {dimension_semantics = [#tpu.dimension_semantics<core_parallel>, #tpu.dimension_semantics<subcore_parallel>], iteration_bounds = array<i64: 2, 16>, scalar_prefetch = 0 : i64, scratch_operands = 9 : i64, tpu.core_type = #tpu.core_type<sc_vector_subcore>, window_params = [{transform_indices = #map}, {transform_indices = #map1}, {transform_indices = #map}, {transform_indices = #map}, {transform_indices = #map}, {transform_indices = #map}]} {
    %mul3A = arith.constant 2 : i32
    %mul3A_0 = arith.muli %arg1, %mul3A : i32
    %add3A = arith.addi %mul3A_0, %arg0 : i32
    "tpu.region"() ({
      %run_scoped3A = tpu.sem_alloc : memref<!tpu.dma_semaphore, #tpu.memory_space<semaphore_mem>>
      tpu.enqueue_dma source(%arg2 : memref<1600xf32, #tpu.memory_space<hbm>>) target(%arg8 : memref<1600xf32, #tpu.memory_space<vmem>>) target_semaphore(%run_scoped3A : memref<!tpu.dma_semaphore, #tpu.memory_space<semaphore_mem>>)
      tpu.wait_dma2 semaphore(%run_scoped3A : memref<!tpu.dma_semaphore, #tpu.memory_space<semaphore_mem>>) src(%arg2 : memref<1600xf32, #tpu.memory_space<hbm>>) dst(%arg8 : memref<1600xf32, #tpu.memory_space<vmem>>)
      tpu.yield
    }) : () -> ()
    %lt3A = arith.constant 32 : i32
    %lt3A_1 = arith.cmpi slt, %add3A, %lt3A : i32
    %convert_element_type3A = arith.extui %lt3A_1 : i1 to i32
    %cond3A = arith.constant 0 : i32
    %cond3A_2 = arith.cmpi ne, %convert_element_type3A, %cond3A : i32
    scf.if %cond3A_2 {
      %mul3A_3 = arith.constant 1152 : i32
      %mul3A_4 = arith.muli %add3A, %mul3A_3 : i32
      %add3A_5 = arith.constant 59136 : i32
      %add3A_6 = arith.addi %add3A_5, %mul3A_4 : i32
      %dma_start3A = tpu.memref_slice %arg4[%add3A_6] : memref<100000xf32, #tpu.memory_space<hbm>> -> memref<1152xf32, #tpu.memory_space<hbm>>
      %dma_start3A_7 = tpu.memref_slice %arg4[%add3A_6] : memref<100000xf32, #tpu.memory_space<hbm>> -> memref<1152xf32, #tpu.memory_space<hbm>>
      tpu.enqueue_dma source(%dma_start3A_7 : memref<1152xf32, #tpu.memory_space<hbm>>) target(%arg9 : memref<1152xf32, #tpu.memory_space<vmem>>) target_semaphore(%arg16 : memref<!tpu.dma_semaphore, #tpu.memory_space<semaphore_mem>>)
      %dma_start3A_8 = arith.constant 0 : i32
      %dma_start3A_9 = arith.constant 0 : i32
      %dma_start3A_10 = tpu.memref_slice %arg12[%dma_start3A_8, %dma_start3A_9] : memref<100x512xf32, #tpu.memory_space<vmem>> -> memref<100x512xf32, #tpu.memory_space<vmem>>
      %dma_start3A_11 = arith.constant 0 : i32
      %dma_start3A_12 = tpu.memref_slice %arg3[%dma_start3A_11, %add3A_6] : memref<100x100000xf32, #tpu.memory_space<hbm>> -> memref<100x512xf32, #tpu.memory_space<hbm>>
      %dma_start3A_13 = arith.constant 0 : i32
      %dma_start3A_14 = arith.constant 0 : i32
      %dma_start3A_15 = tpu.memref_slice %arg12[%dma_start3A_13, %dma_start3A_14] : memref<100x512xf32, #tpu.memory_space<vmem>> -> memref<100x512xf32, #tpu.memory_space<vmem>>
      %dma_start3A_16 = arith.constant 0 : i32
      %dma_start3A_17 = tpu.memref_slice %arg3[%dma_start3A_16, %add3A_6] : memref<100x100000xf32, #tpu.memory_space<hbm>> -> memref<100x512xf32, #tpu.memory_space<hbm>>
      tpu.enqueue_dma source(%dma_start3A_17 : memref<100x512xf32, #tpu.memory_space<hbm>>) target(%dma_start3A_15 : memref<100x512xf32, #tpu.memory_space<vmem>>) target_semaphore(%arg14 : memref<!tpu.dma_semaphore, #tpu.memory_space<semaphore_mem>>)
      %broadcast_in_dim3A = arith.constant -1.000000e+30 : f32
      %broadcast_in_dim3A_18 = vector.broadcast %broadcast_in_dim3A : f32 to vector<16xf32>
      %broadcast_in_dim3A_19 = arith.constant 0.000000e+00 : f32
      %broadcast_in_dim3A_20 = vector.broadcast %broadcast_in_dim3A_19 : f32 to vector<16xf32>
      %dma_wait3A = tpu.memref_slice %arg4[%add3A_6] : memref<100000xf32, #tpu.memory_space<hbm>> -> memref<1152xf32, #tpu.memory_space<hbm>>
      %dma_wait3A_21 = tpu.memref_slice %arg4[%add3A_6] : memref<100000xf32, #tpu.memory_space<hbm>> -> memref<1152xf32, #tpu.memory_space<hbm>>
      tpu.wait_dma2 semaphore(%arg16 : memref<!tpu.dma_semaphore, #tpu.memory_space<semaphore_mem>>) src(%dma_wait3A_21 : memref<1152xf32, #tpu.memory_space<hbm>>) dst(%arg9 : memref<1152xf32, #tpu.memory_space<vmem>>)
      %add3A_22 = arith.constant 512 : i32
      %add3A_23 = arith.addi %add3A_6, %add3A_22 : i32
      %dma_start3A_24 = arith.constant 0 : i32
      %dma_start3A_25 = arith.constant 0 : i32
      %dma_start3A_26 = tpu.memref_slice %arg13[%dma_start3A_24, %dma_start3A_25] : memref<100x512xf32, #tpu.memory_space<vmem>> -> memref<100x512xf32, #tpu.memory_space<vmem>>
      %dma_start3A_27 = arith.constant 0 : i32
      %dma_start3A_28 = tpu.memref_slice %arg3[%dma_start3A_27, %add3A_23] : memref<100x100000xf32, #tpu.memory_space<hbm>> -> memref<100x512xf32, #tpu.memory_space<hbm>>
      %dma_start3A_29 = arith.constant 0 : i32
      %dma_start3A_30 = arith.constant 0 : i32
      %dma_start3A_31 = tpu.memref_slice %arg13[%dma_start3A_29, %dma_start3A_30] : memref<100x512xf32, #tpu.memory_space<vmem>> -> memref<100x512xf32, #tpu.memory_space<vmem>>
      %dma_start3A_32 = arith.constant 0 : i32
      %dma_start3A_33 = tpu.memref_slice %arg3[%dma_start3A_32, %add3A_23] : memref<100x100000xf32, #tpu.memory_space<hbm>> -> memref<100x512xf32, #tpu.memory_space<hbm>>
      tpu.enqueue_dma source(%dma_start3A_33 : memref<100x512xf32, #tpu.memory_space<hbm>>) target(%dma_start3A_31 : memref<100x512xf32, #tpu.memory_space<vmem>>) target_semaphore(%arg15 : memref<!tpu.dma_semaphore, #tpu.memory_space<semaphore_mem>>)
      %dma_wait3A_34 = arith.constant 0 : i32
      %dma_wait3A_35 = arith.constant 0 : i32
      %dma_wait3A_36 = tpu.memref_slice %arg12[%dma_wait3A_34, %dma_wait3A_35] : memref<100x512xf32, #tpu.memory_space<vmem>> -> memref<100x512xf32, #tpu.memory_space<vmem>>
      %dma_wait3A_37 = arith.constant 0 : i32
      %dma_wait3A_38 = tpu.memref_slice %arg3[%dma_wait3A_37, %add3A_6] : memref<100x100000xf32, #tpu.memory_space<hbm>> -> memref<100x512xf32, #tpu.memory_space<hbm>>
      %dma_wait3A_39 = arith.constant 0 : i32
      %dma_wait3A_40 = arith.constant 0 : i32
      %dma_wait3A_41 = tpu.memref_slice %arg12[%dma_wait3A_39, %dma_wait3A_40] : memref<100x512xf32, #tpu.memory_space<vmem>> -> memref<100x512xf32, #tpu.memory_space<vmem>>
      %dma_wait3A_42 = arith.constant 0 : i32
      %dma_wait3A_43 = tpu.memref_slice %arg3[%dma_wait3A_42, %add3A_6] : memref<100x100000xf32, #tpu.memory_space<hbm>> -> memref<100x512xf32, #tpu.memory_space<hbm>>
      tpu.wait_dma2 semaphore(%arg14 : memref<!tpu.dma_semaphore, #tpu.memory_space<semaphore_mem>>) src(%dma_wait3A_43 : memref<100x512xf32, #tpu.memory_space<hbm>>) dst(%dma_wait3A_41 : memref<100x512xf32, #tpu.memory_space<vmem>>)
      %get3A = arith.constant 0 : index
      %get3A_44 = tpu.vector_load %arg9[%get3A] {strides = array<i32>} : memref<1152xf32, #tpu.memory_space<vmem>>, vector<16xf32>,
      %get3A_45 = vector.shape_cast %get3A_44 : vector<16xf32> to vector<16xf32>
      %get3A_46 = arith.constant 16 : index
      %get3A_47 = tpu.vector_load %arg9[%get3A_46] {strides = array<i32>} : memref<1152xf32, #tpu.memory_space<vmem>>, vector<16xf32>,
      %get3A_48 = vector.shape_cast %get3A_47 : vector<16xf32> to vector<16xf32>
      %get3A_49 = arith.constant 32 : index
      %get3A_50 = tpu.vector_load %arg9[%get3A_49] {strides = array<i32>} : memref<1152xf32, #tpu.memory_space<vmem>>, vector<16xf32>,
      %get3A_51 = vector.shape_cast %get3A_50 : vector<16xf32> to vector<16xf32>
      %get3A_52 = arith.constant 48 : index
      %get3A_53 = tpu.vector_load %arg9[%get3A_52] {strides = array<i32>} : memref<1152xf32, #tpu.memory_space<vmem>>, vector<16xf32>,
      %get3A_54 = vector.shape_cast %get3A_53 : vector<16xf32> to vector<16xf32>
      %get3A_55 = arith.constant 64 : index
      %get3A_56 = tpu.vector_load %arg9[%get3A_55] {strides = array<i32>} : memref<1152xf32, #tpu.memory_space<vmem>>, vector<16xf32>,
      %get3A_57 = vector.shape_cast %get3A_56 : vector<16xf32> to vector<16xf32>
      %get3A_58 = arith.constant 80 : index
      %get3A_59 = tpu.vector_load %arg9[%get3A_58] {strides = array<i32>} : memref<1152xf32, #tpu.memory_space<vmem>>, vector<16xf32>,
      %get3A_60 = vector.shape_cast %get3A_59 : vector<16xf32> to vector<16xf32>
      %get3A_61 = arith.constant 96 : index
      %get3A_62 = tpu.vector_load %arg9[%get3A_61] {strides = array<i32>} : memref<1152xf32, #tpu.memory_space<vmem>>, vector<16xf32>,
      %get3A_63 = vector.shape_cast %get3A_62 : vector<16xf32> to vector<16xf32>
      %get3A_64 = arith.constant 112 : index
      %get3A_65 = tpu.vector_load %arg9[%get3A_64] {strides = array<i32>} : memref<1152xf32, #tpu.memory_space<vmem>>, vector<16xf32>,
      %get3A_66 = vector.shape_cast %get3A_65 : vector<16xf32> to vector<16xf32>
      %get3A_67 = arith.constant 128 : index
      %get3A_68 = tpu.vector_load %arg9[%get3A_67] {strides = array<i32>} : memref<1152xf32, #tpu.memory_space<vmem>>, vector<16xf32>,
      %get3A_69 = vector.shape_cast %get3A_68 : vector<16xf32> to vector<16xf32>
      %get3A_70 = arith.constant 144 : index
      %get3A_71 = tpu.vector_load %arg9[%get3A_70] {strides = array<i32>} : memref<1152xf32, #tpu.memory_space<vmem>>, vector<16xf32>,
      %get3A_72 = vector.shape_cast %get3A_71 : vector<16xf32> to vector<16xf32>
      %get3A_73 = arith.constant 160 : index
      %get3A_74 = tpu.vector_load %arg9[%get3A_73] {strides = array<i32>} : memref<1152xf32, #tpu.memory_space<vmem>>, vector<16xf32>,
      %get3A_75 = vector.shape_cast %get3A_74 : vector<16xf32> to vector<16xf32>
      %get3A_76 = arith.constant 176 : index
      %get3A_77 = tpu.vector_load %arg9[%get3A_76] {strides = array<i32>} : memref<1152xf32, #tpu.memory_space<vmem>>, vector<16xf32>,
      %get3A_78 = vector.shape_cast %get3A_77 : vector<16xf32> to vector<16xf32>
      %get3A_79 = arith.constant 192 : index
      %get3A_80 = tpu.vector_load %arg9[%get3A_79] {strides = array<i32>} : memref<1152xf32, #tpu.memory_space<vmem>>, vector<16xf32>,
      %get3A_81 = vector.shape_cast %get3A_80 : vector<16xf32> to vector<16xf32>
      %get3A_82 = arith.constant 208 : index
      %get3A_83 = tpu.vector_load %arg9[%get3A_82] {strides = array<i32>} : memref<1152xf32, #tpu.memory_space<vmem>>, vector<16xf32>,
      %get3A_84 = vector.shape_cast %get3A_83 : vector<16xf32> to vector<16xf32>
      %get3A_85 = arith.constant 224 : index
      %get3A_86 = tpu.vector_load %arg9[%get3A_85] {strides = array<i32>} : memref<1152xf32, #tpu.memory_space<vmem>>, vector<16xf32>,
      %get3A_87 = vector.shape_cast %get3A_86 : vector<16xf32> to vector<16xf32>
      %get3A_88 = arith.constant 240 : index
      %get3A_89 = tpu.vector_load %arg9[%get3A_88] {strides = array<i32>} : memref<1152xf32, #tpu.memory_space<vmem>>, vector<16xf32>,
      %get3A_90 = vector.shape_cast %get3A_89 : vector<16xf32> to vector<16xf32>
      %get3A_91 = arith.constant 256 : index
      %get3A_92 = tpu.vector_load %arg9[%get3A_91] {strides = array<i32>} : memref<1152xf32, #tpu.memory_space<vmem>>, vector<16xf32>,
      %get3A_93 = vector.shape_cast %get3A_92 : vector<16xf32> to vector<16xf32>
      %get3A_94 = arith.constant 272 : index
      %get3A_95 = tpu.vector_load %arg9[%get3A_94] {strides = array<i32>} : memref<1152xf32, #tpu.memory_space<vmem>>, vector<16xf32>,
      %get3A_96 = vector.shape_cast %get3A_95 : vector<16xf32> to vector<16xf32>
      %get3A_97 = arith.constant 288 : index
      %get3A_98 = tpu.vector_load %arg9[%get3A_97] {strides = array<i32>} : memref<1152xf32, #tpu.memory_space<vmem>>, vector<16xf32>,
      %get3A_99 = vector.shape_cast %get3A_98 : vector<16xf32> to vector<16xf32>
      %get3A_100 = arith.constant 304 : index
      %get3A_101 = tpu.vector_load %arg9[%get3A_100] {strides = array<i32>} : memref<1152xf32, #tpu.memory_space<vmem>>, vector<16xf32>,
      %get3A_102 = vector.shape_cast %get3A_101 : vector<16xf32> to vector<16xf32>
      %get3A_103 = arith.constant 320 : index
      %get3A_104 = tpu.vector_load %arg9[%get3A_103] {strides = array<i32>} : memref<1152xf32, #tpu.memory_space<vmem>>, vector<16xf32>,
      %get3A_105 = vector.shape_cast %get3A_104 : vector<16xf32> to vector<16xf32>
      %get3A_106 = arith.constant 336 : index
      %get3A_107 = tpu.vector_load %arg9[%get3A_106] {strides = array<i32>} : memref<1152xf32, #tpu.memory_space<vmem>>, vector<16xf32>,
      %get3A_108 = vector.shape_cast %get3A_107 : vector<16xf32> to vector<16xf32>
      %get3A_109 = arith.constant 352 : index
      %get3A_110 = tpu.vector_load %arg9[%get3A_109] {strides = array<i32>} : memref<1152xf32, #tpu.memory_space<vmem>>, vector<16xf32>,
      %get3A_111 = vector.shape_cast %get3A_110 : vector<16xf32> to vector<16xf32>
      %get3A_112 = arith.constant 368 : index
      %get3A_113 = tpu.vector_load %arg9[%get3A_112] {strides = array<i32>} : memref<1152xf32, #tpu.memory_space<vmem>>, vector<16xf32>,
      %get3A_114 = vector.shape_cast %get3A_113 : vector<16xf32> to vector<16xf32>
      %get3A_115 = arith.constant 384 : index
      %get3A_116 = tpu.vector_load %arg9[%get3A_115] {strides = array<i32>} : memref<1152xf32, #tpu.memory_space<vmem>>, vector<16xf32>,
      %get3A_117 = vector.shape_cast %get3A_116 : vector<16xf32> to vector<16xf32>
      %get3A_118 = arith.constant 400 : index
      %get3A_119 = tpu.vector_load %arg9[%get3A_118] {strides = array<i32>} : memref<1152xf32, #tpu.memory_space<vmem>>, vector<16xf32>,
      %get3A_120 = vector.shape_cast %get3A_119 : vector<16xf32> to vector<16xf32>
      %get3A_121 = arith.constant 416 : index
      %get3A_122 = tpu.vector_load %arg9[%get3A_121] {strides = array<i32>} : memref<1152xf32, #tpu.memory_space<vmem>>, vector<16xf32>,
      %get3A_123 = vector.shape_cast %get3A_122 : vector<16xf32> to vector<16xf32>
      %get3A_124 = arith.constant 432 : index
      %get3A_125 = tpu.vector_load %arg9[%get3A_124] {strides = array<i32>} : memref<1152xf32, #tpu.memory_space<vmem>>, vector<16xf32>,
      %get3A_126 = vector.shape_cast %get3A_125 : vector<16xf32> to vector<16xf32>
      %get3A_127 = arith.constant 448 : index
      %get3A_128 = tpu.vector_load %arg9[%get3A_127] {strides = array<i32>} : memref<1152xf32, #tpu.memory_space<vmem>>, vector<16xf32>,
      %get3A_129 = vector.shape_cast %get3A_128 : vector<16xf32> to vector<16xf32>
      %get3A_130 = arith.constant 464 : index
      %get3A_131 = tpu.vector_load %arg9[%get3A_130] {strides = array<i32>} : memref<1152xf32, #tpu.memory_space<vmem>>, vector<16xf32>,
      %get3A_132 = vector.shape_cast %get3A_131 : vector<16xf32> to vector<16xf32>
      %get3A_133 = arith.constant 480 : index
      %get3A_134 = tpu.vector_load %arg9[%get3A_133] {strides = array<i32>} : memref<1152xf32, #tpu.memory_space<vmem>>, vector<16xf32>,
      %get3A_135 = vector.shape_cast %get3A_134 : vector<16xf32> to vector<16xf32>
      %get3A_136 = arith.constant 496 : index
      %get3A_137 = tpu.vector_load %arg9[%get3A_136] {strides = array<i32>} : memref<1152xf32, #tpu.memory_space<vmem>>, vector<16xf32>,
      %get3A_138 = vector.shape_cast %get3A_137 : vector<16xf32> to vector<16xf32>
      %scan3A = arith.constant 0 : i32
      %scan3A_139 = arith.constant 25 : i32
      %scan3A_140 = arith.addi %scan3A, %scan3A_139 : i32
      %scan3A_141 = arith.constant 1 : i32
      %scan3A_142:32 = scf.for %scan3A_901 = %scan3A to %scan3A_140 step %scan3A_141 iter_args(%scan3A_902 = %get3A_45, %scan3A_903 = %get3A_48, %scan3A_904 = %get3A_51, %scan3A_905 = %get3A_54, %scan3A_906 = %get3A_57, %scan3A_907 = %get3A_60, %scan3A_908 = %get3A_63, %scan3A_909 = %get3A_66, %scan3A_910 = %get3A_69, %scan3A_911 = %get3A_72, %scan3A_912 = %get3A_75, %scan3A_913 = %get3A_78, %scan3A_914 = %get3A_81, %scan3A_915 = %get3A_84, %scan3A_916 = %get3A_87, %scan3A_917 = %get3A_90, %scan3A_918 = %get3A_93, %scan3A_919 = %get3A_96, %scan3A_920 = %get3A_99, %scan3A_921 = %get3A_102, %scan3A_922 = %get3A_105, %scan3A_923 = %get3A_108, %scan3A_924 = %get3A_111, %scan3A_925 = %get3A_114, %scan3A_926 = %get3A_117, %scan3A_927 = %get3A_120, %scan3A_928 = %get3A_123, %scan3A_929 = %get3A_126, %scan3A_930 = %get3A_129, %scan3A_931 = %get3A_132, %scan3A_932 = %get3A_135, %scan3A_933 = %get3A_138) -> (vector<16xf32>, vector<16xf32>, vector<16xf32>, vector<16xf32>, vector<16xf32>, vector<16xf32>, vector<16xf32>, vector<16xf32>, vector<16xf32>, vector<16xf32>, vector<16xf32>, vector<16xf32>, vector<16xf32>, vector<16xf32>, vector<16xf32>, vector<16xf32>, vector<16xf32>, vector<16xf32>, vector<16xf32>, vector<16xf32>, vector<16xf32>, vector<16xf32>, vector<16xf32>, vector<16xf32>, vector<16xf32>, vector<16xf32>, vector<16xf32>, vector<16xf32>, vector<16xf32>, vector<16xf32>, vector<16xf32>, vector<16xf32>)  : i32 {
        %mul3A_934 = arith.constant 4 : i32
        %mul3A_935 = arith.muli %scan3A_901, %mul3A_934 : i32
        %add3A_936 = arith.constant 0 : i32
        %add3A_937 = arith.addi %mul3A_935, %add3A_936 : i32
        %mul3A_938 = arith.constant 16 : i32
        %mul3A_939 = arith.muli %add3A_937, %mul3A_938 : i32
        %get3A_940 = arith.index_cast %mul3A_939 : i32 to index
        %get3A_941 = tpu.vector_load %arg8[%get3A_940] {strides = array<i32>} : memref<1600xf32, #tpu.memory_space<vmem>>, vector<16xf32>,
        %get3A_942 = vector.shape_cast %get3A_941 : vector<16xf32> to vector<16xf32>
        %get3A_943 = arith.index_cast %add3A_937 : i32 to index
        %get3A_944 = arith.constant 0 : index
        %get3A_945 = tpu.vector_load %arg12[%get3A_943, %get3A_944] {strides = array<i32>} : memref<100x512xf32, #tpu.memory_space<vmem>>, vector<1x16xf32>,
        %get3A_946 = vector.shape_cast %get3A_945 : vector<1x16xf32> to vector<16xf32>
        %mul3A_947 = arith.mulf %get3A_942, %get3A_946 : vector<16xf32>
        %add3A_948 = arith.addf %scan3A_902, %mul3A_947 : vector<16xf32>
        %get3A_949 = arith.index_cast %add3A_937 : i32 to index
        %get3A_950 = arith.constant 16 : index
        %get3A_951 = tpu.vector_load %arg12[%get3A_949, %get3A_950] {strides = array<i32>} : memref<100x512xf32, #tpu.memory_space<vmem>>, vector<1x16xf32>,
        %get3A_952 = vector.shape_cast %get3A_951 : vector<1x16xf32> to vector<16xf32>
        %mul3A_953 = arith.mulf %get3A_942, %get3A_952 : vector<16xf32>
        %add3A_954 = arith.addf %scan3A_903, %mul3A_953 : vector<16xf32>
        %get3A_955 = arith.index_cast %add3A_937 : i32 to index
        %get3A_956 = arith.constant 32 : index
        %get3A_957 = tpu.vector_load %arg12[%get3A_955, %get3A_956] {strides = array<i32>} : memref<100x512xf32, #tpu.memory_space<vmem>>, vector<1x16xf32>,
        %get3A_958 = vector.shape_cast %get3A_957 : vector<1x16xf32> to vector<16xf32>
        %mul3A_959 = arith.mulf %get3A_942, %get3A_958 : vector<16xf32>
        %add3A_960 = arith.addf %scan3A_904, %mul3A_959 : vector<16xf32>
        %get3A_961 = arith.index_cast %add3A_937 : i32 to index
        %get3A_962 = arith.constant 48 : index
        %get3A_963 = tpu.vector_load %arg12[%get3A_961, %get3A_962] {strides = array<i32>} : memref<100x512xf32, #tpu.memory_space<vmem>>, vector<1x16xf32>,
        %get3A_964 = vector.shape_cast %get3A_963 : vector<1x16xf32> to vector<16xf32>
        %mul3A_965 = arith.mulf %get3A_942, %get3A_964 : vector<16xf32>
        %add3A_966 = arith.addf %scan3A_905, %mul3A_965 : vector<16xf32>
        %get3A_967 = arith.index_cast %add3A_937 : i32 to index
        %get3A_968 = arith.constant 64 : index
        %get3A_969 = tpu.vector_load %arg12[%get3A_967, %get3A_968] {strides = array<i32>} : memref<100x512xf32, #tpu.memory_space<vmem>>, vector<1x16xf32>,
        %get3A_970 = vector.shape_cast %get3A_969 : vector<1x16xf32> to vector<16xf32>
        %mul3A_971 = arith.mulf %get3A_942, %get3A_970 : vector<16xf32>
        %add3A_972 = arith.addf %scan3A_906, %mul3A_971 : vector<16xf32>
        %get3A_973 = arith.index_cast %add3A_937 : i32 to index
        %get3A_974 = arith.constant 80 : index
        %get3A_975 = tpu.vector_load %arg12[%get3A_973, %get3A_974] {strides = array<i32>} : memref<100x512xf32, #tpu.memory_space<vmem>>, vector<1x16xf32>,
        %get3A_976 = vector.shape_cast %get3A_975 : vector<1x16xf32> to vector<16xf32>
        %mul3A_977 = arith.mulf %get3A_942, %get3A_976 : vector<16xf32>
        %add3A_978 = arith.addf %scan3A_907, %mul3A_977 : vector<16xf32>
        %get3A_979 = arith.index_cast %add3A_937 : i32 to index
        %get3A_980 = arith.constant 96 : index
        %get3A_981 = tpu.vector_load %arg12[%get3A_979, %get3A_980] {strides = array<i32>} : memref<100x512xf32, #tpu.memory_space<vmem>>, vector<1x16xf32>,
        %get3A_982 = vector.shape_cast %get3A_981 : vector<1x16xf32> to vector<16xf32>
        %mul3A_983 = arith.mulf %get3A_942, %get3A_982 : vector<16xf32>
        %add3A_984 = arith.addf %scan3A_908, %mul3A_983 : vector<16xf32>
        %get3A_985 = arith.index_cast %add3A_937 : i32 to index
        %get3A_986 = arith.constant 112 : index
        %get3A_987 = tpu.vector_load %arg12[%get3A_985, %get3A_986] {strides = array<i32>} : memref<100x512xf32, #tpu.memory_space<vmem>>, vector<1x16xf32>,
        %get3A_988 = vector.shape_cast %get3A_987 : vector<1x16xf32> to vector<16xf32>
        %mul3A_989 = arith.mulf %get3A_942, %get3A_988 : vector<16xf32>
        %add3A_990 = arith.addf %scan3A_909, %mul3A_989 : vector<16xf32>
        %get3A_991 = arith.index_cast %add3A_937 : i32 to index
        %get3A_992 = arith.constant 128 : index
        %get3A_993 = tpu.vector_load %arg12[%get3A_991, %get3A_992] {strides = array<i32>} : memref<100x512xf32, #tpu.memory_space<vmem>>, vector<1x16xf32>,
        %get3A_994 = vector.shape_cast %get3A_993 : vector<1x16xf32> to vector<16xf32>
        %mul3A_995 = arith.mulf %get3A_942, %get3A_994 : vector<16xf32>
        %add3A_996 = arith.addf %scan3A_910, %mul3A_995 : vector<16xf32>
        %get3A_997 = arith.index_cast %add3A_937 : i32 to index
        %get3A_998 = arith.constant 144 : index
        %get3A_999 = tpu.vector_load %arg12[%get3A_997, %get3A_998] {strides = array<i32>} : memref<100x512xf32, #tpu.memory_space<vmem>>, vector<1x16xf32>,
        %get3A_1000 = vector.shape_cast %get3A_999 : vector<1x16xf32> to vector<16xf32>
        %mul3A_1001 = arith.mulf %get3A_942, %get3A_1000 : vector<16xf32>
        %add3A_1002 = arith.addf %scan3A_911, %mul3A_1001 : vector<16xf32>
        %get3A_1003 = arith.index_cast %add3A_937 : i32 to index
        %get3A_1004 = arith.constant 160 : index
        %get3A_1005 = tpu.vector_load %arg12[%get3A_1003, %get3A_1004] {strides = array<i32>} : memref<100x512xf32, #tpu.memory_space<vmem>>, vector<1x16xf32>,
        %get3A_1006 = vector.shape_cast %get3A_1005 : vector<1x16xf32> to vector<16xf32>
        %mul3A_1007 = arith.mulf %get3A_942, %get3A_1006 : vector<16xf32>
        %add3A_1008 = arith.addf %scan3A_912, %mul3A_1007 : vector<16xf32>
        %get3A_1009 = arith.index_cast %add3A_937 : i32 to index
        %get3A_1010 = arith.constant 176 : index
        %get3A_1011 = tpu.vector_load %arg12[%get3A_1009, %get3A_1010] {strides = array<i32>} : memref<100x512xf32, #tpu.memory_space<vmem>>, vector<1x16xf32>,
        %get3A_1012 = vector.shape_cast %get3A_1011 : vector<1x16xf32> to vector<16xf32>
        %mul3A_1013 = arith.mulf %get3A_942, %get3A_1012 : vector<16xf32>
        %add3A_1014 = arith.addf %scan3A_913, %mul3A_1013 : vector<16xf32>
        %get3A_1015 = arith.index_cast %add3A_937 : i32 to index
        %get3A_1016 = arith.constant 192 : index
        %get3A_1017 = tpu.vector_load %arg12[%get3A_1015, %get3A_1016] {strides = array<i32>} : memref<100x512xf32, #tpu.memory_space<vmem>>, vector<1x16xf32>,
        %get3A_1018 = vector.shape_cast %get3A_1017 : vector<1x16xf32> to vector<16xf32>
        %mul3A_1019 = arith.mulf %get3A_942, %get3A_1018 : vector<16xf32>
        %add3A_1020 = arith.addf %scan3A_914, %mul3A_1019 : vector<16xf32>
        %get3A_1021 = arith.index_cast %add3A_937 : i32 to index
        %get3A_1022 = arith.constant 208 : index
        %get3A_1023 = tpu.vector_load %arg12[%get3A_1021, %get3A_1022] {strides = array<i32>} : memref<100x512xf32, #tpu.memory_space<vmem>>, vector<1x16xf32>,
        %get3A_1024 = vector.shape_cast %get3A_1023 : vector<1x16xf32> to vector<16xf32>
        %mul3A_1025 = arith.mulf %get3A_942, %get3A_1024 : vector<16xf32>
        %add3A_1026 = arith.addf %scan3A_915, %mul3A_1025 : vector<16xf32>
        %get3A_1027 = arith.index_cast %add3A_937 : i32 to index
        %get3A_1028 = arith.constant 224 : index
        %get3A_1029 = tpu.vector_load %arg12[%get3A_1027, %get3A_1028] {strides = array<i32>} : memref<100x512xf32, #tpu.memory_space<vmem>>, vector<1x16xf32>,
        %get3A_1030 = vector.shape_cast %get3A_1029 : vector<1x16xf32> to vector<16xf32>
        %mul3A_1031 = arith.mulf %get3A_942, %get3A_1030 : vector<16xf32>
        %add3A_1032 = arith.addf %scan3A_916, %mul3A_1031 : vector<16xf32>
        %get3A_1033 = arith.index_cast %add3A_937 : i32 to index
        %get3A_1034 = arith.constant 240 : index
        %get3A_1035 = tpu.vector_load %arg12[%get3A_1033, %get3A_1034] {strides = array<i32>} : memref<100x512xf32, #tpu.memory_space<vmem>>, vector<1x16xf32>,
        %get3A_1036 = vector.shape_cast %get3A_1035 : vector<1x16xf32> to vector<16xf32>
        %mul3A_1037 = arith.mulf %get3A_942, %get3A_1036 : vector<16xf32>
        %add3A_1038 = arith.addf %scan3A_917, %mul3A_1037 : vector<16xf32>
        %get3A_1039 = arith.index_cast %add3A_937 : i32 to index
        %get3A_1040 = arith.constant 256 : index
        %get3A_1041 = tpu.vector_load %arg12[%get3A_1039, %get3A_1040] {strides = array<i32>} : memref<100x512xf32, #tpu.memory_space<vmem>>, vector<1x16xf32>,
        %get3A_1042 = vector.shape_cast %get3A_1041 : vector<1x16xf32> to vector<16xf32>
        %mul3A_1043 = arith.mulf %get3A_942, %get3A_1042 : vector<16xf32>
        %add3A_1044 = arith.addf %scan3A_918, %mul3A_1043 : vector<16xf32>
        %get3A_1045 = arith.index_cast %add3A_937 : i32 to index
        %get3A_1046 = arith.constant 272 : index
        %get3A_1047 = tpu.vector_load %arg12[%get3A_1045, %get3A_1046] {strides = array<i32>} : memref<100x512xf32, #tpu.memory_space<vmem>>, vector<1x16xf32>,
        %get3A_1048 = vector.shape_cast %get3A_1047 : vector<1x16xf32> to vector<16xf32>
        %mul3A_1049 = arith.mulf %get3A_942, %get3A_1048 : vector<16xf32>
        %add3A_1050 = arith.addf %scan3A_919, %mul3A_1049 : vector<16xf32>
        %get3A_1051 = arith.index_cast %add3A_937 : i32 to index
        %get3A_1052 = arith.constant 288 : index
        %get3A_1053 = tpu.vector_load %arg12[%get3A_1051, %get3A_1052] {strides = array<i32>} : memref<100x512xf32, #tpu.memory_space<vmem>>, vector<1x16xf32>,
        %get3A_1054 = vector.shape_cast %get3A_1053 : vector<1x16xf32> to vector<16xf32>
        %mul3A_1055 = arith.mulf %get3A_942, %get3A_1054 : vector<16xf32>
        %add3A_1056 = arith.addf %scan3A_920, %mul3A_1055 : vector<16xf32>
        %get3A_1057 = arith.index_cast %add3A_937 : i32 to index
        %get3A_1058 = arith.constant 304 : index
        %get3A_1059 = tpu.vector_load %arg12[%get3A_1057, %get3A_1058] {strides = array<i32>} : memref<100x512xf32, #tpu.memory_space<vmem>>, vector<1x16xf32>,
        %get3A_1060 = vector.shape_cast %get3A_1059 : vector<1x16xf32> to vector<16xf32>
        %mul3A_1061 = arith.mulf %get3A_942, %get3A_1060 : vector<16xf32>
        %add3A_1062 = arith.addf %scan3A_921, %mul3A_1061 : vector<16xf32>
        %get3A_1063 = arith.index_cast %add3A_937 : i32 to index
        %get3A_1064 = arith.constant 320 : index
        %get3A_1065 = tpu.vector_load %arg12[%get3A_1063, %get3A_1064] {strides = array<i32>} : memref<100x512xf32, #tpu.memory_space<vmem>>, vector<1x16xf32>,
        %get3A_1066 = vector.shape_cast %get3A_1065 : vector<1x16xf32> to vector<16xf32>
        %mul3A_1067 = arith.mulf %get3A_942, %get3A_1066 : vector<16xf32>
        %add3A_1068 = arith.addf %scan3A_922, %mul3A_1067 : vector<16xf32>
        %get3A_1069 = arith.index_cast %add3A_937 : i32 to index
        %get3A_1070 = arith.constant 336 : index
        %get3A_1071 = tpu.vector_load %arg12[%get3A_1069, %get3A_1070] {strides = array<i32>} : memref<100x512xf32, #tpu.memory_space<vmem>>, vector<1x16xf32>,
        %get3A_1072 = vector.shape_cast %get3A_1071 : vector<1x16xf32> to vector<16xf32>
        %mul3A_1073 = arith.mulf %get3A_942, %get3A_1072 : vector<16xf32>
        %add3A_1074 = arith.addf %scan3A_923, %mul3A_1073 : vector<16xf32>
        %get3A_1075 = arith.index_cast %add3A_937 : i32 to index
        %get3A_1076 = arith.constant 352 : index
        %get3A_1077 = tpu.vector_load %arg12[%get3A_1075, %get3A_1076] {strides = array<i32>} : memref<100x512xf32, #tpu.memory_space<vmem>>, vector<1x16xf32>,
        %get3A_1078 = vector.shape_cast %get3A_1077 : vector<1x16xf32> to vector<16xf32>
        %mul3A_1079 = arith.mulf %get3A_942, %get3A_1078 : vector<16xf32>
        %add3A_1080 = arith.addf %scan3A_924, %mul3A_1079 : vector<16xf32>
        %get3A_1081 = arith.index_cast %add3A_937 : i32 to index
        %get3A_1082 = arith.constant 368 : index
        %get3A_1083 = tpu.vector_load %arg12[%get3A_1081, %get3A_1082] {strides = array<i32>} : memref<100x512xf32, #tpu.memory_space<vmem>>, vector<1x16xf32>,
        %get3A_1084 = vector.shape_cast %get3A_1083 : vector<1x16xf32> to vector<16xf32>
        %mul3A_1085 = arith.mulf %get3A_942, %get3A_1084 : vector<16xf32>
        %add3A_1086 = arith.addf %scan3A_925, %mul3A_1085 : vector<16xf32>
        %get3A_1087 = arith.index_cast %add3A_937 : i32 to index
        %get3A_1088 = arith.constant 384 : index
        %get3A_1089 = tpu.vector_load %arg12[%get3A_1087, %get3A_1088] {strides = array<i32>} : memref<100x512xf32, #tpu.memory_space<vmem>>, vector<1x16xf32>,
        %get3A_1090 = vector.shape_cast %get3A_1089 : vector<1x16xf32> to vector<16xf32>
        %mul3A_1091 = arith.mulf %get3A_942, %get3A_1090 : vector<16xf32>
        %add3A_1092 = arith.addf %scan3A_926, %mul3A_1091 : vector<16xf32>
        %get3A_1093 = arith.index_cast %add3A_937 : i32 to index
        %get3A_1094 = arith.constant 400 : index
        %get3A_1095 = tpu.vector_load %arg12[%get3A_1093, %get3A_1094] {strides = array<i32>} : memref<100x512xf32, #tpu.memory_space<vmem>>, vector<1x16xf32>,
        %get3A_1096 = vector.shape_cast %get3A_1095 : vector<1x16xf32> to vector<16xf32>
        %mul3A_1097 = arith.mulf %get3A_942, %get3A_1096 : vector<16xf32>
        %add3A_1098 = arith.addf %scan3A_927, %mul3A_1097 : vector<16xf32>
        %get3A_1099 = arith.index_cast %add3A_937 : i32 to index
        %get3A_1100 = arith.constant 416 : index
        %get3A_1101 = tpu.vector_load %arg12[%get3A_1099, %get3A_1100] {strides = array<i32>} : memref<100x512xf32, #tpu.memory_space<vmem>>, vector<1x16xf32>,
        %get3A_1102 = vector.shape_cast %get3A_1101 : vector<1x16xf32> to vector<16xf32>
        %mul3A_1103 = arith.mulf %get3A_942, %get3A_1102 : vector<16xf32>
        %add3A_1104 = arith.addf %scan3A_928, %mul3A_1103 : vector<16xf32>
        %get3A_1105 = arith.index_cast %add3A_937 : i32 to index
        %get3A_1106 = arith.constant 432 : index
        %get3A_1107 = tpu.vector_load %arg12[%get3A_1105, %get3A_1106] {strides = array<i32>} : memref<100x512xf32, #tpu.memory_space<vmem>>, vector<1x16xf32>,
        %get3A_1108 = vector.shape_cast %get3A_1107 : vector<1x16xf32> to vector<16xf32>
        %mul3A_1109 = arith.mulf %get3A_942, %get3A_1108 : vector<16xf32>
        %add3A_1110 = arith.addf %scan3A_929, %mul3A_1109 : vector<16xf32>
        %get3A_1111 = arith.index_cast %add3A_937 : i32 to index
        %get3A_1112 = arith.constant 448 : index
        %get3A_1113 = tpu.vector_load %arg12[%get3A_1111, %get3A_1112] {strides = array<i32>} : memref<100x512xf32, #tpu.memory_space<vmem>>, vector<1x16xf32>,
        %get3A_1114 = vector.shape_cast %get3A_1113 : vector<1x16xf32> to vector<16xf32>
        %mul3A_1115 = arith.mulf %get3A_942, %get3A_1114 : vector<16xf32>
        %add3A_1116 = arith.addf %scan3A_930, %mul3A_1115 : vector<16xf32>
        %get3A_1117 = arith.index_cast %add3A_937 : i32 to index
        %get3A_1118 = arith.constant 464 : index
        %get3A_1119 = tpu.vector_load %arg12[%get3A_1117, %get3A_1118] {strides = array<i32>} : memref<100x512xf32, #tpu.memory_space<vmem>>, vector<1x16xf32>,
        %get3A_1120 = vector.shape_cast %get3A_1119 : vector<1x16xf32> to vector<16xf32>
        %mul3A_1121 = arith.mulf %get3A_942, %get3A_1120 : vector<16xf32>
        %add3A_1122 = arith.addf %scan3A_931, %mul3A_1121 : vector<16xf32>
        %get3A_1123 = arith.index_cast %add3A_937 : i32 to index
        %get3A_1124 = arith.constant 480 : index
        %get3A_1125 = tpu.vector_load %arg12[%get3A_1123, %get3A_1124] {strides = array<i32>} : memref<100x512xf32, #tpu.memory_space<vmem>>, vector<1x16xf32>,
        %get3A_1126 = vector.shape_cast %get3A_1125 : vector<1x16xf32> to vector<16xf32>
        %mul3A_1127 = arith.mulf %get3A_942, %get3A_1126 : vector<16xf32>
        %add3A_1128 = arith.addf %scan3A_932, %mul3A_1127 : vector<16xf32>
        %get3A_1129 = arith.index_cast %add3A_937 : i32 to index
        %get3A_1130 = arith.constant 496 : index
        %get3A_1131 = tpu.vector_load %arg12[%get3A_1129, %get3A_1130] {strides = array<i32>} : memref<100x512xf32, #tpu.memory_space<vmem>>, vector<1x16xf32>,
        %get3A_1132 = vector.shape_cast %get3A_1131 : vector<1x16xf32> to vector<16xf32>
        %mul3A_1133 = arith.mulf %get3A_942, %get3A_1132 : vector<16xf32>
        %add3A_1134 = arith.addf %scan3A_933, %mul3A_1133 : vector<16xf32>
        %mul3A_1135 = arith.constant 4 : i32
        %mul3A_1136 = arith.muli %scan3A_901, %mul3A_1135 : i32
        %add3A_1137 = arith.constant 1 : i32
        %add3A_1138 = arith.addi %mul3A_1136, %add3A_1137 : i32
        %mul3A_1139 = arith.constant 16 : i32
        %mul3A_1140 = arith.muli %add3A_1138, %mul3A_1139 : i32
        %get3A_1141 = arith.index_cast %mul3A_1140 : i32 to index
        %get3A_1142 = tpu.vector_load %arg8[%get3A_1141] {strides = array<i32>} : memref<1600xf32, #tpu.memory_space<vmem>>, vector<16xf32>,
        %get3A_1143 = vector.shape_cast %get3A_1142 : vector<16xf32> to vector<16xf32>
        %get3A_1144 = arith.index_cast %add3A_1138 : i32 to index
        %get3A_1145 = arith.constant 0 : index
        %get3A_1146 = tpu.vector_load %arg12[%get3A_1144, %get3A_1145] {strides = array<i32>} : memref<100x512xf32, #tpu.memory_space<vmem>>, vector<1x16xf32>,
        %get3A_1147 = vector.shape_cast %get3A_1146 : vector<1x16xf32> to vector<16xf32>
        %mul3A_1148 = arith.mulf %get3A_1143, %get3A_1147 : vector<16xf32>
        %add3A_1149 = arith.addf %add3A_948, %mul3A_1148 : vector<16xf32>
        %get3A_1150 = arith.index_cast %add3A_1138 : i32 to index
        %get3A_1151 = arith.constant 16 : index
        %get3A_1152 = tpu.vector_load %arg12[%get3A_1150, %get3A_1151] {strides = array<i32>} : memref<100x512xf32, #tpu.memory_space<vmem>>, vector<1x16xf32>,
        %get3A_1153 = vector.shape_cast %get3A_1152 : vector<1x16xf32> to vector<16xf32>
        %mul3A_1154 = arith.mulf %get3A_1143, %get3A_1153 : vector<16xf32>
        %add3A_1155 = arith.addf %add3A_954, %mul3A_1154 : vector<16xf32>
        %get3A_1156 = arith.index_cast %add3A_1138 : i32 to index
        %get3A_1157 = arith.constant 32 : index
        %get3A_1158 = tpu.vector_load %arg12[%get3A_1156, %get3A_1157] {strides = array<i32>} : memref<100x512xf32, #tpu.memory_space<vmem>>, vector<1x16xf32>,
        %get3A_1159 = vector.shape_cast %get3A_1158 : vector<1x16xf32> to vector<16xf32>
        %mul3A_1160 = arith.mulf %get3A_1143, %get3A_1159 : vector<16xf32>
        %add3A_1161 = arith.addf %add3A_960, %mul3A_1160 : vector<16xf32>
        %get3A_1162 = arith.index_cast %add3A_1138 : i32 to index
        %get3A_1163 = arith.constant 48 : index
        %get3A_1164 = tpu.vector_load %arg12[%get3A_1162, %get3A_1163] {strides = array<i32>} : memref<100x512xf32, #tpu.memory_space<vmem>>, vector<1x16xf32>,
        %get3A_1165 = vector.shape_cast %get3A_1164 : vector<1x16xf32> to vector<16xf32>
        %mul3A_1166 = arith.mulf %get3A_1143, %get3A_1165 : vector<16xf32>
        %add3A_1167 = arith.addf %add3A_966, %mul3A_1166 : vector<16xf32>
        %get3A_1168 = arith.index_cast %add3A_1138 : i32 to index
        %get3A_1169 = arith.constant 64 : index
        %get3A_1170 = tpu.vector_load %arg12[%get3A_1168, %get3A_1169] {strides = array<i32>} : memref<100x512xf32, #tpu.memory_space<vmem>>, vector<1x16xf32>,
        %get3A_1171 = vector.shape_cast %get3A_1170 : vector<1x16xf32> to vector<16xf32>
        %mul3A_1172 = arith.mulf %get3A_1143, %get3A_1171 : vector<16xf32>
        %add3A_1173 = arith.addf %add3A_972, %mul3A_1172 : vector<16xf32>
        %get3A_1174 = arith.index_cast %add3A_1138 : i32 to index
        %get3A_1175 = arith.constant 80 : index
        %get3A_1176 = tpu.vector_load %arg12[%get3A_1174, %get3A_1175] {strides = array<i32>} : memref<100x512xf32, #tpu.memory_space<vmem>>, vector<1x16xf32>,
        %get3A_1177 = vector.shape_cast %get3A_1176 : vector<1x16xf32> to vector<16xf32>
        %mul3A_1178 = arith.mulf %get3A_1143, %get3A_1177 : vector<16xf32>
        %add3A_1179 = arith.addf %add3A_978, %mul3A_1178 : vector<16xf32>
        %get3A_1180 = arith.index_cast %add3A_1138 : i32 to index
        %get3A_1181 = arith.constant 96 : index
        %get3A_1182 = tpu.vector_load %arg12[%get3A_1180, %get3A_1181] {strides = array<i32>} : memref<100x512xf32, #tpu.memory_space<vmem>>, vector<1x16xf32>,
        %get3A_1183 = vector.shape_cast %get3A_1182 : vector<1x16xf32> to vector<16xf32>
        %mul3A_1184 = arith.mulf %get3A_1143, %get3A_1183 : vector<16xf32>
        %add3A_1185 = arith.addf %add3A_984, %mul3A_1184 : vector<16xf32>
        %get3A_1186 = arith.index_cast %add3A_1138 : i32 to index
        %get3A_1187 = arith.constant 112 : index
        %get3A_1188 = tpu.vector_load %arg12[%get3A_1186, %get3A_1187] {strides = array<i32>} : memref<100x512xf32, #tpu.memory_space<vmem>>, vector<1x16xf32>,
        %get3A_1189 = vector.shape_cast %get3A_1188 : vector<1x16xf32> to vector<16xf32>
        %mul3A_1190 = arith.mulf %get3A_1143, %get3A_1189 : vector<16xf32>
        %add3A_1191 = arith.addf %add3A_990, %mul3A_1190 : vector<16xf32>
        %get3A_1192 = arith.index_cast %add3A_1138 : i32 to index
        %get3A_1193 = arith.constant 128 : index
        %get3A_1194 = tpu.vector_load %arg12[%get3A_1192, %get3A_1193] {strides = array<i32>} : memref<100x512xf32, #tpu.memory_space<vmem>>, vector<1x16xf32>,
        %get3A_1195 = vector.shape_cast %get3A_1194 : vector<1x16xf32> to vector<16xf32>
        %mul3A_1196 = arith.mulf %get3A_1143, %get3A_1195 : vector<16xf32>
        %add3A_1197 = arith.addf %add3A_996, %mul3A_1196 : vector<16xf32>
        %get3A_1198 = arith.index_cast %add3A_1138 : i32 to index
        %get3A_1199 = arith.constant 144 : index
        %get3A_1200 = tpu.vector_load %arg12[%get3A_1198, %get3A_1199] {strides = array<i32>} : memref<100x512xf32, #tpu.memory_space<vmem>>, vector<1x16xf32>,
        %get3A_1201 = vector.shape_cast %get3A_1200 : vector<1x16xf32> to vector<16xf32>
        %mul3A_1202 = arith.mulf %get3A_1143, %get3A_1201 : vector<16xf32>
        %add3A_1203 = arith.addf %add3A_1002, %mul3A_1202 : vector<16xf32>
        %get3A_1204 = arith.index_cast %add3A_1138 : i32 to index
        %get3A_1205 = arith.constant 160 : index
        %get3A_1206 = tpu.vector_load %arg12[%get3A_1204, %get3A_1205] {strides = array<i32>} : memref<100x512xf32, #tpu.memory_space<vmem>>, vector<1x16xf32>,
        %get3A_1207 = vector.shape_cast %get3A_1206 : vector<1x16xf32> to vector<16xf32>
        %mul3A_1208 = arith.mulf %get3A_1143, %get3A_1207 : vector<16xf32>
        %add3A_1209 = arith.addf %add3A_1008, %mul3A_1208 : vector<16xf32>
        %get3A_1210 = arith.index_cast %add3A_1138 : i32 to index
        %get3A_1211 = arith.constant 176 : index
        %get3A_1212 = tpu.vector_load %arg12[%get3A_1210, %get3A_1211] {strides = array<i32>} : memref<100x512xf32, #tpu.memory_space<vmem>>, vector<1x16xf32>,
        %get3A_1213 = vector.shape_cast %get3A_1212 : vector<1x16xf32> to vector<16xf32>
        %mul3A_1214 = arith.mulf %get3A_1143, %get3A_1213 : vector<16xf32>
        %add3A_1215 = arith.addf %add3A_1014, %mul3A_1214 : vector<16xf32>
        %get3A_1216 = arith.index_cast %add3A_1138 : i32 to index
        %get3A_1217 = arith.constant 192 : index
        %get3A_1218 = tpu.vector_load %arg12[%get3A_1216, %get3A_1217] {strides = array<i32>} : memref<100x512xf32, #tpu.memory_space<vmem>>, vector<1x16xf32>,
        %get3A_1219 = vector.shape_cast %get3A_1218 : vector<1x16xf32> to vector<16xf32>
        %mul3A_1220 = arith.mulf %get3A_1143, %get3A_1219 : vector<16xf32>
        %add3A_1221 = arith.addf %add3A_1020, %mul3A_1220 : vector<16xf32>
        %get3A_1222 = arith.index_cast %add3A_1138 : i32 to index
        %get3A_1223 = arith.constant 208 : index
        %get3A_1224 = tpu.vector_load %arg12[%get3A_1222, %get3A_1223] {strides = array<i32>} : memref<100x512xf32, #tpu.memory_space<vmem>>, vector<1x16xf32>,
        %get3A_1225 = vector.shape_cast %get3A_1224 : vector<1x16xf32> to vector<16xf32>
        %mul3A_1226 = arith.mulf %get3A_1143, %get3A_1225 : vector<16xf32>
        %add3A_1227 = arith.addf %add3A_1026, %mul3A_1226 : vector<16xf32>
        %get3A_1228 = arith.index_cast %add3A_1138 : i32 to index
        %get3A_1229 = arith.constant 224 : index
        %get3A_1230 = tpu.vector_load %arg12[%get3A_1228, %get3A_1229] {strides = array<i32>} : memref<100x512xf32, #tpu.memory_space<vmem>>, vector<1x16xf32>,
        %get3A_1231 = vector.shape_cast %get3A_1230 : vector<1x16xf32> to vector<16xf32>
        %mul3A_1232 = arith.mulf %get3A_1143, %get3A_1231 : vector<16xf32>
        %add3A_1233 = arith.addf %add3A_1032, %mul3A_1232 : vector<16xf32>
        %get3A_1234 = arith.index_cast %add3A_1138 : i32 to index
        %get3A_1235 = arith.constant 240 : index
        %get3A_1236 = tpu.vector_load %arg12[%get3A_1234, %get3A_1235] {strides = array<i32>} : memref<100x512xf32, #tpu.memory_space<vmem>>, vector<1x16xf32>,
        %get3A_1237 = vector.shape_cast %get3A_1236 : vector<1x16xf32> to vector<16xf32>
        %mul3A_1238 = arith.mulf %get3A_1143, %get3A_1237 : vector<16xf32>
        %add3A_1239 = arith.addf %add3A_1038, %mul3A_1238 : vector<16xf32>
        %get3A_1240 = arith.index_cast %add3A_1138 : i32 to index
        %get3A_1241 = arith.constant 256 : index
        %get3A_1242 = tpu.vector_load %arg12[%get3A_1240, %get3A_1241] {strides = array<i32>} : memref<100x512xf32, #tpu.memory_space<vmem>>, vector<1x16xf32>,
        %get3A_1243 = vector.shape_cast %get3A_1242 : vector<1x16xf32> to vector<16xf32>
        %mul3A_1244 = arith.mulf %get3A_1143, %get3A_1243 : vector<16xf32>
        %add3A_1245 = arith.addf %add3A_1044, %mul3A_1244 : vector<16xf32>
        %get3A_1246 = arith.index_cast %add3A_1138 : i32 to index
        %get3A_1247 = arith.constant 272 : index
        %get3A_1248 = tpu.vector_load %arg12[%get3A_1246, %get3A_1247] {strides = array<i32>} : memref<100x512xf32, #tpu.memory_space<vmem>>, vector<1x16xf32>,
        %get3A_1249 = vector.shape_cast %get3A_1248 : vector<1x16xf32> to vector<16xf32>
        %mul3A_1250 = arith.mulf %get3A_1143, %get3A_1249 : vector<16xf32>
        %add3A_1251 = arith.addf %add3A_1050, %mul3A_1250 : vector<16xf32>
        %get3A_1252 = arith.index_cast %add3A_1138 : i32 to index
        %get3A_1253 = arith.constant 288 : index
        %get3A_1254 = tpu.vector_load %arg12[%get3A_1252, %get3A_1253] {strides = array<i32>} : memref<100x512xf32, #tpu.memory_space<vmem>>, vector<1x16xf32>,
        %get3A_1255 = vector.shape_cast %get3A_1254 : vector<1x16xf32> to vector<16xf32>
        %mul3A_1256 = arith.mulf %get3A_1143, %get3A_1255 : vector<16xf32>
        %add3A_1257 = arith.addf %add3A_1056, %mul3A_1256 : vector<16xf32>
        %get3A_1258 = arith.index_cast %add3A_1138 : i32 to index
        %get3A_1259 = arith.constant 304 : index
        %get3A_1260 = tpu.vector_load %arg12[%get3A_1258, %get3A_1259] {strides = array<i32>} : memref<100x512xf32, #tpu.memory_space<vmem>>, vector<1x16xf32>,
        %get3A_1261 = vector.shape_cast %get3A_1260 : vector<1x16xf32> to vector<16xf32>
        %mul3A_1262 = arith.mulf %get3A_1143, %get3A_1261 : vector<16xf32>
        %add3A_1263 = arith.addf %add3A_1062, %mul3A_1262 : vector<16xf32>
        %get3A_1264 = arith.index_cast %add3A_1138 : i32 to index
        %get3A_1265 = arith.constant 320 : index
        %get3A_1266 = tpu.vector_load %arg12[%get3A_1264, %get3A_1265] {strides = array<i32>} : memref<100x512xf32, #tpu.memory_space<vmem>>, vector<1x16xf32>,
        %get3A_1267 = vector.shape_cast %get3A_1266 : vector<1x16xf32> to vector<16xf32>
        %mul3A_1268 = arith.mulf %get3A_1143, %get3A_1267 : vector<16xf32>
        %add3A_1269 = arith.addf %add3A_1068, %mul3A_1268 : vector<16xf32>
        %get3A_1270 = arith.index_cast %add3A_1138 : i32 to index
        %get3A_1271 = arith.constant 336 : index
        %get3A_1272 = tpu.vector_load %arg12[%get3A_1270, %get3A_1271] {strides = array<i32>} : memref<100x512xf32, #tpu.memory_space<vmem>>, vector<1x16xf32>,
        %get3A_1273 = vector.shape_cast %get3A_1272 : vector<1x16xf32> to vector<16xf32>
        %mul3A_1274 = arith.mulf %get3A_1143, %get3A_1273 : vector<16xf32>
        %add3A_1275 = arith.addf %add3A_1074, %mul3A_1274 : vector<16xf32>
        %get3A_1276 = arith.index_cast %add3A_1138 : i32 to index
        %get3A_1277 = arith.constant 352 : index
        %get3A_1278 = tpu.vector_load %arg12[%get3A_1276, %get3A_1277] {strides = array<i32>} : memref<100x512xf32, #tpu.memory_space<vmem>>, vector<1x16xf32>,
        %get3A_1279 = vector.shape_cast %get3A_1278 : vector<1x16xf32> to vector<16xf32>
        %mul3A_1280 = arith.mulf %get3A_1143, %get3A_1279 : vector<16xf32>
        %add3A_1281 = arith.addf %add3A_1080, %mul3A_1280 : vector<16xf32>
        %get3A_1282 = arith.index_cast %add3A_1138 : i32 to index
        %get3A_1283 = arith.constant 368 : index
        %get3A_1284 = tpu.vector_load %arg12[%get3A_1282, %get3A_1283] {strides = array<i32>} : memref<100x512xf32, #tpu.memory_space<vmem>>, vector<1x16xf32>,
        %get3A_1285 = vector.shape_cast %get3A_1284 : vector<1x16xf32> to vector<16xf32>
        %mul3A_1286 = arith.mulf %get3A_1143, %get3A_1285 : vector<16xf32>
        %add3A_1287 = arith.addf %add3A_1086, %mul3A_1286 : vector<16xf32>
        %get3A_1288 = arith.index_cast %add3A_1138 : i32 to index
        %get3A_1289 = arith.constant 384 : index
        %get3A_1290 = tpu.vector_load %arg12[%get3A_1288, %get3A_1289] {strides = array<i32>} : memref<100x512xf32, #tpu.memory_space<vmem>>, vector<1x16xf32>,
        %get3A_1291 = vector.shape_cast %get3A_1290 : vector<1x16xf32> to vector<16xf32>
        %mul3A_1292 = arith.mulf %get3A_1143, %get3A_1291 : vector<16xf32>
        %add3A_1293 = arith.addf %add3A_1092, %mul3A_1292 : vector<16xf32>
        %get3A_1294 = arith.index_cast %add3A_1138 : i32 to index
        %get3A_1295 = arith.constant 400 : index
        %get3A_1296 = tpu.vector_load %arg12[%get3A_1294, %get3A_1295] {strides = array<i32>} : memref<100x512xf32, #tpu.memory_space<vmem>>, vector<1x16xf32>,
        %get3A_1297 = vector.shape_cast %get3A_1296 : vector<1x16xf32> to vector<16xf32>
        %mul3A_1298 = arith.mulf %get3A_1143, %get3A_1297 : vector<16xf32>
        %add3A_1299 = arith.addf %add3A_1098, %mul3A_1298 : vector<16xf32>
        %get3A_1300 = arith.index_cast %add3A_1138 : i32 to index
        %get3A_1301 = arith.constant 416 : index
        %get3A_1302 = tpu.vector_load %arg12[%get3A_1300, %get3A_1301] {strides = array<i32>} : memref<100x512xf32, #tpu.memory_space<vmem>>, vector<1x16xf32>,
        %get3A_1303 = vector.shape_cast %get3A_1302 : vector<1x16xf32> to vector<16xf32>
        %mul3A_1304 = arith.mulf %get3A_1143, %get3A_1303 : vector<16xf32>
        %add3A_1305 = arith.addf %add3A_1104, %mul3A_1304 : vector<16xf32>
        %get3A_1306 = arith.index_cast %add3A_1138 : i32 to index
        %get3A_1307 = arith.constant 432 : index
        %get3A_1308 = tpu.vector_load %arg12[%get3A_1306, %get3A_1307] {strides = array<i32>} : memref<100x512xf32, #tpu.memory_space<vmem>>, vector<1x16xf32>,
        %get3A_1309 = vector.shape_cast %get3A_1308 : vector<1x16xf32> to vector<16xf32>
        %mul3A_1310 = arith.mulf %get3A_1143, %get3A_1309 : vector<16xf32>
        %add3A_1311 = arith.addf %add3A_1110, %mul3A_1310 : vector<16xf32>
        %get3A_1312 = arith.index_cast %add3A_1138 : i32 to index
        %get3A_1313 = arith.constant 448 : index
        %get3A_1314 = tpu.vector_load %arg12[%get3A_1312, %get3A_1313] {strides = array<i32>} : memref<100x512xf32, #tpu.memory_space<vmem>>, vector<1x16xf32>,
        %get3A_1315 = vector.shape_cast %get3A_1314 : vector<1x16xf32> to vector<16xf32>
        %mul3A_1316 = arith.mulf %get3A_1143, %get3A_1315 : vector<16xf32>
        %add3A_1317 = arith.addf %add3A_1116, %mul3A_1316 : vector<16xf32>
        %get3A_1318 = arith.index_cast %add3A_1138 : i32 to index
        %get3A_1319 = arith.constant 464 : index
        %get3A_1320 = tpu.vector_load %arg12[%get3A_1318, %get3A_1319] {strides = array<i32>} : memref<100x512xf32, #tpu.memory_space<vmem>>, vector<1x16xf32>,
        %get3A_1321 = vector.shape_cast %get3A_1320 : vector<1x16xf32> to vector<16xf32>
        %mul3A_1322 = arith.mulf %get3A_1143, %get3A_1321 : vector<16xf32>
        %add3A_1323 = arith.addf %add3A_1122, %mul3A_1322 : vector<16xf32>
        %get3A_1324 = arith.index_cast %add3A_1138 : i32 to index
        %get3A_1325 = arith.constant 480 : index
        %get3A_1326 = tpu.vector_load %arg12[%get3A_1324, %get3A_1325] {strides = array<i32>} : memref<100x512xf32, #tpu.memory_space<vmem>>, vector<1x16xf32>,
        %get3A_1327 = vector.shape_cast %get3A_1326 : vector<1x16xf32> to vector<16xf32>
        %mul3A_1328 = arith.mulf %get3A_1143, %get3A_1327 : vector<16xf32>
        %add3A_1329 = arith.addf %add3A_1128, %mul3A_1328 : vector<16xf32>
        %get3A_1330 = arith.index_cast %add3A_1138 : i32 to index
        %get3A_1331 = arith.constant 496 : index
        %get3A_1332 = tpu.vector_load %arg12[%get3A_1330, %get3A_1331] {strides = array<i32>} : memref<100x512xf32, #tpu.memory_space<vmem>>, vector<1x16xf32>,
        %get3A_1333 = vector.shape_cast %get3A_1332 : vector<1x16xf32> to vector<16xf32>
        %mul3A_1334 = arith.mulf %get3A_1143, %get3A_1333 : vector<16xf32>
        %add3A_1335 = arith.addf %add3A_1134, %mul3A_1334 : vector<16xf32>
        %mul3A_1336 = arith.constant 4 : i32
        %mul3A_1337 = arith.muli %scan3A_901, %mul3A_1336 : i32
        %add3A_1338 = arith.constant 2 : i32
        %add3A_1339 = arith.addi %mul3A_1337, %add3A_1338 : i32
        %mul3A_1340 = arith.constant 16 : i32
        %mul3A_1341 = arith.muli %add3A_1339, %mul3A_1340 : i32
        %get3A_1342 = arith.index_cast %mul3A_1341 : i32 to index
        %get3A_1343 = tpu.vector_load %arg8[%get3A_1342] {strides = array<i32>} : memref<1600xf32, #tpu.memory_space<vmem>>, vector<16xf32>,
        %get3A_1344 = vector.shape_cast %get3A_1343 : vector<16xf32> to vector<16xf32>
        %get3A_1345 = arith.index_cast %add3A_1339 : i32 to index
        %get3A_1346 = arith.constant 0 : index
        %get3A_1347 = tpu.vector_load %arg12[%get3A_1345, %get3A_1346] {strides = array<i32>} : memref<100x512xf32, #tpu.memory_space<vmem>>, vector<1x16xf32>,
        %get3A_1348 = vector.shape_cast %get3A_1347 : vector<1x16xf32> to vector<16xf32>
        %mul3A_1349 = arith.mulf %get3A_1344, %get3A_1348 : vector<16xf32>
        %add3A_1350 = arith.addf %add3A_1149, %mul3A_1349 : vector<16xf32>
        %get3A_1351 = arith.index_cast %add3A_1339 : i32 to index
        %get3A_1352 = arith.constant 16 : index
        %get3A_1353 = tpu.vector_load %arg12[%get3A_1351, %get3A_1352] {strides = array<i32>} : memref<100x512xf32, #tpu.memory_space<vmem>>, vector<1x16xf32>,
        %get3A_1354 = vector.shape_cast %get3A_1353 : vector<1x16xf32> to vector<16xf32>
        %mul3A_1355 = arith.mulf %get3A_1344, %get3A_1354 : vector<16xf32>
        %add3A_1356 = arith.addf %add3A_1155, %mul3A_1355 : vector<16xf32>
        %get3A_1357 = arith.index_cast %add3A_1339 : i32 to index
        %get3A_1358 = arith.constant 32 : index
        %get3A_1359 = tpu.vector_load %arg12[%get3A_1357, %get3A_1358] {strides = array<i32>} : memref<100x512xf32, #tpu.memory_space<vmem>>, vector<1x16xf32>,
        %get3A_1360 = vector.shape_cast %get3A_1359 : vector<1x16xf32> to vector<16xf32>
        %mul3A_1361 = arith.mulf %get3A_1344, %get3A_1360 : vector<16xf32>
        %add3A_1362 = arith.addf %add3A_1161, %mul3A_1361 : vector<16xf32>
        %get3A_1363 = arith.index_cast %add3A_1339 : i32 to index
        %get3A_1364 = arith.constant 48 : index
        %get3A_1365 = tpu.vector_load %arg12[%get3A_1363, %get3A_1364] {strides = array<i32>} : memref<100x512xf32, #tpu.memory_space<vmem>>, vector<1x16xf32>,
        %get3A_1366 = vector.shape_cast %get3A_1365 : vector<1x16xf32> to vector<16xf32>
        %mul3A_1367 = arith.mulf %get3A_1344, %get3A_1366 : vector<16xf32>
        %add3A_1368 = arith.addf %add3A_1167, %mul3A_1367 : vector<16xf32>
        %get3A_1369 = arith.index_cast %add3A_1339 : i32 to index
        %get3A_1370 = arith.constant 64 : index
        %get3A_1371 = tpu.vector_load %arg12[%get3A_1369, %get3A_1370] {strides = array<i32>} : memref<100x512xf32, #tpu.memory_space<vmem>>, vector<1x16xf32>,
        %get3A_1372 = vector.shape_cast %get3A_1371 : vector<1x16xf32> to vector<16xf32>
        %mul3A_1373 = arith.mulf %get3A_1344, %get3A_1372 : vector<16xf32>
        %add3A_1374 = arith.addf %add3A_1173, %mul3A_1373 : vector<16xf32>
        %get3A_1375 = arith.index_cast %add3A_1339 : i32 to index
        %get3A_1376 = arith.constant 80 : index
        %get3A_1377 = tpu.vector_load %arg12[%get3A_1375, %get3A_1376] {strides = array<i32>} : memref<100x512xf32, #tpu.memory_space<vmem>>, vector<1x16xf32>,
        %get3A_1378 = vector.shape_cast %get3A_1377 : vector<1x16xf32> to vector<16xf32>
        %mul3A_1379 = arith.mulf %get3A_1344, %get3A_1378 : vector<16xf32>
        %add3A_1380 = arith.addf %add3A_1179, %mul3A_1379 : vector<16xf32>
        %get3A_1381 = arith.index_cast %add3A_1339 : i32 to index
        %get3A_1382 = arith.constant 96 : index
        %get3A_1383 = tpu.vector_load %arg12[%get3A_1381, %get3A_1382] {strides = array<i32>} : memref<100x512xf32, #tpu.memory_space<vmem>>, vector<1x16xf32>,
        %get3A_1384 = vector.shape_cast %get3A_1383 : vector<1x16xf32> to vector<16xf32>
        %mul3A_1385 = arith.mulf %get3A_1344, %get3A_1384 : vector<16xf32>
        %add3A_1386 = arith.addf %add3A_1185, %mul3A_1385 : vector<16xf32>
        %get3A_1387 = arith.index_cast %add3A_1339 : i32 to index
        %get3A_1388 = arith.constant 112 : index
        %get3A_1389 = tpu.vector_load %arg12[%get3A_1387, %get3A_1388] {strides = array<i32>} : memref<100x512xf32, #tpu.memory_space<vmem>>, vector<1x16xf32>,
        %get3A_1390 = vector.shape_cast %get3A_1389 : vector<1x16xf32> to vector<16xf32>
        %mul3A_1391 = arith.mulf %get3A_1344, %get3A_1390 : vector<16xf32>
        %add3A_1392 = arith.addf %add3A_1191, %mul3A_1391 : vector<16xf32>
        %get3A_1393 = arith.index_cast %add3A_1339 : i32 to index
        %get3A_1394 = arith.constant 128 : index
        %get3A_1395 = tpu.vector_load %arg12[%get3A_1393, %get3A_1394] {strides = array<i32>} : memref<100x512xf32, #tpu.memory_space<vmem>>, vector<1x16xf32>,
        %get3A_1396 = vector.shape_cast %get3A_1395 : vector<1x16xf32> to vector<16xf32>
        %mul3A_1397 = arith.mulf %get3A_1344, %get3A_1396 : vector<16xf32>
        %add3A_1398 = arith.addf %add3A_1197, %mul3A_1397 : vector<16xf32>
        %get3A_1399 = arith.index_cast %add3A_1339 : i32 to index
        %get3A_1400 = arith.constant 144 : index
        %get3A_1401 = tpu.vector_load %arg12[%get3A_1399, %get3A_1400] {strides = array<i32>} : memref<100x512xf32, #tpu.memory_space<vmem>>, vector<1x16xf32>,
        %get3A_1402 = vector.shape_cast %get3A_1401 : vector<1x16xf32> to vector<16xf32>
        %mul3A_1403 = arith.mulf %get3A_1344, %get3A_1402 : vector<16xf32>
        %add3A_1404 = arith.addf %add3A_1203, %mul3A_1403 : vector<16xf32>
        %get3A_1405 = arith.index_cast %add3A_1339 : i32 to index
        %get3A_1406 = arith.constant 160 : index
        %get3A_1407 = tpu.vector_load %arg12[%get3A_1405, %get3A_1406] {strides = array<i32>} : memref<100x512xf32, #tpu.memory_space<vmem>>, vector<1x16xf32>,
        %get3A_1408 = vector.shape_cast %get3A_1407 : vector<1x16xf32> to vector<16xf32>
        %mul3A_1409 = arith.mulf %get3A_1344, %get3A_1408 : vector<16xf32>
        %add3A_1410 = arith.addf %add3A_1209, %mul3A_1409 : vector<16xf32>
        %get3A_1411 = arith.index_cast %add3A_1339 : i32 to index
        %get3A_1412 = arith.constant 176 : index
        %get3A_1413 = tpu.vector_load %arg12[%get3A_1411, %get3A_1412] {strides = array<i32>} : memref<100x512xf32, #tpu.memory_space<vmem>>, vector<1x16xf32>,
        %get3A_1414 = vector.shape_cast %get3A_1413 : vector<1x16xf32> to vector<16xf32>
        %mul3A_1415 = arith.mulf %get3A_1344, %get3A_1414 : vector<16xf32>
        %add3A_1416 = arith.addf %add3A_1215, %mul3A_1415 : vector<16xf32>
        %get3A_1417 = arith.index_cast %add3A_1339 : i32 to index
        %get3A_1418 = arith.constant 192 : index
        %get3A_1419 = tpu.vector_load %arg12[%get3A_1417, %get3A_1418] {strides = array<i32>} : memref<100x512xf32, #tpu.memory_space<vmem>>, vector<1x16xf32>,
        %get3A_1420 = vector.shape_cast %get3A_1419 : vector<1x16xf32> to vector<16xf32>
        %mul3A_1421 = arith.mulf %get3A_1344, %get3A_1420 : vector<16xf32>
        %add3A_1422 = arith.addf %add3A_1221, %mul3A_1421 : vector<16xf32>
        %get3A_1423 = arith.index_cast %add3A_1339 : i32 to index
        %get3A_1424 = arith.constant 208 : index
        %get3A_1425 = tpu.vector_load %arg12[%get3A_1423, %get3A_1424] {strides = array<i32>} : memref<100x512xf32, #tpu.memory_space<vmem>>, vector<1x16xf32>,
        %get3A_1426 = vector.shape_cast %get3A_1425 : vector<1x16xf32> to vector<16xf32>
        %mul3A_1427 = arith.mulf %get3A_1344, %get3A_1426 : vector<16xf32>
        %add3A_1428 = arith.addf %add3A_1227, %mul3A_1427 : vector<16xf32>
        %get3A_1429 = arith.index_cast %add3A_1339 : i32 to index
        %get3A_1430 = arith.constant 224 : index
        %get3A_1431 = tpu.vector_load %arg12[%get3A_1429, %get3A_1430] {strides = array<i32>} : memref<100x512xf32, #tpu.memory_space<vmem>>, vector<1x16xf32>,
        %get3A_1432 = vector.shape_cast %get3A_1431 : vector<1x16xf32> to vector<16xf32>
        %mul3A_1433 = arith.mulf %get3A_1344, %get3A_1432 : vector<16xf32>
        %add3A_1434 = arith.addf %add3A_1233, %mul3A_1433 : vector<16xf32>
        %get3A_1435 = arith.index_cast %add3A_1339 : i32 to index
        %get3A_1436 = arith.constant 240 : index
        %get3A_1437 = tpu.vector_load %arg12[%get3A_1435, %get3A_1436] {strides = array<i32>} : memref<100x512xf32, #tpu.memory_space<vmem>>, vector<1x16xf32>,
        %get3A_1438 = vector.shape_cast %get3A_1437 : vector<1x16xf32> to vector<16xf32>
        %mul3A_1439 = arith.mulf %get3A_1344, %get3A_1438 : vector<16xf32>
        %add3A_1440 = arith.addf %add3A_1239, %mul3A_1439 : vector<16xf32>
        %get3A_1441 = arith.index_cast %add3A_1339 : i32 to index
        %get3A_1442 = arith.constant 256 : index
        %get3A_1443 = tpu.vector_load %arg12[%get3A_1441, %get3A_1442] {strides = array<i32>} : memref<100x512xf32, #tpu.memory_space<vmem>>, vector<1x16xf32>,
        %get3A_1444 = vector.shape_cast %get3A_1443 : vector<1x16xf32> to vector<16xf32>
        %mul3A_1445 = arith.mulf %get3A_1344, %get3A_1444 : vector<16xf32>
        %add3A_1446 = arith.addf %add3A_1245, %mul3A_1445 : vector<16xf32>
        %get3A_1447 = arith.index_cast %add3A_1339 : i32 to index
        %get3A_1448 = arith.constant 272 : index
        %get3A_1449 = tpu.vector_load %arg12[%get3A_1447, %get3A_1448] {strides = array<i32>} : memref<100x512xf32, #tpu.memory_space<vmem>>, vector<1x16xf32>,
        %get3A_1450 = vector.shape_cast %get3A_1449 : vector<1x16xf32> to vector<16xf32>
        %mul3A_1451 = arith.mulf %get3A_1344, %get3A_1450 : vector<16xf32>
        %add3A_1452 = arith.addf %add3A_1251, %mul3A_1451 : vector<16xf32>
        %get3A_1453 = arith.index_cast %add3A_1339 : i32 to index
        %get3A_1454 = arith.constant 288 : index
        %get3A_1455 = tpu.vector_load %arg12[%get3A_1453, %get3A_1454] {strides = array<i32>} : memref<100x512xf32, #tpu.memory_space<vmem>>, vector<1x16xf32>,
        %get3A_1456 = vector.shape_cast %get3A_1455 : vector<1x16xf32> to vector<16xf32>
        %mul3A_1457 = arith.mulf %get3A_1344, %get3A_1456 : vector<16xf32>
        %add3A_1458 = arith.addf %add3A_1257, %mul3A_1457 : vector<16xf32>
        %get3A_1459 = arith.index_cast %add3A_1339 : i32 to index
        %get3A_1460 = arith.constant 304 : index
        %get3A_1461 = tpu.vector_load %arg12[%get3A_1459, %get3A_1460] {strides = array<i32>} : memref<100x512xf32, #tpu.memory_space<vmem>>, vector<1x16xf32>,
        %get3A_1462 = vector.shape_cast %get3A_1461 : vector<1x16xf32> to vector<16xf32>
        %mul3A_1463 = arith.mulf %get3A_1344, %get3A_1462 : vector<16xf32>
        %add3A_1464 = arith.addf %add3A_1263, %mul3A_1463 : vector<16xf32>
        %get3A_1465 = arith.index_cast %add3A_1339 : i32 to index
        %get3A_1466 = arith.constant 320 : index
        %get3A_1467 = tpu.vector_load %arg12[%get3A_1465, %get3A_1466] {strides = array<i32>} : memref<100x512xf32, #tpu.memory_space<vmem>>, vector<1x16xf32>,
        %get3A_1468 = vector.shape_cast %get3A_1467 : vector<1x16xf32> to vector<16xf32>
        %mul3A_1469 = arith.mulf %get3A_1344, %get3A_1468 : vector<16xf32>
        %add3A_1470 = arith.addf %add3A_1269, %mul3A_1469 : vector<16xf32>
        %get3A_1471 = arith.index_cast %add3A_1339 : i32 to index
        %get3A_1472 = arith.constant 336 : index
        %get3A_1473 = tpu.vector_load %arg12[%get3A_1471, %get3A_1472] {strides = array<i32>} : memref<100x512xf32, #tpu.memory_space<vmem>>, vector<1x16xf32>,
        %get3A_1474 = vector.shape_cast %get3A_1473 : vector<1x16xf32> to vector<16xf32>
        %mul3A_1475 = arith.mulf %get3A_1344, %get3A_1474 : vector<16xf32>
        %add3A_1476 = arith.addf %add3A_1275, %mul3A_1475 : vector<16xf32>
        %get3A_1477 = arith.index_cast %add3A_1339 : i32 to index
        %get3A_1478 = arith.constant 352 : index
        %get3A_1479 = tpu.vector_load %arg12[%get3A_1477, %get3A_1478] {strides = array<i32>} : memref<100x512xf32, #tpu.memory_space<vmem>>, vector<1x16xf32>,
        %get3A_1480 = vector.shape_cast %get3A_1479 : vector<1x16xf32> to vector<16xf32>
        %mul3A_1481 = arith.mulf %get3A_1344, %get3A_1480 : vector<16xf32>
        %add3A_1482 = arith.addf %add3A_1281, %mul3A_1481 : vector<16xf32>
        %get3A_1483 = arith.index_cast %add3A_1339 : i32 to index
        %get3A_1484 = arith.constant 368 : index
        %get3A_1485 = tpu.vector_load %arg12[%get3A_1483, %get3A_1484] {strides = array<i32>} : memref<100x512xf32, #tpu.memory_space<vmem>>, vector<1x16xf32>,
        %get3A_1486 = vector.shape_cast %get3A_1485 : vector<1x16xf32> to vector<16xf32>
        %mul3A_1487 = arith.mulf %get3A_1344, %get3A_1486 : vector<16xf32>
        %add3A_1488 = arith.addf %add3A_1287, %mul3A_1487 : vector<16xf32>
        %get3A_1489 = arith.index_cast %add3A_1339 : i32 to index
        %get3A_1490 = arith.constant 384 : index
        %get3A_1491 = tpu.vector_load %arg12[%get3A_1489, %get3A_1490] {strides = array<i32>} : memref<100x512xf32, #tpu.memory_space<vmem>>, vector<1x16xf32>,
        %get3A_1492 = vector.shape_cast %get3A_1491 : vector<1x16xf32> to vector<16xf32>
        %mul3A_1493 = arith.mulf %get3A_1344, %get3A_1492 : vector<16xf32>
        %add3A_1494 = arith.addf %add3A_1293, %mul3A_1493 : vector<16xf32>
        %get3A_1495 = arith.index_cast %add3A_1339 : i32 to index
        %get3A_1496 = arith.constant 400 : index
        %get3A_1497 = tpu.vector_load %arg12[%get3A_1495, %get3A_1496] {strides = array<i32>} : memref<100x512xf32, #tpu.memory_space<vmem>>, vector<1x16xf32>,
        %get3A_1498 = vector.shape_cast %get3A_1497 : vector<1x16xf32> to vector<16xf32>
        %mul3A_1499 = arith.mulf %get3A_1344, %get3A_1498 : vector<16xf32>
        %add3A_1500 = arith.addf %add3A_1299, %mul3A_1499 : vector<16xf32>
        %get3A_1501 = arith.index_cast %add3A_1339 : i32 to index
        %get3A_1502 = arith.constant 416 : index
        %get3A_1503 = tpu.vector_load %arg12[%get3A_1501, %get3A_1502] {strides = array<i32>} : memref<100x512xf32, #tpu.memory_space<vmem>>, vector<1x16xf32>,
        %get3A_1504 = vector.shape_cast %get3A_1503 : vector<1x16xf32> to vector<16xf32>
        %mul3A_1505 = arith.mulf %get3A_1344, %get3A_1504 : vector<16xf32>
        %add3A_1506 = arith.addf %add3A_1305, %mul3A_1505 : vector<16xf32>
        %get3A_1507 = arith.index_cast %add3A_1339 : i32 to index
        %get3A_1508 = arith.constant 432 : index
        %get3A_1509 = tpu.vector_load %arg12[%get3A_1507, %get3A_1508] {strides = array<i32>} : memref<100x512xf32, #tpu.memory_space<vmem>>, vector<1x16xf32>,
        %get3A_1510 = vector.shape_cast %get3A_1509 : vector<1x16xf32> to vector<16xf32>
        %mul3A_1511 = arith.mulf %get3A_1344, %get3A_1510 : vector<16xf32>
        %add3A_1512 = arith.addf %add3A_1311, %mul3A_1511 : vector<16xf32>
        %get3A_1513 = arith.index_cast %add3A_1339 : i32 to index
        %get3A_1514 = arith.constant 448 : index
        %get3A_1515 = tpu.vector_load %arg12[%get3A_1513, %get3A_1514] {strides = array<i32>} : memref<100x512xf32, #tpu.memory_space<vmem>>, vector<1x16xf32>,
        %get3A_1516 = vector.shape_cast %get3A_1515 : vector<1x16xf32> to vector<16xf32>
        %mul3A_1517 = arith.mulf %get3A_1344, %get3A_1516 : vector<16xf32>
        %add3A_1518 = arith.addf %add3A_1317, %mul3A_1517 : vector<16xf32>
        %get3A_1519 = arith.index_cast %add3A_1339 : i32 to index
        %get3A_1520 = arith.constant 464 : index
        %get3A_1521 = tpu.vector_load %arg12[%get3A_1519, %get3A_1520] {strides = array<i32>} : memref<100x512xf32, #tpu.memory_space<vmem>>, vector<1x16xf32>,
        %get3A_1522 = vector.shape_cast %get3A_1521 : vector<1x16xf32> to vector<16xf32>
        %mul3A_1523 = arith.mulf %get3A_1344, %get3A_1522 : vector<16xf32>
        %add3A_1524 = arith.addf %add3A_1323, %mul3A_1523 : vector<16xf32>
        %get3A_1525 = arith.index_cast %add3A_1339 : i32 to index
        %get3A_1526 = arith.constant 480 : index
        %get3A_1527 = tpu.vector_load %arg12[%get3A_1525, %get3A_1526] {strides = array<i32>} : memref<100x512xf32, #tpu.memory_space<vmem>>, vector<1x16xf32>,
        %get3A_1528 = vector.shape_cast %get3A_1527 : vector<1x16xf32> to vector<16xf32>
        %mul3A_1529 = arith.mulf %get3A_1344, %get3A_1528 : vector<16xf32>
        %add3A_1530 = arith.addf %add3A_1329, %mul3A_1529 : vector<16xf32>
        %get3A_1531 = arith.index_cast %add3A_1339 : i32 to index
        %get3A_1532 = arith.constant 496 : index
        %get3A_1533 = tpu.vector_load %arg12[%get3A_1531, %get3A_1532] {strides = array<i32>} : memref<100x512xf32, #tpu.memory_space<vmem>>, vector<1x16xf32>,
        %get3A_1534 = vector.shape_cast %get3A_1533 : vector<1x16xf32> to vector<16xf32>
        %mul3A_1535 = arith.mulf %get3A_1344, %get3A_1534 : vector<16xf32>
        %add3A_1536 = arith.addf %add3A_1335, %mul3A_1535 : vector<16xf32>
        %mul3A_1537 = arith.constant 4 : i32
        %mul3A_1538 = arith.muli %scan3A_901, %mul3A_1537 : i32
        %add3A_1539 = arith.constant 3 : i32
        %add3A_1540 = arith.addi %mul3A_1538, %add3A_1539 : i32
        %mul3A_1541 = arith.constant 16 : i32
        %mul3A_1542 = arith.muli %add3A_1540, %mul3A_1541 : i32
        %get3A_1543 = arith.index_cast %mul3A_1542 : i32 to index
        %get3A_1544 = tpu.vector_load %arg8[%get3A_1543] {strides = array<i32>} : memref<1600xf32, #tpu.memory_space<vmem>>, vector<16xf32>,
        %get3A_1545 = vector.shape_cast %get3A_1544 : vector<16xf32> to vector<16xf32>
        %get3A_1546 = arith.index_cast %add3A_1540 : i32 to index
        %get3A_1547 = arith.constant 0 : index
        %get3A_1548 = tpu.vector_load %arg12[%get3A_1546, %get3A_1547] {strides = array<i32>} : memref<100x512xf32, #tpu.memory_space<vmem>>, vector<1x16xf32>,
        %get3A_1549 = vector.shape_cast %get3A_1548 : vector<1x16xf32> to vector<16xf32>
        %mul3A_1550 = arith.mulf %get3A_1545, %get3A_1549 : vector<16xf32>
        %add3A_1551 = arith.addf %add3A_1350, %mul3A_1550 : vector<16xf32>
        %get3A_1552 = arith.index_cast %add3A_1540 : i32 to index
        %get3A_1553 = arith.constant 16 : index
        %get3A_1554 = tpu.vector_load %arg12[%get3A_1552, %get3A_1553] {strides = array<i32>} : memref<100x512xf32, #tpu.memory_space<vmem>>, vector<1x16xf32>,
        %get3A_1555 = vector.shape_cast %get3A_1554 : vector<1x16xf32> to vector<16xf32>
        %mul3A_1556 = arith.mulf %get3A_1545, %get3A_1555 : vector<16xf32>
        %add3A_1557 = arith.addf %add3A_1356, %mul3A_1556 : vector<16xf32>
        %get3A_1558 = arith.index_cast %add3A_1540 : i32 to index
        %get3A_1559 = arith.constant 32 : index
        %get3A_1560 = tpu.vector_load %arg12[%get3A_1558, %get3A_1559] {strides = array<i32>} : memref<100x512xf32, #tpu.memory_space<vmem>>, vector<1x16xf32>,
        %get3A_1561 = vector.shape_cast %get3A_1560 : vector<1x16xf32> to vector<16xf32>
        %mul3A_1562 = arith.mulf %get3A_1545, %get3A_1561 : vector<16xf32>
        %add3A_1563 = arith.addf %add3A_1362, %mul3A_1562 : vector<16xf32>
        %get3A_1564 = arith.index_cast %add3A_1540 : i32 to index
        %get3A_1565 = arith.constant 48 : index
        %get3A_1566 = tpu.vector_load %arg12[%get3A_1564, %get3A_1565] {strides = array<i32>} : memref<100x512xf32, #tpu.memory_space<vmem>>, vector<1x16xf32>,
        %get3A_1567 = vector.shape_cast %get3A_1566 : vector<1x16xf32> to vector<16xf32>
        %mul3A_1568 = arith.mulf %get3A_1545, %get3A_1567 : vector<16xf32>
        %add3A_1569 = arith.addf %add3A_1368, %mul3A_1568 : vector<16xf32>
        %get3A_1570 = arith.index_cast %add3A_1540 : i32 to index
        %get3A_1571 = arith.constant 64 : index
        %get3A_1572 = tpu.vector_load %arg12[%get3A_1570, %get3A_1571] {strides = array<i32>} : memref<100x512xf32, #tpu.memory_space<vmem>>, vector<1x16xf32>,
        %get3A_1573 = vector.shape_cast %get3A_1572 : vector<1x16xf32> to vector<16xf32>
        %mul3A_1574 = arith.mulf %get3A_1545, %get3A_1573 : vector<16xf32>
        %add3A_1575 = arith.addf %add3A_1374, %mul3A_1574 : vector<16xf32>
        %get3A_1576 = arith.index_cast %add3A_1540 : i32 to index
        %get3A_1577 = arith.constant 80 : index
        %get3A_1578 = tpu.vector_load %arg12[%get3A_1576, %get3A_1577] {strides = array<i32>} : memref<100x512xf32, #tpu.memory_space<vmem>>, vector<1x16xf32>,
        %get3A_1579 = vector.shape_cast %get3A_1578 : vector<1x16xf32> to vector<16xf32>
        %mul3A_1580 = arith.mulf %get3A_1545, %get3A_1579 : vector<16xf32>
        %add3A_1581 = arith.addf %add3A_1380, %mul3A_1580 : vector<16xf32>
        %get3A_1582 = arith.index_cast %add3A_1540 : i32 to index
        %get3A_1583 = arith.constant 96 : index
        %get3A_1584 = tpu.vector_load %arg12[%get3A_1582, %get3A_1583] {strides = array<i32>} : memref<100x512xf32, #tpu.memory_space<vmem>>, vector<1x16xf32>,
        %get3A_1585 = vector.shape_cast %get3A_1584 : vector<1x16xf32> to vector<16xf32>
        %mul3A_1586 = arith.mulf %get3A_1545, %get3A_1585 : vector<16xf32>
        %add3A_1587 = arith.addf %add3A_1386, %mul3A_1586 : vector<16xf32>
        %get3A_1588 = arith.index_cast %add3A_1540 : i32 to index
        %get3A_1589 = arith.constant 112 : index
        %get3A_1590 = tpu.vector_load %arg12[%get3A_1588, %get3A_1589] {strides = array<i32>} : memref<100x512xf32, #tpu.memory_space<vmem>>, vector<1x16xf32>,
        %get3A_1591 = vector.shape_cast %get3A_1590 : vector<1x16xf32> to vector<16xf32>
        %mul3A_1592 = arith.mulf %get3A_1545, %get3A_1591 : vector<16xf32>
        %add3A_1593 = arith.addf %add3A_1392, %mul3A_1592 : vector<16xf32>
        %get3A_1594 = arith.index_cast %add3A_1540 : i32 to index
        %get3A_1595 = arith.constant 128 : index
        %get3A_1596 = tpu.vector_load %arg12[%get3A_1594, %get3A_1595] {strides = array<i32>} : memref<100x512xf32, #tpu.memory_space<vmem>>, vector<1x16xf32>,
        %get3A_1597 = vector.shape_cast %get3A_1596 : vector<1x16xf32> to vector<16xf32>
        %mul3A_1598 = arith.mulf %get3A_1545, %get3A_1597 : vector<16xf32>
        %add3A_1599 = arith.addf %add3A_1398, %mul3A_1598 : vector<16xf32>
        %get3A_1600 = arith.index_cast %add3A_1540 : i32 to index
        %get3A_1601 = arith.constant 144 : index
        %get3A_1602 = tpu.vector_load %arg12[%get3A_1600, %get3A_1601] {strides = array<i32>} : memref<100x512xf32, #tpu.memory_space<vmem>>, vector<1x16xf32>,
        %get3A_1603 = vector.shape_cast %get3A_1602 : vector<1x16xf32> to vector<16xf32>
        %mul3A_1604 = arith.mulf %get3A_1545, %get3A_1603 : vector<16xf32>
        %add3A_1605 = arith.addf %add3A_1404, %mul3A_1604 : vector<16xf32>
        %get3A_1606 = arith.index_cast %add3A_1540 : i32 to index
        %get3A_1607 = arith.constant 160 : index
        %get3A_1608 = tpu.vector_load %arg12[%get3A_1606, %get3A_1607] {strides = array<i32>} : memref<100x512xf32, #tpu.memory_space<vmem>>, vector<1x16xf32>,
        %get3A_1609 = vector.shape_cast %get3A_1608 : vector<1x16xf32> to vector<16xf32>
        %mul3A_1610 = arith.mulf %get3A_1545, %get3A_1609 : vector<16xf32>
        %add3A_1611 = arith.addf %add3A_1410, %mul3A_1610 : vector<16xf32>
        %get3A_1612 = arith.index_cast %add3A_1540 : i32 to index
        %get3A_1613 = arith.constant 176 : index
        %get3A_1614 = tpu.vector_load %arg12[%get3A_1612, %get3A_1613] {strides = array<i32>} : memref<100x512xf32, #tpu.memory_space<vmem>>, vector<1x16xf32>,
        %get3A_1615 = vector.shape_cast %get3A_1614 : vector<1x16xf32> to vector<16xf32>
        %mul3A_1616 = arith.mulf %get3A_1545, %get3A_1615 : vector<16xf32>
        %add3A_1617 = arith.addf %add3A_1416, %mul3A_1616 : vector<16xf32>
        %get3A_1618 = arith.index_cast %add3A_1540 : i32 to index
        %get3A_1619 = arith.constant 192 : index
        %get3A_1620 = tpu.vector_load %arg12[%get3A_1618, %get3A_1619] {strides = array<i32>} : memref<100x512xf32, #tpu.memory_space<vmem>>, vector<1x16xf32>,
        %get3A_1621 = vector.shape_cast %get3A_1620 : vector<1x16xf32> to vector<16xf32>
        %mul3A_1622 = arith.mulf %get3A_1545, %get3A_1621 : vector<16xf32>
        %add3A_1623 = arith.addf %add3A_1422, %mul3A_1622 : vector<16xf32>
        %get3A_1624 = arith.index_cast %add3A_1540 : i32 to index
        %get3A_1625 = arith.constant 208 : index
        %get3A_1626 = tpu.vector_load %arg12[%get3A_1624, %get3A_1625] {strides = array<i32>} : memref<100x512xf32, #tpu.memory_space<vmem>>, vector<1x16xf32>,
        %get3A_1627 = vector.shape_cast %get3A_1626 : vector<1x16xf32> to vector<16xf32>
        %mul3A_1628 = arith.mulf %get3A_1545, %get3A_1627 : vector<16xf32>
        %add3A_1629 = arith.addf %add3A_1428, %mul3A_1628 : vector<16xf32>
        %get3A_1630 = arith.index_cast %add3A_1540 : i32 to index
        %get3A_1631 = arith.constant 224 : index
        %get3A_1632 = tpu.vector_load %arg12[%get3A_1630, %get3A_1631] {strides = array<i32>} : memref<100x512xf32, #tpu.memory_space<vmem>>, vector<1x16xf32>,
        %get3A_1633 = vector.shape_cast %get3A_1632 : vector<1x16xf32> to vector<16xf32>
        %mul3A_1634 = arith.mulf %get3A_1545, %get3A_1633 : vector<16xf32>
        %add3A_1635 = arith.addf %add3A_1434, %mul3A_1634 : vector<16xf32>
        %get3A_1636 = arith.index_cast %add3A_1540 : i32 to index
        %get3A_1637 = arith.constant 240 : index
        %get3A_1638 = tpu.vector_load %arg12[%get3A_1636, %get3A_1637] {strides = array<i32>} : memref<100x512xf32, #tpu.memory_space<vmem>>, vector<1x16xf32>,
        %get3A_1639 = vector.shape_cast %get3A_1638 : vector<1x16xf32> to vector<16xf32>
        %mul3A_1640 = arith.mulf %get3A_1545, %get3A_1639 : vector<16xf32>
        %add3A_1641 = arith.addf %add3A_1440, %mul3A_1640 : vector<16xf32>
        %get3A_1642 = arith.index_cast %add3A_1540 : i32 to index
        %get3A_1643 = arith.constant 256 : index
        %get3A_1644 = tpu.vector_load %arg12[%get3A_1642, %get3A_1643] {strides = array<i32>} : memref<100x512xf32, #tpu.memory_space<vmem>>, vector<1x16xf32>,
        %get3A_1645 = vector.shape_cast %get3A_1644 : vector<1x16xf32> to vector<16xf32>
        %mul3A_1646 = arith.mulf %get3A_1545, %get3A_1645 : vector<16xf32>
        %add3A_1647 = arith.addf %add3A_1446, %mul3A_1646 : vector<16xf32>
        %get3A_1648 = arith.index_cast %add3A_1540 : i32 to index
        %get3A_1649 = arith.constant 272 : index
        %get3A_1650 = tpu.vector_load %arg12[%get3A_1648, %get3A_1649] {strides = array<i32>} : memref<100x512xf32, #tpu.memory_space<vmem>>, vector<1x16xf32>,
        %get3A_1651 = vector.shape_cast %get3A_1650 : vector<1x16xf32> to vector<16xf32>
        %mul3A_1652 = arith.mulf %get3A_1545, %get3A_1651 : vector<16xf32>
        %add3A_1653 = arith.addf %add3A_1452, %mul3A_1652 : vector<16xf32>
        %get3A_1654 = arith.index_cast %add3A_1540 : i32 to index
        %get3A_1655 = arith.constant 288 : index
        %get3A_1656 = tpu.vector_load %arg12[%get3A_1654, %get3A_1655] {strides = array<i32>} : memref<100x512xf32, #tpu.memory_space<vmem>>, vector<1x16xf32>,
        %get3A_1657 = vector.shape_cast %get3A_1656 : vector<1x16xf32> to vector<16xf32>
        %mul3A_1658 = arith.mulf %get3A_1545, %get3A_1657 : vector<16xf32>
        %add3A_1659 = arith.addf %add3A_1458, %mul3A_1658 : vector<16xf32>
        %get3A_1660 = arith.index_cast %add3A_1540 : i32 to index
        %get3A_1661 = arith.constant 304 : index
        %get3A_1662 = tpu.vector_load %arg12[%get3A_1660, %get3A_1661] {strides = array<i32>} : memref<100x512xf32, #tpu.memory_space<vmem>>, vector<1x16xf32>,
        %get3A_1663 = vector.shape_cast %get3A_1662 : vector<1x16xf32> to vector<16xf32>
        %mul3A_1664 = arith.mulf %get3A_1545, %get3A_1663 : vector<16xf32>
        %add3A_1665 = arith.addf %add3A_1464, %mul3A_1664 : vector<16xf32>
        %get3A_1666 = arith.index_cast %add3A_1540 : i32 to index
        %get3A_1667 = arith.constant 320 : index
        %get3A_1668 = tpu.vector_load %arg12[%get3A_1666, %get3A_1667] {strides = array<i32>} : memref<100x512xf32, #tpu.memory_space<vmem>>, vector<1x16xf32>,
        %get3A_1669 = vector.shape_cast %get3A_1668 : vector<1x16xf32> to vector<16xf32>
        %mul3A_1670 = arith.mulf %get3A_1545, %get3A_1669 : vector<16xf32>
        %add3A_1671 = arith.addf %add3A_1470, %mul3A_1670 : vector<16xf32>
        %get3A_1672 = arith.index_cast %add3A_1540 : i32 to index
        %get3A_1673 = arith.constant 336 : index
        %get3A_1674 = tpu.vector_load %arg12[%get3A_1672, %get3A_1673] {strides = array<i32>} : memref<100x512xf32, #tpu.memory_space<vmem>>, vector<1x16xf32>,
        %get3A_1675 = vector.shape_cast %get3A_1674 : vector<1x16xf32> to vector<16xf32>
        %mul3A_1676 = arith.mulf %get3A_1545, %get3A_1675 : vector<16xf32>
        %add3A_1677 = arith.addf %add3A_1476, %mul3A_1676 : vector<16xf32>
        %get3A_1678 = arith.index_cast %add3A_1540 : i32 to index
        %get3A_1679 = arith.constant 352 : index
        %get3A_1680 = tpu.vector_load %arg12[%get3A_1678, %get3A_1679] {strides = array<i32>} : memref<100x512xf32, #tpu.memory_space<vmem>>, vector<1x16xf32>,
        %get3A_1681 = vector.shape_cast %get3A_1680 : vector<1x16xf32> to vector<16xf32>
        %mul3A_1682 = arith.mulf %get3A_1545, %get3A_1681 : vector<16xf32>
        %add3A_1683 = arith.addf %add3A_1482, %mul3A_1682 : vector<16xf32>
        %get3A_1684 = arith.index_cast %add3A_1540 : i32 to index
        %get3A_1685 = arith.constant 368 : index
        %get3A_1686 = tpu.vector_load %arg12[%get3A_1684, %get3A_1685] {strides = array<i32>} : memref<100x512xf32, #tpu.memory_space<vmem>>, vector<1x16xf32>,
        %get3A_1687 = vector.shape_cast %get3A_1686 : vector<1x16xf32> to vector<16xf32>
        %mul3A_1688 = arith.mulf %get3A_1545, %get3A_1687 : vector<16xf32>
        %add3A_1689 = arith.addf %add3A_1488, %mul3A_1688 : vector<16xf32>
        %get3A_1690 = arith.index_cast %add3A_1540 : i32 to index
        %get3A_1691 = arith.constant 384 : index
        %get3A_1692 = tpu.vector_load %arg12[%get3A_1690, %get3A_1691] {strides = array<i32>} : memref<100x512xf32, #tpu.memory_space<vmem>>, vector<1x16xf32>,
        %get3A_1693 = vector.shape_cast %get3A_1692 : vector<1x16xf32> to vector<16xf32>
        %mul3A_1694 = arith.mulf %get3A_1545, %get3A_1693 : vector<16xf32>
        %add3A_1695 = arith.addf %add3A_1494, %mul3A_1694 : vector<16xf32>
        %get3A_1696 = arith.index_cast %add3A_1540 : i32 to index
        %get3A_1697 = arith.constant 400 : index
        %get3A_1698 = tpu.vector_load %arg12[%get3A_1696, %get3A_1697] {strides = array<i32>} : memref<100x512xf32, #tpu.memory_space<vmem>>, vector<1x16xf32>,
        %get3A_1699 = vector.shape_cast %get3A_1698 : vector<1x16xf32> to vector<16xf32>
        %mul3A_1700 = arith.mulf %get3A_1545, %get3A_1699 : vector<16xf32>
        %add3A_1701 = arith.addf %add3A_1500, %mul3A_1700 : vector<16xf32>
        %get3A_1702 = arith.index_cast %add3A_1540 : i32 to index
        %get3A_1703 = arith.constant 416 : index
        %get3A_1704 = tpu.vector_load %arg12[%get3A_1702, %get3A_1703] {strides = array<i32>} : memref<100x512xf32, #tpu.memory_space<vmem>>, vector<1x16xf32>,
        %get3A_1705 = vector.shape_cast %get3A_1704 : vector<1x16xf32> to vector<16xf32>
        %mul3A_1706 = arith.mulf %get3A_1545, %get3A_1705 : vector<16xf32>
        %add3A_1707 = arith.addf %add3A_1506, %mul3A_1706 : vector<16xf32>
        %get3A_1708 = arith.index_cast %add3A_1540 : i32 to index
        %get3A_1709 = arith.constant 432 : index
        %get3A_1710 = tpu.vector_load %arg12[%get3A_1708, %get3A_1709] {strides = array<i32>} : memref<100x512xf32, #tpu.memory_space<vmem>>, vector<1x16xf32>,
        %get3A_1711 = vector.shape_cast %get3A_1710 : vector<1x16xf32> to vector<16xf32>
        %mul3A_1712 = arith.mulf %get3A_1545, %get3A_1711 : vector<16xf32>
        %add3A_1713 = arith.addf %add3A_1512, %mul3A_1712 : vector<16xf32>
        %get3A_1714 = arith.index_cast %add3A_1540 : i32 to index
        %get3A_1715 = arith.constant 448 : index
        %get3A_1716 = tpu.vector_load %arg12[%get3A_1714, %get3A_1715] {strides = array<i32>} : memref<100x512xf32, #tpu.memory_space<vmem>>, vector<1x16xf32>,
        %get3A_1717 = vector.shape_cast %get3A_1716 : vector<1x16xf32> to vector<16xf32>
        %mul3A_1718 = arith.mulf %get3A_1545, %get3A_1717 : vector<16xf32>
        %add3A_1719 = arith.addf %add3A_1518, %mul3A_1718 : vector<16xf32>
        %get3A_1720 = arith.index_cast %add3A_1540 : i32 to index
        %get3A_1721 = arith.constant 464 : index
        %get3A_1722 = tpu.vector_load %arg12[%get3A_1720, %get3A_1721] {strides = array<i32>} : memref<100x512xf32, #tpu.memory_space<vmem>>, vector<1x16xf32>,
        %get3A_1723 = vector.shape_cast %get3A_1722 : vector<1x16xf32> to vector<16xf32>
        %mul3A_1724 = arith.mulf %get3A_1545, %get3A_1723 : vector<16xf32>
        %add3A_1725 = arith.addf %add3A_1524, %mul3A_1724 : vector<16xf32>
        %get3A_1726 = arith.index_cast %add3A_1540 : i32 to index
        %get3A_1727 = arith.constant 480 : index
        %get3A_1728 = tpu.vector_load %arg12[%get3A_1726, %get3A_1727] {strides = array<i32>} : memref<100x512xf32, #tpu.memory_space<vmem>>, vector<1x16xf32>,
        %get3A_1729 = vector.shape_cast %get3A_1728 : vector<1x16xf32> to vector<16xf32>
        %mul3A_1730 = arith.mulf %get3A_1545, %get3A_1729 : vector<16xf32>
        %add3A_1731 = arith.addf %add3A_1530, %mul3A_1730 : vector<16xf32>
        %get3A_1732 = arith.index_cast %add3A_1540 : i32 to index
        %get3A_1733 = arith.constant 496 : index
        %get3A_1734 = tpu.vector_load %arg12[%get3A_1732, %get3A_1733] {strides = array<i32>} : memref<100x512xf32, #tpu.memory_space<vmem>>, vector<1x16xf32>,
        %get3A_1735 = vector.shape_cast %get3A_1734 : vector<1x16xf32> to vector<16xf32>
        %mul3A_1736 = arith.mulf %get3A_1545, %get3A_1735 : vector<16xf32>
        %add3A_1737 = arith.addf %add3A_1536, %mul3A_1736 : vector<16xf32>
        scf.yield %add3A_1551, %add3A_1557, %add3A_1563, %add3A_1569, %add3A_1575, %add3A_1581, %add3A_1587, %add3A_1593, %add3A_1599, %add3A_1605, %add3A_1611, %add3A_1617, %add3A_1623, %add3A_1629, %add3A_1635, %add3A_1641, %add3A_1647, %add3A_1653, %add3A_1659, %add3A_1665, %add3A_1671, %add3A_1677, %add3A_1683, %add3A_1689, %add3A_1695, %add3A_1701, %add3A_1707, %add3A_1713, %add3A_1719, %add3A_1725, %add3A_1731, %add3A_1737 : vector<16xf32>, vector<16xf32>, vector<16xf32>, vector<16xf32>, vector<16xf32>, vector<16xf32>, vector<16xf32>, vector<16xf32>, vector<16xf32>, vector<16xf32>, vector<16xf32>, vector<16xf32>, vector<16xf32>, vector<16xf32>, vector<16xf32>, vector<16xf32>, vector<16xf32>, vector<16xf32>, vector<16xf32>, vector<16xf32>, vector<16xf32>, vector<16xf32>, vector<16xf32>, vector<16xf32>, vector<16xf32>, vector<16xf32>, vector<16xf32>, vector<16xf32>, vector<16xf32>, vector<16xf32>, vector<16xf32>, vector<16xf32>
      }
      %scan3A_143 = arith.constant 25 : i32
      %swap3A = arith.constant 0 : index
      %swap3A_144 = tpu.vector_load %arg10[%swap3A] {strides = array<i32>} : memref<1152xf32, #tpu.memory_space<vmem>>, vector<16xf32>,
      %swap3A_145 = vector.shape_cast %swap3A_144 : vector<16xf32> to vector<16xf32>
      %swap3A_146 = vector.shape_cast %scan3A_142#0 : vector<16xf32> to vector<16xf32>
      tpu.vector_store %arg10[%swap3A], %swap3A_146 {strides = array<i32>} : memref<1152xf32, #tpu.memory_space<vmem>>, vector<16xf32>,
      %swap3A_147 = arith.constant 16 : index
      %swap3A_148 = tpu.vector_load %arg10[%swap3A_147] {strides = array<i32>} : memref<1152xf32, #tpu.memory_space<vmem>>, vector<16xf32>,
      %swap3A_149 = vector.shape_cast %swap3A_148 : vector<16xf32> to vector<16xf32>
      %swap3A_150 = vector.shape_cast %scan3A_142#1 : vector<16xf32> to vector<16xf32>
      tpu.vector_store %arg10[%swap3A_147], %swap3A_150 {strides = array<i32>} : memref<1152xf32, #tpu.memory_space<vmem>>, vector<16xf32>,
      %swap3A_151 = arith.constant 32 : index
      %swap3A_152 = tpu.vector_load %arg10[%swap3A_151] {strides = array<i32>} : memref<1152xf32, #tpu.memory_space<vmem>>, vector<16xf32>,
      %swap3A_153 = vector.shape_cast %swap3A_152 : vector<16xf32> to vector<16xf32>
      %swap3A_154 = vector.shape_cast %scan3A_142#2 : vector<16xf32> to vector<16xf32>
      tpu.vector_store %arg10[%swap3A_151], %swap3A_154 {strides = array<i32>} : memref<1152xf32, #tpu.memory_space<vmem>>, vector<16xf32>,
      %swap3A_155 = arith.constant 48 : index
      %swap3A_156 = tpu.vector_load %arg10[%swap3A_155] {strides = array<i32>} : memref<1152xf32, #tpu.memory_space<vmem>>, vector<16xf32>,
      %swap3A_157 = vector.shape_cast %swap3A_156 : vector<16xf32> to vector<16xf32>
      %swap3A_158 = vector.shape_cast %scan3A_142#3 : vector<16xf32> to vector<16xf32>
      tpu.vector_store %arg10[%swap3A_155], %swap3A_158 {strides = array<i32>} : memref<1152xf32, #tpu.memory_space<vmem>>, vector<16xf32>,
      %swap3A_159 = arith.constant 64 : index
      %swap3A_160 = tpu.vector_load %arg10[%swap3A_159] {strides = array<i32>} : memref<1152xf32, #tpu.memory_space<vmem>>, vector<16xf32>,
      %swap3A_161 = vector.shape_cast %swap3A_160 : vector<16xf32> to vector<16xf32>
      %swap3A_162 = vector.shape_cast %scan3A_142#4 : vector<16xf32> to vector<16xf32>
      tpu.vector_store %arg10[%swap3A_159], %swap3A_162 {strides = array<i32>} : memref<1152xf32, #tpu.memory_space<vmem>>, vector<16xf32>,
      %swap3A_163 = arith.constant 80 : index
      %swap3A_164 = tpu.vector_load %arg10[%swap3A_163] {strides = array<i32>} : memref<1152xf32, #tpu.memory_space<vmem>>, vector<16xf32>,
      %swap3A_165 = vector.shape_cast %swap3A_164 : vector<16xf32> to vector<16xf32>
      %swap3A_166 = vector.shape_cast %scan3A_142#5 : vector<16xf32> to vector<16xf32>
      tpu.vector_store %arg10[%swap3A_163], %swap3A_166 {strides = array<i32>} : memref<1152xf32, #tpu.memory_space<vmem>>, vector<16xf32>,
      %swap3A_167 = arith.constant 96 : index
      %swap3A_168 = tpu.vector_load %arg10[%swap3A_167] {strides = array<i32>} : memref<1152xf32, #tpu.memory_space<vmem>>, vector<16xf32>,
      %swap3A_169 = vector.shape_cast %swap3A_168 : vector<16xf32> to vector<16xf32>
      %swap3A_170 = vector.shape_cast %scan3A_142#6 : vector<16xf32> to vector<16xf32>
      tpu.vector_store %arg10[%swap3A_167], %swap3A_170 {strides = array<i32>} : memref<1152xf32, #tpu.memory_space<vmem>>, vector<16xf32>,
      %swap3A_171 = arith.constant 112 : index
      %swap3A_172 = tpu.vector_load %arg10[%swap3A_171] {strides = array<i32>} : memref<1152xf32, #tpu.memory_space<vmem>>, vector<16xf32>,
      %swap3A_173 = vector.shape_cast %swap3A_172 : vector<16xf32> to vector<16xf32>
      %swap3A_174 = vector.shape_cast %scan3A_142#7 : vector<16xf32> to vector<16xf32>
      tpu.vector_store %arg10[%swap3A_171], %swap3A_174 {strides = array<i32>} : memref<1152xf32, #tpu.memory_space<vmem>>, vector<16xf32>,
      %swap3A_175 = arith.constant 128 : index
      %swap3A_176 = tpu.vector_load %arg10[%swap3A_175] {strides = array<i32>} : memref<1152xf32, #tpu.memory_space<vmem>>, vector<16xf32>,
      %swap3A_177 = vector.shape_cast %swap3A_176 : vector<16xf32> to vector<16xf32>
      %swap3A_178 = vector.shape_cast %scan3A_142#8 : vector<16xf32> to vector<16xf32>
      tpu.vector_store %arg10[%swap3A_175], %swap3A_178 {strides = array<i32>} : memref<1152xf32, #tpu.memory_space<vmem>>, vector<16xf32>,
      %swap3A_179 = arith.constant 144 : index
      %swap3A_180 = tpu.vector_load %arg10[%swap3A_179] {strides = array<i32>} : memref<1152xf32, #tpu.memory_space<vmem>>, vector<16xf32>,
      %swap3A_181 = vector.shape_cast %swap3A_180 : vector<16xf32> to vector<16xf32>
      %swap3A_182 = vector.shape_cast %scan3A_142#9 : vector<16xf32> to vector<16xf32>
      tpu.vector_store %arg10[%swap3A_179], %swap3A_182 {strides = array<i32>} : memref<1152xf32, #tpu.memory_space<vmem>>, vector<16xf32>,
      %swap3A_183 = arith.constant 160 : index
      %swap3A_184 = tpu.vector_load %arg10[%swap3A_183] {strides = array<i32>} : memref<1152xf32, #tpu.memory_space<vmem>>, vector<16xf32>,
      %swap3A_185 = vector.shape_cast %swap3A_184 : vector<16xf32> to vector<16xf32>
      %swap3A_186 = vector.shape_cast %scan3A_142#10 : vector<16xf32> to vector<16xf32>
      tpu.vector_store %arg10[%swap3A_183], %swap3A_186 {strides = array<i32>} : memref<1152xf32, #tpu.memory_space<vmem>>, vector<16xf32>,
      %swap3A_187 = arith.constant 176 : index
      %swap3A_188 = tpu.vector_load %arg10[%swap3A_187] {strides = array<i32>} : memref<1152xf32, #tpu.memory_space<vmem>>, vector<16xf32>,
      %swap3A_189 = vector.shape_cast %swap3A_188 : vector<16xf32> to vector<16xf32>
      %swap3A_190 = vector.shape_cast %scan3A_142#11 : vector<16xf32> to vector<16xf32>
      tpu.vector_store %arg10[%swap3A_187], %swap3A_190 {strides = array<i32>} : memref<1152xf32, #tpu.memory_space<vmem>>, vector<16xf32>,
      %swap3A_191 = arith.constant 192 : index
      %swap3A_192 = tpu.vector_load %arg10[%swap3A_191] {strides = array<i32>} : memref<1152xf32, #tpu.memory_space<vmem>>, vector<16xf32>,
      %swap3A_193 = vector.shape_cast %swap3A_192 : vector<16xf32> to vector<16xf32>
      %swap3A_194 = vector.shape_cast %scan3A_142#12 : vector<16xf32> to vector<16xf32>
      tpu.vector_store %arg10[%swap3A_191], %swap3A_194 {strides = array<i32>} : memref<1152xf32, #tpu.memory_space<vmem>>, vector<16xf32>,
      %swap3A_195 = arith.constant 208 : index
      %swap3A_196 = tpu.vector_load %arg10[%swap3A_195] {strides = array<i32>} : memref<1152xf32, #tpu.memory_space<vmem>>, vector<16xf32>,
      %swap3A_197 = vector.shape_cast %swap3A_196 : vector<16xf32> to vector<16xf32>
      %swap3A_198 = vector.shape_cast %scan3A_142#13 : vector<16xf32> to vector<16xf32>
      tpu.vector_store %arg10[%swap3A_195], %swap3A_198 {strides = array<i32>} : memref<1152xf32, #tpu.memory_space<vmem>>, vector<16xf32>,
      %swap3A_199 = arith.constant 224 : index
      %swap3A_200 = tpu.vector_load %arg10[%swap3A_199] {strides = array<i32>} : memref<1152xf32, #tpu.memory_space<vmem>>, vector<16xf32>,
      %swap3A_201 = vector.shape_cast %swap3A_200 : vector<16xf32> to vector<16xf32>
      %swap3A_202 = vector.shape_cast %scan3A_142#14 : vector<16xf32> to vector<16xf32>
      tpu.vector_store %arg10[%swap3A_199], %swap3A_202 {strides = array<i32>} : memref<1152xf32, #tpu.memory_space<vmem>>, vector<16xf32>,
      %swap3A_203 = arith.constant 240 : index
      %swap3A_204 = tpu.vector_load %arg10[%swap3A_203] {strides = array<i32>} : memref<1152xf32, #tpu.memory_space<vmem>>, vector<16xf32>,
      %swap3A_205 = vector.shape_cast %swap3A_204 : vector<16xf32> to vector<16xf32>
      %swap3A_206 = vector.shape_cast %scan3A_142#15 : vector<16xf32> to vector<16xf32>
      tpu.vector_store %arg10[%swap3A_203], %swap3A_206 {strides = array<i32>} : memref<1152xf32, #tpu.memory_space<vmem>>, vector<16xf32>,
      %swap3A_207 = arith.constant 256 : index
      %swap3A_208 = tpu.vector_load %arg10[%swap3A_207] {strides = array<i32>} : memref<1152xf32, #tpu.memory_space<vmem>>, vector<16xf32>,
      %swap3A_209 = vector.shape_cast %swap3A_208 : vector<16xf32> to vector<16xf32>
      %swap3A_210 = vector.shape_cast %scan3A_142#16 : vector<16xf32> to vector<16xf32>
      tpu.vector_store %arg10[%swap3A_207], %swap3A_210 {strides = array<i32>} : memref<1152xf32, #tpu.memory_space<vmem>>, vector<16xf32>,
      %swap3A_211 = arith.constant 272 : index
      %swap3A_212 = tpu.vector_load %arg10[%swap3A_211] {strides = array<i32>} : memref<1152xf32, #tpu.memory_space<vmem>>, vector<16xf32>,
      %swap3A_213 = vector.shape_cast %swap3A_212 : vector<16xf32> to vector<16xf32>
      %swap3A_214 = vector.shape_cast %scan3A_142#17 : vector<16xf32> to vector<16xf32>
      tpu.vector_store %arg10[%swap3A_211], %swap3A_214 {strides = array<i32>} : memref<1152xf32, #tpu.memory_space<vmem>>, vector<16xf32>,
      %swap3A_215 = arith.constant 288 : index
      %swap3A_216 = tpu.vector_load %arg10[%swap3A_215] {strides = array<i32>} : memref<1152xf32, #tpu.memory_space<vmem>>, vector<16xf32>,
      %swap3A_217 = vector.shape_cast %swap3A_216 : vector<16xf32> to vector<16xf32>
      %swap3A_218 = vector.shape_cast %scan3A_142#18 : vector<16xf32> to vector<16xf32>
      tpu.vector_store %arg10[%swap3A_215], %swap3A_218 {strides = array<i32>} : memref<1152xf32, #tpu.memory_space<vmem>>, vector<16xf32>,
      %swap3A_219 = arith.constant 304 : index
      %swap3A_220 = tpu.vector_load %arg10[%swap3A_219] {strides = array<i32>} : memref<1152xf32, #tpu.memory_space<vmem>>, vector<16xf32>,
      %swap3A_221 = vector.shape_cast %swap3A_220 : vector<16xf32> to vector<16xf32>
      %swap3A_222 = vector.shape_cast %scan3A_142#19 : vector<16xf32> to vector<16xf32>
      tpu.vector_store %arg10[%swap3A_219], %swap3A_222 {strides = array<i32>} : memref<1152xf32, #tpu.memory_space<vmem>>, vector<16xf32>,
      %swap3A_223 = arith.constant 320 : index
      %swap3A_224 = tpu.vector_load %arg10[%swap3A_223] {strides = array<i32>} : memref<1152xf32, #tpu.memory_space<vmem>>, vector<16xf32>,
      %swap3A_225 = vector.shape_cast %swap3A_224 : vector<16xf32> to vector<16xf32>
      %swap3A_226 = vector.shape_cast %scan3A_142#20 : vector<16xf32> to vector<16xf32>
      tpu.vector_store %arg10[%swap3A_223], %swap3A_226 {strides = array<i32>} : memref<1152xf32, #tpu.memory_space<vmem>>, vector<16xf32>,
      %swap3A_227 = arith.constant 336 : index
      %swap3A_228 = tpu.vector_load %arg10[%swap3A_227] {strides = array<i32>} : memref<1152xf32, #tpu.memory_space<vmem>>, vector<16xf32>,
      %swap3A_229 = vector.shape_cast %swap3A_228 : vector<16xf32> to vector<16xf32>
      %swap3A_230 = vector.shape_cast %scan3A_142#21 : vector<16xf32> to vector<16xf32>
      tpu.vector_store %arg10[%swap3A_227], %swap3A_230 {strides = array<i32>} : memref<1152xf32, #tpu.memory_space<vmem>>, vector<16xf32>,
      %swap3A_231 = arith.constant 352 : index
      %swap3A_232 = tpu.vector_load %arg10[%swap3A_231] {strides = array<i32>} : memref<1152xf32, #tpu.memory_space<vmem>>, vector<16xf32>,
      %swap3A_233 = vector.shape_cast %swap3A_232 : vector<16xf32> to vector<16xf32>
      %swap3A_234 = vector.shape_cast %scan3A_142#22 : vector<16xf32> to vector<16xf32>
      tpu.vector_store %arg10[%swap3A_231], %swap3A_234 {strides = array<i32>} : memref<1152xf32, #tpu.memory_space<vmem>>, vector<16xf32>,
      %swap3A_235 = arith.constant 368 : index
      %swap3A_236 = tpu.vector_load %arg10[%swap3A_235] {strides = array<i32>} : memref<1152xf32, #tpu.memory_space<vmem>>, vector<16xf32>,
      %swap3A_237 = vector.shape_cast %swap3A_236 : vector<16xf32> to vector<16xf32>
      %swap3A_238 = vector.shape_cast %scan3A_142#23 : vector<16xf32> to vector<16xf32>
      tpu.vector_store %arg10[%swap3A_235], %swap3A_238 {strides = array<i32>} : memref<1152xf32, #tpu.memory_space<vmem>>, vector<16xf32>,
      %swap3A_239 = arith.constant 384 : index
      %swap3A_240 = tpu.vector_load %arg10[%swap3A_239] {strides = array<i32>} : memref<1152xf32, #tpu.memory_space<vmem>>, vector<16xf32>,
      %swap3A_241 = vector.shape_cast %swap3A_240 : vector<16xf32> to vector<16xf32>
      %swap3A_242 = vector.shape_cast %scan3A_142#24 : vector<16xf32> to vector<16xf32>
      tpu.vector_store %arg10[%swap3A_239], %swap3A_242 {strides = array<i32>} : memref<1152xf32, #tpu.memory_space<vmem>>, vector<16xf32>,
      %swap3A_243 = arith.constant 400 : index
      %swap3A_244 = tpu.vector_load %arg10[%swap3A_243] {strides = array<i32>} : memref<1152xf32, #tpu.memory_space<vmem>>, vector<16xf32>,
      %swap3A_245 = vector.shape_cast %swap3A_244 : vector<16xf32> to vector<16xf32>
      %swap3A_246 = vector.shape_cast %scan3A_142#25 : vector<16xf32> to vector<16xf32>
      tpu.vector_store %arg10[%swap3A_243], %swap3A_246 {strides = array<i32>} : memref<1152xf32, #tpu.memory_space<vmem>>, vector<16xf32>,
      %swap3A_247 = arith.constant 416 : index
      %swap3A_248 = tpu.vector_load %arg10[%swap3A_247] {strides = array<i32>} : memref<1152xf32, #tpu.memory_space<vmem>>, vector<16xf32>,
      %swap3A_249 = vector.shape_cast %swap3A_248 : vector<16xf32> to vector<16xf32>
      %swap3A_250 = vector.shape_cast %scan3A_142#26 : vector<16xf32> to vector<16xf32>
      tpu.vector_store %arg10[%swap3A_247], %swap3A_250 {strides = array<i32>} : memref<1152xf32, #tpu.memory_space<vmem>>, vector<16xf32>,
      %swap3A_251 = arith.constant 432 : index
      %swap3A_252 = tpu.vector_load %arg10[%swap3A_251] {strides = array<i32>} : memref<1152xf32, #tpu.memory_space<vmem>>, vector<16xf32>,
      %swap3A_253 = vector.shape_cast %swap3A_252 : vector<16xf32> to vector<16xf32>
      %swap3A_254 = vector.shape_cast %scan3A_142#27 : vector<16xf32> to vector<16xf32>
      tpu.vector_store %arg10[%swap3A_251], %swap3A_254 {strides = array<i32>} : memref<1152xf32, #tpu.memory_space<vmem>>, vector<16xf32>,
      %swap3A_255 = arith.constant 448 : index
      %swap3A_256 = tpu.vector_load %arg10[%swap3A_255] {strides = array<i32>} : memref<1152xf32, #tpu.memory_space<vmem>>, vector<16xf32>,
      %swap3A_257 = vector.shape_cast %swap3A_256 : vector<16xf32> to vector<16xf32>
      %swap3A_258 = vector.shape_cast %scan3A_142#28 : vector<16xf32> to vector<16xf32>
      tpu.vector_store %arg10[%swap3A_255], %swap3A_258 {strides = array<i32>} : memref<1152xf32, #tpu.memory_space<vmem>>, vector<16xf32>,
      %swap3A_259 = arith.constant 464 : index
      %swap3A_260 = tpu.vector_load %arg10[%swap3A_259] {strides = array<i32>} : memref<1152xf32, #tpu.memory_space<vmem>>, vector<16xf32>,
      %swap3A_261 = vector.shape_cast %swap3A_260 : vector<16xf32> to vector<16xf32>
      %swap3A_262 = vector.shape_cast %scan3A_142#29 : vector<16xf32> to vector<16xf32>
      tpu.vector_store %arg10[%swap3A_259], %swap3A_262 {strides = array<i32>} : memref<1152xf32, #tpu.memory_space<vmem>>, vector<16xf32>,
      %swap3A_263 = arith.constant 480 : index
      %swap3A_264 = tpu.vector_load %arg10[%swap3A_263] {strides = array<i32>} : memref<1152xf32, #tpu.memory_space<vmem>>, vector<16xf32>,
      %swap3A_265 = vector.shape_cast %swap3A_264 : vector<16xf32> to vector<16xf32>
      %swap3A_266 = vector.shape_cast %scan3A_142#30 : vector<16xf32> to vector<16xf32>
      tpu.vector_store %arg10[%swap3A_263], %swap3A_266 {strides = array<i32>} : memref<1152xf32, #tpu.memory_space<vmem>>, vector<16xf32>,
      %swap3A_267 = arith.constant 496 : index
      %swap3A_268 = tpu.vector_load %arg10[%swap3A_267] {strides = array<i32>} : memref<1152xf32, #tpu.memory_space<vmem>>, vector<16xf32>,
      %swap3A_269 = vector.shape_cast %swap3A_268 : vector<16xf32> to vector<16xf32>
      %swap3A_270 = vector.shape_cast %scan3A_142#31 : vector<16xf32> to vector<16xf32>
      tpu.vector_store %arg10[%swap3A_267], %swap3A_270 {strides = array<i32>} : memref<1152xf32, #tpu.memory_space<vmem>>, vector<16xf32>,
      %max3A = arith.maximumf %scan3A_142#0, %scan3A_142#1 : vector<16xf32>
      %max3A_271 = arith.maximumf %max3A, %scan3A_142#2 : vector<16xf32>
      %max3A_272 = arith.maximumf %max3A_271, %scan3A_142#3 : vector<16xf32>
      %max3A_273 = arith.maximumf %max3A_272, %scan3A_142#4 : vector<16xf32>
      %max3A_274 = arith.maximumf %max3A_273, %scan3A_142#5 : vector<16xf32>
      %max3A_275 = arith.maximumf %max3A_274, %scan3A_142#6 : vector<16xf32>
      %max3A_276 = arith.maximumf %max3A_275, %scan3A_142#7 : vector<16xf32>
      %max3A_277 = arith.maximumf %max3A_276, %scan3A_142#8 : vector<16xf32>
      %max3A_278 = arith.maximumf %max3A_277, %scan3A_142#9 : vector<16xf32>
      %max3A_279 = arith.maximumf %max3A_278, %scan3A_142#10 : vector<16xf32>
      %max3A_280 = arith.maximumf %max3A_279, %scan3A_142#11 : vector<16xf32>
      %max3A_281 = arith.maximumf %max3A_280, %scan3A_142#12 : vector<16xf32>
      %max3A_282 = arith.maximumf %max3A_281, %scan3A_142#13 : vector<16xf32>
      %max3A_283 = arith.maximumf %max3A_282, %scan3A_142#14 : vector<16xf32>
      %max3A_284 = arith.maximumf %max3A_283, %scan3A_142#15 : vector<16xf32>
      %max3A_285 = arith.maximumf %max3A_284, %scan3A_142#16 : vector<16xf32>
      %max3A_286 = arith.maximumf %max3A_285, %scan3A_142#17 : vector<16xf32>
      %max3A_287 = arith.maximumf %max3A_286, %scan3A_142#18 : vector<16xf32>
      %max3A_288 = arith.maximumf %max3A_287, %scan3A_142#19 : vector<16xf32>
      %max3A_289 = arith.maximumf %max3A_288, %scan3A_142#20 : vector<16xf32>
      %max3A_290 = arith.maximumf %max3A_289, %scan3A_142#21 : vector<16xf32>
      %max3A_291 = arith.maximumf %max3A_290, %scan3A_142#22 : vector<16xf32>
      %max3A_292 = arith.maximumf %max3A_291, %scan3A_142#23 : vector<16xf32>
      %max3A_293 = arith.maximumf %max3A_292, %scan3A_142#24 : vector<16xf32>
      %max3A_294 = arith.maximumf %max3A_293, %scan3A_142#25 : vector<16xf32>
      %max3A_295 = arith.maximumf %max3A_294, %scan3A_142#26 : vector<16xf32>
      %max3A_296 = arith.maximumf %max3A_295, %scan3A_142#27 : vector<16xf32>
      %max3A_297 = arith.maximumf %max3A_296, %scan3A_142#28 : vector<16xf32>
      %max3A_298 = arith.maximumf %max3A_297, %scan3A_142#29 : vector<16xf32>
      %max3A_299 = arith.maximumf %max3A_298, %scan3A_142#30 : vector<16xf32>
      %max3A_300 = arith.maximumf %max3A_299, %scan3A_142#31 : vector<16xf32>
      %max3A_301 = arith.maximumf %broadcast_in_dim3A_18, %max3A_300 : vector<16xf32>
      %sub3A = arith.subf %broadcast_in_dim3A_18, %max3A_301 : vector<16xf32>
      %exp3A = math.exp %sub3A : vector<16xf32>
      %mul3A_302 = arith.mulf %broadcast_in_dim3A_20, %exp3A : vector<16xf32>
      %sub3A_303 = arith.subf %scan3A_142#0, %max3A_301 : vector<16xf32>
      %exp3A_304 = math.exp %sub3A_303 : vector<16xf32>
      %add3A_305 = arith.addf %mul3A_302, %exp3A_304 : vector<16xf32>
      %sub3A_306 = arith.subf %scan3A_142#1, %max3A_301 : vector<16xf32>
      %exp3A_307 = math.exp %sub3A_306 : vector<16xf32>
      %add3A_308 = arith.addf %add3A_305, %exp3A_307 : vector<16xf32>
      %sub3A_309 = arith.subf %scan3A_142#2, %max3A_301 : vector<16xf32>
      %exp3A_310 = math.exp %sub3A_309 : vector<16xf32>
      %add3A_311 = arith.addf %add3A_308, %exp3A_310 : vector<16xf32>
      %sub3A_312 = arith.subf %scan3A_142#3, %max3A_301 : vector<16xf32>
      %exp3A_313 = math.exp %sub3A_312 : vector<16xf32>
      %add3A_314 = arith.addf %add3A_311, %exp3A_313 : vector<16xf32>
      %sub3A_315 = arith.subf %scan3A_142#4, %max3A_301 : vector<16xf32>
      %exp3A_316 = math.exp %sub3A_315 : vector<16xf32>
      %add3A_317 = arith.addf %add3A_314, %exp3A_316 : vector<16xf32>
      %sub3A_318 = arith.subf %scan3A_142#5, %max3A_301 : vector<16xf32>
      %exp3A_319 = math.exp %sub3A_318 : vector<16xf32>
      %add3A_320 = arith.addf %add3A_317, %exp3A_319 : vector<16xf32>
      %sub3A_321 = arith.subf %scan3A_142#6, %max3A_301 : vector<16xf32>
      %exp3A_322 = math.exp %sub3A_321 : vector<16xf32>
      %add3A_323 = arith.addf %add3A_320, %exp3A_322 : vector<16xf32>
      %sub3A_324 = arith.subf %scan3A_142#7, %max3A_301 : vector<16xf32>
      %exp3A_325 = math.exp %sub3A_324 : vector<16xf32>
      %add3A_326 = arith.addf %add3A_323, %exp3A_325 : vector<16xf32>
      %sub3A_327 = arith.subf %scan3A_142#8, %max3A_301 : vector<16xf32>
      %exp3A_328 = math.exp %sub3A_327 : vector<16xf32>
      %add3A_329 = arith.addf %add3A_326, %exp3A_328 : vector<16xf32>
      %sub3A_330 = arith.subf %scan3A_142#9, %max3A_301 : vector<16xf32>
      %exp3A_331 = math.exp %sub3A_330 : vector<16xf32>
      %add3A_332 = arith.addf %add3A_329, %exp3A_331 : vector<16xf32>
      %sub3A_333 = arith.subf %scan3A_142#10, %max3A_301 : vector<16xf32>
      %exp3A_334 = math.exp %sub3A_333 : vector<16xf32>
      %add3A_335 = arith.addf %add3A_332, %exp3A_334 : vector<16xf32>
      %sub3A_336 = arith.subf %scan3A_142#11, %max3A_301 : vector<16xf32>
      %exp3A_337 = math.exp %sub3A_336 : vector<16xf32>
      %add3A_338 = arith.addf %add3A_335, %exp3A_337 : vector<16xf32>
      %sub3A_339 = arith.subf %scan3A_142#12, %max3A_301 : vector<16xf32>
      %exp3A_340 = math.exp %sub3A_339 : vector<16xf32>
      %add3A_341 = arith.addf %add3A_338, %exp3A_340 : vector<16xf32>
      %sub3A_342 = arith.subf %scan3A_142#13, %max3A_301 : vector<16xf32>
      %exp3A_343 = math.exp %sub3A_342 : vector<16xf32>
      %add3A_344 = arith.addf %add3A_341, %exp3A_343 : vector<16xf32>
      %sub3A_345 = arith.subf %scan3A_142#14, %max3A_301 : vector<16xf32>
      %exp3A_346 = math.exp %sub3A_345 : vector<16xf32>
      %add3A_347 = arith.addf %add3A_344, %exp3A_346 : vector<16xf32>
      %sub3A_348 = arith.subf %scan3A_142#15, %max3A_301 : vector<16xf32>
      %exp3A_349 = math.exp %sub3A_348 : vector<16xf32>
      %add3A_350 = arith.addf %add3A_347, %exp3A_349 : vector<16xf32>
      %sub3A_351 = arith.subf %scan3A_142#16, %max3A_301 : vector<16xf32>
      %exp3A_352 = math.exp %sub3A_351 : vector<16xf32>
      %add3A_353 = arith.addf %add3A_350, %exp3A_352 : vector<16xf32>
      %sub3A_354 = arith.subf %scan3A_142#17, %max3A_301 : vector<16xf32>
      %exp3A_355 = math.exp %sub3A_354 : vector<16xf32>
      %add3A_356 = arith.addf %add3A_353, %exp3A_355 : vector<16xf32>
      %sub3A_357 = arith.subf %scan3A_142#18, %max3A_301 : vector<16xf32>
      %exp3A_358 = math.exp %sub3A_357 : vector<16xf32>
      %add3A_359 = arith.addf %add3A_356, %exp3A_358 : vector<16xf32>
      %sub3A_360 = arith.subf %scan3A_142#19, %max3A_301 : vector<16xf32>
      %exp3A_361 = math.exp %sub3A_360 : vector<16xf32>
      %add3A_362 = arith.addf %add3A_359, %exp3A_361 : vector<16xf32>
      %sub3A_363 = arith.subf %scan3A_142#20, %max3A_301 : vector<16xf32>
      %exp3A_364 = math.exp %sub3A_363 : vector<16xf32>
      %add3A_365 = arith.addf %add3A_362, %exp3A_364 : vector<16xf32>
      %sub3A_366 = arith.subf %scan3A_142#21, %max3A_301 : vector<16xf32>
      %exp3A_367 = math.exp %sub3A_366 : vector<16xf32>
      %add3A_368 = arith.addf %add3A_365, %exp3A_367 : vector<16xf32>
      %sub3A_369 = arith.subf %scan3A_142#22, %max3A_301 : vector<16xf32>
      %exp3A_370 = math.exp %sub3A_369 : vector<16xf32>
      %add3A_371 = arith.addf %add3A_368, %exp3A_370 : vector<16xf32>
      %sub3A_372 = arith.subf %scan3A_142#23, %max3A_301 : vector<16xf32>
      %exp3A_373 = math.exp %sub3A_372 : vector<16xf32>
      %add3A_374 = arith.addf %add3A_371, %exp3A_373 : vector<16xf32>
      %sub3A_375 = arith.subf %scan3A_142#24, %max3A_301 : vector<16xf32>
      %exp3A_376 = math.exp %sub3A_375 : vector<16xf32>
      %add3A_377 = arith.addf %add3A_374, %exp3A_376 : vector<16xf32>
      %sub3A_378 = arith.subf %scan3A_142#25, %max3A_301 : vector<16xf32>
      %exp3A_379 = math.exp %sub3A_378 : vector<16xf32>
      %add3A_380 = arith.addf %add3A_377, %exp3A_379 : vector<16xf32>
      %sub3A_381 = arith.subf %scan3A_142#26, %max3A_301 : vector<16xf32>
      %exp3A_382 = math.exp %sub3A_381 : vector<16xf32>
      %add3A_383 = arith.addf %add3A_380, %exp3A_382 : vector<16xf32>
      %sub3A_384 = arith.subf %scan3A_142#27, %max3A_301 : vector<16xf32>
      %exp3A_385 = math.exp %sub3A_384 : vector<16xf32>
      %add3A_386 = arith.addf %add3A_383, %exp3A_385 : vector<16xf32>
      %sub3A_387 = arith.subf %scan3A_142#28, %max3A_301 : vector<16xf32>
      %exp3A_388 = math.exp %sub3A_387 : vector<16xf32>
      %add3A_389 = arith.addf %add3A_386, %exp3A_388 : vector<16xf32>
      %sub3A_390 = arith.subf %scan3A_142#29, %max3A_301 : vector<16xf32>
      %exp3A_391 = math.exp %sub3A_390 : vector<16xf32>
      %add3A_392 = arith.addf %add3A_389, %exp3A_391 : vector<16xf32>
      %sub3A_393 = arith.subf %scan3A_142#30, %max3A_301 : vector<16xf32>
      %exp3A_394 = math.exp %sub3A_393 : vector<16xf32>
      %add3A_395 = arith.addf %add3A_392, %exp3A_394 : vector<16xf32>
      %sub3A_396 = arith.subf %scan3A_142#31, %max3A_301 : vector<16xf32>
      %exp3A_397 = math.exp %sub3A_396 : vector<16xf32>
      %add3A_398 = arith.addf %add3A_395, %exp3A_397 : vector<16xf32>
      %add3A_399 = arith.constant 1024 : i32
      %add3A_400 = arith.addi %add3A_6, %add3A_399 : i32
      %dma_start3A_401 = arith.constant 0 : i32
      %dma_start3A_402 = arith.constant 0 : i32
      %dma_start3A_403 = tpu.memref_slice %arg12[%dma_start3A_401, %dma_start3A_402] : memref<100x512xf32, #tpu.memory_space<vmem>> -> memref<100x128xf32, #tpu.memory_space<vmem>>
      %dma_start3A_404 = arith.constant 0 : i32
      %dma_start3A_405 = tpu.memref_slice %arg3[%dma_start3A_404, %add3A_400] : memref<100x100000xf32, #tpu.memory_space<hbm>> -> memref<100x128xf32, #tpu.memory_space<hbm>>
      %dma_start3A_406 = arith.constant 0 : i32
      %dma_start3A_407 = arith.constant 0 : i32
      %dma_start3A_408 = tpu.memref_slice %arg12[%dma_start3A_406, %dma_start3A_407] : memref<100x512xf32, #tpu.memory_space<vmem>> -> memref<100x128xf32, #tpu.memory_space<vmem>>
      %dma_start3A_409 = arith.constant 0 : i32
      %dma_start3A_410 = tpu.memref_slice %arg3[%dma_start3A_409, %add3A_400] : memref<100x100000xf32, #tpu.memory_space<hbm>> -> memref<100x128xf32, #tpu.memory_space<hbm>>
      tpu.enqueue_dma source(%dma_start3A_410 : memref<100x128xf32, #tpu.memory_space<hbm>>) target(%dma_start3A_408 : memref<100x128xf32, #tpu.memory_space<vmem>>) target_semaphore(%arg14 : memref<!tpu.dma_semaphore, #tpu.memory_space<semaphore_mem>>)
      %dma_wait3A_411 = arith.constant 0 : i32
      %dma_wait3A_412 = arith.constant 0 : i32
      %dma_wait3A_413 = tpu.memref_slice %arg13[%dma_wait3A_411, %dma_wait3A_412] : memref<100x512xf32, #tpu.memory_space<vmem>> -> memref<100x512xf32, #tpu.memory_space<vmem>>
      %dma_wait3A_414 = arith.constant 0 : i32
      %dma_wait3A_415 = tpu.memref_slice %arg3[%dma_wait3A_414, %add3A_23] : memref<100x100000xf32, #tpu.memory_space<hbm>> -> memref<100x512xf32, #tpu.memory_space<hbm>>
      %dma_wait3A_416 = arith.constant 0 : i32
      %dma_wait3A_417 = arith.constant 0 : i32
      %dma_wait3A_418 = tpu.memref_slice %arg13[%dma_wait3A_416, %dma_wait3A_417] : memref<100x512xf32, #tpu.memory_space<vmem>> -> memref<100x512xf32, #tpu.memory_space<vmem>>
      %dma_wait3A_419 = arith.constant 0 : i32
      %dma_wait3A_420 = tpu.memref_slice %arg3[%dma_wait3A_419, %add3A_23] : memref<100x100000xf32, #tpu.memory_space<hbm>> -> memref<100x512xf32, #tpu.memory_space<hbm>>
      tpu.wait_dma2 semaphore(%arg15 : memref<!tpu.dma_semaphore, #tpu.memory_space<semaphore_mem>>) src(%dma_wait3A_420 : memref<100x512xf32, #tpu.memory_space<hbm>>) dst(%dma_wait3A_418 : memref<100x512xf32, #tpu.memory_space<vmem>>)
      %get3A_421 = arith.constant 512 : index
      %get3A_422 = tpu.vector_load %arg9[%get3A_421] {strides = array<i32>} : memref<1152xf32, #tpu.memory_space<vmem>>, vector<16xf32>,
      %get3A_423 = vector.shape_cast %get3A_422 : vector<16xf32> to vector<16xf32>
      %get3A_424 = arith.constant 528 : index
      %get3A_425 = tpu.vector_load %arg9[%get3A_424] {strides = array<i32>} : memref<1152xf32, #tpu.memory_space<vmem>>, vector<16xf32>,
      %get3A_426 = vector.shape_cast %get3A_425 : vector<16xf32> to vector<16xf32>
      %get3A_427 = arith.constant 544 : index
      %get3A_428 = tpu.vector_load %arg9[%get3A_427] {strides = array<i32>} : memref<1152xf32, #tpu.memory_space<vmem>>, vector<16xf32>,
      %get3A_429 = vector.shape_cast %get3A_428 : vector<16xf32> to vector<16xf32>
      %get3A_430 = arith.constant 560 : index
      %get3A_431 = tpu.vector_load %arg9[%get3A_430] {strides = array<i32>} : memref<1152xf32, #tpu.memory_space<vmem>>, vector<16xf32>,
      %get3A_432 = vector.shape_cast %get3A_431 : vector<16xf32> to vector<16xf32>
      %get3A_433 = arith.constant 576 : index
      %get3A_434 = tpu.vector_load %arg9[%get3A_433] {strides = array<i32>} : memref<1152xf32, #tpu.memory_space<vmem>>, vector<16xf32>,
      %get3A_435 = vector.shape_cast %get3A_434 : vector<16xf32> to vector<16xf32>
      %get3A_436 = arith.constant 592 : index
      %get3A_437 = tpu.vector_load %arg9[%get3A_436] {strides = array<i32>} : memref<1152xf32, #tpu.memory_space<vmem>>, vector<16xf32>,
      %get3A_438 = vector.shape_cast %get3A_437 : vector<16xf32> to vector<16xf32>
      %get3A_439 = arith.constant 608 : index
      %get3A_440 = tpu.vector_load %arg9[%get3A_439] {strides = array<i32>} : memref<1152xf32, #tpu.memory_space<vmem>>, vector<16xf32>,
      %get3A_441 = vector.shape_cast %get3A_440 : vector<16xf32> to vector<16xf32>
      %get3A_442 = arith.constant 624 : index
      %get3A_443 = tpu.vector_load %arg9[%get3A_442] {strides = array<i32>} : memref<1152xf32, #tpu.memory_space<vmem>>, vector<16xf32>,
      %get3A_444 = vector.shape_cast %get3A_443 : vector<16xf32> to vector<16xf32>
      %get3A_445 = arith.constant 640 : index
      %get3A_446 = tpu.vector_load %arg9[%get3A_445] {strides = array<i32>} : memref<1152xf32, #tpu.memory_space<vmem>>, vector<16xf32>,
      %get3A_447 = vector.shape_cast %get3A_446 : vector<16xf32> to vector<16xf32>
      %get3A_448 = arith.constant 656 : index
      %get3A_449 = tpu.vector_load %arg9[%get3A_448] {strides = array<i32>} : memref<1152xf32, #tpu.memory_space<vmem>>, vector<16xf32>,
      %get3A_450 = vector.shape_cast %get3A_449 : vector<16xf32> to vector<16xf32>
      %get3A_451 = arith.constant 672 : index
      %get3A_452 = tpu.vector_load %arg9[%get3A_451] {strides = array<i32>} : memref<1152xf32, #tpu.memory_space<vmem>>, vector<16xf32>,
      %get3A_453 = vector.shape_cast %get3A_452 : vector<16xf32> to vector<16xf32>
      %get3A_454 = arith.constant 688 : index
      %get3A_455 = tpu.vector_load %arg9[%get3A_454] {strides = array<i32>} : memref<1152xf32, #tpu.memory_space<vmem>>, vector<16xf32>,
      %get3A_456 = vector.shape_cast %get3A_455 : vector<16xf32> to vector<16xf32>
      %get3A_457 = arith.constant 704 : index
      %get3A_458 = tpu.vector_load %arg9[%get3A_457] {strides = array<i32>} : memref<1152xf32, #tpu.memory_space<vmem>>, vector<16xf32>,
      %get3A_459 = vector.shape_cast %get3A_458 : vector<16xf32> to vector<16xf32>
      %get3A_460 = arith.constant 720 : index
      %get3A_461 = tpu.vector_load %arg9[%get3A_460] {strides = array<i32>} : memref<1152xf32, #tpu.memory_space<vmem>>, vector<16xf32>,
      %get3A_462 = vector.shape_cast %get3A_461 : vector<16xf32> to vector<16xf32>
      %get3A_463 = arith.constant 736 : index
      %get3A_464 = tpu.vector_load %arg9[%get3A_463] {strides = array<i32>} : memref<1152xf32, #tpu.memory_space<vmem>>, vector<16xf32>,
      %get3A_465 = vector.shape_cast %get3A_464 : vector<16xf32> to vector<16xf32>
      %get3A_466 = arith.constant 752 : index
      %get3A_467 = tpu.vector_load %arg9[%get3A_466] {strides = array<i32>} : memref<1152xf32, #tpu.memory_space<vmem>>, vector<16xf32>,
      %get3A_468 = vector.shape_cast %get3A_467 : vector<16xf32> to vector<16xf32>
      %get3A_469 = arith.constant 768 : index
      %get3A_470 = tpu.vector_load %arg9[%get3A_469] {strides = array<i32>} : memref<1152xf32, #tpu.memory_space<vmem>>, vector<16xf32>,
      %get3A_471 = vector.shape_cast %get3A_470 : vector<16xf32> to vector<16xf32>
      %get3A_472 = arith.constant 784 : index
      %get3A_473 = tpu.vector_load %arg9[%get3A_472] {strides = array<i32>} : memref<1152xf32, #tpu.memory_space<vmem>>, vector<16xf32>,
      %get3A_474 = vector.shape_cast %get3A_473 : vector<16xf32> to vector<16xf32>
      %get3A_475 = arith.constant 800 : index
      %get3A_476 = tpu.vector_load %arg9[%get3A_475] {strides = array<i32>} : memref<1152xf32, #tpu.memory_space<vmem>>, vector<16xf32>,
      %get3A_477 = vector.shape_cast %get3A_476 : vector<16xf32> to vector<16xf32>
      %get3A_478 = arith.constant 816 : index
      %get3A_479 = tpu.vector_load %arg9[%get3A_478] {strides = array<i32>} : memref<1152xf32, #tpu.memory_space<vmem>>, vector<16xf32>,
      %get3A_480 = vector.shape_cast %get3A_479 : vector<16xf32> to vector<16xf32>
      %get3A_481 = arith.constant 832 : index
      %get3A_482 = tpu.vector_load %arg9[%get3A_481] {strides = array<i32>} : memref<1152xf32, #tpu.memory_space<vmem>>, vector<16xf32>,
      %get3A_483 = vector.shape_cast %get3A_482 : vector<16xf32> to vector<16xf32>
      %get3A_484 = arith.constant 848 : index
      %get3A_485 = tpu.vector_load %arg9[%get3A_484] {strides = array<i32>} : memref<1152xf32, #tpu.memory_space<vmem>>, vector<16xf32>,
      %get3A_486 = vector.shape_cast %get3A_485 : vector<16xf32> to vector<16xf32>
      %get3A_487 = arith.constant 864 : index
      %get3A_488 = tpu.vector_load %arg9[%get3A_487] {strides = array<i32>} : memref<1152xf32, #tpu.memory_space<vmem>>, vector<16xf32>,
      %get3A_489 = vector.shape_cast %get3A_488 : vector<16xf32> to vector<16xf32>
      %get3A_490 = arith.constant 880 : index
      %get3A_491 = tpu.vector_load %arg9[%get3A_490] {strides = array<i32>} : memref<1152xf32, #tpu.memory_space<vmem>>, vector<16xf32>,
      %get3A_492 = vector.shape_cast %get3A_491 : vector<16xf32> to vector<16xf32>
      %get3A_493 = arith.constant 896 : index
      %get3A_494 = tpu.vector_load %arg9[%get3A_493] {strides = array<i32>} : memref<1152xf32, #tpu.memory_space<vmem>>, vector<16xf32>,
      %get3A_495 = vector.shape_cast %get3A_494 : vector<16xf32> to vector<16xf32>
      %get3A_496 = arith.constant 912 : index
      %get3A_497 = tpu.vector_load %arg9[%get3A_496] {strides = array<i32>} : memref<1152xf32, #tpu.memory_space<vmem>>, vector<16xf32>,
      %get3A_498 = vector.shape_cast %get3A_497 : vector<16xf32> to vector<16xf32>
      %get3A_499 = arith.constant 928 : index
      %get3A_500 = tpu.vector_load %arg9[%get3A_499] {strides = array<i32>} : memref<1152xf32, #tpu.memory_space<vmem>>, vector<16xf32>,
      %get3A_501 = vector.shape_cast %get3A_500 : vector<16xf32> to vector<16xf32>
      %get3A_502 = arith.constant 944 : index
      %get3A_503 = tpu.vector_load %arg9[%get3A_502] {strides = array<i32>} : memref<1152xf32, #tpu.memory_space<vmem>>, vector<16xf32>,
      %get3A_504 = vector.shape_cast %get3A_503 : vector<16xf32> to vector<16xf32>
      %get3A_505 = arith.constant 960 : index
      %get3A_506 = tpu.vector_load %arg9[%get3A_505] {strides = array<i32>} : memref<1152xf32, #tpu.memory_space<vmem>>, vector<16xf32>,
      %get3A_507 = vector.shape_cast %get3A_506 : vector<16xf32> to vector<16xf32>
      %get3A_508 = arith.constant 976 : index
      %get3A_509 = tpu.vector_load %arg9[%get3A_508] {strides = array<i32>} : memref<1152xf32, #tpu.memory_space<vmem>>, vector<16xf32>,
      %get3A_510 = vector.shape_cast %get3A_509 : vector<16xf32> to vector<16xf32>
      %get3A_511 = arith.constant 992 : index
      %get3A_512 = tpu.vector_load %arg9[%get3A_511] {strides = array<i32>} : memref<1152xf32, #tpu.memory_space<vmem>>, vector<16xf32>,
      %get3A_513 = vector.shape_cast %get3A_512 : vector<16xf32> to vector<16xf32>
      %get3A_514 = arith.constant 1008 : index
      %get3A_515 = tpu.vector_load %arg9[%get3A_514] {strides = array<i32>} : memref<1152xf32, #tpu.memory_space<vmem>>, vector<16xf32>,
      %get3A_516 = vector.shape_cast %get3A_515 : vector<16xf32> to vector<16xf32>
      %scan3A_517 = arith.constant 0 : i32
      %scan3A_518 = arith.constant 25 : i32
      %scan3A_519 = arith.addi %scan3A_517, %scan3A_518 : i32
      %scan3A_520 = arith.constant 1 : i32
      %scan3A_521:32 = scf.for %scan3A_901 = %scan3A_517 to %scan3A_519 step %scan3A_520 iter_args(%scan3A_902 = %get3A_423, %scan3A_903 = %get3A_426, %scan3A_904 = %get3A_429, %scan3A_905 = %get3A_432, %scan3A_906 = %get3A_435, %scan3A_907 = %get3A_438, %scan3A_908 = %get3A_441, %scan3A_909 = %get3A_444, %scan3A_910 = %get3A_447, %scan3A_911 = %get3A_450, %scan3A_912 = %get3A_453, %scan3A_913 = %get3A_456, %scan3A_914 = %get3A_459, %scan3A_915 = %get3A_462, %scan3A_916 = %get3A_465, %scan3A_917 = %get3A_468, %scan3A_918 = %get3A_471, %scan3A_919 = %get3A_474, %scan3A_920 = %get3A_477, %scan3A_921 = %get3A_480, %scan3A_922 = %get3A_483, %scan3A_923 = %get3A_486, %scan3A_924 = %get3A_489, %scan3A_925 = %get3A_492, %scan3A_926 = %get3A_495, %scan3A_927 = %get3A_498, %scan3A_928 = %get3A_501, %scan3A_929 = %get3A_504, %scan3A_930 = %get3A_507, %scan3A_931 = %get3A_510, %scan3A_932 = %get3A_513, %scan3A_933 = %get3A_516) -> (vector<16xf32>, vector<16xf32>, vector<16xf32>, vector<16xf32>, vector<16xf32>, vector<16xf32>, vector<16xf32>, vector<16xf32>, vector<16xf32>, vector<16xf32>, vector<16xf32>, vector<16xf32>, vector<16xf32>, vector<16xf32>, vector<16xf32>, vector<16xf32>, vector<16xf32>, vector<16xf32>, vector<16xf32>, vector<16xf32>, vector<16xf32>, vector<16xf32>, vector<16xf32>, vector<16xf32>, vector<16xf32>, vector<16xf32>, vector<16xf32>, vector<16xf32>, vector<16xf32>, vector<16xf32>, vector<16xf32>, vector<16xf32>)  : i32 {
        %mul3A_934 = arith.constant 4 : i32
        %mul3A_935 = arith.muli %scan3A_901, %mul3A_934 : i32
        %add3A_936 = arith.constant 0 : i32
        %add3A_937 = arith.addi %mul3A_935, %add3A_936 : i32
        %mul3A_938 = arith.constant 16 : i32
        %mul3A_939 = arith.muli %add3A_937, %mul3A_938 : i32
        %get3A_940 = arith.index_cast %mul3A_939 : i32 to index
        %get3A_941 = tpu.vector_load %arg8[%get3A_940] {strides = array<i32>} : memref<1600xf32, #tpu.memory_space<vmem>>, vector<16xf32>,
        %get3A_942 = vector.shape_cast %get3A_941 : vector<16xf32> to vector<16xf32>
        %get3A_943 = arith.index_cast %add3A_937 : i32 to index
        %get3A_944 = arith.constant 0 : index
        %get3A_945 = tpu.vector_load %arg13[%get3A_943, %get3A_944] {strides = array<i32>} : memref<100x512xf32, #tpu.memory_space<vmem>>, vector<1x16xf32>,
        %get3A_946 = vector.shape_cast %get3A_945 : vector<1x16xf32> to vector<16xf32>
        %mul3A_947 = arith.mulf %get3A_942, %get3A_946 : vector<16xf32>
        %add3A_948 = arith.addf %scan3A_902, %mul3A_947 : vector<16xf32>
        %get3A_949 = arith.index_cast %add3A_937 : i32 to index
        %get3A_950 = arith.constant 16 : index
        %get3A_951 = tpu.vector_load %arg13[%get3A_949, %get3A_950] {strides = array<i32>} : memref<100x512xf32, #tpu.memory_space<vmem>>, vector<1x16xf32>,
        %get3A_952 = vector.shape_cast %get3A_951 : vector<1x16xf32> to vector<16xf32>
        %mul3A_953 = arith.mulf %get3A_942, %get3A_952 : vector<16xf32>
        %add3A_954 = arith.addf %scan3A_903, %mul3A_953 : vector<16xf32>
        %get3A_955 = arith.index_cast %add3A_937 : i32 to index
        %get3A_956 = arith.constant 32 : index
        %get3A_957 = tpu.vector_load %arg13[%get3A_955, %get3A_956] {strides = array<i32>} : memref<100x512xf32, #tpu.memory_space<vmem>>, vector<1x16xf32>,
        %get3A_958 = vector.shape_cast %get3A_957 : vector<1x16xf32> to vector<16xf32>
        %mul3A_959 = arith.mulf %get3A_942, %get3A_958 : vector<16xf32>
        %add3A_960 = arith.addf %scan3A_904, %mul3A_959 : vector<16xf32>
        %get3A_961 = arith.index_cast %add3A_937 : i32 to index
        %get3A_962 = arith.constant 48 : index
        %get3A_963 = tpu.vector_load %arg13[%get3A_961, %get3A_962] {strides = array<i32>} : memref<100x512xf32, #tpu.memory_space<vmem>>, vector<1x16xf32>,
        %get3A_964 = vector.shape_cast %get3A_963 : vector<1x16xf32> to vector<16xf32>
        %mul3A_965 = arith.mulf %get3A_942, %get3A_964 : vector<16xf32>
        %add3A_966 = arith.addf %scan3A_905, %mul3A_965 : vector<16xf32>
        %get3A_967 = arith.index_cast %add3A_937 : i32 to index
        %get3A_968 = arith.constant 64 : index
        %get3A_969 = tpu.vector_load %arg13[%get3A_967, %get3A_968] {strides = array<i32>} : memref<100x512xf32, #tpu.memory_space<vmem>>, vector<1x16xf32>,
        %get3A_970 = vector.shape_cast %get3A_969 : vector<1x16xf32> to vector<16xf32>
        %mul3A_971 = arith.mulf %get3A_942, %get3A_970 : vector<16xf32>
        %add3A_972 = arith.addf %scan3A_906, %mul3A_971 : vector<16xf32>
        %get3A_973 = arith.index_cast %add3A_937 : i32 to index
        %get3A_974 = arith.constant 80 : index
        %get3A_975 = tpu.vector_load %arg13[%get3A_973, %get3A_974] {strides = array<i32>} : memref<100x512xf32, #tpu.memory_space<vmem>>, vector<1x16xf32>,
        %get3A_976 = vector.shape_cast %get3A_975 : vector<1x16xf32> to vector<16xf32>
        %mul3A_977 = arith.mulf %get3A_942, %get3A_976 : vector<16xf32>
        %add3A_978 = arith.addf %scan3A_907, %mul3A_977 : vector<16xf32>
        %get3A_979 = arith.index_cast %add3A_937 : i32 to index
        %get3A_980 = arith.constant 96 : index
        %get3A_981 = tpu.vector_load %arg13[%get3A_979, %get3A_980] {strides = array<i32>} : memref<100x512xf32, #tpu.memory_space<vmem>>, vector<1x16xf32>,
        %get3A_982 = vector.shape_cast %get3A_981 : vector<1x16xf32> to vector<16xf32>
        %mul3A_983 = arith.mulf %get3A_942, %get3A_982 : vector<16xf32>
        %add3A_984 = arith.addf %scan3A_908, %mul3A_983 : vector<16xf32>
        %get3A_985 = arith.index_cast %add3A_937 : i32 to index
        %get3A_986 = arith.constant 112 : index
        %get3A_987 = tpu.vector_load %arg13[%get3A_985, %get3A_986] {strides = array<i32>} : memref<100x512xf32, #tpu.memory_space<vmem>>, vector<1x16xf32>,
        %get3A_988 = vector.shape_cast %get3A_987 : vector<1x16xf32> to vector<16xf32>
        %mul3A_989 = arith.mulf %get3A_942, %get3A_988 : vector<16xf32>
        %add3A_990 = arith.addf %scan3A_909, %mul3A_989 : vector<16xf32>
        %get3A_991 = arith.index_cast %add3A_937 : i32 to index
        %get3A_992 = arith.constant 128 : index
        %get3A_993 = tpu.vector_load %arg13[%get3A_991, %get3A_992] {strides = array<i32>} : memref<100x512xf32, #tpu.memory_space<vmem>>, vector<1x16xf32>,
        %get3A_994 = vector.shape_cast %get3A_993 : vector<1x16xf32> to vector<16xf32>
        %mul3A_995 = arith.mulf %get3A_942, %get3A_994 : vector<16xf32>
        %add3A_996 = arith.addf %scan3A_910, %mul3A_995 : vector<16xf32>
        %get3A_997 = arith.index_cast %add3A_937 : i32 to index
        %get3A_998 = arith.constant 144 : index
        %get3A_999 = tpu.vector_load %arg13[%get3A_997, %get3A_998] {strides = array<i32>} : memref<100x512xf32, #tpu.memory_space<vmem>>, vector<1x16xf32>,
        %get3A_1000 = vector.shape_cast %get3A_999 : vector<1x16xf32> to vector<16xf32>
        %mul3A_1001 = arith.mulf %get3A_942, %get3A_1000 : vector<16xf32>
        %add3A_1002 = arith.addf %scan3A_911, %mul3A_1001 : vector<16xf32>
        %get3A_1003 = arith.index_cast %add3A_937 : i32 to index
        %get3A_1004 = arith.constant 160 : index
        %get3A_1005 = tpu.vector_load %arg13[%get3A_1003, %get3A_1004] {strides = array<i32>} : memref<100x512xf32, #tpu.memory_space<vmem>>, vector<1x16xf32>,
        %get3A_1006 = vector.shape_cast %get3A_1005 : vector<1x16xf32> to vector<16xf32>
        %mul3A_1007 = arith.mulf %get3A_942, %get3A_1006 : vector<16xf32>
        %add3A_1008 = arith.addf %scan3A_912, %mul3A_1007 : vector<16xf32>
        %get3A_1009 = arith.index_cast %add3A_937 : i32 to index
        %get3A_1010 = arith.constant 176 : index
        %get3A_1011 = tpu.vector_load %arg13[%get3A_1009, %get3A_1010] {strides = array<i32>} : memref<100x512xf32, #tpu.memory_space<vmem>>, vector<1x16xf32>,
        %get3A_1012 = vector.shape_cast %get3A_1011 : vector<1x16xf32> to vector<16xf32>
        %mul3A_1013 = arith.mulf %get3A_942, %get3A_1012 : vector<16xf32>
        %add3A_1014 = arith.addf %scan3A_913, %mul3A_1013 : vector<16xf32>
        %get3A_1015 = arith.index_cast %add3A_937 : i32 to index
        %get3A_1016 = arith.constant 192 : index
        %get3A_1017 = tpu.vector_load %arg13[%get3A_1015, %get3A_1016] {strides = array<i32>} : memref<100x512xf32, #tpu.memory_space<vmem>>, vector<1x16xf32>,
        %get3A_1018 = vector.shape_cast %get3A_1017 : vector<1x16xf32> to vector<16xf32>
        %mul3A_1019 = arith.mulf %get3A_942, %get3A_1018 : vector<16xf32>
        %add3A_1020 = arith.addf %scan3A_914, %mul3A_1019 : vector<16xf32>
        %get3A_1021 = arith.index_cast %add3A_937 : i32 to index
        %get3A_1022 = arith.constant 208 : index
        %get3A_1023 = tpu.vector_load %arg13[%get3A_1021, %get3A_1022] {strides = array<i32>} : memref<100x512xf32, #tpu.memory_space<vmem>>, vector<1x16xf32>,
        %get3A_1024 = vector.shape_cast %get3A_1023 : vector<1x16xf32> to vector<16xf32>
        %mul3A_1025 = arith.mulf %get3A_942, %get3A_1024 : vector<16xf32>
        %add3A_1026 = arith.addf %scan3A_915, %mul3A_1025 : vector<16xf32>
        %get3A_1027 = arith.index_cast %add3A_937 : i32 to index
        %get3A_1028 = arith.constant 224 : index
        %get3A_1029 = tpu.vector_load %arg13[%get3A_1027, %get3A_1028] {strides = array<i32>} : memref<100x512xf32, #tpu.memory_space<vmem>>, vector<1x16xf32>,
        %get3A_1030 = vector.shape_cast %get3A_1029 : vector<1x16xf32> to vector<16xf32>
        %mul3A_1031 = arith.mulf %get3A_942, %get3A_1030 : vector<16xf32>
        %add3A_1032 = arith.addf %scan3A_916, %mul3A_1031 : vector<16xf32>
        %get3A_1033 = arith.index_cast %add3A_937 : i32 to index
        %get3A_1034 = arith.constant 240 : index
        %get3A_1035 = tpu.vector_load %arg13[%get3A_1033, %get3A_1034] {strides = array<i32>} : memref<100x512xf32, #tpu.memory_space<vmem>>, vector<1x16xf32>,
        %get3A_1036 = vector.shape_cast %get3A_1035 : vector<1x16xf32> to vector<16xf32>
        %mul3A_1037 = arith.mulf %get3A_942, %get3A_1036 : vector<16xf32>
        %add3A_1038 = arith.addf %scan3A_917, %mul3A_1037 : vector<16xf32>
        %get3A_1039 = arith.index_cast %add3A_937 : i32 to index
        %get3A_1040 = arith.constant 256 : index
        %get3A_1041 = tpu.vector_load %arg13[%get3A_1039, %get3A_1040] {strides = array<i32>} : memref<100x512xf32, #tpu.memory_space<vmem>>, vector<1x16xf32>,
        %get3A_1042 = vector.shape_cast %get3A_1041 : vector<1x16xf32> to vector<16xf32>
        %mul3A_1043 = arith.mulf %get3A_942, %get3A_1042 : vector<16xf32>
        %add3A_1044 = arith.addf %scan3A_918, %mul3A_1043 : vector<16xf32>
        %get3A_1045 = arith.index_cast %add3A_937 : i32 to index
        %get3A_1046 = arith.constant 272 : index
        %get3A_1047 = tpu.vector_load %arg13[%get3A_1045, %get3A_1046] {strides = array<i32>} : memref<100x512xf32, #tpu.memory_space<vmem>>, vector<1x16xf32>,
        %get3A_1048 = vector.shape_cast %get3A_1047 : vector<1x16xf32> to vector<16xf32>
        %mul3A_1049 = arith.mulf %get3A_942, %get3A_1048 : vector<16xf32>
        %add3A_1050 = arith.addf %scan3A_919, %mul3A_1049 : vector<16xf32>
        %get3A_1051 = arith.index_cast %add3A_937 : i32 to index
        %get3A_1052 = arith.constant 288 : index
        %get3A_1053 = tpu.vector_load %arg13[%get3A_1051, %get3A_1052] {strides = array<i32>} : memref<100x512xf32, #tpu.memory_space<vmem>>, vector<1x16xf32>,
        %get3A_1054 = vector.shape_cast %get3A_1053 : vector<1x16xf32> to vector<16xf32>
        %mul3A_1055 = arith.mulf %get3A_942, %get3A_1054 : vector<16xf32>
        %add3A_1056 = arith.addf %scan3A_920, %mul3A_1055 : vector<16xf32>
        %get3A_1057 = arith.index_cast %add3A_937 : i32 to index
        %get3A_1058 = arith.constant 304 : index
        %get3A_1059 = tpu.vector_load %arg13[%get3A_1057, %get3A_1058] {strides = array<i32>} : memref<100x512xf32, #tpu.memory_space<vmem>>, vector<1x16xf32>,
        %get3A_1060 = vector.shape_cast %get3A_1059 : vector<1x16xf32> to vector<16xf32>
        %mul3A_1061 = arith.mulf %get3A_942, %get3A_1060 : vector<16xf32>
        %add3A_1062 = arith.addf %scan3A_921, %mul3A_1061 : vector<16xf32>
        %get3A_1063 = arith.index_cast %add3A_937 : i32 to index
        %get3A_1064 = arith.constant 320 : index
        %get3A_1065 = tpu.vector_load %arg13[%get3A_1063, %get3A_1064] {strides = array<i32>} : memref<100x512xf32, #tpu.memory_space<vmem>>, vector<1x16xf32>,
        %get3A_1066 = vector.shape_cast %get3A_1065 : vector<1x16xf32> to vector<16xf32>
        %mul3A_1067 = arith.mulf %get3A_942, %get3A_1066 : vector<16xf32>
        %add3A_1068 = arith.addf %scan3A_922, %mul3A_1067 : vector<16xf32>
        %get3A_1069 = arith.index_cast %add3A_937 : i32 to index
        %get3A_1070 = arith.constant 336 : index
        %get3A_1071 = tpu.vector_load %arg13[%get3A_1069, %get3A_1070] {strides = array<i32>} : memref<100x512xf32, #tpu.memory_space<vmem>>, vector<1x16xf32>,
        %get3A_1072 = vector.shape_cast %get3A_1071 : vector<1x16xf32> to vector<16xf32>
        %mul3A_1073 = arith.mulf %get3A_942, %get3A_1072 : vector<16xf32>
        %add3A_1074 = arith.addf %scan3A_923, %mul3A_1073 : vector<16xf32>
        %get3A_1075 = arith.index_cast %add3A_937 : i32 to index
        %get3A_1076 = arith.constant 352 : index
        %get3A_1077 = tpu.vector_load %arg13[%get3A_1075, %get3A_1076] {strides = array<i32>} : memref<100x512xf32, #tpu.memory_space<vmem>>, vector<1x16xf32>,
        %get3A_1078 = vector.shape_cast %get3A_1077 : vector<1x16xf32> to vector<16xf32>
        %mul3A_1079 = arith.mulf %get3A_942, %get3A_1078 : vector<16xf32>
        %add3A_1080 = arith.addf %scan3A_924, %mul3A_1079 : vector<16xf32>
        %get3A_1081 = arith.index_cast %add3A_937 : i32 to index
        %get3A_1082 = arith.constant 368 : index
        %get3A_1083 = tpu.vector_load %arg13[%get3A_1081, %get3A_1082] {strides = array<i32>} : memref<100x512xf32, #tpu.memory_space<vmem>>, vector<1x16xf32>,
        %get3A_1084 = vector.shape_cast %get3A_1083 : vector<1x16xf32> to vector<16xf32>
        %mul3A_1085 = arith.mulf %get3A_942, %get3A_1084 : vector<16xf32>
        %add3A_1086 = arith.addf %scan3A_925, %mul3A_1085 : vector<16xf32>
        %get3A_1087 = arith.index_cast %add3A_937 : i32 to index
        %get3A_1088 = arith.constant 384 : index
        %get3A_1089 = tpu.vector_load %arg13[%get3A_1087, %get3A_1088] {strides = array<i32>} : memref<100x512xf32, #tpu.memory_space<vmem>>, vector<1x16xf32>,
        %get3A_1090 = vector.shape_cast %get3A_1089 : vector<1x16xf32> to vector<16xf32>
        %mul3A_1091 = arith.mulf %get3A_942, %get3A_1090 : vector<16xf32>
        %add3A_1092 = arith.addf %scan3A_926, %mul3A_1091 : vector<16xf32>
        %get3A_1093 = arith.index_cast %add3A_937 : i32 to index
        %get3A_1094 = arith.constant 400 : index
        %get3A_1095 = tpu.vector_load %arg13[%get3A_1093, %get3A_1094] {strides = array<i32>} : memref<100x512xf32, #tpu.memory_space<vmem>>, vector<1x16xf32>,
        %get3A_1096 = vector.shape_cast %get3A_1095 : vector<1x16xf32> to vector<16xf32>
        %mul3A_1097 = arith.mulf %get3A_942, %get3A_1096 : vector<16xf32>
        %add3A_1098 = arith.addf %scan3A_927, %mul3A_1097 : vector<16xf32>
        %get3A_1099 = arith.index_cast %add3A_937 : i32 to index
        %get3A_1100 = arith.constant 416 : index
        %get3A_1101 = tpu.vector_load %arg13[%get3A_1099, %get3A_1100] {strides = array<i32>} : memref<100x512xf32, #tpu.memory_space<vmem>>, vector<1x16xf32>,
        %get3A_1102 = vector.shape_cast %get3A_1101 : vector<1x16xf32> to vector<16xf32>
        %mul3A_1103 = arith.mulf %get3A_942, %get3A_1102 : vector<16xf32>
        %add3A_1104 = arith.addf %scan3A_928, %mul3A_1103 : vector<16xf32>
        %get3A_1105 = arith.index_cast %add3A_937 : i32 to index
        %get3A_1106 = arith.constant 432 : index
        %get3A_1107 = tpu.vector_load %arg13[%get3A_1105, %get3A_1106] {strides = array<i32>} : memref<100x512xf32, #tpu.memory_space<vmem>>, vector<1x16xf32>,
        %get3A_1108 = vector.shape_cast %get3A_1107 : vector<1x16xf32> to vector<16xf32>
        %mul3A_1109 = arith.mulf %get3A_942, %get3A_1108 : vector<16xf32>
        %add3A_1110 = arith.addf %scan3A_929, %mul3A_1109 : vector<16xf32>
        %get3A_1111 = arith.index_cast %add3A_937 : i32 to index
        %get3A_1112 = arith.constant 448 : index
        %get3A_1113 = tpu.vector_load %arg13[%get3A_1111, %get3A_1112] {strides = array<i32>} : memref<100x512xf32, #tpu.memory_space<vmem>>, vector<1x16xf32>,
        %get3A_1114 = vector.shape_cast %get3A_1113 : vector<1x16xf32> to vector<16xf32>
        %mul3A_1115 = arith.mulf %get3A_942, %get3A_1114 : vector<16xf32>
        %add3A_1116 = arith.addf %scan3A_930, %mul3A_1115 : vector<16xf32>
        %get3A_1117 = arith.index_cast %add3A_937 : i32 to index
        %get3A_1118 = arith.constant 464 : index
        %get3A_1119 = tpu.vector_load %arg13[%get3A_1117, %get3A_1118] {strides = array<i32>} : memref<100x512xf32, #tpu.memory_space<vmem>>, vector<1x16xf32>,
        %get3A_1120 = vector.shape_cast %get3A_1119 : vector<1x16xf32> to vector<16xf32>
        %mul3A_1121 = arith.mulf %get3A_942, %get3A_1120 : vector<16xf32>
        %add3A_1122 = arith.addf %scan3A_931, %mul3A_1121 : vector<16xf32>
        %get3A_1123 = arith.index_cast %add3A_937 : i32 to index
        %get3A_1124 = arith.constant 480 : index
        %get3A_1125 = tpu.vector_load %arg13[%get3A_1123, %get3A_1124] {strides = array<i32>} : memref<100x512xf32, #tpu.memory_space<vmem>>, vector<1x16xf32>,
        %get3A_1126 = vector.shape_cast %get3A_1125 : vector<1x16xf32> to vector<16xf32>
        %mul3A_1127 = arith.mulf %get3A_942, %get3A_1126 : vector<16xf32>
        %add3A_1128 = arith.addf %scan3A_932, %mul3A_1127 : vector<16xf32>
        %get3A_1129 = arith.index_cast %add3A_937 : i32 to index
        %get3A_1130 = arith.constant 496 : index
        %get3A_1131 = tpu.vector_load %arg13[%get3A_1129, %get3A_1130] {strides = array<i32>} : memref<100x512xf32, #tpu.memory_space<vmem>>, vector<1x16xf32>,
        %get3A_1132 = vector.shape_cast %get3A_1131 : vector<1x16xf32> to vector<16xf32>
        %mul3A_1133 = arith.mulf %get3A_942, %get3A_1132 : vector<16xf32>
        %add3A_1134 = arith.addf %scan3A_933, %mul3A_1133 : vector<16xf32>
        %mul3A_1135 = arith.constant 4 : i32
        %mul3A_1136 = arith.muli %scan3A_901, %mul3A_1135 : i32
        %add3A_1137 = arith.constant 1 : i32
        %add3A_1138 = arith.addi %mul3A_1136, %add3A_1137 : i32
        %mul3A_1139 = arith.constant 16 : i32
        %mul3A_1140 = arith.muli %add3A_1138, %mul3A_1139 : i32
        %get3A_1141 = arith.index_cast %mul3A_1140 : i32 to index
        %get3A_1142 = tpu.vector_load %arg8[%get3A_1141] {strides = array<i32>} : memref<1600xf32, #tpu.memory_space<vmem>>, vector<16xf32>,
        %get3A_1143 = vector.shape_cast %get3A_1142 : vector<16xf32> to vector<16xf32>
        %get3A_1144 = arith.index_cast %add3A_1138 : i32 to index
        %get3A_1145 = arith.constant 0 : index
        %get3A_1146 = tpu.vector_load %arg13[%get3A_1144, %get3A_1145] {strides = array<i32>} : memref<100x512xf32, #tpu.memory_space<vmem>>, vector<1x16xf32>,
        %get3A_1147 = vector.shape_cast %get3A_1146 : vector<1x16xf32> to vector<16xf32>
        %mul3A_1148 = arith.mulf %get3A_1143, %get3A_1147 : vector<16xf32>
        %add3A_1149 = arith.addf %add3A_948, %mul3A_1148 : vector<16xf32>
        %get3A_1150 = arith.index_cast %add3A_1138 : i32 to index
        %get3A_1151 = arith.constant 16 : index
        %get3A_1152 = tpu.vector_load %arg13[%get3A_1150, %get3A_1151] {strides = array<i32>} : memref<100x512xf32, #tpu.memory_space<vmem>>, vector<1x16xf32>,
        %get3A_1153 = vector.shape_cast %get3A_1152 : vector<1x16xf32> to vector<16xf32>
        %mul3A_1154 = arith.mulf %get3A_1143, %get3A_1153 : vector<16xf32>
        %add3A_1155 = arith.addf %add3A_954, %mul3A_1154 : vector<16xf32>
        %get3A_1156 = arith.index_cast %add3A_1138 : i32 to index
        %get3A_1157 = arith.constant 32 : index
        %get3A_1158 = tpu.vector_load %arg13[%get3A_1156, %get3A_1157] {strides = array<i32>} : memref<100x512xf32, #tpu.memory_space<vmem>>, vector<1x16xf32>,
        %get3A_1159 = vector.shape_cast %get3A_1158 : vector<1x16xf32> to vector<16xf32>
        %mul3A_1160 = arith.mulf %get3A_1143, %get3A_1159 : vector<16xf32>
        %add3A_1161 = arith.addf %add3A_960, %mul3A_1160 : vector<16xf32>
        %get3A_1162 = arith.index_cast %add3A_1138 : i32 to index
        %get3A_1163 = arith.constant 48 : index
        %get3A_1164 = tpu.vector_load %arg13[%get3A_1162, %get3A_1163] {strides = array<i32>} : memref<100x512xf32, #tpu.memory_space<vmem>>, vector<1x16xf32>,
        %get3A_1165 = vector.shape_cast %get3A_1164 : vector<1x16xf32> to vector<16xf32>
        %mul3A_1166 = arith.mulf %get3A_1143, %get3A_1165 : vector<16xf32>
        %add3A_1167 = arith.addf %add3A_966, %mul3A_1166 : vector<16xf32>
        %get3A_1168 = arith.index_cast %add3A_1138 : i32 to index
        %get3A_1169 = arith.constant 64 : index
        %get3A_1170 = tpu.vector_load %arg13[%get3A_1168, %get3A_1169] {strides = array<i32>} : memref<100x512xf32, #tpu.memory_space<vmem>>, vector<1x16xf32>,
        %get3A_1171 = vector.shape_cast %get3A_1170 : vector<1x16xf32> to vector<16xf32>
        %mul3A_1172 = arith.mulf %get3A_1143, %get3A_1171 : vector<16xf32>
        %add3A_1173 = arith.addf %add3A_972, %mul3A_1172 : vector<16xf32>
        %get3A_1174 = arith.index_cast %add3A_1138 : i32 to index
        %get3A_1175 = arith.constant 80 : index
        %get3A_1176 = tpu.vector_load %arg13[%get3A_1174, %get3A_1175] {strides = array<i32>} : memref<100x512xf32, #tpu.memory_space<vmem>>, vector<1x16xf32>,
        %get3A_1177 = vector.shape_cast %get3A_1176 : vector<1x16xf32> to vector<16xf32>
        %mul3A_1178 = arith.mulf %get3A_1143, %get3A_1177 : vector<16xf32>
        %add3A_1179 = arith.addf %add3A_978, %mul3A_1178 : vector<16xf32>
        %get3A_1180 = arith.index_cast %add3A_1138 : i32 to index
        %get3A_1181 = arith.constant 96 : index
        %get3A_1182 = tpu.vector_load %arg13[%get3A_1180, %get3A_1181] {strides = array<i32>} : memref<100x512xf32, #tpu.memory_space<vmem>>, vector<1x16xf32>,
        %get3A_1183 = vector.shape_cast %get3A_1182 : vector<1x16xf32> to vector<16xf32>
        %mul3A_1184 = arith.mulf %get3A_1143, %get3A_1183 : vector<16xf32>
        %add3A_1185 = arith.addf %add3A_984, %mul3A_1184 : vector<16xf32>
        %get3A_1186 = arith.index_cast %add3A_1138 : i32 to index
        %get3A_1187 = arith.constant 112 : index
        %get3A_1188 = tpu.vector_load %arg13[%get3A_1186, %get3A_1187] {strides = array<i32>} : memref<100x512xf32, #tpu.memory_space<vmem>>, vector<1x16xf32>,
        %get3A_1189 = vector.shape_cast %get3A_1188 : vector<1x16xf32> to vector<16xf32>
        %mul3A_1190 = arith.mulf %get3A_1143, %get3A_1189 : vector<16xf32>
        %add3A_1191 = arith.addf %add3A_990, %mul3A_1190 : vector<16xf32>
        %get3A_1192 = arith.index_cast %add3A_1138 : i32 to index
        %get3A_1193 = arith.constant 128 : index
        %get3A_1194 = tpu.vector_load %arg13[%get3A_1192, %get3A_1193] {strides = array<i32>} : memref<100x512xf32, #tpu.memory_space<vmem>>, vector<1x16xf32>,
        %get3A_1195 = vector.shape_cast %get3A_1194 : vector<1x16xf32> to vector<16xf32>
        %mul3A_1196 = arith.mulf %get3A_1143, %get3A_1195 : vector<16xf32>
        %add3A_1197 = arith.addf %add3A_996, %mul3A_1196 : vector<16xf32>
        %get3A_1198 = arith.index_cast %add3A_1138 : i32 to index
        %get3A_1199 = arith.constant 144 : index
        %get3A_1200 = tpu.vector_load %arg13[%get3A_1198, %get3A_1199] {strides = array<i32>} : memref<100x512xf32, #tpu.memory_space<vmem>>, vector<1x16xf32>,
        %get3A_1201 = vector.shape_cast %get3A_1200 : vector<1x16xf32> to vector<16xf32>
        %mul3A_1202 = arith.mulf %get3A_1143, %get3A_1201 : vector<16xf32>
        %add3A_1203 = arith.addf %add3A_1002, %mul3A_1202 : vector<16xf32>
        %get3A_1204 = arith.index_cast %add3A_1138 : i32 to index
        %get3A_1205 = arith.constant 160 : index
        %get3A_1206 = tpu.vector_load %arg13[%get3A_1204, %get3A_1205] {strides = array<i32>} : memref<100x512xf32, #tpu.memory_space<vmem>>, vector<1x16xf32>,
        %get3A_1207 = vector.shape_cast %get3A_1206 : vector<1x16xf32> to vector<16xf32>
        %mul3A_1208 = arith.mulf %get3A_1143, %get3A_1207 : vector<16xf32>
        %add3A_1209 = arith.addf %add3A_1008, %mul3A_1208 : vector<16xf32>
        %get3A_1210 = arith.index_cast %add3A_1138 : i32 to index
        %get3A_1211 = arith.constant 176 : index
        %get3A_1212 = tpu.vector_load %arg13[%get3A_1210, %get3A_1211] {strides = array<i32>} : memref<100x512xf32, #tpu.memory_space<vmem>>, vector<1x16xf32>,
        %get3A_1213 = vector.shape_cast %get3A_1212 : vector<1x16xf32> to vector<16xf32>
        %mul3A_1214 = arith.mulf %get3A_1143, %get3A_1213 : vector<16xf32>
        %add3A_1215 = arith.addf %add3A_1014, %mul3A_1214 : vector<16xf32>
        %get3A_1216 = arith.index_cast %add3A_1138 : i32 to index
        %get3A_1217 = arith.constant 192 : index
        %get3A_1218 = tpu.vector_load %arg13[%get3A_1216, %get3A_1217] {strides = array<i32>} : memref<100x512xf32, #tpu.memory_space<vmem>>, vector<1x16xf32>,
        %get3A_1219 = vector.shape_cast %get3A_1218 : vector<1x16xf32> to vector<16xf32>
        %mul3A_1220 = arith.mulf %get3A_1143, %get3A_1219 : vector<16xf32>
        %add3A_1221 = arith.addf %add3A_1020, %mul3A_1220 : vector<16xf32>
        %get3A_1222 = arith.index_cast %add3A_1138 : i32 to index
        %get3A_1223 = arith.constant 208 : index
        %get3A_1224 = tpu.vector_load %arg13[%get3A_1222, %get3A_1223] {strides = array<i32>} : memref<100x512xf32, #tpu.memory_space<vmem>>, vector<1x16xf32>,
        %get3A_1225 = vector.shape_cast %get3A_1224 : vector<1x16xf32> to vector<16xf32>
        %mul3A_1226 = arith.mulf %get3A_1143, %get3A_1225 : vector<16xf32>
        %add3A_1227 = arith.addf %add3A_1026, %mul3A_1226 : vector<16xf32>
        %get3A_1228 = arith.index_cast %add3A_1138 : i32 to index
        %get3A_1229 = arith.constant 224 : index
        %get3A_1230 = tpu.vector_load %arg13[%get3A_1228, %get3A_1229] {strides = array<i32>} : memref<100x512xf32, #tpu.memory_space<vmem>>, vector<1x16xf32>,
        %get3A_1231 = vector.shape_cast %get3A_1230 : vector<1x16xf32> to vector<16xf32>
        %mul3A_1232 = arith.mulf %get3A_1143, %get3A_1231 : vector<16xf32>
        %add3A_1233 = arith.addf %add3A_1032, %mul3A_1232 : vector<16xf32>
        %get3A_1234 = arith.index_cast %add3A_1138 : i32 to index
        %get3A_1235 = arith.constant 240 : index
        %get3A_1236 = tpu.vector_load %arg13[%get3A_1234, %get3A_1235] {strides = array<i32>} : memref<100x512xf32, #tpu.memory_space<vmem>>, vector<1x16xf32>,
        %get3A_1237 = vector.shape_cast %get3A_1236 : vector<1x16xf32> to vector<16xf32>
        %mul3A_1238 = arith.mulf %get3A_1143, %get3A_1237 : vector<16xf32>
        %add3A_1239 = arith.addf %add3A_1038, %mul3A_1238 : vector<16xf32>
        %get3A_1240 = arith.index_cast %add3A_1138 : i32 to index
        %get3A_1241 = arith.constant 256 : index
        %get3A_1242 = tpu.vector_load %arg13[%get3A_1240, %get3A_1241] {strides = array<i32>} : memref<100x512xf32, #tpu.memory_space<vmem>>, vector<1x16xf32>,
        %get3A_1243 = vector.shape_cast %get3A_1242 : vector<1x16xf32> to vector<16xf32>
        %mul3A_1244 = arith.mulf %get3A_1143, %get3A_1243 : vector<16xf32>
        %add3A_1245 = arith.addf %add3A_1044, %mul3A_1244 : vector<16xf32>
        %get3A_1246 = arith.index_cast %add3A_1138 : i32 to index
        %get3A_1247 = arith.constant 272 : index
        %get3A_1248 = tpu.vector_load %arg13[%get3A_1246, %get3A_1247] {strides = array<i32>} : memref<100x512xf32, #tpu.memory_space<vmem>>, vector<1x16xf32>,
        %get3A_1249 = vector.shape_cast %get3A_1248 : vector<1x16xf32> to vector<16xf32>
        %mul3A_1250 = arith.mulf %get3A_1143, %get3A_1249 : vector<16xf32>
        %add3A_1251 = arith.addf %add3A_1050, %mul3A_1250 : vector<16xf32>
        %get3A_1252 = arith.index_cast %add3A_1138 : i32 to index
        %get3A_1253 = arith.constant 288 : index
        %get3A_1254 = tpu.vector_load %arg13[%get3A_1252, %get3A_1253] {strides = array<i32>} : memref<100x512xf32, #tpu.memory_space<vmem>>, vector<1x16xf32>,
        %get3A_1255 = vector.shape_cast %get3A_1254 : vector<1x16xf32> to vector<16xf32>
        %mul3A_1256 = arith.mulf %get3A_1143, %get3A_1255 : vector<16xf32>
        %add3A_1257 = arith.addf %add3A_1056, %mul3A_1256 : vector<16xf32>
        %get3A_1258 = arith.index_cast %add3A_1138 : i32 to index
        %get3A_1259 = arith.constant 304 : index
        %get3A_1260 = tpu.vector_load %arg13[%get3A_1258, %get3A_1259] {strides = array<i32>} : memref<100x512xf32, #tpu.memory_space<vmem>>, vector<1x16xf32>,
        %get3A_1261 = vector.shape_cast %get3A_1260 : vector<1x16xf32> to vector<16xf32>
        %mul3A_1262 = arith.mulf %get3A_1143, %get3A_1261 : vector<16xf32>
        %add3A_1263 = arith.addf %add3A_1062, %mul3A_1262 : vector<16xf32>
        %get3A_1264 = arith.index_cast %add3A_1138 : i32 to index
        %get3A_1265 = arith.constant 320 : index
        %get3A_1266 = tpu.vector_load %arg13[%get3A_1264, %get3A_1265] {strides = array<i32>} : memref<100x512xf32, #tpu.memory_space<vmem>>, vector<1x16xf32>,
        %get3A_1267 = vector.shape_cast %get3A_1266 : vector<1x16xf32> to vector<16xf32>
        %mul3A_1268 = arith.mulf %get3A_1143, %get3A_1267 : vector<16xf32>
        %add3A_1269 = arith.addf %add3A_1068, %mul3A_1268 : vector<16xf32>
        %get3A_1270 = arith.index_cast %add3A_1138 : i32 to index
        %get3A_1271 = arith.constant 336 : index
        %get3A_1272 = tpu.vector_load %arg13[%get3A_1270, %get3A_1271] {strides = array<i32>} : memref<100x512xf32, #tpu.memory_space<vmem>>, vector<1x16xf32>,
        %get3A_1273 = vector.shape_cast %get3A_1272 : vector<1x16xf32> to vector<16xf32>
        %mul3A_1274 = arith.mulf %get3A_1143, %get3A_1273 : vector<16xf32>
        %add3A_1275 = arith.addf %add3A_1074, %mul3A_1274 : vector<16xf32>
        %get3A_1276 = arith.index_cast %add3A_1138 : i32 to index
        %get3A_1277 = arith.constant 352 : index
        %get3A_1278 = tpu.vector_load %arg13[%get3A_1276, %get3A_1277] {strides = array<i32>} : memref<100x512xf32, #tpu.memory_space<vmem>>, vector<1x16xf32>,
        %get3A_1279 = vector.shape_cast %get3A_1278 : vector<1x16xf32> to vector<16xf32>
        %mul3A_1280 = arith.mulf %get3A_1143, %get3A_1279 : vector<16xf32>
        %add3A_1281 = arith.addf %add3A_1080, %mul3A_1280 : vector<16xf32>
        %get3A_1282 = arith.index_cast %add3A_1138 : i32 to index
        %get3A_1283 = arith.constant 368 : index
        %get3A_1284 = tpu.vector_load %arg13[%get3A_1282, %get3A_1283] {strides = array<i32>} : memref<100x512xf32, #tpu.memory_space<vmem>>, vector<1x16xf32>,
        %get3A_1285 = vector.shape_cast %get3A_1284 : vector<1x16xf32> to vector<16xf32>
        %mul3A_1286 = arith.mulf %get3A_1143, %get3A_1285 : vector<16xf32>
        %add3A_1287 = arith.addf %add3A_1086, %mul3A_1286 : vector<16xf32>
        %get3A_1288 = arith.index_cast %add3A_1138 : i32 to index
        %get3A_1289 = arith.constant 384 : index
        %get3A_1290 = tpu.vector_load %arg13[%get3A_1288, %get3A_1289] {strides = array<i32>} : memref<100x512xf32, #tpu.memory_space<vmem>>, vector<1x16xf32>,
        %get3A_1291 = vector.shape_cast %get3A_1290 : vector<1x16xf32> to vector<16xf32>
        %mul3A_1292 = arith.mulf %get3A_1143, %get3A_1291 : vector<16xf32>
        %add3A_1293 = arith.addf %add3A_1092, %mul3A_1292 : vector<16xf32>
        %get3A_1294 = arith.index_cast %add3A_1138 : i32 to index
        %get3A_1295 = arith.constant 400 : index
        %get3A_1296 = tpu.vector_load %arg13[%get3A_1294, %get3A_1295] {strides = array<i32>} : memref<100x512xf32, #tpu.memory_space<vmem>>, vector<1x16xf32>,
        %get3A_1297 = vector.shape_cast %get3A_1296 : vector<1x16xf32> to vector<16xf32>
        %mul3A_1298 = arith.mulf %get3A_1143, %get3A_1297 : vector<16xf32>
        %add3A_1299 = arith.addf %add3A_1098, %mul3A_1298 : vector<16xf32>
        %get3A_1300 = arith.index_cast %add3A_1138 : i32 to index
        %get3A_1301 = arith.constant 416 : index
        %get3A_1302 = tpu.vector_load %arg13[%get3A_1300, %get3A_1301] {strides = array<i32>} : memref<100x512xf32, #tpu.memory_space<vmem>>, vector<1x16xf32>,
        %get3A_1303 = vector.shape_cast %get3A_1302 : vector<1x16xf32> to vector<16xf32>
        %mul3A_1304 = arith.mulf %get3A_1143, %get3A_1303 : vector<16xf32>
        %add3A_1305 = arith.addf %add3A_1104, %mul3A_1304 : vector<16xf32>
        %get3A_1306 = arith.index_cast %add3A_1138 : i32 to index
        %get3A_1307 = arith.constant 432 : index
        %get3A_1308 = tpu.vector_load %arg13[%get3A_1306, %get3A_1307] {strides = array<i32>} : memref<100x512xf32, #tpu.memory_space<vmem>>, vector<1x16xf32>,
        %get3A_1309 = vector.shape_cast %get3A_1308 : vector<1x16xf32> to vector<16xf32>
        %mul3A_1310 = arith.mulf %get3A_1143, %get3A_1309 : vector<16xf32>
        %add3A_1311 = arith.addf %add3A_1110, %mul3A_1310 : vector<16xf32>
        %get3A_1312 = arith.index_cast %add3A_1138 : i32 to index
        %get3A_1313 = arith.constant 448 : index
        %get3A_1314 = tpu.vector_load %arg13[%get3A_1312, %get3A_1313] {strides = array<i32>} : memref<100x512xf32, #tpu.memory_space<vmem>>, vector<1x16xf32>,
        %get3A_1315 = vector.shape_cast %get3A_1314 : vector<1x16xf32> to vector<16xf32>
        %mul3A_1316 = arith.mulf %get3A_1143, %get3A_1315 : vector<16xf32>
        %add3A_1317 = arith.addf %add3A_1116, %mul3A_1316 : vector<16xf32>
        %get3A_1318 = arith.index_cast %add3A_1138 : i32 to index
        %get3A_1319 = arith.constant 464 : index
        %get3A_1320 = tpu.vector_load %arg13[%get3A_1318, %get3A_1319] {strides = array<i32>} : memref<100x512xf32, #tpu.memory_space<vmem>>, vector<1x16xf32>,
        %get3A_1321 = vector.shape_cast %get3A_1320 : vector<1x16xf32> to vector<16xf32>
        %mul3A_1322 = arith.mulf %get3A_1143, %get3A_1321 : vector<16xf32>
        %add3A_1323 = arith.addf %add3A_1122, %mul3A_1322 : vector<16xf32>
        %get3A_1324 = arith.index_cast %add3A_1138 : i32 to index
        %get3A_1325 = arith.constant 480 : index
        %get3A_1326 = tpu.vector_load %arg13[%get3A_1324, %get3A_1325] {strides = array<i32>} : memref<100x512xf32, #tpu.memory_space<vmem>>, vector<1x16xf32>,
        %get3A_1327 = vector.shape_cast %get3A_1326 : vector<1x16xf32> to vector<16xf32>
        %mul3A_1328 = arith.mulf %get3A_1143, %get3A_1327 : vector<16xf32>
        %add3A_1329 = arith.addf %add3A_1128, %mul3A_1328 : vector<16xf32>
        %get3A_1330 = arith.index_cast %add3A_1138 : i32 to index
        %get3A_1331 = arith.constant 496 : index
        %get3A_1332 = tpu.vector_load %arg13[%get3A_1330, %get3A_1331] {strides = array<i32>} : memref<100x512xf32, #tpu.memory_space<vmem>>, vector<1x16xf32>,
        %get3A_1333 = vector.shape_cast %get3A_1332 : vector<1x16xf32> to vector<16xf32>
        %mul3A_1334 = arith.mulf %get3A_1143, %get3A_1333 : vector<16xf32>
        %add3A_1335 = arith.addf %add3A_1134, %mul3A_1334 : vector<16xf32>
        %mul3A_1336 = arith.constant 4 : i32
        %mul3A_1337 = arith.muli %scan3A_901, %mul3A_1336 : i32
        %add3A_1338 = arith.constant 2 : i32
        %add3A_1339 = arith.addi %mul3A_1337, %add3A_1338 : i32
        %mul3A_1340 = arith.constant 16 : i32
        %mul3A_1341 = arith.muli %add3A_1339, %mul3A_1340 : i32
        %get3A_1342 = arith.index_cast %mul3A_1341 : i32 to index
        %get3A_1343 = tpu.vector_load %arg8[%get3A_1342] {strides = array<i32>} : memref<1600xf32, #tpu.memory_space<vmem>>, vector<16xf32>,
        %get3A_1344 = vector.shape_cast %get3A_1343 : vector<16xf32> to vector<16xf32>
        %get3A_1345 = arith.index_cast %add3A_1339 : i32 to index
        %get3A_1346 = arith.constant 0 : index
        %get3A_1347 = tpu.vector_load %arg13[%get3A_1345, %get3A_1346] {strides = array<i32>} : memref<100x512xf32, #tpu.memory_space<vmem>>, vector<1x16xf32>,
        %get3A_1348 = vector.shape_cast %get3A_1347 : vector<1x16xf32> to vector<16xf32>
        %mul3A_1349 = arith.mulf %get3A_1344, %get3A_1348 : vector<16xf32>
        %add3A_1350 = arith.addf %add3A_1149, %mul3A_1349 : vector<16xf32>
        %get3A_1351 = arith.index_cast %add3A_1339 : i32 to index
        %get3A_1352 = arith.constant 16 : index
        %get3A_1353 = tpu.vector_load %arg13[%get3A_1351, %get3A_1352] {strides = array<i32>} : memref<100x512xf32, #tpu.memory_space<vmem>>, vector<1x16xf32>,
        %get3A_1354 = vector.shape_cast %get3A_1353 : vector<1x16xf32> to vector<16xf32>
        %mul3A_1355 = arith.mulf %get3A_1344, %get3A_1354 : vector<16xf32>
        %add3A_1356 = arith.addf %add3A_1155, %mul3A_1355 : vector<16xf32>
        %get3A_1357 = arith.index_cast %add3A_1339 : i32 to index
        %get3A_1358 = arith.constant 32 : index
        %get3A_1359 = tpu.vector_load %arg13[%get3A_1357, %get3A_1358] {strides = array<i32>} : memref<100x512xf32, #tpu.memory_space<vmem>>, vector<1x16xf32>,
        %get3A_1360 = vector.shape_cast %get3A_1359 : vector<1x16xf32> to vector<16xf32>
        %mul3A_1361 = arith.mulf %get3A_1344, %get3A_1360 : vector<16xf32>
        %add3A_1362 = arith.addf %add3A_1161, %mul3A_1361 : vector<16xf32>
        %get3A_1363 = arith.index_cast %add3A_1339 : i32 to index
        %get3A_1364 = arith.constant 48 : index
        %get3A_1365 = tpu.vector_load %arg13[%get3A_1363, %get3A_1364] {strides = array<i32>} : memref<100x512xf32, #tpu.memory_space<vmem>>, vector<1x16xf32>,
        %get3A_1366 = vector.shape_cast %get3A_1365 : vector<1x16xf32> to vector<16xf32>
        %mul3A_1367 = arith.mulf %get3A_1344, %get3A_1366 : vector<16xf32>
        %add3A_1368 = arith.addf %add3A_1167, %mul3A_1367 : vector<16xf32>
        %get3A_1369 = arith.index_cast %add3A_1339 : i32 to index
        %get3A_1370 = arith.constant 64 : index
        %get3A_1371 = tpu.vector_load %arg13[%get3A_1369, %get3A_1370] {strides = array<i32>} : memref<100x512xf32, #tpu.memory_space<vmem>>, vector<1x16xf32>,
        %get3A_1372 = vector.shape_cast %get3A_1371 : vector<1x16xf32> to vector<16xf32>
        %mul3A_1373 = arith.mulf %get3A_1344, %get3A_1372 : vector<16xf32>
        %add3A_1374 = arith.addf %add3A_1173, %mul3A_1373 : vector<16xf32>
        %get3A_1375 = arith.index_cast %add3A_1339 : i32 to index
        %get3A_1376 = arith.constant 80 : index
        %get3A_1377 = tpu.vector_load %arg13[%get3A_1375, %get3A_1376] {strides = array<i32>} : memref<100x512xf32, #tpu.memory_space<vmem>>, vector<1x16xf32>,
        %get3A_1378 = vector.shape_cast %get3A_1377 : vector<1x16xf32> to vector<16xf32>
        %mul3A_1379 = arith.mulf %get3A_1344, %get3A_1378 : vector<16xf32>
        %add3A_1380 = arith.addf %add3A_1179, %mul3A_1379 : vector<16xf32>
        %get3A_1381 = arith.index_cast %add3A_1339 : i32 to index
        %get3A_1382 = arith.constant 96 : index
        %get3A_1383 = tpu.vector_load %arg13[%get3A_1381, %get3A_1382] {strides = array<i32>} : memref<100x512xf32, #tpu.memory_space<vmem>>, vector<1x16xf32>,
        %get3A_1384 = vector.shape_cast %get3A_1383 : vector<1x16xf32> to vector<16xf32>
        %mul3A_1385 = arith.mulf %get3A_1344, %get3A_1384 : vector<16xf32>
        %add3A_1386 = arith.addf %add3A_1185, %mul3A_1385 : vector<16xf32>
        %get3A_1387 = arith.index_cast %add3A_1339 : i32 to index
        %get3A_1388 = arith.constant 112 : index
        %get3A_1389 = tpu.vector_load %arg13[%get3A_1387, %get3A_1388] {strides = array<i32>} : memref<100x512xf32, #tpu.memory_space<vmem>>, vector<1x16xf32>,
        %get3A_1390 = vector.shape_cast %get3A_1389 : vector<1x16xf32> to vector<16xf32>
        %mul3A_1391 = arith.mulf %get3A_1344, %get3A_1390 : vector<16xf32>
        %add3A_1392 = arith.addf %add3A_1191, %mul3A_1391 : vector<16xf32>
        %get3A_1393 = arith.index_cast %add3A_1339 : i32 to index
        %get3A_1394 = arith.constant 128 : index
        %get3A_1395 = tpu.vector_load %arg13[%get3A_1393, %get3A_1394] {strides = array<i32>} : memref<100x512xf32, #tpu.memory_space<vmem>>, vector<1x16xf32>,
        %get3A_1396 = vector.shape_cast %get3A_1395 : vector<1x16xf32> to vector<16xf32>
        %mul3A_1397 = arith.mulf %get3A_1344, %get3A_1396 : vector<16xf32>
        %add3A_1398 = arith.addf %add3A_1197, %mul3A_1397 : vector<16xf32>
        %get3A_1399 = arith.index_cast %add3A_1339 : i32 to index
        %get3A_1400 = arith.constant 144 : index
        %get3A_1401 = tpu.vector_load %arg13[%get3A_1399, %get3A_1400] {strides = array<i32>} : memref<100x512xf32, #tpu.memory_space<vmem>>, vector<1x16xf32>,
        %get3A_1402 = vector.shape_cast %get3A_1401 : vector<1x16xf32> to vector<16xf32>
        %mul3A_1403 = arith.mulf %get3A_1344, %get3A_1402 : vector<16xf32>
        %add3A_1404 = arith.addf %add3A_1203, %mul3A_1403 : vector<16xf32>
        %get3A_1405 = arith.index_cast %add3A_1339 : i32 to index
        %get3A_1406 = arith.constant 160 : index
        %get3A_1407 = tpu.vector_load %arg13[%get3A_1405, %get3A_1406] {strides = array<i32>} : memref<100x512xf32, #tpu.memory_space<vmem>>, vector<1x16xf32>,
        %get3A_1408 = vector.shape_cast %get3A_1407 : vector<1x16xf32> to vector<16xf32>
        %mul3A_1409 = arith.mulf %get3A_1344, %get3A_1408 : vector<16xf32>
        %add3A_1410 = arith.addf %add3A_1209, %mul3A_1409 : vector<16xf32>
        %get3A_1411 = arith.index_cast %add3A_1339 : i32 to index
        %get3A_1412 = arith.constant 176 : index
        %get3A_1413 = tpu.vector_load %arg13[%get3A_1411, %get3A_1412] {strides = array<i32>} : memref<100x512xf32, #tpu.memory_space<vmem>>, vector<1x16xf32>,
        %get3A_1414 = vector.shape_cast %get3A_1413 : vector<1x16xf32> to vector<16xf32>
        %mul3A_1415 = arith.mulf %get3A_1344, %get3A_1414 : vector<16xf32>
        %add3A_1416 = arith.addf %add3A_1215, %mul3A_1415 : vector<16xf32>
        %get3A_1417 = arith.index_cast %add3A_1339 : i32 to index
        %get3A_1418 = arith.constant 192 : index
        %get3A_1419 = tpu.vector_load %arg13[%get3A_1417, %get3A_1418] {strides = array<i32>} : memref<100x512xf32, #tpu.memory_space<vmem>>, vector<1x16xf32>,
        %get3A_1420 = vector.shape_cast %get3A_1419 : vector<1x16xf32> to vector<16xf32>
        %mul3A_1421 = arith.mulf %get3A_1344, %get3A_1420 : vector<16xf32>
        %add3A_1422 = arith.addf %add3A_1221, %mul3A_1421 : vector<16xf32>
        %get3A_1423 = arith.index_cast %add3A_1339 : i32 to index
        %get3A_1424 = arith.constant 208 : index
        %get3A_1425 = tpu.vector_load %arg13[%get3A_1423, %get3A_1424] {strides = array<i32>} : memref<100x512xf32, #tpu.memory_space<vmem>>, vector<1x16xf32>,
        %get3A_1426 = vector.shape_cast %get3A_1425 : vector<1x16xf32> to vector<16xf32>
        %mul3A_1427 = arith.mulf %get3A_1344, %get3A_1426 : vector<16xf32>
        %add3A_1428 = arith.addf %add3A_1227, %mul3A_1427 : vector<16xf32>
        %get3A_1429 = arith.index_cast %add3A_1339 : i32 to index
        %get3A_1430 = arith.constant 224 : index
        %get3A_1431 = tpu.vector_load %arg13[%get3A_1429, %get3A_1430] {strides = array<i32>} : memref<100x512xf32, #tpu.memory_space<vmem>>, vector<1x16xf32>,
        %get3A_1432 = vector.shape_cast %get3A_1431 : vector<1x16xf32> to vector<16xf32>
        %mul3A_1433 = arith.mulf %get3A_1344, %get3A_1432 : vector<16xf32>
        %add3A_1434 = arith.addf %add3A_1233, %mul3A_1433 : vector<16xf32>
        %get3A_1435 = arith.index_cast %add3A_1339 : i32 to index
        %get3A_1436 = arith.constant 240 : index
        %get3A_1437 = tpu.vector_load %arg13[%get3A_1435, %get3A_1436] {strides = array<i32>} : memref<100x512xf32, #tpu.memory_space<vmem>>, vector<1x16xf32>,
        %get3A_1438 = vector.shape_cast %get3A_1437 : vector<1x16xf32> to vector<16xf32>
        %mul3A_1439 = arith.mulf %get3A_1344, %get3A_1438 : vector<16xf32>
        %add3A_1440 = arith.addf %add3A_1239, %mul3A_1439 : vector<16xf32>
        %get3A_1441 = arith.index_cast %add3A_1339 : i32 to index
        %get3A_1442 = arith.constant 256 : index
        %get3A_1443 = tpu.vector_load %arg13[%get3A_1441, %get3A_1442] {strides = array<i32>} : memref<100x512xf32, #tpu.memory_space<vmem>>, vector<1x16xf32>,
        %get3A_1444 = vector.shape_cast %get3A_1443 : vector<1x16xf32> to vector<16xf32>
        %mul3A_1445 = arith.mulf %get3A_1344, %get3A_1444 : vector<16xf32>
        %add3A_1446 = arith.addf %add3A_1245, %mul3A_1445 : vector<16xf32>
        %get3A_1447 = arith.index_cast %add3A_1339 : i32 to index
        %get3A_1448 = arith.constant 272 : index
        %get3A_1449 = tpu.vector_load %arg13[%get3A_1447, %get3A_1448] {strides = array<i32>} : memref<100x512xf32, #tpu.memory_space<vmem>>, vector<1x16xf32>,
        %get3A_1450 = vector.shape_cast %get3A_1449 : vector<1x16xf32> to vector<16xf32>
        %mul3A_1451 = arith.mulf %get3A_1344, %get3A_1450 : vector<16xf32>
        %add3A_1452 = arith.addf %add3A_1251, %mul3A_1451 : vector<16xf32>
        %get3A_1453 = arith.index_cast %add3A_1339 : i32 to index
        %get3A_1454 = arith.constant 288 : index
        %get3A_1455 = tpu.vector_load %arg13[%get3A_1453, %get3A_1454] {strides = array<i32>} : memref<100x512xf32, #tpu.memory_space<vmem>>, vector<1x16xf32>,
        %get3A_1456 = vector.shape_cast %get3A_1455 : vector<1x16xf32> to vector<16xf32>
        %mul3A_1457 = arith.mulf %get3A_1344, %get3A_1456 : vector<16xf32>
        %add3A_1458 = arith.addf %add3A_1257, %mul3A_1457 : vector<16xf32>
        %get3A_1459 = arith.index_cast %add3A_1339 : i32 to index
        %get3A_1460 = arith.constant 304 : index
        %get3A_1461 = tpu.vector_load %arg13[%get3A_1459, %get3A_1460] {strides = array<i32>} : memref<100x512xf32, #tpu.memory_space<vmem>>, vector<1x16xf32>,
        %get3A_1462 = vector.shape_cast %get3A_1461 : vector<1x16xf32> to vector<16xf32>
        %mul3A_1463 = arith.mulf %get3A_1344, %get3A_1462 : vector<16xf32>
        %add3A_1464 = arith.addf %add3A_1263, %mul3A_1463 : vector<16xf32>
        %get3A_1465 = arith.index_cast %add3A_1339 : i32 to index
        %get3A_1466 = arith.constant 320 : index
        %get3A_1467 = tpu.vector_load %arg13[%get3A_1465, %get3A_1466] {strides = array<i32>} : memref<100x512xf32, #tpu.memory_space<vmem>>, vector<1x16xf32>,
        %get3A_1468 = vector.shape_cast %get3A_1467 : vector<1x16xf32> to vector<16xf32>
        %mul3A_1469 = arith.mulf %get3A_1344, %get3A_1468 : vector<16xf32>
        %add3A_1470 = arith.addf %add3A_1269, %mul3A_1469 : vector<16xf32>
        %get3A_1471 = arith.index_cast %add3A_1339 : i32 to index
        %get3A_1472 = arith.constant 336 : index
        %get3A_1473 = tpu.vector_load %arg13[%get3A_1471, %get3A_1472] {strides = array<i32>} : memref<100x512xf32, #tpu.memory_space<vmem>>, vector<1x16xf32>,
        %get3A_1474 = vector.shape_cast %get3A_1473 : vector<1x16xf32> to vector<16xf32>
        %mul3A_1475 = arith.mulf %get3A_1344, %get3A_1474 : vector<16xf32>
        %add3A_1476 = arith.addf %add3A_1275, %mul3A_1475 : vector<16xf32>
        %get3A_1477 = arith.index_cast %add3A_1339 : i32 to index
        %get3A_1478 = arith.constant 352 : index
        %get3A_1479 = tpu.vector_load %arg13[%get3A_1477, %get3A_1478] {strides = array<i32>} : memref<100x512xf32, #tpu.memory_space<vmem>>, vector<1x16xf32>,
        %get3A_1480 = vector.shape_cast %get3A_1479 : vector<1x16xf32> to vector<16xf32>
        %mul3A_1481 = arith.mulf %get3A_1344, %get3A_1480 : vector<16xf32>
        %add3A_1482 = arith.addf %add3A_1281, %mul3A_1481 : vector<16xf32>
        %get3A_1483 = arith.index_cast %add3A_1339 : i32 to index
        %get3A_1484 = arith.constant 368 : index
        %get3A_1485 = tpu.vector_load %arg13[%get3A_1483, %get3A_1484] {strides = array<i32>} : memref<100x512xf32, #tpu.memory_space<vmem>>, vector<1x16xf32>,
        %get3A_1486 = vector.shape_cast %get3A_1485 : vector<1x16xf32> to vector<16xf32>
        %mul3A_1487 = arith.mulf %get3A_1344, %get3A_1486 : vector<16xf32>
        %add3A_1488 = arith.addf %add3A_1287, %mul3A_1487 : vector<16xf32>
        %get3A_1489 = arith.index_cast %add3A_1339 : i32 to index
        %get3A_1490 = arith.constant 384 : index
        %get3A_1491 = tpu.vector_load %arg13[%get3A_1489, %get3A_1490] {strides = array<i32>} : memref<100x512xf32, #tpu.memory_space<vmem>>, vector<1x16xf32>,
        %get3A_1492 = vector.shape_cast %get3A_1491 : vector<1x16xf32> to vector<16xf32>
        %mul3A_1493 = arith.mulf %get3A_1344, %get3A_1492 : vector<16xf32>
        %add3A_1494 = arith.addf %add3A_1293, %mul3A_1493 : vector<16xf32>
        %get3A_1495 = arith.index_cast %add3A_1339 : i32 to index
        %get3A_1496 = arith.constant 400 : index
        %get3A_1497 = tpu.vector_load %arg13[%get3A_1495, %get3A_1496] {strides = array<i32>} : memref<100x512xf32, #tpu.memory_space<vmem>>, vector<1x16xf32>,
        %get3A_1498 = vector.shape_cast %get3A_1497 : vector<1x16xf32> to vector<16xf32>
        %mul3A_1499 = arith.mulf %get3A_1344, %get3A_1498 : vector<16xf32>
        %add3A_1500 = arith.addf %add3A_1299, %mul3A_1499 : vector<16xf32>
        %get3A_1501 = arith.index_cast %add3A_1339 : i32 to index
        %get3A_1502 = arith.constant 416 : index
        %get3A_1503 = tpu.vector_load %arg13[%get3A_1501, %get3A_1502] {strides = array<i32>} : memref<100x512xf32, #tpu.memory_space<vmem>>, vector<1x16xf32>,
        %get3A_1504 = vector.shape_cast %get3A_1503 : vector<1x16xf32> to vector<16xf32>
        %mul3A_1505 = arith.mulf %get3A_1344, %get3A_1504 : vector<16xf32>
        %add3A_1506 = arith.addf %add3A_1305, %mul3A_1505 : vector<16xf32>
        %get3A_1507 = arith.index_cast %add3A_1339 : i32 to index
        %get3A_1508 = arith.constant 432 : index
        %get3A_1509 = tpu.vector_load %arg13[%get3A_1507, %get3A_1508] {strides = array<i32>} : memref<100x512xf32, #tpu.memory_space<vmem>>, vector<1x16xf32>,
        %get3A_1510 = vector.shape_cast %get3A_1509 : vector<1x16xf32> to vector<16xf32>
        %mul3A_1511 = arith.mulf %get3A_1344, %get3A_1510 : vector<16xf32>
        %add3A_1512 = arith.addf %add3A_1311, %mul3A_1511 : vector<16xf32>
        %get3A_1513 = arith.index_cast %add3A_1339 : i32 to index
        %get3A_1514 = arith.constant 448 : index
        %get3A_1515 = tpu.vector_load %arg13[%get3A_1513, %get3A_1514] {strides = array<i32>} : memref<100x512xf32, #tpu.memory_space<vmem>>, vector<1x16xf32>,
        %get3A_1516 = vector.shape_cast %get3A_1515 : vector<1x16xf32> to vector<16xf32>
        %mul3A_1517 = arith.mulf %get3A_1344, %get3A_1516 : vector<16xf32>
        %add3A_1518 = arith.addf %add3A_1317, %mul3A_1517 : vector<16xf32>
        %get3A_1519 = arith.index_cast %add3A_1339 : i32 to index
        %get3A_1520 = arith.constant 464 : index
        %get3A_1521 = tpu.vector_load %arg13[%get3A_1519, %get3A_1520] {strides = array<i32>} : memref<100x512xf32, #tpu.memory_space<vmem>>, vector<1x16xf32>,
        %get3A_1522 = vector.shape_cast %get3A_1521 : vector<1x16xf32> to vector<16xf32>
        %mul3A_1523 = arith.mulf %get3A_1344, %get3A_1522 : vector<16xf32>
        %add3A_1524 = arith.addf %add3A_1323, %mul3A_1523 : vector<16xf32>
        %get3A_1525 = arith.index_cast %add3A_1339 : i32 to index
        %get3A_1526 = arith.constant 480 : index
        %get3A_1527 = tpu.vector_load %arg13[%get3A_1525, %get3A_1526] {strides = array<i32>} : memref<100x512xf32, #tpu.memory_space<vmem>>, vector<1x16xf32>,
        %get3A_1528 = vector.shape_cast %get3A_1527 : vector<1x16xf32> to vector<16xf32>
        %mul3A_1529 = arith.mulf %get3A_1344, %get3A_1528 : vector<16xf32>
        %add3A_1530 = arith.addf %add3A_1329, %mul3A_1529 : vector<16xf32>
        %get3A_1531 = arith.index_cast %add3A_1339 : i32 to index
        %get3A_1532 = arith.constant 496 : index
        %get3A_1533 = tpu.vector_load %arg13[%get3A_1531, %get3A_1532] {strides = array<i32>} : memref<100x512xf32, #tpu.memory_space<vmem>>, vector<1x16xf32>,
        %get3A_1534 = vector.shape_cast %get3A_1533 : vector<1x16xf32> to vector<16xf32>
        %mul3A_1535 = arith.mulf %get3A_1344, %get3A_1534 : vector<16xf32>
        %add3A_1536 = arith.addf %add3A_1335, %mul3A_1535 : vector<16xf32>
        %mul3A_1537 = arith.constant 4 : i32
        %mul3A_1538 = arith.muli %scan3A_901, %mul3A_1537 : i32
        %add3A_1539 = arith.constant 3 : i32
        %add3A_1540 = arith.addi %mul3A_1538, %add3A_1539 : i32
        %mul3A_1541 = arith.constant 16 : i32
        %mul3A_1542 = arith.muli %add3A_1540, %mul3A_1541 : i32
        %get3A_1543 = arith.index_cast %mul3A_1542 : i32 to index
        %get3A_1544 = tpu.vector_load %arg8[%get3A_1543] {strides = array<i32>} : memref<1600xf32, #tpu.memory_space<vmem>>, vector<16xf32>,
        %get3A_1545 = vector.shape_cast %get3A_1544 : vector<16xf32> to vector<16xf32>
        %get3A_1546 = arith.index_cast %add3A_1540 : i32 to index
        %get3A_1547 = arith.constant 0 : index
        %get3A_1548 = tpu.vector_load %arg13[%get3A_1546, %get3A_1547] {strides = array<i32>} : memref<100x512xf32, #tpu.memory_space<vmem>>, vector<1x16xf32>,
        %get3A_1549 = vector.shape_cast %get3A_1548 : vector<1x16xf32> to vector<16xf32>
        %mul3A_1550 = arith.mulf %get3A_1545, %get3A_1549 : vector<16xf32>
        %add3A_1551 = arith.addf %add3A_1350, %mul3A_1550 : vector<16xf32>
        %get3A_1552 = arith.index_cast %add3A_1540 : i32 to index
        %get3A_1553 = arith.constant 16 : index
        %get3A_1554 = tpu.vector_load %arg13[%get3A_1552, %get3A_1553] {strides = array<i32>} : memref<100x512xf32, #tpu.memory_space<vmem>>, vector<1x16xf32>,
        %get3A_1555 = vector.shape_cast %get3A_1554 : vector<1x16xf32> to vector<16xf32>
        %mul3A_1556 = arith.mulf %get3A_1545, %get3A_1555 : vector<16xf32>
        %add3A_1557 = arith.addf %add3A_1356, %mul3A_1556 : vector<16xf32>
        %get3A_1558 = arith.index_cast %add3A_1540 : i32 to index
        %get3A_1559 = arith.constant 32 : index
        %get3A_1560 = tpu.vector_load %arg13[%get3A_1558, %get3A_1559] {strides = array<i32>} : memref<100x512xf32, #tpu.memory_space<vmem>>, vector<1x16xf32>,
        %get3A_1561 = vector.shape_cast %get3A_1560 : vector<1x16xf32> to vector<16xf32>
        %mul3A_1562 = arith.mulf %get3A_1545, %get3A_1561 : vector<16xf32>
        %add3A_1563 = arith.addf %add3A_1362, %mul3A_1562 : vector<16xf32>
        %get3A_1564 = arith.index_cast %add3A_1540 : i32 to index
        %get3A_1565 = arith.constant 48 : index
        %get3A_1566 = tpu.vector_load %arg13[%get3A_1564, %get3A_1565] {strides = array<i32>} : memref<100x512xf32, #tpu.memory_space<vmem>>, vector<1x16xf32>,
        %get3A_1567 = vector.shape_cast %get3A_1566 : vector<1x16xf32> to vector<16xf32>
        %mul3A_1568 = arith.mulf %get3A_1545, %get3A_1567 : vector<16xf32>
        %add3A_1569 = arith.addf %add3A_1368, %mul3A_1568 : vector<16xf32>
        %get3A_1570 = arith.index_cast %add3A_1540 : i32 to index
        %get3A_1571 = arith.constant 64 : index
        %get3A_1572 = tpu.vector_load %arg13[%get3A_1570, %get3A_1571] {strides = array<i32>} : memref<100x512xf32, #tpu.memory_space<vmem>>, vector<1x16xf32>,
        %get3A_1573 = vector.shape_cast %get3A_1572 : vector<1x16xf32> to vector<16xf32>
        %mul3A_1574 = arith.mulf %get3A_1545, %get3A_1573 : vector<16xf32>
        %add3A_1575 = arith.addf %add3A_1374, %mul3A_1574 : vector<16xf32>
        %get3A_1576 = arith.index_cast %add3A_1540 : i32 to index
        %get3A_1577 = arith.constant 80 : index
        %get3A_1578 = tpu.vector_load %arg13[%get3A_1576, %get3A_1577] {strides = array<i32>} : memref<100x512xf32, #tpu.memory_space<vmem>>, vector<1x16xf32>,
        %get3A_1579 = vector.shape_cast %get3A_1578 : vector<1x16xf32> to vector<16xf32>
        %mul3A_1580 = arith.mulf %get3A_1545, %get3A_1579 : vector<16xf32>
        %add3A_1581 = arith.addf %add3A_1380, %mul3A_1580 : vector<16xf32>
        %get3A_1582 = arith.index_cast %add3A_1540 : i32 to index
        %get3A_1583 = arith.constant 96 : index
        %get3A_1584 = tpu.vector_load %arg13[%get3A_1582, %get3A_1583] {strides = array<i32>} : memref<100x512xf32, #tpu.memory_space<vmem>>, vector<1x16xf32>,
        %get3A_1585 = vector.shape_cast %get3A_1584 : vector<1x16xf32> to vector<16xf32>
        %mul3A_1586 = arith.mulf %get3A_1545, %get3A_1585 : vector<16xf32>
        %add3A_1587 = arith.addf %add3A_1386, %mul3A_1586 : vector<16xf32>
        %get3A_1588 = arith.index_cast %add3A_1540 : i32 to index
        %get3A_1589 = arith.constant 112 : index
        %get3A_1590 = tpu.vector_load %arg13[%get3A_1588, %get3A_1589] {strides = array<i32>} : memref<100x512xf32, #tpu.memory_space<vmem>>, vector<1x16xf32>,
        %get3A_1591 = vector.shape_cast %get3A_1590 : vector<1x16xf32> to vector<16xf32>
        %mul3A_1592 = arith.mulf %get3A_1545, %get3A_1591 : vector<16xf32>
        %add3A_1593 = arith.addf %add3A_1392, %mul3A_1592 : vector<16xf32>
        %get3A_1594 = arith.index_cast %add3A_1540 : i32 to index
        %get3A_1595 = arith.constant 128 : index
        %get3A_1596 = tpu.vector_load %arg13[%get3A_1594, %get3A_1595] {strides = array<i32>} : memref<100x512xf32, #tpu.memory_space<vmem>>, vector<1x16xf32>,
        %get3A_1597 = vector.shape_cast %get3A_1596 : vector<1x16xf32> to vector<16xf32>
        %mul3A_1598 = arith.mulf %get3A_1545, %get3A_1597 : vector<16xf32>
        %add3A_1599 = arith.addf %add3A_1398, %mul3A_1598 : vector<16xf32>
        %get3A_1600 = arith.index_cast %add3A_1540 : i32 to index
        %get3A_1601 = arith.constant 144 : index
        %get3A_1602 = tpu.vector_load %arg13[%get3A_1600, %get3A_1601] {strides = array<i32>} : memref<100x512xf32, #tpu.memory_space<vmem>>, vector<1x16xf32>,
        %get3A_1603 = vector.shape_cast %get3A_1602 : vector<1x16xf32> to vector<16xf32>
        %mul3A_1604 = arith.mulf %get3A_1545, %get3A_1603 : vector<16xf32>
        %add3A_1605 = arith.addf %add3A_1404, %mul3A_1604 : vector<16xf32>
        %get3A_1606 = arith.index_cast %add3A_1540 : i32 to index
        %get3A_1607 = arith.constant 160 : index
        %get3A_1608 = tpu.vector_load %arg13[%get3A_1606, %get3A_1607] {strides = array<i32>} : memref<100x512xf32, #tpu.memory_space<vmem>>, vector<1x16xf32>,
        %get3A_1609 = vector.shape_cast %get3A_1608 : vector<1x16xf32> to vector<16xf32>
        %mul3A_1610 = arith.mulf %get3A_1545, %get3A_1609 : vector<16xf32>
        %add3A_1611 = arith.addf %add3A_1410, %mul3A_1610 : vector<16xf32>
        %get3A_1612 = arith.index_cast %add3A_1540 : i32 to index
        %get3A_1613 = arith.constant 176 : index
        %get3A_1614 = tpu.vector_load %arg13[%get3A_1612, %get3A_1613] {strides = array<i32>} : memref<100x512xf32, #tpu.memory_space<vmem>>, vector<1x16xf32>,
        %get3A_1615 = vector.shape_cast %get3A_1614 : vector<1x16xf32> to vector<16xf32>
        %mul3A_1616 = arith.mulf %get3A_1545, %get3A_1615 : vector<16xf32>
        %add3A_1617 = arith.addf %add3A_1416, %mul3A_1616 : vector<16xf32>
        %get3A_1618 = arith.index_cast %add3A_1540 : i32 to index
        %get3A_1619 = arith.constant 192 : index
        %get3A_1620 = tpu.vector_load %arg13[%get3A_1618, %get3A_1619] {strides = array<i32>} : memref<100x512xf32, #tpu.memory_space<vmem>>, vector<1x16xf32>,
        %get3A_1621 = vector.shape_cast %get3A_1620 : vector<1x16xf32> to vector<16xf32>
        %mul3A_1622 = arith.mulf %get3A_1545, %get3A_1621 : vector<16xf32>
        %add3A_1623 = arith.addf %add3A_1422, %mul3A_1622 : vector<16xf32>
        %get3A_1624 = arith.index_cast %add3A_1540 : i32 to index
        %get3A_1625 = arith.constant 208 : index
        %get3A_1626 = tpu.vector_load %arg13[%get3A_1624, %get3A_1625] {strides = array<i32>} : memref<100x512xf32, #tpu.memory_space<vmem>>, vector<1x16xf32>,
        %get3A_1627 = vector.shape_cast %get3A_1626 : vector<1x16xf32> to vector<16xf32>
        %mul3A_1628 = arith.mulf %get3A_1545, %get3A_1627 : vector<16xf32>
        %add3A_1629 = arith.addf %add3A_1428, %mul3A_1628 : vector<16xf32>
        %get3A_1630 = arith.index_cast %add3A_1540 : i32 to index
        %get3A_1631 = arith.constant 224 : index
        %get3A_1632 = tpu.vector_load %arg13[%get3A_1630, %get3A_1631] {strides = array<i32>} : memref<100x512xf32, #tpu.memory_space<vmem>>, vector<1x16xf32>,
        %get3A_1633 = vector.shape_cast %get3A_1632 : vector<1x16xf32> to vector<16xf32>
        %mul3A_1634 = arith.mulf %get3A_1545, %get3A_1633 : vector<16xf32>
        %add3A_1635 = arith.addf %add3A_1434, %mul3A_1634 : vector<16xf32>
        %get3A_1636 = arith.index_cast %add3A_1540 : i32 to index
        %get3A_1637 = arith.constant 240 : index
        %get3A_1638 = tpu.vector_load %arg13[%get3A_1636, %get3A_1637] {strides = array<i32>} : memref<100x512xf32, #tpu.memory_space<vmem>>, vector<1x16xf32>,
        %get3A_1639 = vector.shape_cast %get3A_1638 : vector<1x16xf32> to vector<16xf32>
        %mul3A_1640 = arith.mulf %get3A_1545, %get3A_1639 : vector<16xf32>
        %add3A_1641 = arith.addf %add3A_1440, %mul3A_1640 : vector<16xf32>
        %get3A_1642 = arith.index_cast %add3A_1540 : i32 to index
        %get3A_1643 = arith.constant 256 : index
        %get3A_1644 = tpu.vector_load %arg13[%get3A_1642, %get3A_1643] {strides = array<i32>} : memref<100x512xf32, #tpu.memory_space<vmem>>, vector<1x16xf32>,
        %get3A_1645 = vector.shape_cast %get3A_1644 : vector<1x16xf32> to vector<16xf32>
        %mul3A_1646 = arith.mulf %get3A_1545, %get3A_1645 : vector<16xf32>
        %add3A_1647 = arith.addf %add3A_1446, %mul3A_1646 : vector<16xf32>
        %get3A_1648 = arith.index_cast %add3A_1540 : i32 to index
        %get3A_1649 = arith.constant 272 : index
        %get3A_1650 = tpu.vector_load %arg13[%get3A_1648, %get3A_1649] {strides = array<i32>} : memref<100x512xf32, #tpu.memory_space<vmem>>, vector<1x16xf32>,
        %get3A_1651 = vector.shape_cast %get3A_1650 : vector<1x16xf32> to vector<16xf32>
        %mul3A_1652 = arith.mulf %get3A_1545, %get3A_1651 : vector<16xf32>
        %add3A_1653 = arith.addf %add3A_1452, %mul3A_1652 : vector<16xf32>
        %get3A_1654 = arith.index_cast %add3A_1540 : i32 to index
        %get3A_1655 = arith.constant 288 : index
        %get3A_1656 = tpu.vector_load %arg13[%get3A_1654, %get3A_1655] {strides = array<i32>} : memref<100x512xf32, #tpu.memory_space<vmem>>, vector<1x16xf32>,
        %get3A_1657 = vector.shape_cast %get3A_1656 : vector<1x16xf32> to vector<16xf32>
        %mul3A_1658 = arith.mulf %get3A_1545, %get3A_1657 : vector<16xf32>
        %add3A_1659 = arith.addf %add3A_1458, %mul3A_1658 : vector<16xf32>
        %get3A_1660 = arith.index_cast %add3A_1540 : i32 to index
        %get3A_1661 = arith.constant 304 : index
        %get3A_1662 = tpu.vector_load %arg13[%get3A_1660, %get3A_1661] {strides = array<i32>} : memref<100x512xf32, #tpu.memory_space<vmem>>, vector<1x16xf32>,
        %get3A_1663 = vector.shape_cast %get3A_1662 : vector<1x16xf32> to vector<16xf32>
        %mul3A_1664 = arith.mulf %get3A_1545, %get3A_1663 : vector<16xf32>
        %add3A_1665 = arith.addf %add3A_1464, %mul3A_1664 : vector<16xf32>
        %get3A_1666 = arith.index_cast %add3A_1540 : i32 to index
        %get3A_1667 = arith.constant 320 : index
        %get3A_1668 = tpu.vector_load %arg13[%get3A_1666, %get3A_1667] {strides = array<i32>} : memref<100x512xf32, #tpu.memory_space<vmem>>, vector<1x16xf32>,
        %get3A_1669 = vector.shape_cast %get3A_1668 : vector<1x16xf32> to vector<16xf32>
        %mul3A_1670 = arith.mulf %get3A_1545, %get3A_1669 : vector<16xf32>
        %add3A_1671 = arith.addf %add3A_1470, %mul3A_1670 : vector<16xf32>
        %get3A_1672 = arith.index_cast %add3A_1540 : i32 to index
        %get3A_1673 = arith.constant 336 : index
        %get3A_1674 = tpu.vector_load %arg13[%get3A_1672, %get3A_1673] {strides = array<i32>} : memref<100x512xf32, #tpu.memory_space<vmem>>, vector<1x16xf32>,
        %get3A_1675 = vector.shape_cast %get3A_1674 : vector<1x16xf32> to vector<16xf32>
        %mul3A_1676 = arith.mulf %get3A_1545, %get3A_1675 : vector<16xf32>
        %add3A_1677 = arith.addf %add3A_1476, %mul3A_1676 : vector<16xf32>
        %get3A_1678 = arith.index_cast %add3A_1540 : i32 to index
        %get3A_1679 = arith.constant 352 : index
        %get3A_1680 = tpu.vector_load %arg13[%get3A_1678, %get3A_1679] {strides = array<i32>} : memref<100x512xf32, #tpu.memory_space<vmem>>, vector<1x16xf32>,
        %get3A_1681 = vector.shape_cast %get3A_1680 : vector<1x16xf32> to vector<16xf32>
        %mul3A_1682 = arith.mulf %get3A_1545, %get3A_1681 : vector<16xf32>
        %add3A_1683 = arith.addf %add3A_1482, %mul3A_1682 : vector<16xf32>
        %get3A_1684 = arith.index_cast %add3A_1540 : i32 to index
        %get3A_1685 = arith.constant 368 : index
        %get3A_1686 = tpu.vector_load %arg13[%get3A_1684, %get3A_1685] {strides = array<i32>} : memref<100x512xf32, #tpu.memory_space<vmem>>, vector<1x16xf32>,
        %get3A_1687 = vector.shape_cast %get3A_1686 : vector<1x16xf32> to vector<16xf32>
        %mul3A_1688 = arith.mulf %get3A_1545, %get3A_1687 : vector<16xf32>
        %add3A_1689 = arith.addf %add3A_1488, %mul3A_1688 : vector<16xf32>
        %get3A_1690 = arith.index_cast %add3A_1540 : i32 to index
        %get3A_1691 = arith.constant 384 : index
        %get3A_1692 = tpu.vector_load %arg13[%get3A_1690, %get3A_1691] {strides = array<i32>} : memref<100x512xf32, #tpu.memory_space<vmem>>, vector<1x16xf32>,
        %get3A_1693 = vector.shape_cast %get3A_1692 : vector<1x16xf32> to vector<16xf32>
        %mul3A_1694 = arith.mulf %get3A_1545, %get3A_1693 : vector<16xf32>
        %add3A_1695 = arith.addf %add3A_1494, %mul3A_1694 : vector<16xf32>
        %get3A_1696 = arith.index_cast %add3A_1540 : i32 to index
        %get3A_1697 = arith.constant 400 : index
        %get3A_1698 = tpu.vector_load %arg13[%get3A_1696, %get3A_1697] {strides = array<i32>} : memref<100x512xf32, #tpu.memory_space<vmem>>, vector<1x16xf32>,
        %get3A_1699 = vector.shape_cast %get3A_1698 : vector<1x16xf32> to vector<16xf32>
        %mul3A_1700 = arith.mulf %get3A_1545, %get3A_1699 : vector<16xf32>
        %add3A_1701 = arith.addf %add3A_1500, %mul3A_1700 : vector<16xf32>
        %get3A_1702 = arith.index_cast %add3A_1540 : i32 to index
        %get3A_1703 = arith.constant 416 : index
        %get3A_1704 = tpu.vector_load %arg13[%get3A_1702, %get3A_1703] {strides = array<i32>} : memref<100x512xf32, #tpu.memory_space<vmem>>, vector<1x16xf32>,
        %get3A_1705 = vector.shape_cast %get3A_1704 : vector<1x16xf32> to vector<16xf32>
        %mul3A_1706 = arith.mulf %get3A_1545, %get3A_1705 : vector<16xf32>
        %add3A_1707 = arith.addf %add3A_1506, %mul3A_1706 : vector<16xf32>
        %get3A_1708 = arith.index_cast %add3A_1540 : i32 to index
        %get3A_1709 = arith.constant 432 : index
        %get3A_1710 = tpu.vector_load %arg13[%get3A_1708, %get3A_1709] {strides = array<i32>} : memref<100x512xf32, #tpu.memory_space<vmem>>, vector<1x16xf32>,
        %get3A_1711 = vector.shape_cast %get3A_1710 : vector<1x16xf32> to vector<16xf32>
        %mul3A_1712 = arith.mulf %get3A_1545, %get3A_1711 : vector<16xf32>
        %add3A_1713 = arith.addf %add3A_1512, %mul3A_1712 : vector<16xf32>
        %get3A_1714 = arith.index_cast %add3A_1540 : i32 to index
        %get3A_1715 = arith.constant 448 : index
        %get3A_1716 = tpu.vector_load %arg13[%get3A_1714, %get3A_1715] {strides = array<i32>} : memref<100x512xf32, #tpu.memory_space<vmem>>, vector<1x16xf32>,
        %get3A_1717 = vector.shape_cast %get3A_1716 : vector<1x16xf32> to vector<16xf32>
        %mul3A_1718 = arith.mulf %get3A_1545, %get3A_1717 : vector<16xf32>
        %add3A_1719 = arith.addf %add3A_1518, %mul3A_1718 : vector<16xf32>
        %get3A_1720 = arith.index_cast %add3A_1540 : i32 to index
        %get3A_1721 = arith.constant 464 : index
        %get3A_1722 = tpu.vector_load %arg13[%get3A_1720, %get3A_1721] {strides = array<i32>} : memref<100x512xf32, #tpu.memory_space<vmem>>, vector<1x16xf32>,
        %get3A_1723 = vector.shape_cast %get3A_1722 : vector<1x16xf32> to vector<16xf32>
        %mul3A_1724 = arith.mulf %get3A_1545, %get3A_1723 : vector<16xf32>
        %add3A_1725 = arith.addf %add3A_1524, %mul3A_1724 : vector<16xf32>
        %get3A_1726 = arith.index_cast %add3A_1540 : i32 to index
        %get3A_1727 = arith.constant 480 : index
        %get3A_1728 = tpu.vector_load %arg13[%get3A_1726, %get3A_1727] {strides = array<i32>} : memref<100x512xf32, #tpu.memory_space<vmem>>, vector<1x16xf32>,
        %get3A_1729 = vector.shape_cast %get3A_1728 : vector<1x16xf32> to vector<16xf32>
        %mul3A_1730 = arith.mulf %get3A_1545, %get3A_1729 : vector<16xf32>
        %add3A_1731 = arith.addf %add3A_1530, %mul3A_1730 : vector<16xf32>
        %get3A_1732 = arith.index_cast %add3A_1540 : i32 to index
        %get3A_1733 = arith.constant 496 : index
        %get3A_1734 = tpu.vector_load %arg13[%get3A_1732, %get3A_1733] {strides = array<i32>} : memref<100x512xf32, #tpu.memory_space<vmem>>, vector<1x16xf32>,
        %get3A_1735 = vector.shape_cast %get3A_1734 : vector<1x16xf32> to vector<16xf32>
        %mul3A_1736 = arith.mulf %get3A_1545, %get3A_1735 : vector<16xf32>
        %add3A_1737 = arith.addf %add3A_1536, %mul3A_1736 : vector<16xf32>
        scf.yield %add3A_1551, %add3A_1557, %add3A_1563, %add3A_1569, %add3A_1575, %add3A_1581, %add3A_1587, %add3A_1593, %add3A_1599, %add3A_1605, %add3A_1611, %add3A_1617, %add3A_1623, %add3A_1629, %add3A_1635, %add3A_1641, %add3A_1647, %add3A_1653, %add3A_1659, %add3A_1665, %add3A_1671, %add3A_1677, %add3A_1683, %add3A_1689, %add3A_1695, %add3A_1701, %add3A_1707, %add3A_1713, %add3A_1719, %add3A_1725, %add3A_1731, %add3A_1737 : vector<16xf32>, vector<16xf32>, vector<16xf32>, vector<16xf32>, vector<16xf32>, vector<16xf32>, vector<16xf32>, vector<16xf32>, vector<16xf32>, vector<16xf32>, vector<16xf32>, vector<16xf32>, vector<16xf32>, vector<16xf32>, vector<16xf32>, vector<16xf32>, vector<16xf32>, vector<16xf32>, vector<16xf32>, vector<16xf32>, vector<16xf32>, vector<16xf32>, vector<16xf32>, vector<16xf32>, vector<16xf32>, vector<16xf32>, vector<16xf32>, vector<16xf32>, vector<16xf32>, vector<16xf32>, vector<16xf32>, vector<16xf32>
      }
      %scan3A_522 = arith.constant 25 : i32
      %swap3A_523 = arith.constant 512 : index
      %swap3A_524 = tpu.vector_load %arg10[%swap3A_523] {strides = array<i32>} : memref<1152xf32, #tpu.memory_space<vmem>>, vector<16xf32>,
      %swap3A_525 = vector.shape_cast %swap3A_524 : vector<16xf32> to vector<16xf32>
      %swap3A_526 = vector.shape_cast %scan3A_521#0 : vector<16xf32> to vector<16xf32>
      tpu.vector_store %arg10[%swap3A_523], %swap3A_526 {strides = array<i32>} : memref<1152xf32, #tpu.memory_space<vmem>>, vector<16xf32>,
      %swap3A_527 = arith.constant 528 : index
      %swap3A_528 = tpu.vector_load %arg10[%swap3A_527] {strides = array<i32>} : memref<1152xf32, #tpu.memory_space<vmem>>, vector<16xf32>,
      %swap3A_529 = vector.shape_cast %swap3A_528 : vector<16xf32> to vector<16xf32>
      %swap3A_530 = vector.shape_cast %scan3A_521#1 : vector<16xf32> to vector<16xf32>
      tpu.vector_store %arg10[%swap3A_527], %swap3A_530 {strides = array<i32>} : memref<1152xf32, #tpu.memory_space<vmem>>, vector<16xf32>,
      %swap3A_531 = arith.constant 544 : index
      %swap3A_532 = tpu.vector_load %arg10[%swap3A_531] {strides = array<i32>} : memref<1152xf32, #tpu.memory_space<vmem>>, vector<16xf32>,
      %swap3A_533 = vector.shape_cast %swap3A_532 : vector<16xf32> to vector<16xf32>
      %swap3A_534 = vector.shape_cast %scan3A_521#2 : vector<16xf32> to vector<16xf32>
      tpu.vector_store %arg10[%swap3A_531], %swap3A_534 {strides = array<i32>} : memref<1152xf32, #tpu.memory_space<vmem>>, vector<16xf32>,
      %swap3A_535 = arith.constant 560 : index
      %swap3A_536 = tpu.vector_load %arg10[%swap3A_535] {strides = array<i32>} : memref<1152xf32, #tpu.memory_space<vmem>>, vector<16xf32>,
      %swap3A_537 = vector.shape_cast %swap3A_536 : vector<16xf32> to vector<16xf32>
      %swap3A_538 = vector.shape_cast %scan3A_521#3 : vector<16xf32> to vector<16xf32>
      tpu.vector_store %arg10[%swap3A_535], %swap3A_538 {strides = array<i32>} : memref<1152xf32, #tpu.memory_space<vmem>>, vector<16xf32>,
      %swap3A_539 = arith.constant 576 : index
      %swap3A_540 = tpu.vector_load %arg10[%swap3A_539] {strides = array<i32>} : memref<1152xf32, #tpu.memory_space<vmem>>, vector<16xf32>,
      %swap3A_541 = vector.shape_cast %swap3A_540 : vector<16xf32> to vector<16xf32>
      %swap3A_542 = vector.shape_cast %scan3A_521#4 : vector<16xf32> to vector<16xf32>
      tpu.vector_store %arg10[%swap3A_539], %swap3A_542 {strides = array<i32>} : memref<1152xf32, #tpu.memory_space<vmem>>, vector<16xf32>,
      %swap3A_543 = arith.constant 592 : index
      %swap3A_544 = tpu.vector_load %arg10[%swap3A_543] {strides = array<i32>} : memref<1152xf32, #tpu.memory_space<vmem>>, vector<16xf32>,
      %swap3A_545 = vector.shape_cast %swap3A_544 : vector<16xf32> to vector<16xf32>
      %swap3A_546 = vector.shape_cast %scan3A_521#5 : vector<16xf32> to vector<16xf32>
      tpu.vector_store %arg10[%swap3A_543], %swap3A_546 {strides = array<i32>} : memref<1152xf32, #tpu.memory_space<vmem>>, vector<16xf32>,
      %swap3A_547 = arith.constant 608 : index
      %swap3A_548 = tpu.vector_load %arg10[%swap3A_547] {strides = array<i32>} : memref<1152xf32, #tpu.memory_space<vmem>>, vector<16xf32>,
      %swap3A_549 = vector.shape_cast %swap3A_548 : vector<16xf32> to vector<16xf32>
      %swap3A_550 = vector.shape_cast %scan3A_521#6 : vector<16xf32> to vector<16xf32>
      tpu.vector_store %arg10[%swap3A_547], %swap3A_550 {strides = array<i32>} : memref<1152xf32, #tpu.memory_space<vmem>>, vector<16xf32>,
      %swap3A_551 = arith.constant 624 : index
      %swap3A_552 = tpu.vector_load %arg10[%swap3A_551] {strides = array<i32>} : memref<1152xf32, #tpu.memory_space<vmem>>, vector<16xf32>,
      %swap3A_553 = vector.shape_cast %swap3A_552 : vector<16xf32> to vector<16xf32>
      %swap3A_554 = vector.shape_cast %scan3A_521#7 : vector<16xf32> to vector<16xf32>
      tpu.vector_store %arg10[%swap3A_551], %swap3A_554 {strides = array<i32>} : memref<1152xf32, #tpu.memory_space<vmem>>, vector<16xf32>,
      %swap3A_555 = arith.constant 640 : index
      %swap3A_556 = tpu.vector_load %arg10[%swap3A_555] {strides = array<i32>} : memref<1152xf32, #tpu.memory_space<vmem>>, vector<16xf32>,
      %swap3A_557 = vector.shape_cast %swap3A_556 : vector<16xf32> to vector<16xf32>
      %swap3A_558 = vector.shape_cast %scan3A_521#8 : vector<16xf32> to vector<16xf32>
      tpu.vector_store %arg10[%swap3A_555], %swap3A_558 {strides = array<i32>} : memref<1152xf32, #tpu.memory_space<vmem>>, vector<16xf32>,
      %swap3A_559 = arith.constant 656 : index
      %swap3A_560 = tpu.vector_load %arg10[%swap3A_559] {strides = array<i32>} : memref<1152xf32, #tpu.memory_space<vmem>>, vector<16xf32>,
      %swap3A_561 = vector.shape_cast %swap3A_560 : vector<16xf32> to vector<16xf32>
      %swap3A_562 = vector.shape_cast %scan3A_521#9 : vector<16xf32> to vector<16xf32>
      tpu.vector_store %arg10[%swap3A_559], %swap3A_562 {strides = array<i32>} : memref<1152xf32, #tpu.memory_space<vmem>>, vector<16xf32>,
      %swap3A_563 = arith.constant 672 : index
      %swap3A_564 = tpu.vector_load %arg10[%swap3A_563] {strides = array<i32>} : memref<1152xf32, #tpu.memory_space<vmem>>, vector<16xf32>,
      %swap3A_565 = vector.shape_cast %swap3A_564 : vector<16xf32> to vector<16xf32>
      %swap3A_566 = vector.shape_cast %scan3A_521#10 : vector<16xf32> to vector<16xf32>
      tpu.vector_store %arg10[%swap3A_563], %swap3A_566 {strides = array<i32>} : memref<1152xf32, #tpu.memory_space<vmem>>, vector<16xf32>,
      %swap3A_567 = arith.constant 688 : index
      %swap3A_568 = tpu.vector_load %arg10[%swap3A_567] {strides = array<i32>} : memref<1152xf32, #tpu.memory_space<vmem>>, vector<16xf32>,
      %swap3A_569 = vector.shape_cast %swap3A_568 : vector<16xf32> to vector<16xf32>
      %swap3A_570 = vector.shape_cast %scan3A_521#11 : vector<16xf32> to vector<16xf32>
      tpu.vector_store %arg10[%swap3A_567], %swap3A_570 {strides = array<i32>} : memref<1152xf32, #tpu.memory_space<vmem>>, vector<16xf32>,
      %swap3A_571 = arith.constant 704 : index
      %swap3A_572 = tpu.vector_load %arg10[%swap3A_571] {strides = array<i32>} : memref<1152xf32, #tpu.memory_space<vmem>>, vector<16xf32>,
      %swap3A_573 = vector.shape_cast %swap3A_572 : vector<16xf32> to vector<16xf32>
      %swap3A_574 = vector.shape_cast %scan3A_521#12 : vector<16xf32> to vector<16xf32>
      tpu.vector_store %arg10[%swap3A_571], %swap3A_574 {strides = array<i32>} : memref<1152xf32, #tpu.memory_space<vmem>>, vector<16xf32>,
      %swap3A_575 = arith.constant 720 : index
      %swap3A_576 = tpu.vector_load %arg10[%swap3A_575] {strides = array<i32>} : memref<1152xf32, #tpu.memory_space<vmem>>, vector<16xf32>,
      %swap3A_577 = vector.shape_cast %swap3A_576 : vector<16xf32> to vector<16xf32>
      %swap3A_578 = vector.shape_cast %scan3A_521#13 : vector<16xf32> to vector<16xf32>
      tpu.vector_store %arg10[%swap3A_575], %swap3A_578 {strides = array<i32>} : memref<1152xf32, #tpu.memory_space<vmem>>, vector<16xf32>,
      %swap3A_579 = arith.constant 736 : index
      %swap3A_580 = tpu.vector_load %arg10[%swap3A_579] {strides = array<i32>} : memref<1152xf32, #tpu.memory_space<vmem>>, vector<16xf32>,
      %swap3A_581 = vector.shape_cast %swap3A_580 : vector<16xf32> to vector<16xf32>
      %swap3A_582 = vector.shape_cast %scan3A_521#14 : vector<16xf32> to vector<16xf32>
      tpu.vector_store %arg10[%swap3A_579], %swap3A_582 {strides = array<i32>} : memref<1152xf32, #tpu.memory_space<vmem>>, vector<16xf32>,
      %swap3A_583 = arith.constant 752 : index
      %swap3A_584 = tpu.vector_load %arg10[%swap3A_583] {strides = array<i32>} : memref<1152xf32, #tpu.memory_space<vmem>>, vector<16xf32>,
      %swap3A_585 = vector.shape_cast %swap3A_584 : vector<16xf32> to vector<16xf32>
      %swap3A_586 = vector.shape_cast %scan3A_521#15 : vector<16xf32> to vector<16xf32>
      tpu.vector_store %arg10[%swap3A_583], %swap3A_586 {strides = array<i32>} : memref<1152xf32, #tpu.memory_space<vmem>>, vector<16xf32>,
      %swap3A_587 = arith.constant 768 : index
      %swap3A_588 = tpu.vector_load %arg10[%swap3A_587] {strides = array<i32>} : memref<1152xf32, #tpu.memory_space<vmem>>, vector<16xf32>,
      %swap3A_589 = vector.shape_cast %swap3A_588 : vector<16xf32> to vector<16xf32>
      %swap3A_590 = vector.shape_cast %scan3A_521#16 : vector<16xf32> to vector<16xf32>
      tpu.vector_store %arg10[%swap3A_587], %swap3A_590 {strides = array<i32>} : memref<1152xf32, #tpu.memory_space<vmem>>, vector<16xf32>,
      %swap3A_591 = arith.constant 784 : index
      %swap3A_592 = tpu.vector_load %arg10[%swap3A_591] {strides = array<i32>} : memref<1152xf32, #tpu.memory_space<vmem>>, vector<16xf32>,
      %swap3A_593 = vector.shape_cast %swap3A_592 : vector<16xf32> to vector<16xf32>
      %swap3A_594 = vector.shape_cast %scan3A_521#17 : vector<16xf32> to vector<16xf32>
      tpu.vector_store %arg10[%swap3A_591], %swap3A_594 {strides = array<i32>} : memref<1152xf32, #tpu.memory_space<vmem>>, vector<16xf32>,
      %swap3A_595 = arith.constant 800 : index
      %swap3A_596 = tpu.vector_load %arg10[%swap3A_595] {strides = array<i32>} : memref<1152xf32, #tpu.memory_space<vmem>>, vector<16xf32>,
      %swap3A_597 = vector.shape_cast %swap3A_596 : vector<16xf32> to vector<16xf32>
      %swap3A_598 = vector.shape_cast %scan3A_521#18 : vector<16xf32> to vector<16xf32>
      tpu.vector_store %arg10[%swap3A_595], %swap3A_598 {strides = array<i32>} : memref<1152xf32, #tpu.memory_space<vmem>>, vector<16xf32>,
      %swap3A_599 = arith.constant 816 : index
      %swap3A_600 = tpu.vector_load %arg10[%swap3A_599] {strides = array<i32>} : memref<1152xf32, #tpu.memory_space<vmem>>, vector<16xf32>,
      %swap3A_601 = vector.shape_cast %swap3A_600 : vector<16xf32> to vector<16xf32>
      %swap3A_602 = vector.shape_cast %scan3A_521#19 : vector<16xf32> to vector<16xf32>
      tpu.vector_store %arg10[%swap3A_599], %swap3A_602 {strides = array<i32>} : memref<1152xf32, #tpu.memory_space<vmem>>, vector<16xf32>,
      %swap3A_603 = arith.constant 832 : index
      %swap3A_604 = tpu.vector_load %arg10[%swap3A_603] {strides = array<i32>} : memref<1152xf32, #tpu.memory_space<vmem>>, vector<16xf32>,
      %swap3A_605 = vector.shape_cast %swap3A_604 : vector<16xf32> to vector<16xf32>
      %swap3A_606 = vector.shape_cast %scan3A_521#20 : vector<16xf32> to vector<16xf32>
      tpu.vector_store %arg10[%swap3A_603], %swap3A_606 {strides = array<i32>} : memref<1152xf32, #tpu.memory_space<vmem>>, vector<16xf32>,
      %swap3A_607 = arith.constant 848 : index
      %swap3A_608 = tpu.vector_load %arg10[%swap3A_607] {strides = array<i32>} : memref<1152xf32, #tpu.memory_space<vmem>>, vector<16xf32>,
      %swap3A_609 = vector.shape_cast %swap3A_608 : vector<16xf32> to vector<16xf32>
      %swap3A_610 = vector.shape_cast %scan3A_521#21 : vector<16xf32> to vector<16xf32>
      tpu.vector_store %arg10[%swap3A_607], %swap3A_610 {strides = array<i32>} : memref<1152xf32, #tpu.memory_space<vmem>>, vector<16xf32>,
      %swap3A_611 = arith.constant 864 : index
      %swap3A_612 = tpu.vector_load %arg10[%swap3A_611] {strides = array<i32>} : memref<1152xf32, #tpu.memory_space<vmem>>, vector<16xf32>,
      %swap3A_613 = vector.shape_cast %swap3A_612 : vector<16xf32> to vector<16xf32>
      %swap3A_614 = vector.shape_cast %scan3A_521#22 : vector<16xf32> to vector<16xf32>
      tpu.vector_store %arg10[%swap3A_611], %swap3A_614 {strides = array<i32>} : memref<1152xf32, #tpu.memory_space<vmem>>, vector<16xf32>,
      %swap3A_615 = arith.constant 880 : index
      %swap3A_616 = tpu.vector_load %arg10[%swap3A_615] {strides = array<i32>} : memref<1152xf32, #tpu.memory_space<vmem>>, vector<16xf32>,
      %swap3A_617 = vector.shape_cast %swap3A_616 : vector<16xf32> to vector<16xf32>
      %swap3A_618 = vector.shape_cast %scan3A_521#23 : vector<16xf32> to vector<16xf32>
      tpu.vector_store %arg10[%swap3A_615], %swap3A_618 {strides = array<i32>} : memref<1152xf32, #tpu.memory_space<vmem>>, vector<16xf32>,
      %swap3A_619 = arith.constant 896 : index
      %swap3A_620 = tpu.vector_load %arg10[%swap3A_619] {strides = array<i32>} : memref<1152xf32, #tpu.memory_space<vmem>>, vector<16xf32>,
      %swap3A_621 = vector.shape_cast %swap3A_620 : vector<16xf32> to vector<16xf32>
      %swap3A_622 = vector.shape_cast %scan3A_521#24 : vector<16xf32> to vector<16xf32>
      tpu.vector_store %arg10[%swap3A_619], %swap3A_622 {strides = array<i32>} : memref<1152xf32, #tpu.memory_space<vmem>>, vector<16xf32>,
      %swap3A_623 = arith.constant 912 : index
      %swap3A_624 = tpu.vector_load %arg10[%swap3A_623] {strides = array<i32>} : memref<1152xf32, #tpu.memory_space<vmem>>, vector<16xf32>,
      %swap3A_625 = vector.shape_cast %swap3A_624 : vector<16xf32> to vector<16xf32>
      %swap3A_626 = vector.shape_cast %scan3A_521#25 : vector<16xf32> to vector<16xf32>
      tpu.vector_store %arg10[%swap3A_623], %swap3A_626 {strides = array<i32>} : memref<1152xf32, #tpu.memory_space<vmem>>, vector<16xf32>,
      %swap3A_627 = arith.constant 928 : index
      %swap3A_628 = tpu.vector_load %arg10[%swap3A_627] {strides = array<i32>} : memref<1152xf32, #tpu.memory_space<vmem>>, vector<16xf32>,
      %swap3A_629 = vector.shape_cast %swap3A_628 : vector<16xf32> to vector<16xf32>
      %swap3A_630 = vector.shape_cast %scan3A_521#26 : vector<16xf32> to vector<16xf32>
      tpu.vector_store %arg10[%swap3A_627], %swap3A_630 {strides = array<i32>} : memref<1152xf32, #tpu.memory_space<vmem>>, vector<16xf32>,
      %swap3A_631 = arith.constant 944 : index
      %swap3A_632 = tpu.vector_load %arg10[%swap3A_631] {strides = array<i32>} : memref<1152xf32, #tpu.memory_space<vmem>>, vector<16xf32>,
      %swap3A_633 = vector.shape_cast %swap3A_632 : vector<16xf32> to vector<16xf32>
      %swap3A_634 = vector.shape_cast %scan3A_521#27 : vector<16xf32> to vector<16xf32>
      tpu.vector_store %arg10[%swap3A_631], %swap3A_634 {strides = array<i32>} : memref<1152xf32, #tpu.memory_space<vmem>>, vector<16xf32>,
      %swap3A_635 = arith.constant 960 : index
      %swap3A_636 = tpu.vector_load %arg10[%swap3A_635] {strides = array<i32>} : memref<1152xf32, #tpu.memory_space<vmem>>, vector<16xf32>,
      %swap3A_637 = vector.shape_cast %swap3A_636 : vector<16xf32> to vector<16xf32>
      %swap3A_638 = vector.shape_cast %scan3A_521#28 : vector<16xf32> to vector<16xf32>
      tpu.vector_store %arg10[%swap3A_635], %swap3A_638 {strides = array<i32>} : memref<1152xf32, #tpu.memory_space<vmem>>, vector<16xf32>,
      %swap3A_639 = arith.constant 976 : index
      %swap3A_640 = tpu.vector_load %arg10[%swap3A_639] {strides = array<i32>} : memref<1152xf32, #tpu.memory_space<vmem>>, vector<16xf32>,
      %swap3A_641 = vector.shape_cast %swap3A_640 : vector<16xf32> to vector<16xf32>
      %swap3A_642 = vector.shape_cast %scan3A_521#29 : vector<16xf32> to vector<16xf32>
      tpu.vector_store %arg10[%swap3A_639], %swap3A_642 {strides = array<i32>} : memref<1152xf32, #tpu.memory_space<vmem>>, vector<16xf32>,
      %swap3A_643 = arith.constant 992 : index
      %swap3A_644 = tpu.vector_load %arg10[%swap3A_643] {strides = array<i32>} : memref<1152xf32, #tpu.memory_space<vmem>>, vector<16xf32>,
      %swap3A_645 = vector.shape_cast %swap3A_644 : vector<16xf32> to vector<16xf32>
      %swap3A_646 = vector.shape_cast %scan3A_521#30 : vector<16xf32> to vector<16xf32>
      tpu.vector_store %arg10[%swap3A_643], %swap3A_646 {strides = array<i32>} : memref<1152xf32, #tpu.memory_space<vmem>>, vector<16xf32>,
      %swap3A_647 = arith.constant 1008 : index
      %swap3A_648 = tpu.vector_load %arg10[%swap3A_647] {strides = array<i32>} : memref<1152xf32, #tpu.memory_space<vmem>>, vector<16xf32>,
      %swap3A_649 = vector.shape_cast %swap3A_648 : vector<16xf32> to vector<16xf32>
      %swap3A_650 = vector.shape_cast %scan3A_521#31 : vector<16xf32> to vector<16xf32>
      tpu.vector_store %arg10[%swap3A_647], %swap3A_650 {strides = array<i32>} : memref<1152xf32, #tpu.memory_space<vmem>>, vector<16xf32>,
      %max3A_651 = arith.maximumf %scan3A_521#0, %scan3A_521#1 : vector<16xf32>
      %max3A_652 = arith.maximumf %max3A_651, %scan3A_521#2 : vector<16xf32>
      %max3A_653 = arith.maximumf %max3A_652, %scan3A_521#3 : vector<16xf32>
      %max3A_654 = arith.maximumf %max3A_653, %scan3A_521#4 : vector<16xf32>
      %max3A_655 = arith.maximumf %max3A_654, %scan3A_521#5 : vector<16xf32>
      %max3A_656 = arith.maximumf %max3A_655, %scan3A_521#6 : vector<16xf32>
      %max3A_657 = arith.maximumf %max3A_656, %scan3A_521#7 : vector<16xf32>
      %max3A_658 = arith.maximumf %max3A_657, %scan3A_521#8 : vector<16xf32>
      %max3A_659 = arith.maximumf %max3A_658, %scan3A_521#9 : vector<16xf32>
      %max3A_660 = arith.maximumf %max3A_659, %scan3A_521#10 : vector<16xf32>
      %max3A_661 = arith.maximumf %max3A_660, %scan3A_521#11 : vector<16xf32>
      %max3A_662 = arith.maximumf %max3A_661, %scan3A_521#12 : vector<16xf32>
      %max3A_663 = arith.maximumf %max3A_662, %scan3A_521#13 : vector<16xf32>
      %max3A_664 = arith.maximumf %max3A_663, %scan3A_521#14 : vector<16xf32>
      %max3A_665 = arith.maximumf %max3A_664, %scan3A_521#15 : vector<16xf32>
      %max3A_666 = arith.maximumf %max3A_665, %scan3A_521#16 : vector<16xf32>
      %max3A_667 = arith.maximumf %max3A_666, %scan3A_521#17 : vector<16xf32>
      %max3A_668 = arith.maximumf %max3A_667, %scan3A_521#18 : vector<16xf32>
      %max3A_669 = arith.maximumf %max3A_668, %scan3A_521#19 : vector<16xf32>
      %max3A_670 = arith.maximumf %max3A_669, %scan3A_521#20 : vector<16xf32>
      %max3A_671 = arith.maximumf %max3A_670, %scan3A_521#21 : vector<16xf32>
      %max3A_672 = arith.maximumf %max3A_671, %scan3A_521#22 : vector<16xf32>
      %max3A_673 = arith.maximumf %max3A_672, %scan3A_521#23 : vector<16xf32>
      %max3A_674 = arith.maximumf %max3A_673, %scan3A_521#24 : vector<16xf32>
      %max3A_675 = arith.maximumf %max3A_674, %scan3A_521#25 : vector<16xf32>
      %max3A_676 = arith.maximumf %max3A_675, %scan3A_521#26 : vector<16xf32>
      %max3A_677 = arith.maximumf %max3A_676, %scan3A_521#27 : vector<16xf32>
      %max3A_678 = arith.maximumf %max3A_677, %scan3A_521#28 : vector<16xf32>
      %max3A_679 = arith.maximumf %max3A_678, %scan3A_521#29 : vector<16xf32>
      %max3A_680 = arith.maximumf %max3A_679, %scan3A_521#30 : vector<16xf32>
      %max3A_681 = arith.maximumf %max3A_680, %scan3A_521#31 : vector<16xf32>
      %max3A_682 = arith.maximumf %max3A_301, %max3A_681 : vector<16xf32>
      %sub3A_683 = arith.subf %max3A_301, %max3A_682 : vector<16xf32>
      %exp3A_684 = math.exp %sub3A_683 : vector<16xf32>
      %mul3A_685 = arith.mulf %add3A_398, %exp3A_684 : vector<16xf32>
      %sub3A_686 = arith.subf %scan3A_521#0, %max3A_682 : vector<16xf32>
      %exp3A_687 = math.exp %sub3A_686 : vector<16xf32>
      %add3A_688 = arith.addf %mul3A_685, %exp3A_687 : vector<16xf32>
      %sub3A_689 = arith.subf %scan3A_521#1, %max3A_682 : vector<16xf32>
      %exp3A_690 = math.exp %sub3A_689 : vector<16xf32>
      %add3A_691 = arith.addf %add3A_688, %exp3A_690 : vector<16xf32>
      %sub3A_692 = arith.subf %scan3A_521#2, %max3A_682 : vector<16xf32>
      %exp3A_693 = math.exp %sub3A_692 : vector<16xf32>
      %add3A_694 = arith.addf %add3A_691, %exp3A_693 : vector<16xf32>
      %sub3A_695 = arith.subf %scan3A_521#3, %max3A_682 : vector<16xf32>
      %exp3A_696 = math.exp %sub3A_695 : vector<16xf32>
      %add3A_697 = arith.addf %add3A_694, %exp3A_696 : vector<16xf32>
      %sub3A_698 = arith.subf %scan3A_521#4, %max3A_682 : vector<16xf32>
      %exp3A_699 = math.exp %sub3A_698 : vector<16xf32>
      %add3A_700 = arith.addf %add3A_697, %exp3A_699 : vector<16xf32>
      %sub3A_701 = arith.subf %scan3A_521#5, %max3A_682 : vector<16xf32>
      %exp3A_702 = math.exp %sub3A_701 : vector<16xf32>
      %add3A_703 = arith.addf %add3A_700, %exp3A_702 : vector<16xf32>
      %sub3A_704 = arith.subf %scan3A_521#6, %max3A_682 : vector<16xf32>
      %exp3A_705 = math.exp %sub3A_704 : vector<16xf32>
      %add3A_706 = arith.addf %add3A_703, %exp3A_705 : vector<16xf32>
      %sub3A_707 = arith.subf %scan3A_521#7, %max3A_682 : vector<16xf32>
      %exp3A_708 = math.exp %sub3A_707 : vector<16xf32>
      %add3A_709 = arith.addf %add3A_706, %exp3A_708 : vector<16xf32>
      %sub3A_710 = arith.subf %scan3A_521#8, %max3A_682 : vector<16xf32>
      %exp3A_711 = math.exp %sub3A_710 : vector<16xf32>
      %add3A_712 = arith.addf %add3A_709, %exp3A_711 : vector<16xf32>
      %sub3A_713 = arith.subf %scan3A_521#9, %max3A_682 : vector<16xf32>
      %exp3A_714 = math.exp %sub3A_713 : vector<16xf32>
      %add3A_715 = arith.addf %add3A_712, %exp3A_714 : vector<16xf32>
      %sub3A_716 = arith.subf %scan3A_521#10, %max3A_682 : vector<16xf32>
      %exp3A_717 = math.exp %sub3A_716 : vector<16xf32>
      %add3A_718 = arith.addf %add3A_715, %exp3A_717 : vector<16xf32>
      %sub3A_719 = arith.subf %scan3A_521#11, %max3A_682 : vector<16xf32>
      %exp3A_720 = math.exp %sub3A_719 : vector<16xf32>
      %add3A_721 = arith.addf %add3A_718, %exp3A_720 : vector<16xf32>
      %sub3A_722 = arith.subf %scan3A_521#12, %max3A_682 : vector<16xf32>
      %exp3A_723 = math.exp %sub3A_722 : vector<16xf32>
      %add3A_724 = arith.addf %add3A_721, %exp3A_723 : vector<16xf32>
      %sub3A_725 = arith.subf %scan3A_521#13, %max3A_682 : vector<16xf32>
      %exp3A_726 = math.exp %sub3A_725 : vector<16xf32>
      %add3A_727 = arith.addf %add3A_724, %exp3A_726 : vector<16xf32>
      %sub3A_728 = arith.subf %scan3A_521#14, %max3A_682 : vector<16xf32>
      %exp3A_729 = math.exp %sub3A_728 : vector<16xf32>
      %add3A_730 = arith.addf %add3A_727, %exp3A_729 : vector<16xf32>
      %sub3A_731 = arith.subf %scan3A_521#15, %max3A_682 : vector<16xf32>
      %exp3A_732 = math.exp %sub3A_731 : vector<16xf32>
      %add3A_733 = arith.addf %add3A_730, %exp3A_732 : vector<16xf32>
      %sub3A_734 = arith.subf %scan3A_521#16, %max3A_682 : vector<16xf32>
      %exp3A_735 = math.exp %sub3A_734 : vector<16xf32>
      %add3A_736 = arith.addf %add3A_733, %exp3A_735 : vector<16xf32>
      %sub3A_737 = arith.subf %scan3A_521#17, %max3A_682 : vector<16xf32>
      %exp3A_738 = math.exp %sub3A_737 : vector<16xf32>
      %add3A_739 = arith.addf %add3A_736, %exp3A_738 : vector<16xf32>
      %sub3A_740 = arith.subf %scan3A_521#18, %max3A_682 : vector<16xf32>
      %exp3A_741 = math.exp %sub3A_740 : vector<16xf32>
      %add3A_742 = arith.addf %add3A_739, %exp3A_741 : vector<16xf32>
      %sub3A_743 = arith.subf %scan3A_521#19, %max3A_682 : vector<16xf32>
      %exp3A_744 = math.exp %sub3A_743 : vector<16xf32>
      %add3A_745 = arith.addf %add3A_742, %exp3A_744 : vector<16xf32>
      %sub3A_746 = arith.subf %scan3A_521#20, %max3A_682 : vector<16xf32>
      %exp3A_747 = math.exp %sub3A_746 : vector<16xf32>
      %add3A_748 = arith.addf %add3A_745, %exp3A_747 : vector<16xf32>
      %sub3A_749 = arith.subf %scan3A_521#21, %max3A_682 : vector<16xf32>
      %exp3A_750 = math.exp %sub3A_749 : vector<16xf32>
      %add3A_751 = arith.addf %add3A_748, %exp3A_750 : vector<16xf32>
      %sub3A_752 = arith.subf %scan3A_521#22, %max3A_682 : vector<16xf32>
      %exp3A_753 = math.exp %sub3A_752 : vector<16xf32>
      %add3A_754 = arith.addf %add3A_751, %exp3A_753 : vector<16xf32>
      %sub3A_755 = arith.subf %scan3A_521#23, %max3A_682 : vector<16xf32>
      %exp3A_756 = math.exp %sub3A_755 : vector<16xf32>
      %add3A_757 = arith.addf %add3A_754, %exp3A_756 : vector<16xf32>
      %sub3A_758 = arith.subf %scan3A_521#24, %max3A_682 : vector<16xf32>
      %exp3A_759 = math.exp %sub3A_758 : vector<16xf32>
      %add3A_760 = arith.addf %add3A_757, %exp3A_759 : vector<16xf32>
      %sub3A_761 = arith.subf %scan3A_521#25, %max3A_682 : vector<16xf32>
      %exp3A_762 = math.exp %sub3A_761 : vector<16xf32>
      %add3A_763 = arith.addf %add3A_760, %exp3A_762 : vector<16xf32>
      %sub3A_764 = arith.subf %scan3A_521#26, %max3A_682 : vector<16xf32>
      %exp3A_765 = math.exp %sub3A_764 : vector<16xf32>
      %add3A_766 = arith.addf %add3A_763, %exp3A_765 : vector<16xf32>
      %sub3A_767 = arith.subf %scan3A_521#27, %max3A_682 : vector<16xf32>
      %exp3A_768 = math.exp %sub3A_767 : vector<16xf32>
      %add3A_769 = arith.addf %add3A_766, %exp3A_768 : vector<16xf32>
      %sub3A_770 = arith.subf %scan3A_521#28, %max3A_682 : vector<16xf32>
      %exp3A_771 = math.exp %sub3A_770 : vector<16xf32>
      %add3A_772 = arith.addf %add3A_769, %exp3A_771 : vector<16xf32>
      %sub3A_773 = arith.subf %scan3A_521#29, %max3A_682 : vector<16xf32>
      %exp3A_774 = math.exp %sub3A_773 : vector<16xf32>
      %add3A_775 = arith.addf %add3A_772, %exp3A_774 : vector<16xf32>
      %sub3A_776 = arith.subf %scan3A_521#30, %max3A_682 : vector<16xf32>
      %exp3A_777 = math.exp %sub3A_776 : vector<16xf32>
      %add3A_778 = arith.addf %add3A_775, %exp3A_777 : vector<16xf32>
      %sub3A_779 = arith.subf %scan3A_521#31, %max3A_682 : vector<16xf32>
      %exp3A_780 = math.exp %sub3A_779 : vector<16xf32>
      %add3A_781 = arith.addf %add3A_778, %exp3A_780 : vector<16xf32>
      %dma_wait3A_782 = arith.constant 0 : i32
      %dma_wait3A_783 = arith.constant 0 : i32
      %dma_wait3A_784 = tpu.memref_slice %arg12[%dma_wait3A_782, %dma_wait3A_783] : memref<100x512xf32, #tpu.memory_space<vmem>> -> memref<100x128xf32, #tpu.memory_space<vmem>>
      %dma_wait3A_785 = arith.constant 0 : i32
      %dma_wait3A_786 = tpu.memref_slice %arg3[%dma_wait3A_785, %add3A_400] : memref<100x100000xf32, #tpu.memory_space<hbm>> -> memref<100x128xf32, #tpu.memory_space<hbm>>
      %dma_wait3A_787 = arith.constant 0 : i32
      %dma_wait3A_788 = arith.constant 0 : i32
      %dma_wait3A_789 = tpu.memref_slice %arg12[%dma_wait3A_787, %dma_wait3A_788] : memref<100x512xf32, #tpu.memory_space<vmem>> -> memref<100x128xf32, #tpu.memory_space<vmem>>
      %dma_wait3A_790 = arith.constant 0 : i32
      %dma_wait3A_791 = tpu.memref_slice %arg3[%dma_wait3A_790, %add3A_400] : memref<100x100000xf32, #tpu.memory_space<hbm>> -> memref<100x128xf32, #tpu.memory_space<hbm>>
      tpu.wait_dma2 semaphore(%arg14 : memref<!tpu.dma_semaphore, #tpu.memory_space<semaphore_mem>>) src(%dma_wait3A_791 : memref<100x128xf32, #tpu.memory_space<hbm>>) dst(%dma_wait3A_789 : memref<100x128xf32, #tpu.memory_space<vmem>>)
      %get3A_792 = arith.constant 1024 : index
      %get3A_793 = tpu.vector_load %arg9[%get3A_792] {strides = array<i32>} : memref<1152xf32, #tpu.memory_space<vmem>>, vector<16xf32>,
      %get3A_794 = vector.shape_cast %get3A_793 : vector<16xf32> to vector<16xf32>
      %get3A_795 = arith.constant 1040 : index
      %get3A_796 = tpu.vector_load %arg9[%get3A_795] {strides = array<i32>} : memref<1152xf32, #tpu.memory_space<vmem>>, vector<16xf32>,
      %get3A_797 = vector.shape_cast %get3A_796 : vector<16xf32> to vector<16xf32>
      %get3A_798 = arith.constant 1056 : index
      %get3A_799 = tpu.vector_load %arg9[%get3A_798] {strides = array<i32>} : memref<1152xf32, #tpu.memory_space<vmem>>, vector<16xf32>,
      %get3A_800 = vector.shape_cast %get3A_799 : vector<16xf32> to vector<16xf32>
      %get3A_801 = arith.constant 1072 : index
      %get3A_802 = tpu.vector_load %arg9[%get3A_801] {strides = array<i32>} : memref<1152xf32, #tpu.memory_space<vmem>>, vector<16xf32>,
      %get3A_803 = vector.shape_cast %get3A_802 : vector<16xf32> to vector<16xf32>
      %get3A_804 = arith.constant 1088 : index
      %get3A_805 = tpu.vector_load %arg9[%get3A_804] {strides = array<i32>} : memref<1152xf32, #tpu.memory_space<vmem>>, vector<16xf32>,
      %get3A_806 = vector.shape_cast %get3A_805 : vector<16xf32> to vector<16xf32>
      %get3A_807 = arith.constant 1104 : index
      %get3A_808 = tpu.vector_load %arg9[%get3A_807] {strides = array<i32>} : memref<1152xf32, #tpu.memory_space<vmem>>, vector<16xf32>,
      %get3A_809 = vector.shape_cast %get3A_808 : vector<16xf32> to vector<16xf32>
      %get3A_810 = arith.constant 1120 : index
      %get3A_811 = tpu.vector_load %arg9[%get3A_810] {strides = array<i32>} : memref<1152xf32, #tpu.memory_space<vmem>>, vector<16xf32>,
      %get3A_812 = vector.shape_cast %get3A_811 : vector<16xf32> to vector<16xf32>
      %get3A_813 = arith.constant 1136 : index
      %get3A_814 = tpu.vector_load %arg9[%get3A_813] {strides = array<i32>} : memref<1152xf32, #tpu.memory_space<vmem>>, vector<16xf32>,
      %get3A_815 = vector.shape_cast %get3A_814 : vector<16xf32> to vector<16xf32>
      %scan3A_816 = arith.constant 0 : i32
      %scan3A_817 = arith.constant 25 : i32
      %scan3A_818 = arith.addi %scan3A_816, %scan3A_817 : i32
      %scan3A_819 = arith.constant 1 : i32
      %scan3A_820:8 = scf.for %scan3A_901 = %scan3A_816 to %scan3A_818 step %scan3A_819 iter_args(%scan3A_902 = %get3A_794, %scan3A_903 = %get3A_797, %scan3A_904 = %get3A_800, %scan3A_905 = %get3A_803, %scan3A_906 = %get3A_806, %scan3A_907 = %get3A_809, %scan3A_908 = %get3A_812, %scan3A_909 = %get3A_815) -> (vector<16xf32>, vector<16xf32>, vector<16xf32>, vector<16xf32>, vector<16xf32>, vector<16xf32>, vector<16xf32>, vector<16xf32>)  : i32 {
        %mul3A_910 = arith.constant 4 : i32
        %mul3A_911 = arith.muli %scan3A_901, %mul3A_910 : i32
        %add3A_912 = arith.constant 0 : i32
        %add3A_913 = arith.addi %mul3A_911, %add3A_912 : i32
        %mul3A_914 = arith.constant 16 : i32
        %mul3A_915 = arith.muli %add3A_913, %mul3A_914 : i32
        %get3A_916 = arith.index_cast %mul3A_915 : i32 to index
        %get3A_917 = tpu.vector_load %arg8[%get3A_916] {strides = array<i32>} : memref<1600xf32, #tpu.memory_space<vmem>>, vector<16xf32>,
        %get3A_918 = vector.shape_cast %get3A_917 : vector<16xf32> to vector<16xf32>
        %get3A_919 = arith.index_cast %add3A_913 : i32 to index
        %get3A_920 = arith.constant 0 : index
        %get3A_921 = tpu.vector_load %arg12[%get3A_919, %get3A_920] {strides = array<i32>} : memref<100x512xf32, #tpu.memory_space<vmem>>, vector<1x16xf32>,
        %get3A_922 = vector.shape_cast %get3A_921 : vector<1x16xf32> to vector<16xf32>
        %mul3A_923 = arith.mulf %get3A_918, %get3A_922 : vector<16xf32>
        %add3A_924 = arith.addf %scan3A_902, %mul3A_923 : vector<16xf32>
        %get3A_925 = arith.index_cast %add3A_913 : i32 to index
        %get3A_926 = arith.constant 16 : index
        %get3A_927 = tpu.vector_load %arg12[%get3A_925, %get3A_926] {strides = array<i32>} : memref<100x512xf32, #tpu.memory_space<vmem>>, vector<1x16xf32>,
        %get3A_928 = vector.shape_cast %get3A_927 : vector<1x16xf32> to vector<16xf32>
        %mul3A_929 = arith.mulf %get3A_918, %get3A_928 : vector<16xf32>
        %add3A_930 = arith.addf %scan3A_903, %mul3A_929 : vector<16xf32>
        %get3A_931 = arith.index_cast %add3A_913 : i32 to index
        %get3A_932 = arith.constant 32 : index
        %get3A_933 = tpu.vector_load %arg12[%get3A_931, %get3A_932] {strides = array<i32>} : memref<100x512xf32, #tpu.memory_space<vmem>>, vector<1x16xf32>,
        %get3A_934 = vector.shape_cast %get3A_933 : vector<1x16xf32> to vector<16xf32>
        %mul3A_935 = arith.mulf %get3A_918, %get3A_934 : vector<16xf32>
        %add3A_936 = arith.addf %scan3A_904, %mul3A_935 : vector<16xf32>
        %get3A_937 = arith.index_cast %add3A_913 : i32 to index
        %get3A_938 = arith.constant 48 : index
        %get3A_939 = tpu.vector_load %arg12[%get3A_937, %get3A_938] {strides = array<i32>} : memref<100x512xf32, #tpu.memory_space<vmem>>, vector<1x16xf32>,
        %get3A_940 = vector.shape_cast %get3A_939 : vector<1x16xf32> to vector<16xf32>
        %mul3A_941 = arith.mulf %get3A_918, %get3A_940 : vector<16xf32>
        %add3A_942 = arith.addf %scan3A_905, %mul3A_941 : vector<16xf32>
        %get3A_943 = arith.index_cast %add3A_913 : i32 to index
        %get3A_944 = arith.constant 64 : index
        %get3A_945 = tpu.vector_load %arg12[%get3A_943, %get3A_944] {strides = array<i32>} : memref<100x512xf32, #tpu.memory_space<vmem>>, vector<1x16xf32>,
        %get3A_946 = vector.shape_cast %get3A_945 : vector<1x16xf32> to vector<16xf32>
        %mul3A_947 = arith.mulf %get3A_918, %get3A_946 : vector<16xf32>
        %add3A_948 = arith.addf %scan3A_906, %mul3A_947 : vector<16xf32>
        %get3A_949 = arith.index_cast %add3A_913 : i32 to index
        %get3A_950 = arith.constant 80 : index
        %get3A_951 = tpu.vector_load %arg12[%get3A_949, %get3A_950] {strides = array<i32>} : memref<100x512xf32, #tpu.memory_space<vmem>>, vector<1x16xf32>,
        %get3A_952 = vector.shape_cast %get3A_951 : vector<1x16xf32> to vector<16xf32>
        %mul3A_953 = arith.mulf %get3A_918, %get3A_952 : vector<16xf32>
        %add3A_954 = arith.addf %scan3A_907, %mul3A_953 : vector<16xf32>
        %get3A_955 = arith.index_cast %add3A_913 : i32 to index
        %get3A_956 = arith.constant 96 : index
        %get3A_957 = tpu.vector_load %arg12[%get3A_955, %get3A_956] {strides = array<i32>} : memref<100x512xf32, #tpu.memory_space<vmem>>, vector<1x16xf32>,
        %get3A_958 = vector.shape_cast %get3A_957 : vector<1x16xf32> to vector<16xf32>
        %mul3A_959 = arith.mulf %get3A_918, %get3A_958 : vector<16xf32>
        %add3A_960 = arith.addf %scan3A_908, %mul3A_959 : vector<16xf32>
        %get3A_961 = arith.index_cast %add3A_913 : i32 to index
        %get3A_962 = arith.constant 112 : index
        %get3A_963 = tpu.vector_load %arg12[%get3A_961, %get3A_962] {strides = array<i32>} : memref<100x512xf32, #tpu.memory_space<vmem>>, vector<1x16xf32>,
        %get3A_964 = vector.shape_cast %get3A_963 : vector<1x16xf32> to vector<16xf32>
        %mul3A_965 = arith.mulf %get3A_918, %get3A_964 : vector<16xf32>
        %add3A_966 = arith.addf %scan3A_909, %mul3A_965 : vector<16xf32>
        %mul3A_967 = arith.constant 4 : i32
        %mul3A_968 = arith.muli %scan3A_901, %mul3A_967 : i32
        %add3A_969 = arith.constant 1 : i32
        %add3A_970 = arith.addi %mul3A_968, %add3A_969 : i32
        %mul3A_971 = arith.constant 16 : i32
        %mul3A_972 = arith.muli %add3A_970, %mul3A_971 : i32
        %get3A_973 = arith.index_cast %mul3A_972 : i32 to index
        %get3A_974 = tpu.vector_load %arg8[%get3A_973] {strides = array<i32>} : memref<1600xf32, #tpu.memory_space<vmem>>, vector<16xf32>,
        %get3A_975 = vector.shape_cast %get3A_974 : vector<16xf32> to vector<16xf32>
        %get3A_976 = arith.index_cast %add3A_970 : i32 to index
        %get3A_977 = arith.constant 0 : index
        %get3A_978 = tpu.vector_load %arg12[%get3A_976, %get3A_977] {strides = array<i32>} : memref<100x512xf32, #tpu.memory_space<vmem>>, vector<1x16xf32>,
        %get3A_979 = vector.shape_cast %get3A_978 : vector<1x16xf32> to vector<16xf32>
        %mul3A_980 = arith.mulf %get3A_975, %get3A_979 : vector<16xf32>
        %add3A_981 = arith.addf %add3A_924, %mul3A_980 : vector<16xf32>
        %get3A_982 = arith.index_cast %add3A_970 : i32 to index
        %get3A_983 = arith.constant 16 : index
        %get3A_984 = tpu.vector_load %arg12[%get3A_982, %get3A_983] {strides = array<i32>} : memref<100x512xf32, #tpu.memory_space<vmem>>, vector<1x16xf32>,
        %get3A_985 = vector.shape_cast %get3A_984 : vector<1x16xf32> to vector<16xf32>
        %mul3A_986 = arith.mulf %get3A_975, %get3A_985 : vector<16xf32>
        %add3A_987 = arith.addf %add3A_930, %mul3A_986 : vector<16xf32>
        %get3A_988 = arith.index_cast %add3A_970 : i32 to index
        %get3A_989 = arith.constant 32 : index
        %get3A_990 = tpu.vector_load %arg12[%get3A_988, %get3A_989] {strides = array<i32>} : memref<100x512xf32, #tpu.memory_space<vmem>>, vector<1x16xf32>,
        %get3A_991 = vector.shape_cast %get3A_990 : vector<1x16xf32> to vector<16xf32>
        %mul3A_992 = arith.mulf %get3A_975, %get3A_991 : vector<16xf32>
        %add3A_993 = arith.addf %add3A_936, %mul3A_992 : vector<16xf32>
        %get3A_994 = arith.index_cast %add3A_970 : i32 to index
        %get3A_995 = arith.constant 48 : index
        %get3A_996 = tpu.vector_load %arg12[%get3A_994, %get3A_995] {strides = array<i32>} : memref<100x512xf32, #tpu.memory_space<vmem>>, vector<1x16xf32>,
        %get3A_997 = vector.shape_cast %get3A_996 : vector<1x16xf32> to vector<16xf32>
        %mul3A_998 = arith.mulf %get3A_975, %get3A_997 : vector<16xf32>
        %add3A_999 = arith.addf %add3A_942, %mul3A_998 : vector<16xf32>
        %get3A_1000 = arith.index_cast %add3A_970 : i32 to index
        %get3A_1001 = arith.constant 64 : index
        %get3A_1002 = tpu.vector_load %arg12[%get3A_1000, %get3A_1001] {strides = array<i32>} : memref<100x512xf32, #tpu.memory_space<vmem>>, vector<1x16xf32>,
        %get3A_1003 = vector.shape_cast %get3A_1002 : vector<1x16xf32> to vector<16xf32>
        %mul3A_1004 = arith.mulf %get3A_975, %get3A_1003 : vector<16xf32>
        %add3A_1005 = arith.addf %add3A_948, %mul3A_1004 : vector<16xf32>
        %get3A_1006 = arith.index_cast %add3A_970 : i32 to index
        %get3A_1007 = arith.constant 80 : index
        %get3A_1008 = tpu.vector_load %arg12[%get3A_1006, %get3A_1007] {strides = array<i32>} : memref<100x512xf32, #tpu.memory_space<vmem>>, vector<1x16xf32>,
        %get3A_1009 = vector.shape_cast %get3A_1008 : vector<1x16xf32> to vector<16xf32>
        %mul3A_1010 = arith.mulf %get3A_975, %get3A_1009 : vector<16xf32>
        %add3A_1011 = arith.addf %add3A_954, %mul3A_1010 : vector<16xf32>
        %get3A_1012 = arith.index_cast %add3A_970 : i32 to index
        %get3A_1013 = arith.constant 96 : index
        %get3A_1014 = tpu.vector_load %arg12[%get3A_1012, %get3A_1013] {strides = array<i32>} : memref<100x512xf32, #tpu.memory_space<vmem>>, vector<1x16xf32>,
        %get3A_1015 = vector.shape_cast %get3A_1014 : vector<1x16xf32> to vector<16xf32>
        %mul3A_1016 = arith.mulf %get3A_975, %get3A_1015 : vector<16xf32>
        %add3A_1017 = arith.addf %add3A_960, %mul3A_1016 : vector<16xf32>
        %get3A_1018 = arith.index_cast %add3A_970 : i32 to index
        %get3A_1019 = arith.constant 112 : index
        %get3A_1020 = tpu.vector_load %arg12[%get3A_1018, %get3A_1019] {strides = array<i32>} : memref<100x512xf32, #tpu.memory_space<vmem>>, vector<1x16xf32>,
        %get3A_1021 = vector.shape_cast %get3A_1020 : vector<1x16xf32> to vector<16xf32>
        %mul3A_1022 = arith.mulf %get3A_975, %get3A_1021 : vector<16xf32>
        %add3A_1023 = arith.addf %add3A_966, %mul3A_1022 : vector<16xf32>
        %mul3A_1024 = arith.constant 4 : i32
        %mul3A_1025 = arith.muli %scan3A_901, %mul3A_1024 : i32
        %add3A_1026 = arith.constant 2 : i32
        %add3A_1027 = arith.addi %mul3A_1025, %add3A_1026 : i32
        %mul3A_1028 = arith.constant 16 : i32
        %mul3A_1029 = arith.muli %add3A_1027, %mul3A_1028 : i32
        %get3A_1030 = arith.index_cast %mul3A_1029 : i32 to index
        %get3A_1031 = tpu.vector_load %arg8[%get3A_1030] {strides = array<i32>} : memref<1600xf32, #tpu.memory_space<vmem>>, vector<16xf32>,
        %get3A_1032 = vector.shape_cast %get3A_1031 : vector<16xf32> to vector<16xf32>
        %get3A_1033 = arith.index_cast %add3A_1027 : i32 to index
        %get3A_1034 = arith.constant 0 : index
        %get3A_1035 = tpu.vector_load %arg12[%get3A_1033, %get3A_1034] {strides = array<i32>} : memref<100x512xf32, #tpu.memory_space<vmem>>, vector<1x16xf32>,
        %get3A_1036 = vector.shape_cast %get3A_1035 : vector<1x16xf32> to vector<16xf32>
        %mul3A_1037 = arith.mulf %get3A_1032, %get3A_1036 : vector<16xf32>
        %add3A_1038 = arith.addf %add3A_981, %mul3A_1037 : vector<16xf32>
        %get3A_1039 = arith.index_cast %add3A_1027 : i32 to index
        %get3A_1040 = arith.constant 16 : index
        %get3A_1041 = tpu.vector_load %arg12[%get3A_1039, %get3A_1040] {strides = array<i32>} : memref<100x512xf32, #tpu.memory_space<vmem>>, vector<1x16xf32>,
        %get3A_1042 = vector.shape_cast %get3A_1041 : vector<1x16xf32> to vector<16xf32>
        %mul3A_1043 = arith.mulf %get3A_1032, %get3A_1042 : vector<16xf32>
        %add3A_1044 = arith.addf %add3A_987, %mul3A_1043 : vector<16xf32>
        %get3A_1045 = arith.index_cast %add3A_1027 : i32 to index
        %get3A_1046 = arith.constant 32 : index
        %get3A_1047 = tpu.vector_load %arg12[%get3A_1045, %get3A_1046] {strides = array<i32>} : memref<100x512xf32, #tpu.memory_space<vmem>>, vector<1x16xf32>,
        %get3A_1048 = vector.shape_cast %get3A_1047 : vector<1x16xf32> to vector<16xf32>
        %mul3A_1049 = arith.mulf %get3A_1032, %get3A_1048 : vector<16xf32>
        %add3A_1050 = arith.addf %add3A_993, %mul3A_1049 : vector<16xf32>
        %get3A_1051 = arith.index_cast %add3A_1027 : i32 to index
        %get3A_1052 = arith.constant 48 : index
        %get3A_1053 = tpu.vector_load %arg12[%get3A_1051, %get3A_1052] {strides = array<i32>} : memref<100x512xf32, #tpu.memory_space<vmem>>, vector<1x16xf32>,
        %get3A_1054 = vector.shape_cast %get3A_1053 : vector<1x16xf32> to vector<16xf32>
        %mul3A_1055 = arith.mulf %get3A_1032, %get3A_1054 : vector<16xf32>
        %add3A_1056 = arith.addf %add3A_999, %mul3A_1055 : vector<16xf32>
        %get3A_1057 = arith.index_cast %add3A_1027 : i32 to index
        %get3A_1058 = arith.constant 64 : index
        %get3A_1059 = tpu.vector_load %arg12[%get3A_1057, %get3A_1058] {strides = array<i32>} : memref<100x512xf32, #tpu.memory_space<vmem>>, vector<1x16xf32>,
        %get3A_1060 = vector.shape_cast %get3A_1059 : vector<1x16xf32> to vector<16xf32>
        %mul3A_1061 = arith.mulf %get3A_1032, %get3A_1060 : vector<16xf32>
        %add3A_1062 = arith.addf %add3A_1005, %mul3A_1061 : vector<16xf32>
        %get3A_1063 = arith.index_cast %add3A_1027 : i32 to index
        %get3A_1064 = arith.constant 80 : index
        %get3A_1065 = tpu.vector_load %arg12[%get3A_1063, %get3A_1064] {strides = array<i32>} : memref<100x512xf32, #tpu.memory_space<vmem>>, vector<1x16xf32>,
        %get3A_1066 = vector.shape_cast %get3A_1065 : vector<1x16xf32> to vector<16xf32>
        %mul3A_1067 = arith.mulf %get3A_1032, %get3A_1066 : vector<16xf32>
        %add3A_1068 = arith.addf %add3A_1011, %mul3A_1067 : vector<16xf32>
        %get3A_1069 = arith.index_cast %add3A_1027 : i32 to index
        %get3A_1070 = arith.constant 96 : index
        %get3A_1071 = tpu.vector_load %arg12[%get3A_1069, %get3A_1070] {strides = array<i32>} : memref<100x512xf32, #tpu.memory_space<vmem>>, vector<1x16xf32>,
        %get3A_1072 = vector.shape_cast %get3A_1071 : vector<1x16xf32> to vector<16xf32>
        %mul3A_1073 = arith.mulf %get3A_1032, %get3A_1072 : vector<16xf32>
        %add3A_1074 = arith.addf %add3A_1017, %mul3A_1073 : vector<16xf32>
        %get3A_1075 = arith.index_cast %add3A_1027 : i32 to index
        %get3A_1076 = arith.constant 112 : index
        %get3A_1077 = tpu.vector_load %arg12[%get3A_1075, %get3A_1076] {strides = array<i32>} : memref<100x512xf32, #tpu.memory_space<vmem>>, vector<1x16xf32>,
        %get3A_1078 = vector.shape_cast %get3A_1077 : vector<1x16xf32> to vector<16xf32>
        %mul3A_1079 = arith.mulf %get3A_1032, %get3A_1078 : vector<16xf32>
        %add3A_1080 = arith.addf %add3A_1023, %mul3A_1079 : vector<16xf32>
        %mul3A_1081 = arith.constant 4 : i32
        %mul3A_1082 = arith.muli %scan3A_901, %mul3A_1081 : i32
        %add3A_1083 = arith.constant 3 : i32
        %add3A_1084 = arith.addi %mul3A_1082, %add3A_1083 : i32
        %mul3A_1085 = arith.constant 16 : i32
        %mul3A_1086 = arith.muli %add3A_1084, %mul3A_1085 : i32
        %get3A_1087 = arith.index_cast %mul3A_1086 : i32 to index
        %get3A_1088 = tpu.vector_load %arg8[%get3A_1087] {strides = array<i32>} : memref<1600xf32, #tpu.memory_space<vmem>>, vector<16xf32>,
        %get3A_1089 = vector.shape_cast %get3A_1088 : vector<16xf32> to vector<16xf32>
        %get3A_1090 = arith.index_cast %add3A_1084 : i32 to index
        %get3A_1091 = arith.constant 0 : index
        %get3A_1092 = tpu.vector_load %arg12[%get3A_1090, %get3A_1091] {strides = array<i32>} : memref<100x512xf32, #tpu.memory_space<vmem>>, vector<1x16xf32>,
        %get3A_1093 = vector.shape_cast %get3A_1092 : vector<1x16xf32> to vector<16xf32>
        %mul3A_1094 = arith.mulf %get3A_1089, %get3A_1093 : vector<16xf32>
        %add3A_1095 = arith.addf %add3A_1038, %mul3A_1094 : vector<16xf32>
        %get3A_1096 = arith.index_cast %add3A_1084 : i32 to index
        %get3A_1097 = arith.constant 16 : index
        %get3A_1098 = tpu.vector_load %arg12[%get3A_1096, %get3A_1097] {strides = array<i32>} : memref<100x512xf32, #tpu.memory_space<vmem>>, vector<1x16xf32>,
        %get3A_1099 = vector.shape_cast %get3A_1098 : vector<1x16xf32> to vector<16xf32>
        %mul3A_1100 = arith.mulf %get3A_1089, %get3A_1099 : vector<16xf32>
        %add3A_1101 = arith.addf %add3A_1044, %mul3A_1100 : vector<16xf32>
        %get3A_1102 = arith.index_cast %add3A_1084 : i32 to index
        %get3A_1103 = arith.constant 32 : index
        %get3A_1104 = tpu.vector_load %arg12[%get3A_1102, %get3A_1103] {strides = array<i32>} : memref<100x512xf32, #tpu.memory_space<vmem>>, vector<1x16xf32>,
        %get3A_1105 = vector.shape_cast %get3A_1104 : vector<1x16xf32> to vector<16xf32>
        %mul3A_1106 = arith.mulf %get3A_1089, %get3A_1105 : vector<16xf32>
        %add3A_1107 = arith.addf %add3A_1050, %mul3A_1106 : vector<16xf32>
        %get3A_1108 = arith.index_cast %add3A_1084 : i32 to index
        %get3A_1109 = arith.constant 48 : index
        %get3A_1110 = tpu.vector_load %arg12[%get3A_1108, %get3A_1109] {strides = array<i32>} : memref<100x512xf32, #tpu.memory_space<vmem>>, vector<1x16xf32>,
        %get3A_1111 = vector.shape_cast %get3A_1110 : vector<1x16xf32> to vector<16xf32>
        %mul3A_1112 = arith.mulf %get3A_1089, %get3A_1111 : vector<16xf32>
        %add3A_1113 = arith.addf %add3A_1056, %mul3A_1112 : vector<16xf32>
        %get3A_1114 = arith.index_cast %add3A_1084 : i32 to index
        %get3A_1115 = arith.constant 64 : index
        %get3A_1116 = tpu.vector_load %arg12[%get3A_1114, %get3A_1115] {strides = array<i32>} : memref<100x512xf32, #tpu.memory_space<vmem>>, vector<1x16xf32>,
        %get3A_1117 = vector.shape_cast %get3A_1116 : vector<1x16xf32> to vector<16xf32>
        %mul3A_1118 = arith.mulf %get3A_1089, %get3A_1117 : vector<16xf32>
        %add3A_1119 = arith.addf %add3A_1062, %mul3A_1118 : vector<16xf32>
        %get3A_1120 = arith.index_cast %add3A_1084 : i32 to index
        %get3A_1121 = arith.constant 80 : index
        %get3A_1122 = tpu.vector_load %arg12[%get3A_1120, %get3A_1121] {strides = array<i32>} : memref<100x512xf32, #tpu.memory_space<vmem>>, vector<1x16xf32>,
        %get3A_1123 = vector.shape_cast %get3A_1122 : vector<1x16xf32> to vector<16xf32>
        %mul3A_1124 = arith.mulf %get3A_1089, %get3A_1123 : vector<16xf32>
        %add3A_1125 = arith.addf %add3A_1068, %mul3A_1124 : vector<16xf32>
        %get3A_1126 = arith.index_cast %add3A_1084 : i32 to index
        %get3A_1127 = arith.constant 96 : index
        %get3A_1128 = tpu.vector_load %arg12[%get3A_1126, %get3A_1127] {strides = array<i32>} : memref<100x512xf32, #tpu.memory_space<vmem>>, vector<1x16xf32>,
        %get3A_1129 = vector.shape_cast %get3A_1128 : vector<1x16xf32> to vector<16xf32>
        %mul3A_1130 = arith.mulf %get3A_1089, %get3A_1129 : vector<16xf32>
        %add3A_1131 = arith.addf %add3A_1074, %mul3A_1130 : vector<16xf32>
        %get3A_1132 = arith.index_cast %add3A_1084 : i32 to index
        %get3A_1133 = arith.constant 112 : index
        %get3A_1134 = tpu.vector_load %arg12[%get3A_1132, %get3A_1133] {strides = array<i32>} : memref<100x512xf32, #tpu.memory_space<vmem>>, vector<1x16xf32>,
        %get3A_1135 = vector.shape_cast %get3A_1134 : vector<1x16xf32> to vector<16xf32>
        %mul3A_1136 = arith.mulf %get3A_1089, %get3A_1135 : vector<16xf32>
        %add3A_1137 = arith.addf %add3A_1080, %mul3A_1136 : vector<16xf32>
        scf.yield %add3A_1095, %add3A_1101, %add3A_1107, %add3A_1113, %add3A_1119, %add3A_1125, %add3A_1131, %add3A_1137 : vector<16xf32>, vector<16xf32>, vector<16xf32>, vector<16xf32>, vector<16xf32>, vector<16xf32>, vector<16xf32>, vector<16xf32>
      }
      %scan3A_821 = arith.constant 25 : i32
      %swap3A_822 = arith.constant 1024 : index
      %swap3A_823 = tpu.vector_load %arg10[%swap3A_822] {strides = array<i32>} : memref<1152xf32, #tpu.memory_space<vmem>>, vector<16xf32>,
      %swap3A_824 = vector.shape_cast %swap3A_823 : vector<16xf32> to vector<16xf32>
      %swap3A_825 = vector.shape_cast %scan3A_820#0 : vector<16xf32> to vector<16xf32>
      tpu.vector_store %arg10[%swap3A_822], %swap3A_825 {strides = array<i32>} : memref<1152xf32, #tpu.memory_space<vmem>>, vector<16xf32>,
      %swap3A_826 = arith.constant 1040 : index
      %swap3A_827 = tpu.vector_load %arg10[%swap3A_826] {strides = array<i32>} : memref<1152xf32, #tpu.memory_space<vmem>>, vector<16xf32>,
      %swap3A_828 = vector.shape_cast %swap3A_827 : vector<16xf32> to vector<16xf32>
      %swap3A_829 = vector.shape_cast %scan3A_820#1 : vector<16xf32> to vector<16xf32>
      tpu.vector_store %arg10[%swap3A_826], %swap3A_829 {strides = array<i32>} : memref<1152xf32, #tpu.memory_space<vmem>>, vector<16xf32>,
      %swap3A_830 = arith.constant 1056 : index
      %swap3A_831 = tpu.vector_load %arg10[%swap3A_830] {strides = array<i32>} : memref<1152xf32, #tpu.memory_space<vmem>>, vector<16xf32>,
      %swap3A_832 = vector.shape_cast %swap3A_831 : vector<16xf32> to vector<16xf32>
      %swap3A_833 = vector.shape_cast %scan3A_820#2 : vector<16xf32> to vector<16xf32>
      tpu.vector_store %arg10[%swap3A_830], %swap3A_833 {strides = array<i32>} : memref<1152xf32, #tpu.memory_space<vmem>>, vector<16xf32>,
      %swap3A_834 = arith.constant 1072 : index
      %swap3A_835 = tpu.vector_load %arg10[%swap3A_834] {strides = array<i32>} : memref<1152xf32, #tpu.memory_space<vmem>>, vector<16xf32>,
      %swap3A_836 = vector.shape_cast %swap3A_835 : vector<16xf32> to vector<16xf32>
      %swap3A_837 = vector.shape_cast %scan3A_820#3 : vector<16xf32> to vector<16xf32>
      tpu.vector_store %arg10[%swap3A_834], %swap3A_837 {strides = array<i32>} : memref<1152xf32, #tpu.memory_space<vmem>>, vector<16xf32>,
      %swap3A_838 = arith.constant 1088 : index
      %swap3A_839 = tpu.vector_load %arg10[%swap3A_838] {strides = array<i32>} : memref<1152xf32, #tpu.memory_space<vmem>>, vector<16xf32>,
      %swap3A_840 = vector.shape_cast %swap3A_839 : vector<16xf32> to vector<16xf32>
      %swap3A_841 = vector.shape_cast %scan3A_820#4 : vector<16xf32> to vector<16xf32>
      tpu.vector_store %arg10[%swap3A_838], %swap3A_841 {strides = array<i32>} : memref<1152xf32, #tpu.memory_space<vmem>>, vector<16xf32>,
      %swap3A_842 = arith.constant 1104 : index
      %swap3A_843 = tpu.vector_load %arg10[%swap3A_842] {strides = array<i32>} : memref<1152xf32, #tpu.memory_space<vmem>>, vector<16xf32>,
      %swap3A_844 = vector.shape_cast %swap3A_843 : vector<16xf32> to vector<16xf32>
      %swap3A_845 = vector.shape_cast %scan3A_820#5 : vector<16xf32> to vector<16xf32>
      tpu.vector_store %arg10[%swap3A_842], %swap3A_845 {strides = array<i32>} : memref<1152xf32, #tpu.memory_space<vmem>>, vector<16xf32>,
      %swap3A_846 = arith.constant 1120 : index
      %swap3A_847 = tpu.vector_load %arg10[%swap3A_846] {strides = array<i32>} : memref<1152xf32, #tpu.memory_space<vmem>>, vector<16xf32>,
      %swap3A_848 = vector.shape_cast %swap3A_847 : vector<16xf32> to vector<16xf32>
      %swap3A_849 = vector.shape_cast %scan3A_820#6 : vector<16xf32> to vector<16xf32>
      tpu.vector_store %arg10[%swap3A_846], %swap3A_849 {strides = array<i32>} : memref<1152xf32, #tpu.memory_space<vmem>>, vector<16xf32>,
      %swap3A_850 = arith.constant 1136 : index
      %swap3A_851 = tpu.vector_load %arg10[%swap3A_850] {strides = array<i32>} : memref<1152xf32, #tpu.memory_space<vmem>>, vector<16xf32>,
      %swap3A_852 = vector.shape_cast %swap3A_851 : vector<16xf32> to vector<16xf32>
      %swap3A_853 = vector.shape_cast %scan3A_820#7 : vector<16xf32> to vector<16xf32>
      tpu.vector_store %arg10[%swap3A_850], %swap3A_853 {strides = array<i32>} : memref<1152xf32, #tpu.memory_space<vmem>>, vector<16xf32>,
      %max3A_854 = arith.maximumf %scan3A_820#0, %scan3A_820#1 : vector<16xf32>
      %max3A_855 = arith.maximumf %max3A_854, %scan3A_820#2 : vector<16xf32>
      %max3A_856 = arith.maximumf %max3A_855, %scan3A_820#3 : vector<16xf32>
      %max3A_857 = arith.maximumf %max3A_856, %scan3A_820#4 : vector<16xf32>
      %max3A_858 = arith.maximumf %max3A_857, %scan3A_820#5 : vector<16xf32>
      %max3A_859 = arith.maximumf %max3A_858, %scan3A_820#6 : vector<16xf32>
      %max3A_860 = arith.maximumf %max3A_859, %scan3A_820#7 : vector<16xf32>
      %max3A_861 = arith.maximumf %max3A_682, %max3A_860 : vector<16xf32>
      %sub3A_862 = arith.subf %max3A_682, %max3A_861 : vector<16xf32>
      %exp3A_863 = math.exp %sub3A_862 : vector<16xf32>
      %mul3A_864 = arith.mulf %add3A_781, %exp3A_863 : vector<16xf32>
      %sub3A_865 = arith.subf %scan3A_820#0, %max3A_861 : vector<16xf32>
      %exp3A_866 = math.exp %sub3A_865 : vector<16xf32>
      %add3A_867 = arith.addf %mul3A_864, %exp3A_866 : vector<16xf32>
      %sub3A_868 = arith.subf %scan3A_820#1, %max3A_861 : vector<16xf32>
      %exp3A_869 = math.exp %sub3A_868 : vector<16xf32>
      %add3A_870 = arith.addf %add3A_867, %exp3A_869 : vector<16xf32>
      %sub3A_871 = arith.subf %scan3A_820#2, %max3A_861 : vector<16xf32>
      %exp3A_872 = math.exp %sub3A_871 : vector<16xf32>
      %add3A_873 = arith.addf %add3A_870, %exp3A_872 : vector<16xf32>
      %sub3A_874 = arith.subf %scan3A_820#3, %max3A_861 : vector<16xf32>
      %exp3A_875 = math.exp %sub3A_874 : vector<16xf32>
      %add3A_876 = arith.addf %add3A_873, %exp3A_875 : vector<16xf32>
      %sub3A_877 = arith.subf %scan3A_820#4, %max3A_861 : vector<16xf32>
      %exp3A_878 = math.exp %sub3A_877 : vector<16xf32>
      %add3A_879 = arith.addf %add3A_876, %exp3A_878 : vector<16xf32>
      %sub3A_880 = arith.subf %scan3A_820#5, %max3A_861 : vector<16xf32>
      %exp3A_881 = math.exp %sub3A_880 : vector<16xf32>
      %add3A_882 = arith.addf %add3A_879, %exp3A_881 : vector<16xf32>
      %sub3A_883 = arith.subf %scan3A_820#6, %max3A_861 : vector<16xf32>
      %exp3A_884 = math.exp %sub3A_883 : vector<16xf32>
      %add3A_885 = arith.addf %add3A_882, %exp3A_884 : vector<16xf32>
      %sub3A_886 = arith.subf %scan3A_820#7, %max3A_861 : vector<16xf32>
      %exp3A_887 = math.exp %sub3A_886 : vector<16xf32>
      %add3A_888 = arith.addf %add3A_885, %exp3A_887 : vector<16xf32>
      "tpu.region"() ({
        %run_scoped3A = tpu.sem_alloc : memref<!tpu.dma_semaphore, #tpu.memory_space<semaphore_mem>>
        %dma_start3A_901 = tpu.memref_slice %arg5[%add3A_6] : memref<100000xf32, #tpu.memory_space<hbm>> -> memref<1152xf32, #tpu.memory_space<hbm>>
        %dma_start3A_902 = tpu.memref_slice %arg5[%add3A_6] : memref<100000xf32, #tpu.memory_space<hbm>> -> memref<1152xf32, #tpu.memory_space<hbm>>
        tpu.enqueue_dma source(%arg10 : memref<1152xf32, #tpu.memory_space<vmem>>) target(%dma_start3A_902 : memref<1152xf32, #tpu.memory_space<hbm>>) target_semaphore(%run_scoped3A : memref<!tpu.dma_semaphore, #tpu.memory_space<semaphore_mem>>)
        %dma_wait3A_903 = tpu.memref_slice %arg5[%add3A_6] : memref<100000xf32, #tpu.memory_space<hbm>> -> memref<1152xf32, #tpu.memory_space<hbm>>
        %dma_wait3A_904 = tpu.memref_slice %arg5[%add3A_6] : memref<100000xf32, #tpu.memory_space<hbm>> -> memref<1152xf32, #tpu.memory_space<hbm>>
        tpu.wait_dma2 semaphore(%run_scoped3A : memref<!tpu.dma_semaphore, #tpu.memory_space<semaphore_mem>>) src(%arg10 : memref<1152xf32, #tpu.memory_space<vmem>>) dst(%dma_wait3A_904 : memref<1152xf32, #tpu.memory_space<hbm>>)
        tpu.yield
      }) : () -> ()
      %swap3A_889 = arith.constant 0 : index
      %swap3A_890 = tpu.vector_load %arg11[%swap3A_889] {strides = array<i32>} : memref<32xf32, #tpu.memory_space<vmem>>, vector<16xf32>,
      %swap3A_891 = vector.shape_cast %swap3A_890 : vector<16xf32> to vector<16xf32>
      %swap3A_892 = vector.shape_cast %max3A_861 : vector<16xf32> to vector<16xf32>
      tpu.vector_store %arg11[%swap3A_889], %swap3A_892 {strides = array<i32>} : memref<32xf32, #tpu.memory_space<vmem>>, vector<16xf32>,
      %mul3A_893 = arith.constant 16 : i32
      %mul3A_894 = arith.muli %add3A, %mul3A_893 : i32
      "tpu.region"() ({
        %run_scoped3A = tpu.sem_alloc : memref<!tpu.dma_semaphore, #tpu.memory_space<semaphore_mem>>
        %dma_start3A_901 = arith.constant 0 : i32
        %dma_start3A_902 = tpu.memref_slice %arg11[%dma_start3A_901] : memref<32xf32, #tpu.memory_space<vmem>> -> memref<16xf32, #tpu.memory_space<vmem>>
        %dma_start3A_903 = tpu.memref_slice %arg6[%mul3A_894] : memref<512xf32, #tpu.memory_space<hbm>> -> memref<16xf32, #tpu.memory_space<hbm>>
        %dma_start3A_904 = tpu.memref_slice %arg6[%mul3A_894] : memref<512xf32, #tpu.memory_space<hbm>> -> memref<16xf32, #tpu.memory_space<hbm>>
        %dma_start3A_905 = arith.constant 0 : i32
        %dma_start3A_906 = tpu.memref_slice %arg11[%dma_start3A_905] : memref<32xf32, #tpu.memory_space<vmem>> -> memref<16xf32, #tpu.memory_space<vmem>>
        tpu.enqueue_dma source(%dma_start3A_906 : memref<16xf32, #tpu.memory_space<vmem>>) target(%dma_start3A_904 : memref<16xf32, #tpu.memory_space<hbm>>) target_semaphore(%run_scoped3A : memref<!tpu.dma_semaphore, #tpu.memory_space<semaphore_mem>>)
        %dma_wait3A_907 = arith.constant 0 : i32
        %dma_wait3A_908 = tpu.memref_slice %arg11[%dma_wait3A_907] : memref<32xf32, #tpu.memory_space<vmem>> -> memref<16xf32, #tpu.memory_space<vmem>>
        %dma_wait3A_909 = tpu.memref_slice %arg6[%mul3A_894] : memref<512xf32, #tpu.memory_space<hbm>> -> memref<16xf32, #tpu.memory_space<hbm>>
        %dma_wait3A_910 = tpu.memref_slice %arg6[%mul3A_894] : memref<512xf32, #tpu.memory_space<hbm>> -> memref<16xf32, #tpu.memory_space<hbm>>
        %dma_wait3A_911 = arith.constant 0 : i32
        %dma_wait3A_912 = tpu.memref_slice %arg11[%dma_wait3A_911] : memref<32xf32, #tpu.memory_space<vmem>> -> memref<16xf32, #tpu.memory_space<vmem>>
        tpu.wait_dma2 semaphore(%run_scoped3A : memref<!tpu.dma_semaphore, #tpu.memory_space<semaphore_mem>>) src(%dma_wait3A_912 : memref<16xf32, #tpu.memory_space<vmem>>) dst(%dma_wait3A_910 : memref<16xf32, #tpu.memory_space<hbm>>)
        tpu.yield
      }) : () -> ()
      %swap3A_895 = arith.constant 16 : index
      %swap3A_896 = tpu.vector_load %arg11[%swap3A_895] {strides = array<i32>} : memref<32xf32, #tpu.memory_space<vmem>>, vector<16xf32>,
      %swap3A_897 = vector.shape_cast %swap3A_896 : vector<16xf32> to vector<16xf32>
      %swap3A_898 = vector.shape_cast %add3A_888 : vector<16xf32> to vector<16xf32>
      tpu.vector_store %arg11[%swap3A_895], %swap3A_898 {strides = array<i32>} : memref<32xf32, #tpu.memory_space<vmem>>, vector<16xf32>,
      %mul3A_899 = arith.constant 16 : i32
      %mul3A_900 = arith.muli %add3A, %mul3A_899 : i32
      "tpu.region"() ({
        %run_scoped3A = tpu.sem_alloc : memref<!tpu.dma_semaphore, #tpu.memory_space<semaphore_mem>>
        %dma_start3A_901 = arith.constant 16 : i32
        %dma_start3A_902 = tpu.memref_slice %arg11[%dma_start3A_901] : memref<32xf32, #tpu.memory_space<vmem>> -> memref<16xf32, #tpu.memory_space<vmem>>
        %dma_start3A_903 = tpu.memref_slice %arg7[%mul3A_900] : memref<512xf32, #tpu.memory_space<hbm>> -> memref<16xf32, #tpu.memory_space<hbm>>
        %dma_start3A_904 = tpu.memref_slice %arg7[%mul3A_900] : memref<512xf32, #tpu.memory_space<hbm>> -> memref<16xf32, #tpu.memory_space<hbm>>
        %dma_start3A_905 = arith.constant 16 : i32
        %dma_start3A_906 = tpu.memref_slice %arg11[%dma_start3A_905] : memref<32xf32, #tpu.memory_space<vmem>> -> memref<16xf32, #tpu.memory_space<vmem>>
        tpu.enqueue_dma source(%dma_start3A_906 : memref<16xf32, #tpu.memory_space<vmem>>) target(%dma_start3A_904 : memref<16xf32, #tpu.memory_space<hbm>>) target_semaphore(%run_scoped3A : memref<!tpu.dma_semaphore, #tpu.memory_space<semaphore_mem>>)
        %dma_wait3A_907 = arith.constant 16 : i32
        %dma_wait3A_908 = tpu.memref_slice %arg11[%dma_wait3A_907] : memref<32xf32, #tpu.memory_space<vmem>> -> memref<16xf32, #tpu.memory_space<vmem>>
        %dma_wait3A_909 = tpu.memref_slice %arg7[%mul3A_900] : memref<512xf32, #tpu.memory_space<hbm>> -> memref<16xf32, #tpu.memory_space<hbm>>
        %dma_wait3A_910 = tpu.memref_slice %arg7[%mul3A_900] : memref<512xf32, #tpu.memory_space<hbm>> -> memref<16xf32, #tpu.memory_space<hbm>>
        %dma_wait3A_911 = arith.constant 16 : i32
        %dma_wait3A_912 = tpu.memref_slice %arg11[%dma_wait3A_911] : memref<32xf32, #tpu.memory_space<vmem>> -> memref<16xf32, #tpu.memory_space<vmem>>
        tpu.wait_dma2 semaphore(%run_scoped3A : memref<!tpu.dma_semaphore, #tpu.memory_space<semaphore_mem>>) src(%dma_wait3A_912 : memref<16xf32, #tpu.memory_space<vmem>>) dst(%dma_wait3A_910 : memref<16xf32, #tpu.memory_space<hbm>>)
        tpu.yield
      }) : () -> ()
    } else {
    }
    return
  }
}

module attributes {stable_mosaic.version = 14 : i64} {
  func.func @_hidden_body(%arg0: i32, %arg1: memref<20xi32, #tpu.memory_space<smem>>, %arg2: memref<64x128xf32, #tpu.memory_space<vmem>>, %arg3: memref<64x128xf32, #tpu.memory_space<vmem>>, %arg4: memref<64x128xf32, #tpu.memory_space<vmem>>, %arg5: memref<64x128xf32, #tpu.memory_space<vmem>>, %arg6: memref<64x128xf32, #tpu.memory_space<vmem>>, %arg7: memref<64x128xf32, #tpu.memory_space<vmem>>, %arg8: memref<64x128xf32, #tpu.memory_space<vmem>>, %arg9: memref<64x128xf32, #tpu.memory_space<vmem>>, %arg10: memref<64x128xf32, #tpu.memory_space<vmem>>, %arg11: memref<64x128xf32, #tpu.memory_space<vmem>>, %arg12: memref<64x128xf32, #tpu.memory_space<vmem>>, %arg13: memref<64x128xf32, #tpu.memory_space<vmem>>, %arg14: memref<64x128xf32, #tpu.memory_space<vmem>>, %arg15: memref<64x128xf32, #tpu.memory_space<vmem>>, %arg16: memref<64x128xf32, #tpu.memory_space<vmem>>, %arg17: memref<64x128xf32, #tpu.memory_space<vmem>>, %arg18: memref<64x128xf32, #tpu.memory_space<vmem>>, %arg19: memref<64x128xf32, #tpu.memory_space<vmem>>, %arg20: memref<64x128xf32, #tpu.memory_space<vmem>>, %arg21: memref<64x128xf32, #tpu.memory_space<vmem>>, %arg22: memref<100x1280xf32, #tpu.memory_space<vmem>>, %arg23: memref<1x100xf32, #tpu.memory_space<vmem>>, %arg24: memref<1x100xf32, #tpu.memory_space<vmem>>) attributes {dimension_semantics = [#tpu.dimension_semantics<arbitrary>], iteration_bounds = array<i64: 1>, scalar_prefetch = 1 : i64, scratch_operands = 0 : i64, tpu.core_type = #tpu.core_type<tc>, window_params = [{transform_indices = @transform_0, window_bounds = array<i64: 64, 128>}, {transform_indices = @transform_1, window_bounds = array<i64: 64, 128>}, {transform_indices = @transform_2, window_bounds = array<i64: 64, 128>}, {transform_indices = @transform_3, window_bounds = array<i64: 64, 128>}, {transform_indices = @transform_4, window_bounds = array<i64: 64, 128>}, {transform_indices = @transform_5, window_bounds = array<i64: 64, 128>}, {transform_indices = @transform_6, window_bounds = array<i64: 64, 128>}, {transform_indices = @transform_7, window_bounds = array<i64: 64, 128>}, {transform_indices = @transform_8, window_bounds = array<i64: 64, 128>}, {transform_indices = @transform_9, window_bounds = array<i64: 64, 128>}, {transform_indices = @transform_10, window_bounds = array<i64: 64, 128>}, {transform_indices = @transform_11, window_bounds = array<i64: 64, 128>}, {transform_indices = @transform_12, window_bounds = array<i64: 64, 128>}, {transform_indices = @transform_13, window_bounds = array<i64: 64, 128>}, {transform_indices = @transform_14, window_bounds = array<i64: 64, 128>}, {transform_indices = @transform_15, window_bounds = array<i64: 64, 128>}, {transform_indices = @transform_16, window_bounds = array<i64: 64, 128>}, {transform_indices = @transform_17, window_bounds = array<i64: 64, 128>}, {transform_indices = @transform_18, window_bounds = array<i64: 64, 128>}, {transform_indices = @transform_19, window_bounds = array<i64: 64, 128>}, {pipeline_mode = #tpu.pipeline_mode<synchronous>, transform_indices = @transform_20, window_bounds = array<i64: 100, 1280>}, {pipeline_mode = #tpu.pipeline_mode<synchronous>, transform_indices = @transform_21, window_bounds = array<i64: 1, 100>}, {pipeline_mode = #tpu.pipeline_mode<synchronous>, transform_indices = @transform_22, window_bounds = array<i64: 1, 100>}]} {
    %get3A = arith.constant 0 : index
    %get3A_0 = arith.constant 0 : index
    %get3A_1 = vector.load %arg23[%get3A, %get3A_0] : memref<1x100xf32, #tpu.memory_space<vmem>>, vector<1x100xf32>
    %iota3A = tpu.iota {dimensions = array<i32: 0>} : vector<128x1xi32>
    %get3A_2 = arith.constant 0 : index
    %get3A_3 = memref.load %arg1[%get3A_2] : memref<20xi32, #tpu.memory_space<smem>>
    %jit3A = arith.constant 128 : i32
    %eq3A = arith.constant 0 : i32
    %eq3A_4 = arith.cmpi eq, %jit3A, %eq3A : i32
    %jit3A_5 = arith.constant 1 : i32
    %select_n3A = arith.select %eq3A_4, %jit3A_5, %jit3A : i32
    %rem3A = arith.remsi %get3A_3, %select_n3A : i32
    %ne3A = arith.constant 0 : i32
    %ne3A_6 = arith.cmpi ne, %rem3A, %ne3A : i32
    %lt3A = arith.constant 0 : i32
    %lt3A_7 = arith.cmpi slt, %rem3A, %lt3A : i32
    %lt3A_8 = arith.constant 0 : i32
    %lt3A_9 = arith.cmpi slt, %select_n3A, %lt3A_8 : i32
    %ne3A_10 = arith.xori %lt3A_7, %lt3A_9 : i1
    %and3A = arith.andi %ne3A_10, %ne3A_6 : i1
    %add3A = arith.addi %rem3A, %select_n3A : i32
    %select_n3A_11 = arith.select %and3A, %add3A, %rem3A : i32
    %eq3A_12 = vector.broadcast %select_n3A_11 : i32 to vector<128x1xi32>
    %eq3A_13 = arith.cmpi eq, %iota3A, %eq3A_12 : vector<128x1xi32>
    %convert_element_type3A = arith.extui %eq3A_13 : vector<128x1xi1> to vector<128x1xi32>
    %convert_element_type3A_14 = arith.sitofp %convert_element_type3A : vector<128x1xi32> to vector<128x1xf32>
    %get3A_15 = arith.constant 0 : index
    %get3A_16 = arith.constant 0 : index
    %get3A_17 = vector.load %arg2[%get3A_15, %get3A_16] : memref<64x128xf32, #tpu.memory_space<vmem>>, vector<64x128xf32>
    %dot_general3A = arith.constant dense<0.000000e+00> : vector<64x1xf32>
    %dot_general3A_18 = tpu.matmul %get3A_17, %convert_element_type3A_14, %dot_general3A {dimension_numbers = #tpu.dot_dimension_numbers<[1], [0], [0], [1], [0, 0, 1, 1], [], []>, transpose_lhs_hint = false} : vector<64x128xf32>, vector<128x1xf32>, vector<64x1xf32> -> vector<64x1xf32>
    %get3A_19 = arith.constant 0 : index
    %get3A_20 = arith.constant 0 : index
    %get3A_21 = vector.load %arg22[%get3A_19, %get3A_20] : memref<100x1280xf32, #tpu.memory_space<vmem>>, vector<100x64xf32>
    %dot_general3A_22 = arith.constant dense<0.000000e+00> : vector<1x100xf32>
    %dot_general3A_23 = tpu.matmul %dot_general3A_18, %get3A_21, %dot_general3A_22 {dimension_numbers = #tpu.dot_dimension_numbers<[0], [1], [1], [0], [0, 1, 1, 0], [], []>, transpose_lhs_hint = false} : vector<64x1xf32>, vector<100x64xf32>, vector<1x100xf32> -> vector<1x100xf32>
    %add3A_24 = arith.addf %get3A_1, %dot_general3A_23 : vector<1x100xf32>
    %get3A_25 = arith.constant 1 : index
    %get3A_26 = memref.load %arg1[%get3A_25] : memref<20xi32, #tpu.memory_space<smem>>
    %jit3A_27 = arith.constant 128 : i32
    %eq3A_28 = arith.constant 0 : i32
    %eq3A_29 = arith.cmpi eq, %jit3A_27, %eq3A_28 : i32
    %jit3A_30 = arith.constant 1 : i32
    %select_n3A_31 = arith.select %eq3A_29, %jit3A_30, %jit3A_27 : i32
    %rem3A_32 = arith.remsi %get3A_26, %select_n3A_31 : i32
    %ne3A_33 = arith.constant 0 : i32
    %ne3A_34 = arith.cmpi ne, %rem3A_32, %ne3A_33 : i32
    %lt3A_35 = arith.constant 0 : i32
    %lt3A_36 = arith.cmpi slt, %rem3A_32, %lt3A_35 : i32
    %lt3A_37 = arith.constant 0 : i32
    %lt3A_38 = arith.cmpi slt, %select_n3A_31, %lt3A_37 : i32
    %ne3A_39 = arith.xori %lt3A_36, %lt3A_38 : i1
    %and3A_40 = arith.andi %ne3A_39, %ne3A_34 : i1
    %add3A_41 = arith.addi %rem3A_32, %select_n3A_31 : i32
    %select_n3A_42 = arith.select %and3A_40, %add3A_41, %rem3A_32 : i32
    %eq3A_43 = vector.broadcast %select_n3A_42 : i32 to vector<128x1xi32>
    %eq3A_44 = arith.cmpi eq, %iota3A, %eq3A_43 : vector<128x1xi32>
    %convert_element_type3A_45 = arith.extui %eq3A_44 : vector<128x1xi1> to vector<128x1xi32>
    %convert_element_type3A_46 = arith.sitofp %convert_element_type3A_45 : vector<128x1xi32> to vector<128x1xf32>
    %get3A_47 = arith.constant 0 : index
    %get3A_48 = arith.constant 0 : index
    %get3A_49 = vector.load %arg3[%get3A_47, %get3A_48] : memref<64x128xf32, #tpu.memory_space<vmem>>, vector<64x128xf32>
    %dot_general3A_50 = arith.constant dense<0.000000e+00> : vector<64x1xf32>
    %dot_general3A_51 = tpu.matmul %get3A_49, %convert_element_type3A_46, %dot_general3A_50 {dimension_numbers = #tpu.dot_dimension_numbers<[1], [0], [0], [1], [0, 0, 1, 1], [], []>, transpose_lhs_hint = false} : vector<64x128xf32>, vector<128x1xf32>, vector<64x1xf32> -> vector<64x1xf32>
    %get3A_52 = arith.constant 0 : index
    %get3A_53 = arith.constant 64 : index
    %get3A_54 = vector.load %arg22[%get3A_52, %get3A_53] : memref<100x1280xf32, #tpu.memory_space<vmem>>, vector<100x64xf32>
    %dot_general3A_55 = arith.constant dense<0.000000e+00> : vector<1x100xf32>
    %dot_general3A_56 = tpu.matmul %dot_general3A_51, %get3A_54, %dot_general3A_55 {dimension_numbers = #tpu.dot_dimension_numbers<[0], [1], [1], [0], [0, 1, 1, 0], [], []>, transpose_lhs_hint = false} : vector<64x1xf32>, vector<100x64xf32>, vector<1x100xf32> -> vector<1x100xf32>
    %add3A_57 = arith.addf %add3A_24, %dot_general3A_56 : vector<1x100xf32>
    %get3A_58 = arith.constant 2 : index
    %get3A_59 = memref.load %arg1[%get3A_58] : memref<20xi32, #tpu.memory_space<smem>>
    %jit3A_60 = arith.constant 128 : i32
    %eq3A_61 = arith.constant 0 : i32
    %eq3A_62 = arith.cmpi eq, %jit3A_60, %eq3A_61 : i32
    %jit3A_63 = arith.constant 1 : i32
    %select_n3A_64 = arith.select %eq3A_62, %jit3A_63, %jit3A_60 : i32
    %rem3A_65 = arith.remsi %get3A_59, %select_n3A_64 : i32
    %ne3A_66 = arith.constant 0 : i32
    %ne3A_67 = arith.cmpi ne, %rem3A_65, %ne3A_66 : i32
    %lt3A_68 = arith.constant 0 : i32
    %lt3A_69 = arith.cmpi slt, %rem3A_65, %lt3A_68 : i32
    %lt3A_70 = arith.constant 0 : i32
    %lt3A_71 = arith.cmpi slt, %select_n3A_64, %lt3A_70 : i32
    %ne3A_72 = arith.xori %lt3A_69, %lt3A_71 : i1
    %and3A_73 = arith.andi %ne3A_72, %ne3A_67 : i1
    %add3A_74 = arith.addi %rem3A_65, %select_n3A_64 : i32
    %select_n3A_75 = arith.select %and3A_73, %add3A_74, %rem3A_65 : i32
    %eq3A_76 = vector.broadcast %select_n3A_75 : i32 to vector<128x1xi32>
    %eq3A_77 = arith.cmpi eq, %iota3A, %eq3A_76 : vector<128x1xi32>
    %convert_element_type3A_78 = arith.extui %eq3A_77 : vector<128x1xi1> to vector<128x1xi32>
    %convert_element_type3A_79 = arith.sitofp %convert_element_type3A_78 : vector<128x1xi32> to vector<128x1xf32>
    %get3A_80 = arith.constant 0 : index
    %get3A_81 = arith.constant 0 : index
    %get3A_82 = vector.load %arg4[%get3A_80, %get3A_81] : memref<64x128xf32, #tpu.memory_space<vmem>>, vector<64x128xf32>
    %dot_general3A_83 = arith.constant dense<0.000000e+00> : vector<64x1xf32>
    %dot_general3A_84 = tpu.matmul %get3A_82, %convert_element_type3A_79, %dot_general3A_83 {dimension_numbers = #tpu.dot_dimension_numbers<[1], [0], [0], [1], [0, 0, 1, 1], [], []>, transpose_lhs_hint = false} : vector<64x128xf32>, vector<128x1xf32>, vector<64x1xf32> -> vector<64x1xf32>
    %get3A_85 = arith.constant 0 : index
    %get3A_86 = arith.constant 128 : index
    %get3A_87 = vector.load %arg22[%get3A_85, %get3A_86] : memref<100x1280xf32, #tpu.memory_space<vmem>>, vector<100x64xf32>
    %dot_general3A_88 = arith.constant dense<0.000000e+00> : vector<1x100xf32>
    %dot_general3A_89 = tpu.matmul %dot_general3A_84, %get3A_87, %dot_general3A_88 {dimension_numbers = #tpu.dot_dimension_numbers<[0], [1], [1], [0], [0, 1, 1, 0], [], []>, transpose_lhs_hint = false} : vector<64x1xf32>, vector<100x64xf32>, vector<1x100xf32> -> vector<1x100xf32>
    %add3A_90 = arith.addf %add3A_57, %dot_general3A_89 : vector<1x100xf32>
    %get3A_91 = arith.constant 3 : index
    %get3A_92 = memref.load %arg1[%get3A_91] : memref<20xi32, #tpu.memory_space<smem>>
    %jit3A_93 = arith.constant 128 : i32
    %eq3A_94 = arith.constant 0 : i32
    %eq3A_95 = arith.cmpi eq, %jit3A_93, %eq3A_94 : i32
    %jit3A_96 = arith.constant 1 : i32
    %select_n3A_97 = arith.select %eq3A_95, %jit3A_96, %jit3A_93 : i32
    %rem3A_98 = arith.remsi %get3A_92, %select_n3A_97 : i32
    %ne3A_99 = arith.constant 0 : i32
    %ne3A_100 = arith.cmpi ne, %rem3A_98, %ne3A_99 : i32
    %lt3A_101 = arith.constant 0 : i32
    %lt3A_102 = arith.cmpi slt, %rem3A_98, %lt3A_101 : i32
    %lt3A_103 = arith.constant 0 : i32
    %lt3A_104 = arith.cmpi slt, %select_n3A_97, %lt3A_103 : i32
    %ne3A_105 = arith.xori %lt3A_102, %lt3A_104 : i1
    %and3A_106 = arith.andi %ne3A_105, %ne3A_100 : i1
    %add3A_107 = arith.addi %rem3A_98, %select_n3A_97 : i32
    %select_n3A_108 = arith.select %and3A_106, %add3A_107, %rem3A_98 : i32
    %eq3A_109 = vector.broadcast %select_n3A_108 : i32 to vector<128x1xi32>
    %eq3A_110 = arith.cmpi eq, %iota3A, %eq3A_109 : vector<128x1xi32>
    %convert_element_type3A_111 = arith.extui %eq3A_110 : vector<128x1xi1> to vector<128x1xi32>
    %convert_element_type3A_112 = arith.sitofp %convert_element_type3A_111 : vector<128x1xi32> to vector<128x1xf32>
    %get3A_113 = arith.constant 0 : index
    %get3A_114 = arith.constant 0 : index
    %get3A_115 = vector.load %arg5[%get3A_113, %get3A_114] : memref<64x128xf32, #tpu.memory_space<vmem>>, vector<64x128xf32>
    %dot_general3A_116 = arith.constant dense<0.000000e+00> : vector<64x1xf32>
    %dot_general3A_117 = tpu.matmul %get3A_115, %convert_element_type3A_112, %dot_general3A_116 {dimension_numbers = #tpu.dot_dimension_numbers<[1], [0], [0], [1], [0, 0, 1, 1], [], []>, transpose_lhs_hint = false} : vector<64x128xf32>, vector<128x1xf32>, vector<64x1xf32> -> vector<64x1xf32>
    %get3A_118 = arith.constant 0 : index
    %get3A_119 = arith.constant 192 : index
    %get3A_120 = vector.load %arg22[%get3A_118, %get3A_119] : memref<100x1280xf32, #tpu.memory_space<vmem>>, vector<100x64xf32>
    %dot_general3A_121 = arith.constant dense<0.000000e+00> : vector<1x100xf32>
    %dot_general3A_122 = tpu.matmul %dot_general3A_117, %get3A_120, %dot_general3A_121 {dimension_numbers = #tpu.dot_dimension_numbers<[0], [1], [1], [0], [0, 1, 1, 0], [], []>, transpose_lhs_hint = false} : vector<64x1xf32>, vector<100x64xf32>, vector<1x100xf32> -> vector<1x100xf32>
    %add3A_123 = arith.addf %add3A_90, %dot_general3A_122 : vector<1x100xf32>
    %get3A_124 = arith.constant 4 : index
    %get3A_125 = memref.load %arg1[%get3A_124] : memref<20xi32, #tpu.memory_space<smem>>
    %jit3A_126 = arith.constant 128 : i32
    %eq3A_127 = arith.constant 0 : i32
    %eq3A_128 = arith.cmpi eq, %jit3A_126, %eq3A_127 : i32
    %jit3A_129 = arith.constant 1 : i32
    %select_n3A_130 = arith.select %eq3A_128, %jit3A_129, %jit3A_126 : i32
    %rem3A_131 = arith.remsi %get3A_125, %select_n3A_130 : i32
    %ne3A_132 = arith.constant 0 : i32
    %ne3A_133 = arith.cmpi ne, %rem3A_131, %ne3A_132 : i32
    %lt3A_134 = arith.constant 0 : i32
    %lt3A_135 = arith.cmpi slt, %rem3A_131, %lt3A_134 : i32
    %lt3A_136 = arith.constant 0 : i32
    %lt3A_137 = arith.cmpi slt, %select_n3A_130, %lt3A_136 : i32
    %ne3A_138 = arith.xori %lt3A_135, %lt3A_137 : i1
    %and3A_139 = arith.andi %ne3A_138, %ne3A_133 : i1
    %add3A_140 = arith.addi %rem3A_131, %select_n3A_130 : i32
    %select_n3A_141 = arith.select %and3A_139, %add3A_140, %rem3A_131 : i32
    %eq3A_142 = vector.broadcast %select_n3A_141 : i32 to vector<128x1xi32>
    %eq3A_143 = arith.cmpi eq, %iota3A, %eq3A_142 : vector<128x1xi32>
    %convert_element_type3A_144 = arith.extui %eq3A_143 : vector<128x1xi1> to vector<128x1xi32>
    %convert_element_type3A_145 = arith.sitofp %convert_element_type3A_144 : vector<128x1xi32> to vector<128x1xf32>
    %get3A_146 = arith.constant 0 : index
    %get3A_147 = arith.constant 0 : index
    %get3A_148 = vector.load %arg6[%get3A_146, %get3A_147] : memref<64x128xf32, #tpu.memory_space<vmem>>, vector<64x128xf32>
    %dot_general3A_149 = arith.constant dense<0.000000e+00> : vector<64x1xf32>
    %dot_general3A_150 = tpu.matmul %get3A_148, %convert_element_type3A_145, %dot_general3A_149 {dimension_numbers = #tpu.dot_dimension_numbers<[1], [0], [0], [1], [0, 0, 1, 1], [], []>, transpose_lhs_hint = false} : vector<64x128xf32>, vector<128x1xf32>, vector<64x1xf32> -> vector<64x1xf32>
    %get3A_151 = arith.constant 0 : index
    %get3A_152 = arith.constant 256 : index
    %get3A_153 = vector.load %arg22[%get3A_151, %get3A_152] : memref<100x1280xf32, #tpu.memory_space<vmem>>, vector<100x64xf32>
    %dot_general3A_154 = arith.constant dense<0.000000e+00> : vector<1x100xf32>
    %dot_general3A_155 = tpu.matmul %dot_general3A_150, %get3A_153, %dot_general3A_154 {dimension_numbers = #tpu.dot_dimension_numbers<[0], [1], [1], [0], [0, 1, 1, 0], [], []>, transpose_lhs_hint = false} : vector<64x1xf32>, vector<100x64xf32>, vector<1x100xf32> -> vector<1x100xf32>
    %add3A_156 = arith.addf %add3A_123, %dot_general3A_155 : vector<1x100xf32>
    %get3A_157 = arith.constant 5 : index
    %get3A_158 = memref.load %arg1[%get3A_157] : memref<20xi32, #tpu.memory_space<smem>>
    %jit3A_159 = arith.constant 128 : i32
    %eq3A_160 = arith.constant 0 : i32
    %eq3A_161 = arith.cmpi eq, %jit3A_159, %eq3A_160 : i32
    %jit3A_162 = arith.constant 1 : i32
    %select_n3A_163 = arith.select %eq3A_161, %jit3A_162, %jit3A_159 : i32
    %rem3A_164 = arith.remsi %get3A_158, %select_n3A_163 : i32
    %ne3A_165 = arith.constant 0 : i32
    %ne3A_166 = arith.cmpi ne, %rem3A_164, %ne3A_165 : i32
    %lt3A_167 = arith.constant 0 : i32
    %lt3A_168 = arith.cmpi slt, %rem3A_164, %lt3A_167 : i32
    %lt3A_169 = arith.constant 0 : i32
    %lt3A_170 = arith.cmpi slt, %select_n3A_163, %lt3A_169 : i32
    %ne3A_171 = arith.xori %lt3A_168, %lt3A_170 : i1
    %and3A_172 = arith.andi %ne3A_171, %ne3A_166 : i1
    %add3A_173 = arith.addi %rem3A_164, %select_n3A_163 : i32
    %select_n3A_174 = arith.select %and3A_172, %add3A_173, %rem3A_164 : i32
    %eq3A_175 = vector.broadcast %select_n3A_174 : i32 to vector<128x1xi32>
    %eq3A_176 = arith.cmpi eq, %iota3A, %eq3A_175 : vector<128x1xi32>
    %convert_element_type3A_177 = arith.extui %eq3A_176 : vector<128x1xi1> to vector<128x1xi32>
    %convert_element_type3A_178 = arith.sitofp %convert_element_type3A_177 : vector<128x1xi32> to vector<128x1xf32>
    %get3A_179 = arith.constant 0 : index
    %get3A_180 = arith.constant 0 : index
    %get3A_181 = vector.load %arg7[%get3A_179, %get3A_180] : memref<64x128xf32, #tpu.memory_space<vmem>>, vector<64x128xf32>
    %dot_general3A_182 = arith.constant dense<0.000000e+00> : vector<64x1xf32>
    %dot_general3A_183 = tpu.matmul %get3A_181, %convert_element_type3A_178, %dot_general3A_182 {dimension_numbers = #tpu.dot_dimension_numbers<[1], [0], [0], [1], [0, 0, 1, 1], [], []>, transpose_lhs_hint = false} : vector<64x128xf32>, vector<128x1xf32>, vector<64x1xf32> -> vector<64x1xf32>
    %get3A_184 = arith.constant 0 : index
    %get3A_185 = arith.constant 320 : index
    %get3A_186 = vector.load %arg22[%get3A_184, %get3A_185] : memref<100x1280xf32, #tpu.memory_space<vmem>>, vector<100x64xf32>
    %dot_general3A_187 = arith.constant dense<0.000000e+00> : vector<1x100xf32>
    %dot_general3A_188 = tpu.matmul %dot_general3A_183, %get3A_186, %dot_general3A_187 {dimension_numbers = #tpu.dot_dimension_numbers<[0], [1], [1], [0], [0, 1, 1, 0], [], []>, transpose_lhs_hint = false} : vector<64x1xf32>, vector<100x64xf32>, vector<1x100xf32> -> vector<1x100xf32>
    %add3A_189 = arith.addf %add3A_156, %dot_general3A_188 : vector<1x100xf32>
    %get3A_190 = arith.constant 6 : index
    %get3A_191 = memref.load %arg1[%get3A_190] : memref<20xi32, #tpu.memory_space<smem>>
    %jit3A_192 = arith.constant 128 : i32
    %eq3A_193 = arith.constant 0 : i32
    %eq3A_194 = arith.cmpi eq, %jit3A_192, %eq3A_193 : i32
    %jit3A_195 = arith.constant 1 : i32
    %select_n3A_196 = arith.select %eq3A_194, %jit3A_195, %jit3A_192 : i32
    %rem3A_197 = arith.remsi %get3A_191, %select_n3A_196 : i32
    %ne3A_198 = arith.constant 0 : i32
    %ne3A_199 = arith.cmpi ne, %rem3A_197, %ne3A_198 : i32
    %lt3A_200 = arith.constant 0 : i32
    %lt3A_201 = arith.cmpi slt, %rem3A_197, %lt3A_200 : i32
    %lt3A_202 = arith.constant 0 : i32
    %lt3A_203 = arith.cmpi slt, %select_n3A_196, %lt3A_202 : i32
    %ne3A_204 = arith.xori %lt3A_201, %lt3A_203 : i1
    %and3A_205 = arith.andi %ne3A_204, %ne3A_199 : i1
    %add3A_206 = arith.addi %rem3A_197, %select_n3A_196 : i32
    %select_n3A_207 = arith.select %and3A_205, %add3A_206, %rem3A_197 : i32
    %eq3A_208 = vector.broadcast %select_n3A_207 : i32 to vector<128x1xi32>
    %eq3A_209 = arith.cmpi eq, %iota3A, %eq3A_208 : vector<128x1xi32>
    %convert_element_type3A_210 = arith.extui %eq3A_209 : vector<128x1xi1> to vector<128x1xi32>
    %convert_element_type3A_211 = arith.sitofp %convert_element_type3A_210 : vector<128x1xi32> to vector<128x1xf32>
    %get3A_212 = arith.constant 0 : index
    %get3A_213 = arith.constant 0 : index
    %get3A_214 = vector.load %arg8[%get3A_212, %get3A_213] : memref<64x128xf32, #tpu.memory_space<vmem>>, vector<64x128xf32>
    %dot_general3A_215 = arith.constant dense<0.000000e+00> : vector<64x1xf32>
    %dot_general3A_216 = tpu.matmul %get3A_214, %convert_element_type3A_211, %dot_general3A_215 {dimension_numbers = #tpu.dot_dimension_numbers<[1], [0], [0], [1], [0, 0, 1, 1], [], []>, transpose_lhs_hint = false} : vector<64x128xf32>, vector<128x1xf32>, vector<64x1xf32> -> vector<64x1xf32>
    %get3A_217 = arith.constant 0 : index
    %get3A_218 = arith.constant 384 : index
    %get3A_219 = vector.load %arg22[%get3A_217, %get3A_218] : memref<100x1280xf32, #tpu.memory_space<vmem>>, vector<100x64xf32>
    %dot_general3A_220 = arith.constant dense<0.000000e+00> : vector<1x100xf32>
    %dot_general3A_221 = tpu.matmul %dot_general3A_216, %get3A_219, %dot_general3A_220 {dimension_numbers = #tpu.dot_dimension_numbers<[0], [1], [1], [0], [0, 1, 1, 0], [], []>, transpose_lhs_hint = false} : vector<64x1xf32>, vector<100x64xf32>, vector<1x100xf32> -> vector<1x100xf32>
    %add3A_222 = arith.addf %add3A_189, %dot_general3A_221 : vector<1x100xf32>
    %get3A_223 = arith.constant 7 : index
    %get3A_224 = memref.load %arg1[%get3A_223] : memref<20xi32, #tpu.memory_space<smem>>
    %jit3A_225 = arith.constant 128 : i32
    %eq3A_226 = arith.constant 0 : i32
    %eq3A_227 = arith.cmpi eq, %jit3A_225, %eq3A_226 : i32
    %jit3A_228 = arith.constant 1 : i32
    %select_n3A_229 = arith.select %eq3A_227, %jit3A_228, %jit3A_225 : i32
    %rem3A_230 = arith.remsi %get3A_224, %select_n3A_229 : i32
    %ne3A_231 = arith.constant 0 : i32
    %ne3A_232 = arith.cmpi ne, %rem3A_230, %ne3A_231 : i32
    %lt3A_233 = arith.constant 0 : i32
    %lt3A_234 = arith.cmpi slt, %rem3A_230, %lt3A_233 : i32
    %lt3A_235 = arith.constant 0 : i32
    %lt3A_236 = arith.cmpi slt, %select_n3A_229, %lt3A_235 : i32
    %ne3A_237 = arith.xori %lt3A_234, %lt3A_236 : i1
    %and3A_238 = arith.andi %ne3A_237, %ne3A_232 : i1
    %add3A_239 = arith.addi %rem3A_230, %select_n3A_229 : i32
    %select_n3A_240 = arith.select %and3A_238, %add3A_239, %rem3A_230 : i32
    %eq3A_241 = vector.broadcast %select_n3A_240 : i32 to vector<128x1xi32>
    %eq3A_242 = arith.cmpi eq, %iota3A, %eq3A_241 : vector<128x1xi32>
    %convert_element_type3A_243 = arith.extui %eq3A_242 : vector<128x1xi1> to vector<128x1xi32>
    %convert_element_type3A_244 = arith.sitofp %convert_element_type3A_243 : vector<128x1xi32> to vector<128x1xf32>
    %get3A_245 = arith.constant 0 : index
    %get3A_246 = arith.constant 0 : index
    %get3A_247 = vector.load %arg9[%get3A_245, %get3A_246] : memref<64x128xf32, #tpu.memory_space<vmem>>, vector<64x128xf32>
    %dot_general3A_248 = arith.constant dense<0.000000e+00> : vector<64x1xf32>
    %dot_general3A_249 = tpu.matmul %get3A_247, %convert_element_type3A_244, %dot_general3A_248 {dimension_numbers = #tpu.dot_dimension_numbers<[1], [0], [0], [1], [0, 0, 1, 1], [], []>, transpose_lhs_hint = false} : vector<64x128xf32>, vector<128x1xf32>, vector<64x1xf32> -> vector<64x1xf32>
    %get3A_250 = arith.constant 0 : index
    %get3A_251 = arith.constant 448 : index
    %get3A_252 = vector.load %arg22[%get3A_250, %get3A_251] : memref<100x1280xf32, #tpu.memory_space<vmem>>, vector<100x64xf32>
    %dot_general3A_253 = arith.constant dense<0.000000e+00> : vector<1x100xf32>
    %dot_general3A_254 = tpu.matmul %dot_general3A_249, %get3A_252, %dot_general3A_253 {dimension_numbers = #tpu.dot_dimension_numbers<[0], [1], [1], [0], [0, 1, 1, 0], [], []>, transpose_lhs_hint = false} : vector<64x1xf32>, vector<100x64xf32>, vector<1x100xf32> -> vector<1x100xf32>
    %add3A_255 = arith.addf %add3A_222, %dot_general3A_254 : vector<1x100xf32>
    %get3A_256 = arith.constant 8 : index
    %get3A_257 = memref.load %arg1[%get3A_256] : memref<20xi32, #tpu.memory_space<smem>>
    %jit3A_258 = arith.constant 128 : i32
    %eq3A_259 = arith.constant 0 : i32
    %eq3A_260 = arith.cmpi eq, %jit3A_258, %eq3A_259 : i32
    %jit3A_261 = arith.constant 1 : i32
    %select_n3A_262 = arith.select %eq3A_260, %jit3A_261, %jit3A_258 : i32
    %rem3A_263 = arith.remsi %get3A_257, %select_n3A_262 : i32
    %ne3A_264 = arith.constant 0 : i32
    %ne3A_265 = arith.cmpi ne, %rem3A_263, %ne3A_264 : i32
    %lt3A_266 = arith.constant 0 : i32
    %lt3A_267 = arith.cmpi slt, %rem3A_263, %lt3A_266 : i32
    %lt3A_268 = arith.constant 0 : i32
    %lt3A_269 = arith.cmpi slt, %select_n3A_262, %lt3A_268 : i32
    %ne3A_270 = arith.xori %lt3A_267, %lt3A_269 : i1
    %and3A_271 = arith.andi %ne3A_270, %ne3A_265 : i1
    %add3A_272 = arith.addi %rem3A_263, %select_n3A_262 : i32
    %select_n3A_273 = arith.select %and3A_271, %add3A_272, %rem3A_263 : i32
    %eq3A_274 = vector.broadcast %select_n3A_273 : i32 to vector<128x1xi32>
    %eq3A_275 = arith.cmpi eq, %iota3A, %eq3A_274 : vector<128x1xi32>
    %convert_element_type3A_276 = arith.extui %eq3A_275 : vector<128x1xi1> to vector<128x1xi32>
    %convert_element_type3A_277 = arith.sitofp %convert_element_type3A_276 : vector<128x1xi32> to vector<128x1xf32>
    %get3A_278 = arith.constant 0 : index
    %get3A_279 = arith.constant 0 : index
    %get3A_280 = vector.load %arg10[%get3A_278, %get3A_279] : memref<64x128xf32, #tpu.memory_space<vmem>>, vector<64x128xf32>
    %dot_general3A_281 = arith.constant dense<0.000000e+00> : vector<64x1xf32>
    %dot_general3A_282 = tpu.matmul %get3A_280, %convert_element_type3A_277, %dot_general3A_281 {dimension_numbers = #tpu.dot_dimension_numbers<[1], [0], [0], [1], [0, 0, 1, 1], [], []>, transpose_lhs_hint = false} : vector<64x128xf32>, vector<128x1xf32>, vector<64x1xf32> -> vector<64x1xf32>
    %get3A_283 = arith.constant 0 : index
    %get3A_284 = arith.constant 512 : index
    %get3A_285 = vector.load %arg22[%get3A_283, %get3A_284] : memref<100x1280xf32, #tpu.memory_space<vmem>>, vector<100x64xf32>
    %dot_general3A_286 = arith.constant dense<0.000000e+00> : vector<1x100xf32>
    %dot_general3A_287 = tpu.matmul %dot_general3A_282, %get3A_285, %dot_general3A_286 {dimension_numbers = #tpu.dot_dimension_numbers<[0], [1], [1], [0], [0, 1, 1, 0], [], []>, transpose_lhs_hint = false} : vector<64x1xf32>, vector<100x64xf32>, vector<1x100xf32> -> vector<1x100xf32>
    %add3A_288 = arith.addf %add3A_255, %dot_general3A_287 : vector<1x100xf32>
    %get3A_289 = arith.constant 9 : index
    %get3A_290 = memref.load %arg1[%get3A_289] : memref<20xi32, #tpu.memory_space<smem>>
    %jit3A_291 = arith.constant 128 : i32
    %eq3A_292 = arith.constant 0 : i32
    %eq3A_293 = arith.cmpi eq, %jit3A_291, %eq3A_292 : i32
    %jit3A_294 = arith.constant 1 : i32
    %select_n3A_295 = arith.select %eq3A_293, %jit3A_294, %jit3A_291 : i32
    %rem3A_296 = arith.remsi %get3A_290, %select_n3A_295 : i32
    %ne3A_297 = arith.constant 0 : i32
    %ne3A_298 = arith.cmpi ne, %rem3A_296, %ne3A_297 : i32
    %lt3A_299 = arith.constant 0 : i32
    %lt3A_300 = arith.cmpi slt, %rem3A_296, %lt3A_299 : i32
    %lt3A_301 = arith.constant 0 : i32
    %lt3A_302 = arith.cmpi slt, %select_n3A_295, %lt3A_301 : i32
    %ne3A_303 = arith.xori %lt3A_300, %lt3A_302 : i1
    %and3A_304 = arith.andi %ne3A_303, %ne3A_298 : i1
    %add3A_305 = arith.addi %rem3A_296, %select_n3A_295 : i32
    %select_n3A_306 = arith.select %and3A_304, %add3A_305, %rem3A_296 : i32
    %eq3A_307 = vector.broadcast %select_n3A_306 : i32 to vector<128x1xi32>
    %eq3A_308 = arith.cmpi eq, %iota3A, %eq3A_307 : vector<128x1xi32>
    %convert_element_type3A_309 = arith.extui %eq3A_308 : vector<128x1xi1> to vector<128x1xi32>
    %convert_element_type3A_310 = arith.sitofp %convert_element_type3A_309 : vector<128x1xi32> to vector<128x1xf32>
    %get3A_311 = arith.constant 0 : index
    %get3A_312 = arith.constant 0 : index
    %get3A_313 = vector.load %arg11[%get3A_311, %get3A_312] : memref<64x128xf32, #tpu.memory_space<vmem>>, vector<64x128xf32>
    %dot_general3A_314 = arith.constant dense<0.000000e+00> : vector<64x1xf32>
    %dot_general3A_315 = tpu.matmul %get3A_313, %convert_element_type3A_310, %dot_general3A_314 {dimension_numbers = #tpu.dot_dimension_numbers<[1], [0], [0], [1], [0, 0, 1, 1], [], []>, transpose_lhs_hint = false} : vector<64x128xf32>, vector<128x1xf32>, vector<64x1xf32> -> vector<64x1xf32>
    %get3A_316 = arith.constant 0 : index
    %get3A_317 = arith.constant 576 : index
    %get3A_318 = vector.load %arg22[%get3A_316, %get3A_317] : memref<100x1280xf32, #tpu.memory_space<vmem>>, vector<100x64xf32>
    %dot_general3A_319 = arith.constant dense<0.000000e+00> : vector<1x100xf32>
    %dot_general3A_320 = tpu.matmul %dot_general3A_315, %get3A_318, %dot_general3A_319 {dimension_numbers = #tpu.dot_dimension_numbers<[0], [1], [1], [0], [0, 1, 1, 0], [], []>, transpose_lhs_hint = false} : vector<64x1xf32>, vector<100x64xf32>, vector<1x100xf32> -> vector<1x100xf32>
    %add3A_321 = arith.addf %add3A_288, %dot_general3A_320 : vector<1x100xf32>
    %get3A_322 = arith.constant 10 : index
    %get3A_323 = memref.load %arg1[%get3A_322] : memref<20xi32, #tpu.memory_space<smem>>
    %jit3A_324 = arith.constant 128 : i32
    %eq3A_325 = arith.constant 0 : i32
    %eq3A_326 = arith.cmpi eq, %jit3A_324, %eq3A_325 : i32
    %jit3A_327 = arith.constant 1 : i32
    %select_n3A_328 = arith.select %eq3A_326, %jit3A_327, %jit3A_324 : i32
    %rem3A_329 = arith.remsi %get3A_323, %select_n3A_328 : i32
    %ne3A_330 = arith.constant 0 : i32
    %ne3A_331 = arith.cmpi ne, %rem3A_329, %ne3A_330 : i32
    %lt3A_332 = arith.constant 0 : i32
    %lt3A_333 = arith.cmpi slt, %rem3A_329, %lt3A_332 : i32
    %lt3A_334 = arith.constant 0 : i32
    %lt3A_335 = arith.cmpi slt, %select_n3A_328, %lt3A_334 : i32
    %ne3A_336 = arith.xori %lt3A_333, %lt3A_335 : i1
    %and3A_337 = arith.andi %ne3A_336, %ne3A_331 : i1
    %add3A_338 = arith.addi %rem3A_329, %select_n3A_328 : i32
    %select_n3A_339 = arith.select %and3A_337, %add3A_338, %rem3A_329 : i32
    %eq3A_340 = vector.broadcast %select_n3A_339 : i32 to vector<128x1xi32>
    %eq3A_341 = arith.cmpi eq, %iota3A, %eq3A_340 : vector<128x1xi32>
    %convert_element_type3A_342 = arith.extui %eq3A_341 : vector<128x1xi1> to vector<128x1xi32>
    %convert_element_type3A_343 = arith.sitofp %convert_element_type3A_342 : vector<128x1xi32> to vector<128x1xf32>
    %get3A_344 = arith.constant 0 : index
    %get3A_345 = arith.constant 0 : index
    %get3A_346 = vector.load %arg12[%get3A_344, %get3A_345] : memref<64x128xf32, #tpu.memory_space<vmem>>, vector<64x128xf32>
    %dot_general3A_347 = arith.constant dense<0.000000e+00> : vector<64x1xf32>
    %dot_general3A_348 = tpu.matmul %get3A_346, %convert_element_type3A_343, %dot_general3A_347 {dimension_numbers = #tpu.dot_dimension_numbers<[1], [0], [0], [1], [0, 0, 1, 1], [], []>, transpose_lhs_hint = false} : vector<64x128xf32>, vector<128x1xf32>, vector<64x1xf32> -> vector<64x1xf32>
    %get3A_349 = arith.constant 0 : index
    %get3A_350 = arith.constant 640 : index
    %get3A_351 = vector.load %arg22[%get3A_349, %get3A_350] : memref<100x1280xf32, #tpu.memory_space<vmem>>, vector<100x64xf32>
    %dot_general3A_352 = arith.constant dense<0.000000e+00> : vector<1x100xf32>
    %dot_general3A_353 = tpu.matmul %dot_general3A_348, %get3A_351, %dot_general3A_352 {dimension_numbers = #tpu.dot_dimension_numbers<[0], [1], [1], [0], [0, 1, 1, 0], [], []>, transpose_lhs_hint = false} : vector<64x1xf32>, vector<100x64xf32>, vector<1x100xf32> -> vector<1x100xf32>
    %add3A_354 = arith.addf %add3A_321, %dot_general3A_353 : vector<1x100xf32>
    %get3A_355 = arith.constant 11 : index
    %get3A_356 = memref.load %arg1[%get3A_355] : memref<20xi32, #tpu.memory_space<smem>>
    %jit3A_357 = arith.constant 128 : i32
    %eq3A_358 = arith.constant 0 : i32
    %eq3A_359 = arith.cmpi eq, %jit3A_357, %eq3A_358 : i32
    %jit3A_360 = arith.constant 1 : i32
    %select_n3A_361 = arith.select %eq3A_359, %jit3A_360, %jit3A_357 : i32
    %rem3A_362 = arith.remsi %get3A_356, %select_n3A_361 : i32
    %ne3A_363 = arith.constant 0 : i32
    %ne3A_364 = arith.cmpi ne, %rem3A_362, %ne3A_363 : i32
    %lt3A_365 = arith.constant 0 : i32
    %lt3A_366 = arith.cmpi slt, %rem3A_362, %lt3A_365 : i32
    %lt3A_367 = arith.constant 0 : i32
    %lt3A_368 = arith.cmpi slt, %select_n3A_361, %lt3A_367 : i32
    %ne3A_369 = arith.xori %lt3A_366, %lt3A_368 : i1
    %and3A_370 = arith.andi %ne3A_369, %ne3A_364 : i1
    %add3A_371 = arith.addi %rem3A_362, %select_n3A_361 : i32
    %select_n3A_372 = arith.select %and3A_370, %add3A_371, %rem3A_362 : i32
    %eq3A_373 = vector.broadcast %select_n3A_372 : i32 to vector<128x1xi32>
    %eq3A_374 = arith.cmpi eq, %iota3A, %eq3A_373 : vector<128x1xi32>
    %convert_element_type3A_375 = arith.extui %eq3A_374 : vector<128x1xi1> to vector<128x1xi32>
    %convert_element_type3A_376 = arith.sitofp %convert_element_type3A_375 : vector<128x1xi32> to vector<128x1xf32>
    %get3A_377 = arith.constant 0 : index
    %get3A_378 = arith.constant 0 : index
    %get3A_379 = vector.load %arg13[%get3A_377, %get3A_378] : memref<64x128xf32, #tpu.memory_space<vmem>>, vector<64x128xf32>
    %dot_general3A_380 = arith.constant dense<0.000000e+00> : vector<64x1xf32>
    %dot_general3A_381 = tpu.matmul %get3A_379, %convert_element_type3A_376, %dot_general3A_380 {dimension_numbers = #tpu.dot_dimension_numbers<[1], [0], [0], [1], [0, 0, 1, 1], [], []>, transpose_lhs_hint = false} : vector<64x128xf32>, vector<128x1xf32>, vector<64x1xf32> -> vector<64x1xf32>
    %get3A_382 = arith.constant 0 : index
    %get3A_383 = arith.constant 704 : index
    %get3A_384 = vector.load %arg22[%get3A_382, %get3A_383] : memref<100x1280xf32, #tpu.memory_space<vmem>>, vector<100x64xf32>
    %dot_general3A_385 = arith.constant dense<0.000000e+00> : vector<1x100xf32>
    %dot_general3A_386 = tpu.matmul %dot_general3A_381, %get3A_384, %dot_general3A_385 {dimension_numbers = #tpu.dot_dimension_numbers<[0], [1], [1], [0], [0, 1, 1, 0], [], []>, transpose_lhs_hint = false} : vector<64x1xf32>, vector<100x64xf32>, vector<1x100xf32> -> vector<1x100xf32>
    %add3A_387 = arith.addf %add3A_354, %dot_general3A_386 : vector<1x100xf32>
    %get3A_388 = arith.constant 12 : index
    %get3A_389 = memref.load %arg1[%get3A_388] : memref<20xi32, #tpu.memory_space<smem>>
    %jit3A_390 = arith.constant 128 : i32
    %eq3A_391 = arith.constant 0 : i32
    %eq3A_392 = arith.cmpi eq, %jit3A_390, %eq3A_391 : i32
    %jit3A_393 = arith.constant 1 : i32
    %select_n3A_394 = arith.select %eq3A_392, %jit3A_393, %jit3A_390 : i32
    %rem3A_395 = arith.remsi %get3A_389, %select_n3A_394 : i32
    %ne3A_396 = arith.constant 0 : i32
    %ne3A_397 = arith.cmpi ne, %rem3A_395, %ne3A_396 : i32
    %lt3A_398 = arith.constant 0 : i32
    %lt3A_399 = arith.cmpi slt, %rem3A_395, %lt3A_398 : i32
    %lt3A_400 = arith.constant 0 : i32
    %lt3A_401 = arith.cmpi slt, %select_n3A_394, %lt3A_400 : i32
    %ne3A_402 = arith.xori %lt3A_399, %lt3A_401 : i1
    %and3A_403 = arith.andi %ne3A_402, %ne3A_397 : i1
    %add3A_404 = arith.addi %rem3A_395, %select_n3A_394 : i32
    %select_n3A_405 = arith.select %and3A_403, %add3A_404, %rem3A_395 : i32
    %eq3A_406 = vector.broadcast %select_n3A_405 : i32 to vector<128x1xi32>
    %eq3A_407 = arith.cmpi eq, %iota3A, %eq3A_406 : vector<128x1xi32>
    %convert_element_type3A_408 = arith.extui %eq3A_407 : vector<128x1xi1> to vector<128x1xi32>
    %convert_element_type3A_409 = arith.sitofp %convert_element_type3A_408 : vector<128x1xi32> to vector<128x1xf32>
    %get3A_410 = arith.constant 0 : index
    %get3A_411 = arith.constant 0 : index
    %get3A_412 = vector.load %arg14[%get3A_410, %get3A_411] : memref<64x128xf32, #tpu.memory_space<vmem>>, vector<64x128xf32>
    %dot_general3A_413 = arith.constant dense<0.000000e+00> : vector<64x1xf32>
    %dot_general3A_414 = tpu.matmul %get3A_412, %convert_element_type3A_409, %dot_general3A_413 {dimension_numbers = #tpu.dot_dimension_numbers<[1], [0], [0], [1], [0, 0, 1, 1], [], []>, transpose_lhs_hint = false} : vector<64x128xf32>, vector<128x1xf32>, vector<64x1xf32> -> vector<64x1xf32>
    %get3A_415 = arith.constant 0 : index
    %get3A_416 = arith.constant 768 : index
    %get3A_417 = vector.load %arg22[%get3A_415, %get3A_416] : memref<100x1280xf32, #tpu.memory_space<vmem>>, vector<100x64xf32>
    %dot_general3A_418 = arith.constant dense<0.000000e+00> : vector<1x100xf32>
    %dot_general3A_419 = tpu.matmul %dot_general3A_414, %get3A_417, %dot_general3A_418 {dimension_numbers = #tpu.dot_dimension_numbers<[0], [1], [1], [0], [0, 1, 1, 0], [], []>, transpose_lhs_hint = false} : vector<64x1xf32>, vector<100x64xf32>, vector<1x100xf32> -> vector<1x100xf32>
    %add3A_420 = arith.addf %add3A_387, %dot_general3A_419 : vector<1x100xf32>
    %get3A_421 = arith.constant 13 : index
    %get3A_422 = memref.load %arg1[%get3A_421] : memref<20xi32, #tpu.memory_space<smem>>
    %jit3A_423 = arith.constant 128 : i32
    %eq3A_424 = arith.constant 0 : i32
    %eq3A_425 = arith.cmpi eq, %jit3A_423, %eq3A_424 : i32
    %jit3A_426 = arith.constant 1 : i32
    %select_n3A_427 = arith.select %eq3A_425, %jit3A_426, %jit3A_423 : i32
    %rem3A_428 = arith.remsi %get3A_422, %select_n3A_427 : i32
    %ne3A_429 = arith.constant 0 : i32
    %ne3A_430 = arith.cmpi ne, %rem3A_428, %ne3A_429 : i32
    %lt3A_431 = arith.constant 0 : i32
    %lt3A_432 = arith.cmpi slt, %rem3A_428, %lt3A_431 : i32
    %lt3A_433 = arith.constant 0 : i32
    %lt3A_434 = arith.cmpi slt, %select_n3A_427, %lt3A_433 : i32
    %ne3A_435 = arith.xori %lt3A_432, %lt3A_434 : i1
    %and3A_436 = arith.andi %ne3A_435, %ne3A_430 : i1
    %add3A_437 = arith.addi %rem3A_428, %select_n3A_427 : i32
    %select_n3A_438 = arith.select %and3A_436, %add3A_437, %rem3A_428 : i32
    %eq3A_439 = vector.broadcast %select_n3A_438 : i32 to vector<128x1xi32>
    %eq3A_440 = arith.cmpi eq, %iota3A, %eq3A_439 : vector<128x1xi32>
    %convert_element_type3A_441 = arith.extui %eq3A_440 : vector<128x1xi1> to vector<128x1xi32>
    %convert_element_type3A_442 = arith.sitofp %convert_element_type3A_441 : vector<128x1xi32> to vector<128x1xf32>
    %get3A_443 = arith.constant 0 : index
    %get3A_444 = arith.constant 0 : index
    %get3A_445 = vector.load %arg15[%get3A_443, %get3A_444] : memref<64x128xf32, #tpu.memory_space<vmem>>, vector<64x128xf32>
    %dot_general3A_446 = arith.constant dense<0.000000e+00> : vector<64x1xf32>
    %dot_general3A_447 = tpu.matmul %get3A_445, %convert_element_type3A_442, %dot_general3A_446 {dimension_numbers = #tpu.dot_dimension_numbers<[1], [0], [0], [1], [0, 0, 1, 1], [], []>, transpose_lhs_hint = false} : vector<64x128xf32>, vector<128x1xf32>, vector<64x1xf32> -> vector<64x1xf32>
    %get3A_448 = arith.constant 0 : index
    %get3A_449 = arith.constant 832 : index
    %get3A_450 = vector.load %arg22[%get3A_448, %get3A_449] : memref<100x1280xf32, #tpu.memory_space<vmem>>, vector<100x64xf32>
    %dot_general3A_451 = arith.constant dense<0.000000e+00> : vector<1x100xf32>
    %dot_general3A_452 = tpu.matmul %dot_general3A_447, %get3A_450, %dot_general3A_451 {dimension_numbers = #tpu.dot_dimension_numbers<[0], [1], [1], [0], [0, 1, 1, 0], [], []>, transpose_lhs_hint = false} : vector<64x1xf32>, vector<100x64xf32>, vector<1x100xf32> -> vector<1x100xf32>
    %add3A_453 = arith.addf %add3A_420, %dot_general3A_452 : vector<1x100xf32>
    %get3A_454 = arith.constant 14 : index
    %get3A_455 = memref.load %arg1[%get3A_454] : memref<20xi32, #tpu.memory_space<smem>>
    %jit3A_456 = arith.constant 128 : i32
    %eq3A_457 = arith.constant 0 : i32
    %eq3A_458 = arith.cmpi eq, %jit3A_456, %eq3A_457 : i32
    %jit3A_459 = arith.constant 1 : i32
    %select_n3A_460 = arith.select %eq3A_458, %jit3A_459, %jit3A_456 : i32
    %rem3A_461 = arith.remsi %get3A_455, %select_n3A_460 : i32
    %ne3A_462 = arith.constant 0 : i32
    %ne3A_463 = arith.cmpi ne, %rem3A_461, %ne3A_462 : i32
    %lt3A_464 = arith.constant 0 : i32
    %lt3A_465 = arith.cmpi slt, %rem3A_461, %lt3A_464 : i32
    %lt3A_466 = arith.constant 0 : i32
    %lt3A_467 = arith.cmpi slt, %select_n3A_460, %lt3A_466 : i32
    %ne3A_468 = arith.xori %lt3A_465, %lt3A_467 : i1
    %and3A_469 = arith.andi %ne3A_468, %ne3A_463 : i1
    %add3A_470 = arith.addi %rem3A_461, %select_n3A_460 : i32
    %select_n3A_471 = arith.select %and3A_469, %add3A_470, %rem3A_461 : i32
    %eq3A_472 = vector.broadcast %select_n3A_471 : i32 to vector<128x1xi32>
    %eq3A_473 = arith.cmpi eq, %iota3A, %eq3A_472 : vector<128x1xi32>
    %convert_element_type3A_474 = arith.extui %eq3A_473 : vector<128x1xi1> to vector<128x1xi32>
    %convert_element_type3A_475 = arith.sitofp %convert_element_type3A_474 : vector<128x1xi32> to vector<128x1xf32>
    %get3A_476 = arith.constant 0 : index
    %get3A_477 = arith.constant 0 : index
    %get3A_478 = vector.load %arg16[%get3A_476, %get3A_477] : memref<64x128xf32, #tpu.memory_space<vmem>>, vector<64x128xf32>
    %dot_general3A_479 = arith.constant dense<0.000000e+00> : vector<64x1xf32>
    %dot_general3A_480 = tpu.matmul %get3A_478, %convert_element_type3A_475, %dot_general3A_479 {dimension_numbers = #tpu.dot_dimension_numbers<[1], [0], [0], [1], [0, 0, 1, 1], [], []>, transpose_lhs_hint = false} : vector<64x128xf32>, vector<128x1xf32>, vector<64x1xf32> -> vector<64x1xf32>
    %get3A_481 = arith.constant 0 : index
    %get3A_482 = arith.constant 896 : index
    %get3A_483 = vector.load %arg22[%get3A_481, %get3A_482] : memref<100x1280xf32, #tpu.memory_space<vmem>>, vector<100x64xf32>
    %dot_general3A_484 = arith.constant dense<0.000000e+00> : vector<1x100xf32>
    %dot_general3A_485 = tpu.matmul %dot_general3A_480, %get3A_483, %dot_general3A_484 {dimension_numbers = #tpu.dot_dimension_numbers<[0], [1], [1], [0], [0, 1, 1, 0], [], []>, transpose_lhs_hint = false} : vector<64x1xf32>, vector<100x64xf32>, vector<1x100xf32> -> vector<1x100xf32>
    %add3A_486 = arith.addf %add3A_453, %dot_general3A_485 : vector<1x100xf32>
    %get3A_487 = arith.constant 15 : index
    %get3A_488 = memref.load %arg1[%get3A_487] : memref<20xi32, #tpu.memory_space<smem>>
    %jit3A_489 = arith.constant 128 : i32
    %eq3A_490 = arith.constant 0 : i32
    %eq3A_491 = arith.cmpi eq, %jit3A_489, %eq3A_490 : i32
    %jit3A_492 = arith.constant 1 : i32
    %select_n3A_493 = arith.select %eq3A_491, %jit3A_492, %jit3A_489 : i32
    %rem3A_494 = arith.remsi %get3A_488, %select_n3A_493 : i32
    %ne3A_495 = arith.constant 0 : i32
    %ne3A_496 = arith.cmpi ne, %rem3A_494, %ne3A_495 : i32
    %lt3A_497 = arith.constant 0 : i32
    %lt3A_498 = arith.cmpi slt, %rem3A_494, %lt3A_497 : i32
    %lt3A_499 = arith.constant 0 : i32
    %lt3A_500 = arith.cmpi slt, %select_n3A_493, %lt3A_499 : i32
    %ne3A_501 = arith.xori %lt3A_498, %lt3A_500 : i1
    %and3A_502 = arith.andi %ne3A_501, %ne3A_496 : i1
    %add3A_503 = arith.addi %rem3A_494, %select_n3A_493 : i32
    %select_n3A_504 = arith.select %and3A_502, %add3A_503, %rem3A_494 : i32
    %eq3A_505 = vector.broadcast %select_n3A_504 : i32 to vector<128x1xi32>
    %eq3A_506 = arith.cmpi eq, %iota3A, %eq3A_505 : vector<128x1xi32>
    %convert_element_type3A_507 = arith.extui %eq3A_506 : vector<128x1xi1> to vector<128x1xi32>
    %convert_element_type3A_508 = arith.sitofp %convert_element_type3A_507 : vector<128x1xi32> to vector<128x1xf32>
    %get3A_509 = arith.constant 0 : index
    %get3A_510 = arith.constant 0 : index
    %get3A_511 = vector.load %arg17[%get3A_509, %get3A_510] : memref<64x128xf32, #tpu.memory_space<vmem>>, vector<64x128xf32>
    %dot_general3A_512 = arith.constant dense<0.000000e+00> : vector<64x1xf32>
    %dot_general3A_513 = tpu.matmul %get3A_511, %convert_element_type3A_508, %dot_general3A_512 {dimension_numbers = #tpu.dot_dimension_numbers<[1], [0], [0], [1], [0, 0, 1, 1], [], []>, transpose_lhs_hint = false} : vector<64x128xf32>, vector<128x1xf32>, vector<64x1xf32> -> vector<64x1xf32>
    %get3A_514 = arith.constant 0 : index
    %get3A_515 = arith.constant 960 : index
    %get3A_516 = vector.load %arg22[%get3A_514, %get3A_515] : memref<100x1280xf32, #tpu.memory_space<vmem>>, vector<100x64xf32>
    %dot_general3A_517 = arith.constant dense<0.000000e+00> : vector<1x100xf32>
    %dot_general3A_518 = tpu.matmul %dot_general3A_513, %get3A_516, %dot_general3A_517 {dimension_numbers = #tpu.dot_dimension_numbers<[0], [1], [1], [0], [0, 1, 1, 0], [], []>, transpose_lhs_hint = false} : vector<64x1xf32>, vector<100x64xf32>, vector<1x100xf32> -> vector<1x100xf32>
    %add3A_519 = arith.addf %add3A_486, %dot_general3A_518 : vector<1x100xf32>
    %get3A_520 = arith.constant 16 : index
    %get3A_521 = memref.load %arg1[%get3A_520] : memref<20xi32, #tpu.memory_space<smem>>
    %jit3A_522 = arith.constant 128 : i32
    %eq3A_523 = arith.constant 0 : i32
    %eq3A_524 = arith.cmpi eq, %jit3A_522, %eq3A_523 : i32
    %jit3A_525 = arith.constant 1 : i32
    %select_n3A_526 = arith.select %eq3A_524, %jit3A_525, %jit3A_522 : i32
    %rem3A_527 = arith.remsi %get3A_521, %select_n3A_526 : i32
    %ne3A_528 = arith.constant 0 : i32
    %ne3A_529 = arith.cmpi ne, %rem3A_527, %ne3A_528 : i32
    %lt3A_530 = arith.constant 0 : i32
    %lt3A_531 = arith.cmpi slt, %rem3A_527, %lt3A_530 : i32
    %lt3A_532 = arith.constant 0 : i32
    %lt3A_533 = arith.cmpi slt, %select_n3A_526, %lt3A_532 : i32
    %ne3A_534 = arith.xori %lt3A_531, %lt3A_533 : i1
    %and3A_535 = arith.andi %ne3A_534, %ne3A_529 : i1
    %add3A_536 = arith.addi %rem3A_527, %select_n3A_526 : i32
    %select_n3A_537 = arith.select %and3A_535, %add3A_536, %rem3A_527 : i32
    %eq3A_538 = vector.broadcast %select_n3A_537 : i32 to vector<128x1xi32>
    %eq3A_539 = arith.cmpi eq, %iota3A, %eq3A_538 : vector<128x1xi32>
    %convert_element_type3A_540 = arith.extui %eq3A_539 : vector<128x1xi1> to vector<128x1xi32>
    %convert_element_type3A_541 = arith.sitofp %convert_element_type3A_540 : vector<128x1xi32> to vector<128x1xf32>
    %get3A_542 = arith.constant 0 : index
    %get3A_543 = arith.constant 0 : index
    %get3A_544 = vector.load %arg18[%get3A_542, %get3A_543] : memref<64x128xf32, #tpu.memory_space<vmem>>, vector<64x128xf32>
    %dot_general3A_545 = arith.constant dense<0.000000e+00> : vector<64x1xf32>
    %dot_general3A_546 = tpu.matmul %get3A_544, %convert_element_type3A_541, %dot_general3A_545 {dimension_numbers = #tpu.dot_dimension_numbers<[1], [0], [0], [1], [0, 0, 1, 1], [], []>, transpose_lhs_hint = false} : vector<64x128xf32>, vector<128x1xf32>, vector<64x1xf32> -> vector<64x1xf32>
    %get3A_547 = arith.constant 0 : index
    %get3A_548 = arith.constant 1024 : index
    %get3A_549 = vector.load %arg22[%get3A_547, %get3A_548] : memref<100x1280xf32, #tpu.memory_space<vmem>>, vector<100x64xf32>
    %dot_general3A_550 = arith.constant dense<0.000000e+00> : vector<1x100xf32>
    %dot_general3A_551 = tpu.matmul %dot_general3A_546, %get3A_549, %dot_general3A_550 {dimension_numbers = #tpu.dot_dimension_numbers<[0], [1], [1], [0], [0, 1, 1, 0], [], []>, transpose_lhs_hint = false} : vector<64x1xf32>, vector<100x64xf32>, vector<1x100xf32> -> vector<1x100xf32>
    %add3A_552 = arith.addf %add3A_519, %dot_general3A_551 : vector<1x100xf32>
    %get3A_553 = arith.constant 17 : index
    %get3A_554 = memref.load %arg1[%get3A_553] : memref<20xi32, #tpu.memory_space<smem>>
    %jit3A_555 = arith.constant 128 : i32
    %eq3A_556 = arith.constant 0 : i32
    %eq3A_557 = arith.cmpi eq, %jit3A_555, %eq3A_556 : i32
    %jit3A_558 = arith.constant 1 : i32
    %select_n3A_559 = arith.select %eq3A_557, %jit3A_558, %jit3A_555 : i32
    %rem3A_560 = arith.remsi %get3A_554, %select_n3A_559 : i32
    %ne3A_561 = arith.constant 0 : i32
    %ne3A_562 = arith.cmpi ne, %rem3A_560, %ne3A_561 : i32
    %lt3A_563 = arith.constant 0 : i32
    %lt3A_564 = arith.cmpi slt, %rem3A_560, %lt3A_563 : i32
    %lt3A_565 = arith.constant 0 : i32
    %lt3A_566 = arith.cmpi slt, %select_n3A_559, %lt3A_565 : i32
    %ne3A_567 = arith.xori %lt3A_564, %lt3A_566 : i1
    %and3A_568 = arith.andi %ne3A_567, %ne3A_562 : i1
    %add3A_569 = arith.addi %rem3A_560, %select_n3A_559 : i32
    %select_n3A_570 = arith.select %and3A_568, %add3A_569, %rem3A_560 : i32
    %eq3A_571 = vector.broadcast %select_n3A_570 : i32 to vector<128x1xi32>
    %eq3A_572 = arith.cmpi eq, %iota3A, %eq3A_571 : vector<128x1xi32>
    %convert_element_type3A_573 = arith.extui %eq3A_572 : vector<128x1xi1> to vector<128x1xi32>
    %convert_element_type3A_574 = arith.sitofp %convert_element_type3A_573 : vector<128x1xi32> to vector<128x1xf32>
    %get3A_575 = arith.constant 0 : index
    %get3A_576 = arith.constant 0 : index
    %get3A_577 = vector.load %arg19[%get3A_575, %get3A_576] : memref<64x128xf32, #tpu.memory_space<vmem>>, vector<64x128xf32>
    %dot_general3A_578 = arith.constant dense<0.000000e+00> : vector<64x1xf32>
    %dot_general3A_579 = tpu.matmul %get3A_577, %convert_element_type3A_574, %dot_general3A_578 {dimension_numbers = #tpu.dot_dimension_numbers<[1], [0], [0], [1], [0, 0, 1, 1], [], []>, transpose_lhs_hint = false} : vector<64x128xf32>, vector<128x1xf32>, vector<64x1xf32> -> vector<64x1xf32>
    %get3A_580 = arith.constant 0 : index
    %get3A_581 = arith.constant 1088 : index
    %get3A_582 = vector.load %arg22[%get3A_580, %get3A_581] : memref<100x1280xf32, #tpu.memory_space<vmem>>, vector<100x64xf32>
    %dot_general3A_583 = arith.constant dense<0.000000e+00> : vector<1x100xf32>
    %dot_general3A_584 = tpu.matmul %dot_general3A_579, %get3A_582, %dot_general3A_583 {dimension_numbers = #tpu.dot_dimension_numbers<[0], [1], [1], [0], [0, 1, 1, 0], [], []>, transpose_lhs_hint = false} : vector<64x1xf32>, vector<100x64xf32>, vector<1x100xf32> -> vector<1x100xf32>
    %add3A_585 = arith.addf %add3A_552, %dot_general3A_584 : vector<1x100xf32>
    %get3A_586 = arith.constant 18 : index
    %get3A_587 = memref.load %arg1[%get3A_586] : memref<20xi32, #tpu.memory_space<smem>>
    %jit3A_588 = arith.constant 128 : i32
    %eq3A_589 = arith.constant 0 : i32
    %eq3A_590 = arith.cmpi eq, %jit3A_588, %eq3A_589 : i32
    %jit3A_591 = arith.constant 1 : i32
    %select_n3A_592 = arith.select %eq3A_590, %jit3A_591, %jit3A_588 : i32
    %rem3A_593 = arith.remsi %get3A_587, %select_n3A_592 : i32
    %ne3A_594 = arith.constant 0 : i32
    %ne3A_595 = arith.cmpi ne, %rem3A_593, %ne3A_594 : i32
    %lt3A_596 = arith.constant 0 : i32
    %lt3A_597 = arith.cmpi slt, %rem3A_593, %lt3A_596 : i32
    %lt3A_598 = arith.constant 0 : i32
    %lt3A_599 = arith.cmpi slt, %select_n3A_592, %lt3A_598 : i32
    %ne3A_600 = arith.xori %lt3A_597, %lt3A_599 : i1
    %and3A_601 = arith.andi %ne3A_600, %ne3A_595 : i1
    %add3A_602 = arith.addi %rem3A_593, %select_n3A_592 : i32
    %select_n3A_603 = arith.select %and3A_601, %add3A_602, %rem3A_593 : i32
    %eq3A_604 = vector.broadcast %select_n3A_603 : i32 to vector<128x1xi32>
    %eq3A_605 = arith.cmpi eq, %iota3A, %eq3A_604 : vector<128x1xi32>
    %convert_element_type3A_606 = arith.extui %eq3A_605 : vector<128x1xi1> to vector<128x1xi32>
    %convert_element_type3A_607 = arith.sitofp %convert_element_type3A_606 : vector<128x1xi32> to vector<128x1xf32>
    %get3A_608 = arith.constant 0 : index
    %get3A_609 = arith.constant 0 : index
    %get3A_610 = vector.load %arg20[%get3A_608, %get3A_609] : memref<64x128xf32, #tpu.memory_space<vmem>>, vector<64x128xf32>
    %dot_general3A_611 = arith.constant dense<0.000000e+00> : vector<64x1xf32>
    %dot_general3A_612 = tpu.matmul %get3A_610, %convert_element_type3A_607, %dot_general3A_611 {dimension_numbers = #tpu.dot_dimension_numbers<[1], [0], [0], [1], [0, 0, 1, 1], [], []>, transpose_lhs_hint = false} : vector<64x128xf32>, vector<128x1xf32>, vector<64x1xf32> -> vector<64x1xf32>
    %get3A_613 = arith.constant 0 : index
    %get3A_614 = arith.constant 1152 : index
    %get3A_615 = vector.load %arg22[%get3A_613, %get3A_614] : memref<100x1280xf32, #tpu.memory_space<vmem>>, vector<100x64xf32>
    %dot_general3A_616 = arith.constant dense<0.000000e+00> : vector<1x100xf32>
    %dot_general3A_617 = tpu.matmul %dot_general3A_612, %get3A_615, %dot_general3A_616 {dimension_numbers = #tpu.dot_dimension_numbers<[0], [1], [1], [0], [0, 1, 1, 0], [], []>, transpose_lhs_hint = false} : vector<64x1xf32>, vector<100x64xf32>, vector<1x100xf32> -> vector<1x100xf32>
    %add3A_618 = arith.addf %add3A_585, %dot_general3A_617 : vector<1x100xf32>
    %get3A_619 = arith.constant 19 : index
    %get3A_620 = memref.load %arg1[%get3A_619] : memref<20xi32, #tpu.memory_space<smem>>
    %jit3A_621 = arith.constant 128 : i32
    %eq3A_622 = arith.constant 0 : i32
    %eq3A_623 = arith.cmpi eq, %jit3A_621, %eq3A_622 : i32
    %jit3A_624 = arith.constant 1 : i32
    %select_n3A_625 = arith.select %eq3A_623, %jit3A_624, %jit3A_621 : i32
    %rem3A_626 = arith.remsi %get3A_620, %select_n3A_625 : i32
    %ne3A_627 = arith.constant 0 : i32
    %ne3A_628 = arith.cmpi ne, %rem3A_626, %ne3A_627 : i32
    %lt3A_629 = arith.constant 0 : i32
    %lt3A_630 = arith.cmpi slt, %rem3A_626, %lt3A_629 : i32
    %lt3A_631 = arith.constant 0 : i32
    %lt3A_632 = arith.cmpi slt, %select_n3A_625, %lt3A_631 : i32
    %ne3A_633 = arith.xori %lt3A_630, %lt3A_632 : i1
    %and3A_634 = arith.andi %ne3A_633, %ne3A_628 : i1
    %add3A_635 = arith.addi %rem3A_626, %select_n3A_625 : i32
    %select_n3A_636 = arith.select %and3A_634, %add3A_635, %rem3A_626 : i32
    %eq3A_637 = vector.broadcast %select_n3A_636 : i32 to vector<128x1xi32>
    %eq3A_638 = arith.cmpi eq, %iota3A, %eq3A_637 : vector<128x1xi32>
    %convert_element_type3A_639 = arith.extui %eq3A_638 : vector<128x1xi1> to vector<128x1xi32>
    %convert_element_type3A_640 = arith.sitofp %convert_element_type3A_639 : vector<128x1xi32> to vector<128x1xf32>
    %get3A_641 = arith.constant 0 : index
    %get3A_642 = arith.constant 0 : index
    %get3A_643 = vector.load %arg21[%get3A_641, %get3A_642] : memref<64x128xf32, #tpu.memory_space<vmem>>, vector<64x128xf32>
    %dot_general3A_644 = arith.constant dense<0.000000e+00> : vector<64x1xf32>
    %dot_general3A_645 = tpu.matmul %get3A_643, %convert_element_type3A_640, %dot_general3A_644 {dimension_numbers = #tpu.dot_dimension_numbers<[1], [0], [0], [1], [0, 0, 1, 1], [], []>, transpose_lhs_hint = false} : vector<64x128xf32>, vector<128x1xf32>, vector<64x1xf32> -> vector<64x1xf32>
    %get3A_646 = arith.constant 0 : index
    %get3A_647 = arith.constant 1216 : index
    %get3A_648 = vector.load %arg22[%get3A_646, %get3A_647] : memref<100x1280xf32, #tpu.memory_space<vmem>>, vector<100x64xf32>
    %dot_general3A_649 = arith.constant dense<0.000000e+00> : vector<1x100xf32>
    %dot_general3A_650 = tpu.matmul %dot_general3A_645, %get3A_648, %dot_general3A_649 {dimension_numbers = #tpu.dot_dimension_numbers<[0], [1], [1], [0], [0, 1, 1, 0], [], []>, transpose_lhs_hint = false} : vector<64x1xf32>, vector<100x64xf32>, vector<1x100xf32> -> vector<1x100xf32>
    %add3A_651 = arith.addf %add3A_618, %dot_general3A_650 : vector<1x100xf32>
    %tanh3A = math.tanh %add3A_651 : vector<1x100xf32>
    %swap3A = arith.constant 0 : index
    %swap3A_652 = arith.constant 0 : index
    %swap3A_653 = vector.load %arg24[%swap3A, %swap3A_652] : memref<1x100xf32, #tpu.memory_space<vmem>>, vector<1x100xf32>
    tpu.vector_store %arg24[%swap3A, %swap3A_652], %tanh3A {strides = array<i32>} : memref<1x100xf32, #tpu.memory_space<vmem>>, vector<1x100xf32>,
    return
  }
  func.func @transform_0(%arg0: i32, %arg1: memref<20xi32, #tpu.memory_space<smem>>) -> (i32, i32) {
    %get3A = arith.constant 0 : index
    %get3A_0 = memref.load %arg1[%get3A] : memref<20xi32, #tpu.memory_space<smem>>
    %jit3A = arith.constant 128 : i32
    %div3A = arith.divsi %get3A_0, %jit3A : i32
    %sign3A = arith.constant 0 : i32
    %sign3A_1 = arith.cmpi sgt, %get3A_0, %sign3A : i32
    %sign3A_2 = arith.extui %sign3A_1 : i1 to i32
    %sign3A_3 = arith.constant 0 : i32
    %sign3A_4 = arith.cmpi slt, %get3A_0, %sign3A_3 : i32
    %sign3A_5 = arith.extui %sign3A_4 : i1 to i32
    %sign3A_6 = arith.subi %sign3A_2, %sign3A_5 : i32
    %sign3A_7 = arith.constant 0 : i32
    %sign3A_8 = arith.cmpi sgt, %jit3A, %sign3A_7 : i32
    %sign3A_9 = arith.extui %sign3A_8 : i1 to i32
    %sign3A_10 = arith.constant 0 : i32
    %sign3A_11 = arith.cmpi slt, %jit3A, %sign3A_10 : i32
    %sign3A_12 = arith.extui %sign3A_11 : i1 to i32
    %sign3A_13 = arith.subi %sign3A_9, %sign3A_12 : i32
    %ne3A = arith.cmpi ne, %sign3A_6, %sign3A_13 : i32
    %rem3A = arith.remsi %get3A_0, %jit3A : i32
    %ne3A_14 = arith.constant 0 : i32
    %ne3A_15 = arith.cmpi ne, %rem3A, %ne3A_14 : i32
    %and3A = arith.andi %ne3A, %ne3A_15 : i1
    %sub3A = arith.constant 1 : i32
    %sub3A_16 = arith.subi %div3A, %sub3A : i32
    %select_n3A = arith.select %and3A, %sub3A_16, %div3A : i32
    %c0_i32 = arith.constant 0 : i32
    %c0_i32_17 = arith.constant 0 : i32
    return %c0_i32, %select_n3A : i32, i32
  }
  func.func @transform_1(%arg0: i32, %arg1: memref<20xi32, #tpu.memory_space<smem>>) -> (i32, i32) {
    %get3A = arith.constant 1 : index
    %get3A_0 = memref.load %arg1[%get3A] : memref<20xi32, #tpu.memory_space<smem>>
    %jit3A = arith.constant 128 : i32
    %div3A = arith.divsi %get3A_0, %jit3A : i32
    %sign3A = arith.constant 0 : i32
    %sign3A_1 = arith.cmpi sgt, %get3A_0, %sign3A : i32
    %sign3A_2 = arith.extui %sign3A_1 : i1 to i32
    %sign3A_3 = arith.constant 0 : i32
    %sign3A_4 = arith.cmpi slt, %get3A_0, %sign3A_3 : i32
    %sign3A_5 = arith.extui %sign3A_4 : i1 to i32
    %sign3A_6 = arith.subi %sign3A_2, %sign3A_5 : i32
    %sign3A_7 = arith.constant 0 : i32
    %sign3A_8 = arith.cmpi sgt, %jit3A, %sign3A_7 : i32
    %sign3A_9 = arith.extui %sign3A_8 : i1 to i32
    %sign3A_10 = arith.constant 0 : i32
    %sign3A_11 = arith.cmpi slt, %jit3A, %sign3A_10 : i32
    %sign3A_12 = arith.extui %sign3A_11 : i1 to i32
    %sign3A_13 = arith.subi %sign3A_9, %sign3A_12 : i32
    %ne3A = arith.cmpi ne, %sign3A_6, %sign3A_13 : i32
    %rem3A = arith.remsi %get3A_0, %jit3A : i32
    %ne3A_14 = arith.constant 0 : i32
    %ne3A_15 = arith.cmpi ne, %rem3A, %ne3A_14 : i32
    %and3A = arith.andi %ne3A, %ne3A_15 : i1
    %sub3A = arith.constant 1 : i32
    %sub3A_16 = arith.subi %div3A, %sub3A : i32
    %select_n3A = arith.select %and3A, %sub3A_16, %div3A : i32
    %c0_i32 = arith.constant 0 : i32
    %c0_i32_17 = arith.constant 0 : i32
    return %c0_i32, %select_n3A : i32, i32
  }
  func.func @transform_2(%arg0: i32, %arg1: memref<20xi32, #tpu.memory_space<smem>>) -> (i32, i32) {
    %get3A = arith.constant 2 : index
    %get3A_0 = memref.load %arg1[%get3A] : memref<20xi32, #tpu.memory_space<smem>>
    %jit3A = arith.constant 128 : i32
    %div3A = arith.divsi %get3A_0, %jit3A : i32
    %sign3A = arith.constant 0 : i32
    %sign3A_1 = arith.cmpi sgt, %get3A_0, %sign3A : i32
    %sign3A_2 = arith.extui %sign3A_1 : i1 to i32
    %sign3A_3 = arith.constant 0 : i32
    %sign3A_4 = arith.cmpi slt, %get3A_0, %sign3A_3 : i32
    %sign3A_5 = arith.extui %sign3A_4 : i1 to i32
    %sign3A_6 = arith.subi %sign3A_2, %sign3A_5 : i32
    %sign3A_7 = arith.constant 0 : i32
    %sign3A_8 = arith.cmpi sgt, %jit3A, %sign3A_7 : i32
    %sign3A_9 = arith.extui %sign3A_8 : i1 to i32
    %sign3A_10 = arith.constant 0 : i32
    %sign3A_11 = arith.cmpi slt, %jit3A, %sign3A_10 : i32
    %sign3A_12 = arith.extui %sign3A_11 : i1 to i32
    %sign3A_13 = arith.subi %sign3A_9, %sign3A_12 : i32
    %ne3A = arith.cmpi ne, %sign3A_6, %sign3A_13 : i32
    %rem3A = arith.remsi %get3A_0, %jit3A : i32
    %ne3A_14 = arith.constant 0 : i32
    %ne3A_15 = arith.cmpi ne, %rem3A, %ne3A_14 : i32
    %and3A = arith.andi %ne3A, %ne3A_15 : i1
    %sub3A = arith.constant 1 : i32
    %sub3A_16 = arith.subi %div3A, %sub3A : i32
    %select_n3A = arith.select %and3A, %sub3A_16, %div3A : i32
    %c0_i32 = arith.constant 0 : i32
    %c0_i32_17 = arith.constant 0 : i32
    return %c0_i32, %select_n3A : i32, i32
  }
  func.func @transform_3(%arg0: i32, %arg1: memref<20xi32, #tpu.memory_space<smem>>) -> (i32, i32) {
    %get3A = arith.constant 3 : index
    %get3A_0 = memref.load %arg1[%get3A] : memref<20xi32, #tpu.memory_space<smem>>
    %jit3A = arith.constant 128 : i32
    %div3A = arith.divsi %get3A_0, %jit3A : i32
    %sign3A = arith.constant 0 : i32
    %sign3A_1 = arith.cmpi sgt, %get3A_0, %sign3A : i32
    %sign3A_2 = arith.extui %sign3A_1 : i1 to i32
    %sign3A_3 = arith.constant 0 : i32
    %sign3A_4 = arith.cmpi slt, %get3A_0, %sign3A_3 : i32
    %sign3A_5 = arith.extui %sign3A_4 : i1 to i32
    %sign3A_6 = arith.subi %sign3A_2, %sign3A_5 : i32
    %sign3A_7 = arith.constant 0 : i32
    %sign3A_8 = arith.cmpi sgt, %jit3A, %sign3A_7 : i32
    %sign3A_9 = arith.extui %sign3A_8 : i1 to i32
    %sign3A_10 = arith.constant 0 : i32
    %sign3A_11 = arith.cmpi slt, %jit3A, %sign3A_10 : i32
    %sign3A_12 = arith.extui %sign3A_11 : i1 to i32
    %sign3A_13 = arith.subi %sign3A_9, %sign3A_12 : i32
    %ne3A = arith.cmpi ne, %sign3A_6, %sign3A_13 : i32
    %rem3A = arith.remsi %get3A_0, %jit3A : i32
    %ne3A_14 = arith.constant 0 : i32
    %ne3A_15 = arith.cmpi ne, %rem3A, %ne3A_14 : i32
    %and3A = arith.andi %ne3A, %ne3A_15 : i1
    %sub3A = arith.constant 1 : i32
    %sub3A_16 = arith.subi %div3A, %sub3A : i32
    %select_n3A = arith.select %and3A, %sub3A_16, %div3A : i32
    %c0_i32 = arith.constant 0 : i32
    %c0_i32_17 = arith.constant 0 : i32
    return %c0_i32, %select_n3A : i32, i32
  }
  func.func @transform_4(%arg0: i32, %arg1: memref<20xi32, #tpu.memory_space<smem>>) -> (i32, i32) {
    %get3A = arith.constant 4 : index
    %get3A_0 = memref.load %arg1[%get3A] : memref<20xi32, #tpu.memory_space<smem>>
    %jit3A = arith.constant 128 : i32
    %div3A = arith.divsi %get3A_0, %jit3A : i32
    %sign3A = arith.constant 0 : i32
    %sign3A_1 = arith.cmpi sgt, %get3A_0, %sign3A : i32
    %sign3A_2 = arith.extui %sign3A_1 : i1 to i32
    %sign3A_3 = arith.constant 0 : i32
    %sign3A_4 = arith.cmpi slt, %get3A_0, %sign3A_3 : i32
    %sign3A_5 = arith.extui %sign3A_4 : i1 to i32
    %sign3A_6 = arith.subi %sign3A_2, %sign3A_5 : i32
    %sign3A_7 = arith.constant 0 : i32
    %sign3A_8 = arith.cmpi sgt, %jit3A, %sign3A_7 : i32
    %sign3A_9 = arith.extui %sign3A_8 : i1 to i32
    %sign3A_10 = arith.constant 0 : i32
    %sign3A_11 = arith.cmpi slt, %jit3A, %sign3A_10 : i32
    %sign3A_12 = arith.extui %sign3A_11 : i1 to i32
    %sign3A_13 = arith.subi %sign3A_9, %sign3A_12 : i32
    %ne3A = arith.cmpi ne, %sign3A_6, %sign3A_13 : i32
    %rem3A = arith.remsi %get3A_0, %jit3A : i32
    %ne3A_14 = arith.constant 0 : i32
    %ne3A_15 = arith.cmpi ne, %rem3A, %ne3A_14 : i32
    %and3A = arith.andi %ne3A, %ne3A_15 : i1
    %sub3A = arith.constant 1 : i32
    %sub3A_16 = arith.subi %div3A, %sub3A : i32
    %select_n3A = arith.select %and3A, %sub3A_16, %div3A : i32
    %c0_i32 = arith.constant 0 : i32
    %c0_i32_17 = arith.constant 0 : i32
    return %c0_i32, %select_n3A : i32, i32
  }
  func.func @transform_5(%arg0: i32, %arg1: memref<20xi32, #tpu.memory_space<smem>>) -> (i32, i32) {
    %get3A = arith.constant 5 : index
    %get3A_0 = memref.load %arg1[%get3A] : memref<20xi32, #tpu.memory_space<smem>>
    %jit3A = arith.constant 128 : i32
    %div3A = arith.divsi %get3A_0, %jit3A : i32
    %sign3A = arith.constant 0 : i32
    %sign3A_1 = arith.cmpi sgt, %get3A_0, %sign3A : i32
    %sign3A_2 = arith.extui %sign3A_1 : i1 to i32
    %sign3A_3 = arith.constant 0 : i32
    %sign3A_4 = arith.cmpi slt, %get3A_0, %sign3A_3 : i32
    %sign3A_5 = arith.extui %sign3A_4 : i1 to i32
    %sign3A_6 = arith.subi %sign3A_2, %sign3A_5 : i32
    %sign3A_7 = arith.constant 0 : i32
    %sign3A_8 = arith.cmpi sgt, %jit3A, %sign3A_7 : i32
    %sign3A_9 = arith.extui %sign3A_8 : i1 to i32
    %sign3A_10 = arith.constant 0 : i32
    %sign3A_11 = arith.cmpi slt, %jit3A, %sign3A_10 : i32
    %sign3A_12 = arith.extui %sign3A_11 : i1 to i32
    %sign3A_13 = arith.subi %sign3A_9, %sign3A_12 : i32
    %ne3A = arith.cmpi ne, %sign3A_6, %sign3A_13 : i32
    %rem3A = arith.remsi %get3A_0, %jit3A : i32
    %ne3A_14 = arith.constant 0 : i32
    %ne3A_15 = arith.cmpi ne, %rem3A, %ne3A_14 : i32
    %and3A = arith.andi %ne3A, %ne3A_15 : i1
    %sub3A = arith.constant 1 : i32
    %sub3A_16 = arith.subi %div3A, %sub3A : i32
    %select_n3A = arith.select %and3A, %sub3A_16, %div3A : i32
    %c0_i32 = arith.constant 0 : i32
    %c0_i32_17 = arith.constant 0 : i32
    return %c0_i32, %select_n3A : i32, i32
  }
  func.func @transform_6(%arg0: i32, %arg1: memref<20xi32, #tpu.memory_space<smem>>) -> (i32, i32) {
    %get3A = arith.constant 6 : index
    %get3A_0 = memref.load %arg1[%get3A] : memref<20xi32, #tpu.memory_space<smem>>
    %jit3A = arith.constant 128 : i32
    %div3A = arith.divsi %get3A_0, %jit3A : i32
    %sign3A = arith.constant 0 : i32
    %sign3A_1 = arith.cmpi sgt, %get3A_0, %sign3A : i32
    %sign3A_2 = arith.extui %sign3A_1 : i1 to i32
    %sign3A_3 = arith.constant 0 : i32
    %sign3A_4 = arith.cmpi slt, %get3A_0, %sign3A_3 : i32
    %sign3A_5 = arith.extui %sign3A_4 : i1 to i32
    %sign3A_6 = arith.subi %sign3A_2, %sign3A_5 : i32
    %sign3A_7 = arith.constant 0 : i32
    %sign3A_8 = arith.cmpi sgt, %jit3A, %sign3A_7 : i32
    %sign3A_9 = arith.extui %sign3A_8 : i1 to i32
    %sign3A_10 = arith.constant 0 : i32
    %sign3A_11 = arith.cmpi slt, %jit3A, %sign3A_10 : i32
    %sign3A_12 = arith.extui %sign3A_11 : i1 to i32
    %sign3A_13 = arith.subi %sign3A_9, %sign3A_12 : i32
    %ne3A = arith.cmpi ne, %sign3A_6, %sign3A_13 : i32
    %rem3A = arith.remsi %get3A_0, %jit3A : i32
    %ne3A_14 = arith.constant 0 : i32
    %ne3A_15 = arith.cmpi ne, %rem3A, %ne3A_14 : i32
    %and3A = arith.andi %ne3A, %ne3A_15 : i1
    %sub3A = arith.constant 1 : i32
    %sub3A_16 = arith.subi %div3A, %sub3A : i32
    %select_n3A = arith.select %and3A, %sub3A_16, %div3A : i32
    %c0_i32 = arith.constant 0 : i32
    %c0_i32_17 = arith.constant 0 : i32
    return %c0_i32, %select_n3A : i32, i32
  }
  func.func @transform_7(%arg0: i32, %arg1: memref<20xi32, #tpu.memory_space<smem>>) -> (i32, i32) {
    %get3A = arith.constant 7 : index
    %get3A_0 = memref.load %arg1[%get3A] : memref<20xi32, #tpu.memory_space<smem>>
    %jit3A = arith.constant 128 : i32
    %div3A = arith.divsi %get3A_0, %jit3A : i32
    %sign3A = arith.constant 0 : i32
    %sign3A_1 = arith.cmpi sgt, %get3A_0, %sign3A : i32
    %sign3A_2 = arith.extui %sign3A_1 : i1 to i32
    %sign3A_3 = arith.constant 0 : i32
    %sign3A_4 = arith.cmpi slt, %get3A_0, %sign3A_3 : i32
    %sign3A_5 = arith.extui %sign3A_4 : i1 to i32
    %sign3A_6 = arith.subi %sign3A_2, %sign3A_5 : i32
    %sign3A_7 = arith.constant 0 : i32
    %sign3A_8 = arith.cmpi sgt, %jit3A, %sign3A_7 : i32
    %sign3A_9 = arith.extui %sign3A_8 : i1 to i32
    %sign3A_10 = arith.constant 0 : i32
    %sign3A_11 = arith.cmpi slt, %jit3A, %sign3A_10 : i32
    %sign3A_12 = arith.extui %sign3A_11 : i1 to i32
    %sign3A_13 = arith.subi %sign3A_9, %sign3A_12 : i32
    %ne3A = arith.cmpi ne, %sign3A_6, %sign3A_13 : i32
    %rem3A = arith.remsi %get3A_0, %jit3A : i32
    %ne3A_14 = arith.constant 0 : i32
    %ne3A_15 = arith.cmpi ne, %rem3A, %ne3A_14 : i32
    %and3A = arith.andi %ne3A, %ne3A_15 : i1
    %sub3A = arith.constant 1 : i32
    %sub3A_16 = arith.subi %div3A, %sub3A : i32
    %select_n3A = arith.select %and3A, %sub3A_16, %div3A : i32
    %c0_i32 = arith.constant 0 : i32
    %c0_i32_17 = arith.constant 0 : i32
    return %c0_i32, %select_n3A : i32, i32
  }
  func.func @transform_8(%arg0: i32, %arg1: memref<20xi32, #tpu.memory_space<smem>>) -> (i32, i32) {
    %get3A = arith.constant 8 : index
    %get3A_0 = memref.load %arg1[%get3A] : memref<20xi32, #tpu.memory_space<smem>>
    %jit3A = arith.constant 128 : i32
    %div3A = arith.divsi %get3A_0, %jit3A : i32
    %sign3A = arith.constant 0 : i32
    %sign3A_1 = arith.cmpi sgt, %get3A_0, %sign3A : i32
    %sign3A_2 = arith.extui %sign3A_1 : i1 to i32
    %sign3A_3 = arith.constant 0 : i32
    %sign3A_4 = arith.cmpi slt, %get3A_0, %sign3A_3 : i32
    %sign3A_5 = arith.extui %sign3A_4 : i1 to i32
    %sign3A_6 = arith.subi %sign3A_2, %sign3A_5 : i32
    %sign3A_7 = arith.constant 0 : i32
    %sign3A_8 = arith.cmpi sgt, %jit3A, %sign3A_7 : i32
    %sign3A_9 = arith.extui %sign3A_8 : i1 to i32
    %sign3A_10 = arith.constant 0 : i32
    %sign3A_11 = arith.cmpi slt, %jit3A, %sign3A_10 : i32
    %sign3A_12 = arith.extui %sign3A_11 : i1 to i32
    %sign3A_13 = arith.subi %sign3A_9, %sign3A_12 : i32
    %ne3A = arith.cmpi ne, %sign3A_6, %sign3A_13 : i32
    %rem3A = arith.remsi %get3A_0, %jit3A : i32
    %ne3A_14 = arith.constant 0 : i32
    %ne3A_15 = arith.cmpi ne, %rem3A, %ne3A_14 : i32
    %and3A = arith.andi %ne3A, %ne3A_15 : i1
    %sub3A = arith.constant 1 : i32
    %sub3A_16 = arith.subi %div3A, %sub3A : i32
    %select_n3A = arith.select %and3A, %sub3A_16, %div3A : i32
    %c0_i32 = arith.constant 0 : i32
    %c0_i32_17 = arith.constant 0 : i32
    return %c0_i32, %select_n3A : i32, i32
  }
  func.func @transform_9(%arg0: i32, %arg1: memref<20xi32, #tpu.memory_space<smem>>) -> (i32, i32) {
    %get3A = arith.constant 9 : index
    %get3A_0 = memref.load %arg1[%get3A] : memref<20xi32, #tpu.memory_space<smem>>
    %jit3A = arith.constant 128 : i32
    %div3A = arith.divsi %get3A_0, %jit3A : i32
    %sign3A = arith.constant 0 : i32
    %sign3A_1 = arith.cmpi sgt, %get3A_0, %sign3A : i32
    %sign3A_2 = arith.extui %sign3A_1 : i1 to i32
    %sign3A_3 = arith.constant 0 : i32
    %sign3A_4 = arith.cmpi slt, %get3A_0, %sign3A_3 : i32
    %sign3A_5 = arith.extui %sign3A_4 : i1 to i32
    %sign3A_6 = arith.subi %sign3A_2, %sign3A_5 : i32
    %sign3A_7 = arith.constant 0 : i32
    %sign3A_8 = arith.cmpi sgt, %jit3A, %sign3A_7 : i32
    %sign3A_9 = arith.extui %sign3A_8 : i1 to i32
    %sign3A_10 = arith.constant 0 : i32
    %sign3A_11 = arith.cmpi slt, %jit3A, %sign3A_10 : i32
    %sign3A_12 = arith.extui %sign3A_11 : i1 to i32
    %sign3A_13 = arith.subi %sign3A_9, %sign3A_12 : i32
    %ne3A = arith.cmpi ne, %sign3A_6, %sign3A_13 : i32
    %rem3A = arith.remsi %get3A_0, %jit3A : i32
    %ne3A_14 = arith.constant 0 : i32
    %ne3A_15 = arith.cmpi ne, %rem3A, %ne3A_14 : i32
    %and3A = arith.andi %ne3A, %ne3A_15 : i1
    %sub3A = arith.constant 1 : i32
    %sub3A_16 = arith.subi %div3A, %sub3A : i32
    %select_n3A = arith.select %and3A, %sub3A_16, %div3A : i32
    %c0_i32 = arith.constant 0 : i32
    %c0_i32_17 = arith.constant 0 : i32
    return %c0_i32, %select_n3A : i32, i32
  }
  func.func @transform_10(%arg0: i32, %arg1: memref<20xi32, #tpu.memory_space<smem>>) -> (i32, i32) {
    %get3A = arith.constant 10 : index
    %get3A_0 = memref.load %arg1[%get3A] : memref<20xi32, #tpu.memory_space<smem>>
    %jit3A = arith.constant 128 : i32
    %div3A = arith.divsi %get3A_0, %jit3A : i32
    %sign3A = arith.constant 0 : i32
    %sign3A_1 = arith.cmpi sgt, %get3A_0, %sign3A : i32
    %sign3A_2 = arith.extui %sign3A_1 : i1 to i32
    %sign3A_3 = arith.constant 0 : i32
    %sign3A_4 = arith.cmpi slt, %get3A_0, %sign3A_3 : i32
    %sign3A_5 = arith.extui %sign3A_4 : i1 to i32
    %sign3A_6 = arith.subi %sign3A_2, %sign3A_5 : i32
    %sign3A_7 = arith.constant 0 : i32
    %sign3A_8 = arith.cmpi sgt, %jit3A, %sign3A_7 : i32
    %sign3A_9 = arith.extui %sign3A_8 : i1 to i32
    %sign3A_10 = arith.constant 0 : i32
    %sign3A_11 = arith.cmpi slt, %jit3A, %sign3A_10 : i32
    %sign3A_12 = arith.extui %sign3A_11 : i1 to i32
    %sign3A_13 = arith.subi %sign3A_9, %sign3A_12 : i32
    %ne3A = arith.cmpi ne, %sign3A_6, %sign3A_13 : i32
    %rem3A = arith.remsi %get3A_0, %jit3A : i32
    %ne3A_14 = arith.constant 0 : i32
    %ne3A_15 = arith.cmpi ne, %rem3A, %ne3A_14 : i32
    %and3A = arith.andi %ne3A, %ne3A_15 : i1
    %sub3A = arith.constant 1 : i32
    %sub3A_16 = arith.subi %div3A, %sub3A : i32
    %select_n3A = arith.select %and3A, %sub3A_16, %div3A : i32
    %c0_i32 = arith.constant 0 : i32
    %c0_i32_17 = arith.constant 0 : i32
    return %c0_i32, %select_n3A : i32, i32
  }
  func.func @transform_11(%arg0: i32, %arg1: memref<20xi32, #tpu.memory_space<smem>>) -> (i32, i32) {
    %get3A = arith.constant 11 : index
    %get3A_0 = memref.load %arg1[%get3A] : memref<20xi32, #tpu.memory_space<smem>>
    %jit3A = arith.constant 128 : i32
    %div3A = arith.divsi %get3A_0, %jit3A : i32
    %sign3A = arith.constant 0 : i32
    %sign3A_1 = arith.cmpi sgt, %get3A_0, %sign3A : i32
    %sign3A_2 = arith.extui %sign3A_1 : i1 to i32
    %sign3A_3 = arith.constant 0 : i32
    %sign3A_4 = arith.cmpi slt, %get3A_0, %sign3A_3 : i32
    %sign3A_5 = arith.extui %sign3A_4 : i1 to i32
    %sign3A_6 = arith.subi %sign3A_2, %sign3A_5 : i32
    %sign3A_7 = arith.constant 0 : i32
    %sign3A_8 = arith.cmpi sgt, %jit3A, %sign3A_7 : i32
    %sign3A_9 = arith.extui %sign3A_8 : i1 to i32
    %sign3A_10 = arith.constant 0 : i32
    %sign3A_11 = arith.cmpi slt, %jit3A, %sign3A_10 : i32
    %sign3A_12 = arith.extui %sign3A_11 : i1 to i32
    %sign3A_13 = arith.subi %sign3A_9, %sign3A_12 : i32
    %ne3A = arith.cmpi ne, %sign3A_6, %sign3A_13 : i32
    %rem3A = arith.remsi %get3A_0, %jit3A : i32
    %ne3A_14 = arith.constant 0 : i32
    %ne3A_15 = arith.cmpi ne, %rem3A, %ne3A_14 : i32
    %and3A = arith.andi %ne3A, %ne3A_15 : i1
    %sub3A = arith.constant 1 : i32
    %sub3A_16 = arith.subi %div3A, %sub3A : i32
    %select_n3A = arith.select %and3A, %sub3A_16, %div3A : i32
    %c0_i32 = arith.constant 0 : i32
    %c0_i32_17 = arith.constant 0 : i32
    return %c0_i32, %select_n3A : i32, i32
  }
  func.func @transform_12(%arg0: i32, %arg1: memref<20xi32, #tpu.memory_space<smem>>) -> (i32, i32) {
    %get3A = arith.constant 12 : index
    %get3A_0 = memref.load %arg1[%get3A] : memref<20xi32, #tpu.memory_space<smem>>
    %jit3A = arith.constant 128 : i32
    %div3A = arith.divsi %get3A_0, %jit3A : i32
    %sign3A = arith.constant 0 : i32
    %sign3A_1 = arith.cmpi sgt, %get3A_0, %sign3A : i32
    %sign3A_2 = arith.extui %sign3A_1 : i1 to i32
    %sign3A_3 = arith.constant 0 : i32
    %sign3A_4 = arith.cmpi slt, %get3A_0, %sign3A_3 : i32
    %sign3A_5 = arith.extui %sign3A_4 : i1 to i32
    %sign3A_6 = arith.subi %sign3A_2, %sign3A_5 : i32
    %sign3A_7 = arith.constant 0 : i32
    %sign3A_8 = arith.cmpi sgt, %jit3A, %sign3A_7 : i32
    %sign3A_9 = arith.extui %sign3A_8 : i1 to i32
    %sign3A_10 = arith.constant 0 : i32
    %sign3A_11 = arith.cmpi slt, %jit3A, %sign3A_10 : i32
    %sign3A_12 = arith.extui %sign3A_11 : i1 to i32
    %sign3A_13 = arith.subi %sign3A_9, %sign3A_12 : i32
    %ne3A = arith.cmpi ne, %sign3A_6, %sign3A_13 : i32
    %rem3A = arith.remsi %get3A_0, %jit3A : i32
    %ne3A_14 = arith.constant 0 : i32
    %ne3A_15 = arith.cmpi ne, %rem3A, %ne3A_14 : i32
    %and3A = arith.andi %ne3A, %ne3A_15 : i1
    %sub3A = arith.constant 1 : i32
    %sub3A_16 = arith.subi %div3A, %sub3A : i32
    %select_n3A = arith.select %and3A, %sub3A_16, %div3A : i32
    %c0_i32 = arith.constant 0 : i32
    %c0_i32_17 = arith.constant 0 : i32
    return %c0_i32, %select_n3A : i32, i32
  }
  func.func @transform_13(%arg0: i32, %arg1: memref<20xi32, #tpu.memory_space<smem>>) -> (i32, i32) {
    %get3A = arith.constant 13 : index
    %get3A_0 = memref.load %arg1[%get3A] : memref<20xi32, #tpu.memory_space<smem>>
    %jit3A = arith.constant 128 : i32
    %div3A = arith.divsi %get3A_0, %jit3A : i32
    %sign3A = arith.constant 0 : i32
    %sign3A_1 = arith.cmpi sgt, %get3A_0, %sign3A : i32
    %sign3A_2 = arith.extui %sign3A_1 : i1 to i32
    %sign3A_3 = arith.constant 0 : i32
    %sign3A_4 = arith.cmpi slt, %get3A_0, %sign3A_3 : i32
    %sign3A_5 = arith.extui %sign3A_4 : i1 to i32
    %sign3A_6 = arith.subi %sign3A_2, %sign3A_5 : i32
    %sign3A_7 = arith.constant 0 : i32
    %sign3A_8 = arith.cmpi sgt, %jit3A, %sign3A_7 : i32
    %sign3A_9 = arith.extui %sign3A_8 : i1 to i32
    %sign3A_10 = arith.constant 0 : i32
    %sign3A_11 = arith.cmpi slt, %jit3A, %sign3A_10 : i32
    %sign3A_12 = arith.extui %sign3A_11 : i1 to i32
    %sign3A_13 = arith.subi %sign3A_9, %sign3A_12 : i32
    %ne3A = arith.cmpi ne, %sign3A_6, %sign3A_13 : i32
    %rem3A = arith.remsi %get3A_0, %jit3A : i32
    %ne3A_14 = arith.constant 0 : i32
    %ne3A_15 = arith.cmpi ne, %rem3A, %ne3A_14 : i32
    %and3A = arith.andi %ne3A, %ne3A_15 : i1
    %sub3A = arith.constant 1 : i32
    %sub3A_16 = arith.subi %div3A, %sub3A : i32
    %select_n3A = arith.select %and3A, %sub3A_16, %div3A : i32
    %c0_i32 = arith.constant 0 : i32
    %c0_i32_17 = arith.constant 0 : i32
    return %c0_i32, %select_n3A : i32, i32
  }
  func.func @transform_14(%arg0: i32, %arg1: memref<20xi32, #tpu.memory_space<smem>>) -> (i32, i32) {
    %get3A = arith.constant 14 : index
    %get3A_0 = memref.load %arg1[%get3A] : memref<20xi32, #tpu.memory_space<smem>>
    %jit3A = arith.constant 128 : i32
    %div3A = arith.divsi %get3A_0, %jit3A : i32
    %sign3A = arith.constant 0 : i32
    %sign3A_1 = arith.cmpi sgt, %get3A_0, %sign3A : i32
    %sign3A_2 = arith.extui %sign3A_1 : i1 to i32
    %sign3A_3 = arith.constant 0 : i32
    %sign3A_4 = arith.cmpi slt, %get3A_0, %sign3A_3 : i32
    %sign3A_5 = arith.extui %sign3A_4 : i1 to i32
    %sign3A_6 = arith.subi %sign3A_2, %sign3A_5 : i32
    %sign3A_7 = arith.constant 0 : i32
    %sign3A_8 = arith.cmpi sgt, %jit3A, %sign3A_7 : i32
    %sign3A_9 = arith.extui %sign3A_8 : i1 to i32
    %sign3A_10 = arith.constant 0 : i32
    %sign3A_11 = arith.cmpi slt, %jit3A, %sign3A_10 : i32
    %sign3A_12 = arith.extui %sign3A_11 : i1 to i32
    %sign3A_13 = arith.subi %sign3A_9, %sign3A_12 : i32
    %ne3A = arith.cmpi ne, %sign3A_6, %sign3A_13 : i32
    %rem3A = arith.remsi %get3A_0, %jit3A : i32
    %ne3A_14 = arith.constant 0 : i32
    %ne3A_15 = arith.cmpi ne, %rem3A, %ne3A_14 : i32
    %and3A = arith.andi %ne3A, %ne3A_15 : i1
    %sub3A = arith.constant 1 : i32
    %sub3A_16 = arith.subi %div3A, %sub3A : i32
    %select_n3A = arith.select %and3A, %sub3A_16, %div3A : i32
    %c0_i32 = arith.constant 0 : i32
    %c0_i32_17 = arith.constant 0 : i32
    return %c0_i32, %select_n3A : i32, i32
  }
  func.func @transform_15(%arg0: i32, %arg1: memref<20xi32, #tpu.memory_space<smem>>) -> (i32, i32) {
    %get3A = arith.constant 15 : index
    %get3A_0 = memref.load %arg1[%get3A] : memref<20xi32, #tpu.memory_space<smem>>
    %jit3A = arith.constant 128 : i32
    %div3A = arith.divsi %get3A_0, %jit3A : i32
    %sign3A = arith.constant 0 : i32
    %sign3A_1 = arith.cmpi sgt, %get3A_0, %sign3A : i32
    %sign3A_2 = arith.extui %sign3A_1 : i1 to i32
    %sign3A_3 = arith.constant 0 : i32
    %sign3A_4 = arith.cmpi slt, %get3A_0, %sign3A_3 : i32
    %sign3A_5 = arith.extui %sign3A_4 : i1 to i32
    %sign3A_6 = arith.subi %sign3A_2, %sign3A_5 : i32
    %sign3A_7 = arith.constant 0 : i32
    %sign3A_8 = arith.cmpi sgt, %jit3A, %sign3A_7 : i32
    %sign3A_9 = arith.extui %sign3A_8 : i1 to i32
    %sign3A_10 = arith.constant 0 : i32
    %sign3A_11 = arith.cmpi slt, %jit3A, %sign3A_10 : i32
    %sign3A_12 = arith.extui %sign3A_11 : i1 to i32
    %sign3A_13 = arith.subi %sign3A_9, %sign3A_12 : i32
    %ne3A = arith.cmpi ne, %sign3A_6, %sign3A_13 : i32
    %rem3A = arith.remsi %get3A_0, %jit3A : i32
    %ne3A_14 = arith.constant 0 : i32
    %ne3A_15 = arith.cmpi ne, %rem3A, %ne3A_14 : i32
    %and3A = arith.andi %ne3A, %ne3A_15 : i1
    %sub3A = arith.constant 1 : i32
    %sub3A_16 = arith.subi %div3A, %sub3A : i32
    %select_n3A = arith.select %and3A, %sub3A_16, %div3A : i32
    %c0_i32 = arith.constant 0 : i32
    %c0_i32_17 = arith.constant 0 : i32
    return %c0_i32, %select_n3A : i32, i32
  }
  func.func @transform_16(%arg0: i32, %arg1: memref<20xi32, #tpu.memory_space<smem>>) -> (i32, i32) {
    %get3A = arith.constant 16 : index
    %get3A_0 = memref.load %arg1[%get3A] : memref<20xi32, #tpu.memory_space<smem>>
    %jit3A = arith.constant 128 : i32
    %div3A = arith.divsi %get3A_0, %jit3A : i32
    %sign3A = arith.constant 0 : i32
    %sign3A_1 = arith.cmpi sgt, %get3A_0, %sign3A : i32
    %sign3A_2 = arith.extui %sign3A_1 : i1 to i32
    %sign3A_3 = arith.constant 0 : i32
    %sign3A_4 = arith.cmpi slt, %get3A_0, %sign3A_3 : i32
    %sign3A_5 = arith.extui %sign3A_4 : i1 to i32
    %sign3A_6 = arith.subi %sign3A_2, %sign3A_5 : i32
    %sign3A_7 = arith.constant 0 : i32
    %sign3A_8 = arith.cmpi sgt, %jit3A, %sign3A_7 : i32
    %sign3A_9 = arith.extui %sign3A_8 : i1 to i32
    %sign3A_10 = arith.constant 0 : i32
    %sign3A_11 = arith.cmpi slt, %jit3A, %sign3A_10 : i32
    %sign3A_12 = arith.extui %sign3A_11 : i1 to i32
    %sign3A_13 = arith.subi %sign3A_9, %sign3A_12 : i32
    %ne3A = arith.cmpi ne, %sign3A_6, %sign3A_13 : i32
    %rem3A = arith.remsi %get3A_0, %jit3A : i32
    %ne3A_14 = arith.constant 0 : i32
    %ne3A_15 = arith.cmpi ne, %rem3A, %ne3A_14 : i32
    %and3A = arith.andi %ne3A, %ne3A_15 : i1
    %sub3A = arith.constant 1 : i32
    %sub3A_16 = arith.subi %div3A, %sub3A : i32
    %select_n3A = arith.select %and3A, %sub3A_16, %div3A : i32
    %c0_i32 = arith.constant 0 : i32
    %c0_i32_17 = arith.constant 0 : i32
    return %c0_i32, %select_n3A : i32, i32
  }
  func.func @transform_17(%arg0: i32, %arg1: memref<20xi32, #tpu.memory_space<smem>>) -> (i32, i32) {
    %get3A = arith.constant 17 : index
    %get3A_0 = memref.load %arg1[%get3A] : memref<20xi32, #tpu.memory_space<smem>>
    %jit3A = arith.constant 128 : i32
    %div3A = arith.divsi %get3A_0, %jit3A : i32
    %sign3A = arith.constant 0 : i32
    %sign3A_1 = arith.cmpi sgt, %get3A_0, %sign3A : i32
    %sign3A_2 = arith.extui %sign3A_1 : i1 to i32
    %sign3A_3 = arith.constant 0 : i32
    %sign3A_4 = arith.cmpi slt, %get3A_0, %sign3A_3 : i32
    %sign3A_5 = arith.extui %sign3A_4 : i1 to i32
    %sign3A_6 = arith.subi %sign3A_2, %sign3A_5 : i32
    %sign3A_7 = arith.constant 0 : i32
    %sign3A_8 = arith.cmpi sgt, %jit3A, %sign3A_7 : i32
    %sign3A_9 = arith.extui %sign3A_8 : i1 to i32
    %sign3A_10 = arith.constant 0 : i32
    %sign3A_11 = arith.cmpi slt, %jit3A, %sign3A_10 : i32
    %sign3A_12 = arith.extui %sign3A_11 : i1 to i32
    %sign3A_13 = arith.subi %sign3A_9, %sign3A_12 : i32
    %ne3A = arith.cmpi ne, %sign3A_6, %sign3A_13 : i32
    %rem3A = arith.remsi %get3A_0, %jit3A : i32
    %ne3A_14 = arith.constant 0 : i32
    %ne3A_15 = arith.cmpi ne, %rem3A, %ne3A_14 : i32
    %and3A = arith.andi %ne3A, %ne3A_15 : i1
    %sub3A = arith.constant 1 : i32
    %sub3A_16 = arith.subi %div3A, %sub3A : i32
    %select_n3A = arith.select %and3A, %sub3A_16, %div3A : i32
    %c0_i32 = arith.constant 0 : i32
    %c0_i32_17 = arith.constant 0 : i32
    return %c0_i32, %select_n3A : i32, i32
  }
  func.func @transform_18(%arg0: i32, %arg1: memref<20xi32, #tpu.memory_space<smem>>) -> (i32, i32) {
    %get3A = arith.constant 18 : index
    %get3A_0 = memref.load %arg1[%get3A] : memref<20xi32, #tpu.memory_space<smem>>
    %jit3A = arith.constant 128 : i32
    %div3A = arith.divsi %get3A_0, %jit3A : i32
    %sign3A = arith.constant 0 : i32
    %sign3A_1 = arith.cmpi sgt, %get3A_0, %sign3A : i32
    %sign3A_2 = arith.extui %sign3A_1 : i1 to i32
    %sign3A_3 = arith.constant 0 : i32
    %sign3A_4 = arith.cmpi slt, %get3A_0, %sign3A_3 : i32
    %sign3A_5 = arith.extui %sign3A_4 : i1 to i32
    %sign3A_6 = arith.subi %sign3A_2, %sign3A_5 : i32
    %sign3A_7 = arith.constant 0 : i32
    %sign3A_8 = arith.cmpi sgt, %jit3A, %sign3A_7 : i32
    %sign3A_9 = arith.extui %sign3A_8 : i1 to i32
    %sign3A_10 = arith.constant 0 : i32
    %sign3A_11 = arith.cmpi slt, %jit3A, %sign3A_10 : i32
    %sign3A_12 = arith.extui %sign3A_11 : i1 to i32
    %sign3A_13 = arith.subi %sign3A_9, %sign3A_12 : i32
    %ne3A = arith.cmpi ne, %sign3A_6, %sign3A_13 : i32
    %rem3A = arith.remsi %get3A_0, %jit3A : i32
    %ne3A_14 = arith.constant 0 : i32
    %ne3A_15 = arith.cmpi ne, %rem3A, %ne3A_14 : i32
    %and3A = arith.andi %ne3A, %ne3A_15 : i1
    %sub3A = arith.constant 1 : i32
    %sub3A_16 = arith.subi %div3A, %sub3A : i32
    %select_n3A = arith.select %and3A, %sub3A_16, %div3A : i32
    %c0_i32 = arith.constant 0 : i32
    %c0_i32_17 = arith.constant 0 : i32
    return %c0_i32, %select_n3A : i32, i32
  }
  func.func @transform_19(%arg0: i32, %arg1: memref<20xi32, #tpu.memory_space<smem>>) -> (i32, i32) {
    %get3A = arith.constant 19 : index
    %get3A_0 = memref.load %arg1[%get3A] : memref<20xi32, #tpu.memory_space<smem>>
    %jit3A = arith.constant 128 : i32
    %div3A = arith.divsi %get3A_0, %jit3A : i32
    %sign3A = arith.constant 0 : i32
    %sign3A_1 = arith.cmpi sgt, %get3A_0, %sign3A : i32
    %sign3A_2 = arith.extui %sign3A_1 : i1 to i32
    %sign3A_3 = arith.constant 0 : i32
    %sign3A_4 = arith.cmpi slt, %get3A_0, %sign3A_3 : i32
    %sign3A_5 = arith.extui %sign3A_4 : i1 to i32
    %sign3A_6 = arith.subi %sign3A_2, %sign3A_5 : i32
    %sign3A_7 = arith.constant 0 : i32
    %sign3A_8 = arith.cmpi sgt, %jit3A, %sign3A_7 : i32
    %sign3A_9 = arith.extui %sign3A_8 : i1 to i32
    %sign3A_10 = arith.constant 0 : i32
    %sign3A_11 = arith.cmpi slt, %jit3A, %sign3A_10 : i32
    %sign3A_12 = arith.extui %sign3A_11 : i1 to i32
    %sign3A_13 = arith.subi %sign3A_9, %sign3A_12 : i32
    %ne3A = arith.cmpi ne, %sign3A_6, %sign3A_13 : i32
    %rem3A = arith.remsi %get3A_0, %jit3A : i32
    %ne3A_14 = arith.constant 0 : i32
    %ne3A_15 = arith.cmpi ne, %rem3A, %ne3A_14 : i32
    %and3A = arith.andi %ne3A, %ne3A_15 : i1
    %sub3A = arith.constant 1 : i32
    %sub3A_16 = arith.subi %div3A, %sub3A : i32
    %select_n3A = arith.select %and3A, %sub3A_16, %div3A : i32
    %c0_i32 = arith.constant 0 : i32
    %c0_i32_17 = arith.constant 0 : i32
    return %c0_i32, %select_n3A : i32, i32
  }
  func.func @transform_20(%arg0: i32, %arg1: memref<20xi32, #tpu.memory_space<smem>>) -> (i32, i32) {
    %c0_i32 = arith.constant 0 : i32
    %c0_i32_0 = arith.constant 0 : i32
    %c0_i32_1 = arith.constant 0 : i32
    return %c0_i32, %c0_i32_0 : i32, i32
  }
  func.func @transform_21(%arg0: i32, %arg1: memref<20xi32, #tpu.memory_space<smem>>) -> (i32, i32) {
    %c0_i32 = arith.constant 0 : i32
    %c0_i32_0 = arith.constant 0 : i32
    %c0_i32_1 = arith.constant 0 : i32
    return %c0_i32, %c0_i32_0 : i32, i32
  }
  func.func @transform_22(%arg0: i32, %arg1: memref<20xi32, #tpu.memory_space<smem>>) -> (i32, i32) {
    %c0_i32 = arith.constant 0 : i32
    %c0_i32_0 = arith.constant 0 : i32
    %c0_i32_1 = arith.constant 0 : i32
    return %c0_i32, %c0_i32_0 : i32, i32
  }
}

module attributes {stable_mosaic.version = 14 : i64} {
  func.func @_tc_body(%arg0: i32, %arg1: memref<1x100xf32, #tpu.memory_space<vmem>>, %arg2: memref<100x19712xf32, #tpu.memory_space<vmem>>, %arg3: memref<1x19712xf32, #tpu.memory_space<vmem>>, %arg4: memref<100x6400xf32, #tpu.memory_space<vmem>>, %arg5: memref<1x6400xf32, #tpu.memory_space<vmem>>, %arg6: memref<1x19712xf32, #tpu.memory_space<vmem>>, %arg7: memref<1x65536xf32, #tpu.memory_space<vmem>>, %arg8: memref<1x1xf32, #tpu.memory_space<smem>>, %arg9: memref<1x1xf32, #tpu.memory_space<smem>>, %arg10: memref<2xf32, #tpu.memory_space<smem>>) attributes {dimension_semantics = [#tpu.dimension_semantics<arbitrary>], iteration_bounds = array<i64: 3>, scalar_prefetch = 0 : i64, scratch_operands = 1 : i64, tpu.core_type = #tpu.core_type<tc>, window_params = [{pipeline_mode = #tpu.pipeline_mode<synchronous>, transform_indices = @transform_0, window_bounds = array<i64: 1, 100>}, {transform_indices = @transform_1, window_bounds = array<i64: 100, 19712>}, {transform_indices = @transform_2, window_bounds = array<i64: 1, 19712>}, {transform_indices = @transform_3, window_bounds = array<i64: 100, 6400>}, {transform_indices = @transform_4, window_bounds = array<i64: 1, 6400>}, {transform_indices = @transform_5, window_bounds = array<i64: 1, 19712>}, {pipeline_mode = #tpu.pipeline_mode<synchronous>, transform_indices = @transform_6, window_bounds = array<i64: 1, 65536>}, {transform_indices = @transform_7, window_bounds = array<i64: 1, 1>}, {transform_indices = @transform_8, window_bounds = array<i64: 1, 1>}]} {
    %get3A = arith.constant 0 : index
    %get3A_0 = arith.constant 0 : index
    %get3A_1 = vector.load %arg1[%get3A, %get3A_0] : memref<1x100xf32, #tpu.memory_space<vmem>>, vector<1x100xf32>
    %get3A_2 = arith.constant 0 : index
    %get3A_3 = arith.constant 0 : index
    %get3A_4 = vector.load %arg2[%get3A_2, %get3A_3] : memref<100x19712xf32, #tpu.memory_space<vmem>>, vector<100x19712xf32>
    %dot_general3A = arith.constant dense<0.000000e+00> : vector<1x19712xf32>
    %dot_general3A_5 = tpu.matmul %get3A_1, %get3A_4, %dot_general3A {dimension_numbers = #tpu.dot_dimension_numbers<[1], [0], [0], [1], [0, 0, 1, 1], [], []>, transpose_lhs_hint = false} : vector<1x100xf32>, vector<100x19712xf32>, vector<1x19712xf32> -> vector<1x19712xf32>
    %get3A_6 = arith.constant 0 : index
    %get3A_7 = arith.constant 0 : index
    %get3A_8 = vector.load %arg3[%get3A_6, %get3A_7] : memref<1x19712xf32, #tpu.memory_space<vmem>>, vector<1x19712xf32>
    %add3A = arith.addf %dot_general3A_5, %get3A_8 : vector<1x19712xf32>
    %swap3A = arith.constant 0 : index
    %swap3A_9 = arith.constant 0 : index
    %swap3A_10 = vector.load %arg6[%swap3A, %swap3A_9] : memref<1x19712xf32, #tpu.memory_space<vmem>>, vector<1x19712xf32>
    tpu.vector_store %arg6[%swap3A, %swap3A_9], %add3A {strides = array<i32>} : memref<1x19712xf32, #tpu.memory_space<vmem>>, vector<1x19712xf32>,
    %reduce_max3A = vector.shape_cast %add3A : vector<1x19712xf32> to vector<1x1x19712xf32>
    %reduce_max3A_11 = arith.constant dense<0xFF800000> : vector<1xf32>
    %reduce_max3A_12 = vector.multi_reduction <maximumf>, %reduce_max3A, %reduce_max3A_11 [1, 2] : vector<1x1x19712xf32> to vector<1xf32>
    %reduce_max3A_13 = vector.shape_cast %reduce_max3A_12 : vector<1xf32> to vector<1x1x1xf32>
    %reduce_max3A_14 = vector.extract %reduce_max3A_13[0, 0, 0] : f32 from vector<1x1x1xf32>
    %eq3A = arith.constant 0 : i32
    %eq3A_15 = arith.cmpi eq, %arg0, %eq3A : i32
    %convert_element_type3A = arith.extui %eq3A_15 : i1 to i32
    %cond3A = arith.constant 0 : i32
    %cond3A_16 = arith.cmpi ne, %convert_element_type3A, %cond3A : i32
    scf.if %cond3A_16 {
      %get3A_26 = arith.constant 0 : index
      %get3A_27 = arith.constant 0 : index
      %get3A_28 = vector.load %arg1[%get3A_26, %get3A_27] : memref<1x100xf32, #tpu.memory_space<vmem>>, vector<1x100xf32>
      %get3A_29 = arith.constant 0 : index
      %get3A_30 = arith.constant 0 : index
      %get3A_31 = vector.load %arg4[%get3A_29, %get3A_30] : memref<100x6400xf32, #tpu.memory_space<vmem>>, vector<100x6400xf32>
      %dot_general3A_32 = arith.constant dense<0.000000e+00> : vector<1x6400xf32>
      %dot_general3A_33 = tpu.matmul %get3A_28, %get3A_31, %dot_general3A_32 {dimension_numbers = #tpu.dot_dimension_numbers<[1], [0], [0], [1], [0, 0, 1, 1], [], []>, transpose_lhs_hint = false} : vector<1x100xf32>, vector<100x6400xf32>, vector<1x6400xf32> -> vector<1x6400xf32>
      %get3A_34 = arith.constant 0 : index
      %get3A_35 = arith.constant 0 : index
      %get3A_36 = vector.load %arg5[%get3A_34, %get3A_35] : memref<1x6400xf32, #tpu.memory_space<vmem>>, vector<1x6400xf32>
      %add3A_37 = arith.addf %dot_general3A_33, %get3A_36 : vector<1x6400xf32>
      %iota3A = tpu.iota {dimensions = array<i32: 1>} : vector<1x6400xi32>
      %add3A_38 = arith.constant 96000 : i32
      %add3A_39 = vector.broadcast %add3A_38 : i32 to vector<1x6400xi32>
      %add3A_40 = arith.addi %add3A_39, %iota3A : vector<1x6400xi32>
      %lt3A = arith.constant 100000 : i32
      %lt3A_41 = vector.broadcast %lt3A : i32 to vector<1x6400xi32>
      %lt3A_42 = arith.cmpi slt, %add3A_40, %lt3A_41 : vector<1x6400xi32>
      %jit3A = arith.constant 0xFF800000 : f32
      %broadcast_in_dim3A = vector.broadcast %jit3A : f32 to vector<1x6400xf32>
      %select_n3A = arith.select %lt3A_42, %add3A_37, %broadcast_in_dim3A : vector<1x6400xi1>, vector<1x6400xf32>
      %swap3A_43 = arith.constant 0 : index
      %swap3A_44 = arith.constant 30464 : index
      %swap3A_45 = vector.load %arg7[%swap3A_43, %swap3A_44] : memref<1x65536xf32, #tpu.memory_space<vmem>>, vector<1x6400xf32>
      tpu.vector_store %arg7[%swap3A_43, %swap3A_44], %select_n3A {strides = array<i32>} : memref<1x65536xf32, #tpu.memory_space<vmem>>, vector<1x6400xf32>,
      %reduce_max3A_46 = vector.shape_cast %select_n3A : vector<1x6400xf32> to vector<1x1x6400xf32>
      %reduce_max3A_47 = arith.constant dense<0xFF800000> : vector<1xf32>
      %reduce_max3A_48 = vector.multi_reduction <maximumf>, %reduce_max3A_46, %reduce_max3A_47 [1, 2] : vector<1x1x6400xf32> to vector<1xf32>
      %reduce_max3A_49 = vector.shape_cast %reduce_max3A_48 : vector<1xf32> to vector<1x1x1xf32>
      %reduce_max3A_50 = vector.extract %reduce_max3A_49[0, 0, 0] : f32 from vector<1x1x1xf32>
      %max3A = arith.maximumf %reduce_max3A_50, %reduce_max3A_14 : f32
      %sub3A = vector.broadcast %max3A : f32 to vector<1x6400xf32>
      %sub3A_51 = arith.subf %select_n3A, %sub3A : vector<1x6400xf32>
      %exp3A = math.exp %sub3A_51 : vector<1x6400xf32>
      %reduce_sum3A = vector.shape_cast %exp3A : vector<1x6400xf32> to vector<1x1x6400xf32>
      %reduce_sum3A_52 = arith.constant dense<0.000000e+00> : vector<1xf32>
      %reduce_sum3A_53 = vector.multi_reduction <add>, %reduce_sum3A, %reduce_sum3A_52 [1, 2] : vector<1x1x6400xf32> to vector<1xf32>
      %reduce_sum3A_54 = vector.shape_cast %reduce_sum3A_53 : vector<1xf32> to vector<1x1x1xf32>
      %reduce_sum3A_55 = vector.extract %reduce_sum3A_54[0, 0, 0] : f32 from vector<1x1x1xf32>
      %sub3A_56 = vector.broadcast %max3A : f32 to vector<1x19712xf32>
      %sub3A_57 = arith.subf %add3A, %sub3A_56 : vector<1x19712xf32>
      %exp3A_58 = math.exp %sub3A_57 : vector<1x19712xf32>
      %reduce_sum3A_59 = vector.shape_cast %exp3A_58 : vector<1x19712xf32> to vector<1x1x19712xf32>
      %reduce_sum3A_60 = arith.constant dense<0.000000e+00> : vector<1xf32>
      %reduce_sum3A_61 = vector.multi_reduction <add>, %reduce_sum3A_59, %reduce_sum3A_60 [1, 2] : vector<1x1x19712xf32> to vector<1xf32>
      %reduce_sum3A_62 = vector.shape_cast %reduce_sum3A_61 : vector<1xf32> to vector<1x1x1xf32>
      %reduce_sum3A_63 = vector.extract %reduce_sum3A_62[0, 0, 0] : f32 from vector<1x1x1xf32>
      %add3A_64 = arith.addf %reduce_sum3A_55, %reduce_sum3A_63 : f32
      %swap3A_65 = arith.constant 1 : index
      %swap3A_66 = memref.load %arg10[%swap3A_65] : memref<2xf32, #tpu.memory_space<smem>>
      memref.store %add3A_64, %arg10[%swap3A_65] : memref<2xf32, #tpu.memory_space<smem>>
      %swap3A_67 = arith.constant 0 : index
      %swap3A_68 = memref.load %arg10[%swap3A_67] : memref<2xf32, #tpu.memory_space<smem>>
      memref.store %max3A, %arg10[%swap3A_67] : memref<2xf32, #tpu.memory_space<smem>>
    } else {
    }
    %gt3A = arith.constant 0 : i32
    %gt3A_17 = arith.cmpi sgt, %arg0, %gt3A : i32
    %convert_element_type3A_18 = arith.extui %gt3A_17 : i1 to i32
    %cond3A_19 = arith.constant 0 : i32
    %cond3A_20 = arith.cmpi ne, %convert_element_type3A_18, %cond3A_19 : i32
    scf.if %cond3A_20 {
      %get3A_26 = arith.constant 0 : index
      %get3A_27 = memref.load %arg10[%get3A_26] : memref<2xf32, #tpu.memory_space<smem>>
      %max3A = arith.maximumf %get3A_27, %reduce_max3A_14 : f32
      %get3A_28 = arith.constant 1 : index
      %get3A_29 = memref.load %arg10[%get3A_28] : memref<2xf32, #tpu.memory_space<smem>>
      %sub3A = arith.subf %get3A_27, %max3A : f32
      %exp3A = math.exp %sub3A : f32
      %mul3A = arith.mulf %get3A_29, %exp3A : f32
      %sub3A_30 = vector.broadcast %max3A : f32 to vector<1x19712xf32>
      %sub3A_31 = arith.subf %add3A, %sub3A_30 : vector<1x19712xf32>
      %exp3A_32 = math.exp %sub3A_31 : vector<1x19712xf32>
      %reduce_sum3A = vector.shape_cast %exp3A_32 : vector<1x19712xf32> to vector<1x1x19712xf32>
      %reduce_sum3A_33 = arith.constant dense<0.000000e+00> : vector<1xf32>
      %reduce_sum3A_34 = vector.multi_reduction <add>, %reduce_sum3A, %reduce_sum3A_33 [1, 2] : vector<1x1x19712xf32> to vector<1xf32>
      %reduce_sum3A_35 = vector.shape_cast %reduce_sum3A_34 : vector<1xf32> to vector<1x1x1xf32>
      %reduce_sum3A_36 = vector.extract %reduce_sum3A_35[0, 0, 0] : f32 from vector<1x1x1xf32>
      %add3A_37 = arith.addf %mul3A, %reduce_sum3A_36 : f32
      %swap3A_38 = arith.constant 1 : index
      %swap3A_39 = memref.load %arg10[%swap3A_38] : memref<2xf32, #tpu.memory_space<smem>>
      memref.store %add3A_37, %arg10[%swap3A_38] : memref<2xf32, #tpu.memory_space<smem>>
      %swap3A_40 = arith.constant 0 : index
      %swap3A_41 = memref.load %arg10[%swap3A_40] : memref<2xf32, #tpu.memory_space<smem>>
      memref.store %max3A, %arg10[%swap3A_40] : memref<2xf32, #tpu.memory_space<smem>>
    } else {
    }
    %eq3A_21 = arith.constant 2 : i32
    %eq3A_22 = arith.cmpi eq, %arg0, %eq3A_21 : i32
    %convert_element_type3A_23 = arith.extui %eq3A_22 : i1 to i32
    %cond3A_24 = arith.constant 0 : i32
    %cond3A_25 = arith.cmpi ne, %convert_element_type3A_23, %cond3A_24 : i32
    scf.if %cond3A_25 {
      %get3A_26 = arith.constant 0 : index
      %get3A_27 = memref.load %arg10[%get3A_26] : memref<2xf32, #tpu.memory_space<smem>>
      %swap3A_28 = arith.constant 0 : index
      %swap3A_29 = arith.constant 0 : index
      %swap3A_30 = memref.load %arg8[%swap3A_28, %swap3A_29] : memref<1x1xf32, #tpu.memory_space<smem>>
      memref.store %get3A_27, %arg8[%swap3A_28, %swap3A_29] : memref<1x1xf32, #tpu.memory_space<smem>>
      %get3A_31 = arith.constant 1 : index
      %get3A_32 = memref.load %arg10[%get3A_31] : memref<2xf32, #tpu.memory_space<smem>>
      %swap3A_33 = arith.constant 0 : index
      %swap3A_34 = arith.constant 0 : index
      %swap3A_35 = memref.load %arg9[%swap3A_33, %swap3A_34] : memref<1x1xf32, #tpu.memory_space<smem>>
      memref.store %get3A_32, %arg9[%swap3A_33, %swap3A_34] : memref<1x1xf32, #tpu.memory_space<smem>>
    } else {
    }
    return
  }
  func.func @transform_0(%arg0: i32) -> (i32, i32) {
    %c0_i32 = arith.constant 0 : i32
    %c0_i32_0 = arith.constant 0 : i32
    %c0_i32_1 = arith.constant 0 : i32
    return %c0_i32, %c0_i32_0 : i32, i32
  }
  func.func @transform_1(%arg0: i32) -> (i32, i32) {
    %c0_i32 = arith.constant 0 : i32
    %c0_i32_0 = arith.constant 0 : i32
    return %c0_i32, %arg0 : i32, i32
  }
  func.func @transform_2(%arg0: i32) -> (i32, i32) {
    %c0_i32 = arith.constant 0 : i32
    %c0_i32_0 = arith.constant 0 : i32
    return %c0_i32, %arg0 : i32, i32
  }
  func.func @transform_3(%arg0: i32) -> (i32, i32) {
    %c0_i32 = arith.constant 0 : i32
    %c15_i32 = arith.constant 15 : i32
    %c0_i32_0 = arith.constant 0 : i32
    return %c0_i32, %c15_i32 : i32, i32
  }
  func.func @transform_4(%arg0: i32) -> (i32, i32) {
    %c0_i32 = arith.constant 0 : i32
    %c15_i32 = arith.constant 15 : i32
    %c0_i32_0 = arith.constant 0 : i32
    return %c0_i32, %c15_i32 : i32, i32
  }
  func.func @transform_5(%arg0: i32) -> (i32, i32) {
    %c0_i32 = arith.constant 0 : i32
    %c0_i32_0 = arith.constant 0 : i32
    return %c0_i32, %arg0 : i32, i32
  }
  func.func @transform_6(%arg0: i32) -> (i32, i32) {
    %c0_i32 = arith.constant 0 : i32
    %c0_i32_0 = arith.constant 0 : i32
    %c0_i32_1 = arith.constant 0 : i32
    return %c0_i32, %c0_i32_0 : i32, i32
  }
  func.func @transform_7(%arg0: i32) -> (i32, i32) {
    %c0_i32 = arith.constant 0 : i32
    %c0_i32_0 = arith.constant 0 : i32
    %c0_i32_1 = arith.constant 0 : i32
    return %c0_i32, %c0_i32_0 : i32, i32
  }
  func.func @transform_8(%arg0: i32) -> (i32, i32) {
    %c0_i32 = arith.constant 0 : i32
    %c0_i32_0 = arith.constant 0 : i32
    %c0_i32_1 = arith.constant 0 : i32
    return %c0_i32, %c0_i32_0 : i32, i32
  }
}

module attributes {stable_mosaic.version = 14 : i64} {
  func.func @_norm_body(%arg0: i32, %arg1: memref<1x32768xf32, #tpu.memory_space<vmem>>, %arg2: memref<32768xf32, #tpu.memory_space<vmem>>, %arg3: memref<1x32768xf32, #tpu.memory_space<vmem>>, %arg4: memref<1x512xf32, #tpu.memory_space<vmem>>, %arg5: memref<1x512xf32, #tpu.memory_space<vmem>>, %arg6: memref<1x1xf32, #tpu.memory_space<smem>>, %arg7: memref<1x1xf32, #tpu.memory_space<smem>>, %arg8: memref<1x32768xf32, #tpu.memory_space<vmem>>, %arg9: memref<1xf32, #tpu.memory_space<smem>>) attributes {dimension_semantics = [#tpu.dimension_semantics<arbitrary>], iteration_bounds = array<i64: 4>, scalar_prefetch = 0 : i64, scratch_operands = 1 : i64, tpu.core_type = #tpu.core_type<tc>, window_params = [{transform_indices = @transform_0, window_bounds = array<i64: 1, 32768>}, {transform_indices = @transform_1, window_bounds = array<i64: 32768>}, {transform_indices = @transform_2, window_bounds = array<i64: 1, 32768>}, {pipeline_mode = #tpu.pipeline_mode<synchronous>, transform_indices = @transform_3, window_bounds = array<i64: 1, 512>}, {pipeline_mode = #tpu.pipeline_mode<synchronous>, transform_indices = @transform_4, window_bounds = array<i64: 1, 512>}, {transform_indices = @transform_5, window_bounds = array<i64: 1, 1>}, {transform_indices = @transform_6, window_bounds = array<i64: 1, 1>}, {transform_indices = @transform_7, window_bounds = array<i64: 1, 32768>}]} {
    %eq3A = arith.constant 0 : i32
    %eq3A_0 = arith.cmpi eq, %arg0, %eq3A : i32
    %convert_element_type3A = arith.extui %eq3A_0 : i1 to i32
    %cond3A = arith.constant 0 : i32
    %cond3A_1 = arith.cmpi ne, %convert_element_type3A, %cond3A : i32
    scf.if %cond3A_1 {
      %get3A_21 = arith.constant 0 : index
      %get3A_22 = arith.constant 0 : index
      %get3A_23 = vector.load %arg4[%get3A_21, %get3A_22] : memref<1x512xf32, #tpu.memory_space<vmem>>, vector<1x512xf32>
      %reduce_max3A = vector.shape_cast %get3A_23 : vector<1x512xf32> to vector<1x1x512xf32>
      %reduce_max3A_24 = arith.constant dense<0xFF800000> : vector<1xf32>
      %reduce_max3A_25 = vector.multi_reduction <maximumf>, %reduce_max3A, %reduce_max3A_24 [1, 2] : vector<1x1x512xf32> to vector<1xf32>
      %reduce_max3A_26 = vector.shape_cast %reduce_max3A_25 : vector<1xf32> to vector<1x1x1xf32>
      %reduce_max3A_27 = vector.extract %reduce_max3A_26[0, 0, 0] : f32 from vector<1x1x1xf32>
      %get3A_28 = arith.constant 0 : index
      %get3A_29 = arith.constant 0 : index
      %get3A_30 = memref.load %arg6[%get3A_28, %get3A_29] : memref<1x1xf32, #tpu.memory_space<smem>>
      %max3A = arith.maximumf %reduce_max3A_27, %get3A_30 : f32
      %get3A_31 = arith.constant 0 : index
      %get3A_32 = arith.constant 0 : index
      %get3A_33 = vector.load %arg5[%get3A_31, %get3A_32] : memref<1x512xf32, #tpu.memory_space<vmem>>, vector<1x512xf32>
      %get3A_34 = arith.constant 0 : index
      %get3A_35 = arith.constant 0 : index
      %get3A_36 = vector.load %arg4[%get3A_34, %get3A_35] : memref<1x512xf32, #tpu.memory_space<vmem>>, vector<1x512xf32>
      %sub3A_37 = vector.broadcast %max3A : f32 to vector<1x512xf32>
      %sub3A_38 = arith.subf %get3A_36, %sub3A_37 : vector<1x512xf32>
      %exp3A = math.exp %sub3A_38 : vector<1x512xf32>
      %mul3A_39 = arith.mulf %get3A_33, %exp3A : vector<1x512xf32>
      %reduce_sum3A = vector.shape_cast %mul3A_39 : vector<1x512xf32> to vector<1x1x512xf32>
      %reduce_sum3A_40 = arith.constant dense<0.000000e+00> : vector<1xf32>
      %reduce_sum3A_41 = vector.multi_reduction <add>, %reduce_sum3A, %reduce_sum3A_40 [1, 2] : vector<1x1x512xf32> to vector<1xf32>
      %reduce_sum3A_42 = vector.shape_cast %reduce_sum3A_41 : vector<1xf32> to vector<1x1x1xf32>
      %reduce_sum3A_43 = vector.extract %reduce_sum3A_42[0, 0, 0] : f32 from vector<1x1x1xf32>
      %get3A_44 = arith.constant 0 : index
      %get3A_45 = arith.constant 0 : index
      %get3A_46 = memref.load %arg7[%get3A_44, %get3A_45] : memref<1x1xf32, #tpu.memory_space<smem>>
      %get3A_47 = arith.constant 0 : index
      %get3A_48 = arith.constant 0 : index
      %get3A_49 = memref.load %arg6[%get3A_47, %get3A_48] : memref<1x1xf32, #tpu.memory_space<smem>>
      %sub3A_50 = arith.subf %get3A_49, %max3A : f32
      %exp3A_51 = math.exp %sub3A_50 : f32
      %mul3A_52 = arith.mulf %get3A_46, %exp3A_51 : f32
      %add3A_53 = arith.addf %reduce_sum3A_43, %mul3A_52 : f32
      %log3A = math.log %add3A_53 : f32
      %add3A_54 = arith.addf %max3A, %log3A : f32
      %swap3A_55 = arith.constant 0 : index
      %swap3A_56 = memref.load %arg9[%swap3A_55] : memref<1xf32, #tpu.memory_space<smem>>
      memref.store %add3A_54, %arg9[%swap3A_55] : memref<1xf32, #tpu.memory_space<smem>>
    } else {
    }
    %get3A = arith.constant 0 : index
    %get3A_2 = memref.load %arg9[%get3A] : memref<1xf32, #tpu.memory_space<smem>>
    %mul3A = arith.constant 32768 : i32
    %mul3A_3 = arith.muli %arg0, %mul3A : i32
    %iota3A = tpu.iota {dimensions = array<i32: 1>} : vector<1x32768xi32>
    %add3A = vector.broadcast %mul3A_3 : i32 to vector<1x32768xi32>
    %add3A_4 = arith.addi %add3A, %iota3A : vector<1x32768xi32>
    %lt3A = arith.constant 59136 : i32
    %lt3A_5 = vector.broadcast %lt3A : i32 to vector<1x32768xi32>
    %lt3A_6 = arith.cmpi slt, %add3A_4, %lt3A_5 : vector<1x32768xi32>
    %get3A_7 = arith.constant 0 : index
    %get3A_8 = arith.constant 0 : index
    %get3A_9 = vector.load %arg1[%get3A_7, %get3A_8] : memref<1x32768xf32, #tpu.memory_space<vmem>>, vector<1x32768xf32>
    %get3A_10 = arith.constant 0 : index
    %get3A_11 = vector.load %arg2[%get3A_10] : memref<32768xf32, #tpu.memory_space<vmem>>, vector<32768xf32>
    %reshape3A = vector.shape_cast %get3A_11 : vector<32768xf32> to vector<1x32768xf32>
    %select_n3A = arith.select %lt3A_6, %get3A_9, %reshape3A : vector<1x32768xi1>, vector<1x32768xf32>
    %ge3A = arith.constant 96000 : i32
    %ge3A_12 = vector.broadcast %ge3A : i32 to vector<1x32768xi32>
    %ge3A_13 = arith.cmpi sge, %add3A_4, %ge3A_12 : vector<1x32768xi32>
    %get3A_14 = arith.constant 0 : index
    %get3A_15 = arith.constant 0 : index
    %get3A_16 = vector.load %arg3[%get3A_14, %get3A_15] : memref<1x32768xf32, #tpu.memory_space<vmem>>, vector<1x32768xf32>
    %select_n3A_17 = arith.select %ge3A_13, %get3A_16, %select_n3A : vector<1x32768xi1>, vector<1x32768xf32>
    %sub3A = vector.broadcast %get3A_2 : f32 to vector<1x32768xf32>
    %sub3A_18 = arith.subf %select_n3A_17, %sub3A : vector<1x32768xf32>
    %swap3A = arith.constant 0 : index
    %swap3A_19 = arith.constant 0 : index
    %swap3A_20 = vector.load %arg8[%swap3A, %swap3A_19] : memref<1x32768xf32, #tpu.memory_space<vmem>>, vector<1x32768xf32>
    tpu.vector_store %arg8[%swap3A, %swap3A_19], %sub3A_18 {strides = array<i32>} : memref<1x32768xf32, #tpu.memory_space<vmem>>, vector<1x32768xf32>,
    return
  }
  func.func @transform_0(%arg0: i32) -> (i32, i32) {
    %min3A = arith.constant 1 : i32
    %min3A_0 = arith.minsi %arg0, %min3A : i32
    %c0_i32 = arith.constant 0 : i32
    %c0_i32_1 = arith.constant 0 : i32
    return %c0_i32, %min3A_0 : i32, i32
  }
  func.func @transform_1(%arg0: i32) -> i32 {
    %c0_i32 = arith.constant 0 : i32
    return %arg0 : i32
  }
  func.func @transform_2(%arg0: i32) -> (i32, i32) {
    %sub3A = arith.constant 2 : i32
    %sub3A_0 = arith.subi %arg0, %sub3A : i32
    %jit3A = arith.constant 0 : i32
    %jit3A_1 = arith.constant 1 : i32
    %max3A = arith.maxsi %jit3A, %sub3A_0 : i32
    %min3A = arith.minsi %jit3A_1, %max3A : i32
    %c0_i32 = arith.constant 0 : i32
    %c0_i32_2 = arith.constant 0 : i32
    return %c0_i32, %min3A : i32, i32
  }
  func.func @transform_3(%arg0: i32) -> (i32, i32) {
    %c0_i32 = arith.constant 0 : i32
    %c0_i32_0 = arith.constant 0 : i32
    %c0_i32_1 = arith.constant 0 : i32
    return %c0_i32, %c0_i32_0 : i32, i32
  }
  func.func @transform_4(%arg0: i32) -> (i32, i32) {
    %c0_i32 = arith.constant 0 : i32
    %c0_i32_0 = arith.constant 0 : i32
    %c0_i32_1 = arith.constant 0 : i32
    return %c0_i32, %c0_i32_0 : i32, i32
  }
  func.func @transform_5(%arg0: i32) -> (i32, i32) {
    %c0_i32 = arith.constant 0 : i32
    %c0_i32_0 = arith.constant 0 : i32
    %c0_i32_1 = arith.constant 0 : i32
    return %c0_i32, %c0_i32_0 : i32, i32
  }
  func.func @transform_6(%arg0: i32) -> (i32, i32) {
    %c0_i32 = arith.constant 0 : i32
    %c0_i32_0 = arith.constant 0 : i32
    %c0_i32_1 = arith.constant 0 : i32
    return %c0_i32, %c0_i32_0 : i32, i32
  }
  func.func @transform_7(%arg0: i32) -> (i32, i32) {
    %c0_i32 = arith.constant 0 : i32
    %c0_i32_0 = arith.constant 0 : i32
    return %c0_i32, %arg0 : i32, i32
  }
}

</mosaic_0001>

<sc_bundles>
// kernel: kernel.6.cloned.1.call-start
scs
__scs_entry_jumppad:
0x0: {  	(pc) =	sbr.rel $0x88, $3  }
0x1: {  	(tag) =	ssettag $0x0;
	lr =	simm.s32 $0x1  }
0x2: {  	[smem:$0x3F9B] =	sst lr;
	_ =	strace $0xD0000000  }
0x3: {  	_ = 	snop  }
0x4: {  	_ = 	snop  }
0x5: {  	_ = 	snop  }
0x6: {  	_ = 	snop  }
0x7: {  	_ = 	snop  }
__scs_overlays_trampoline_lowered:
0x8: {  	[smem:$0x3FAA] =	sst s0  }
0x9: {  	[smem:$0x3FAB] =	sst s1  }
0xa: {  	[smem:$0x3FAC] =	sst s2  }
0xb: {  	[smem:$0x3FAD] =	sst s3  }
0xc: {  	[smem:$0x3FAE] =	sst s4  }
0xd: {  	[smem:$0x3FAF] =	sst s5  }
0xe: {  	[smem:$0x3FB0] =	sst s6  }
0xf: {  	[smem:$0x3FB1] =	sst s7  }
0x10: {  	[smem:$0x3FB2] =	sst s8  }
0x11: {  	[smem:$0x3FB3] =	sst s9;
	s0 =	simm.s32 @!p0 $0x0  }
0x12: {  	s1 =	sld [smem:$0x3F99];
	s0 =	simm.s32 @p0 $0x1  }
0x13: {  	[smem:$0x3FB4] =	sst s0;
	s0 =	simm.s32 @!p1 $0x0  }
0x14: {  	s2 =	sld [smem:$0x3F98];
	s0 =	simm.s32 @p1 $0x1  }
0x15: {  	[smem:$0x3FB5] =	sst s0;
	s0 =	simm.s32 @!p2 $0x0  }
0x16: {  	s3 =	sld [smem:$0x3FDB];
	s0 =	simm.s32 @p2 $0x1  }
0x17: {  	s4 =	simm.s32 $0x1BF5;
	[smem:$0x3FB7] =	sst s0  }
0x18: {  	s0 =	sld [smem:$0x3F9A];
	_ =	swait.ge [sflag:s4], $0x0  }
0x19: {  	s7 =	sld [smem:$0x3F9B]  }
0x1a: {  	s8 =	sadd.s32 $0xFFFFE003, lr  }
0x1b: {  	s9 =	sadd.s32 $0xFFFFFEF7, lr;
	s5 =	simm.s32 $0xFFFFFFFF;
	p2 =	slt.u32 s8, $0xFFFFF086  }
0x1c: {  	p1 =	slt.u32 s9, $0xF7A;
	s5 =	simm.s32 @!p2 $0x0  }
0x1d: {  	s5 =	simm.s32 @p1 $0x1;
	p0 =	seq.s32 s7, s2  }
0x1e: {  	s7 =	smul.u32 @!p0 $0xF7A, s2;
	p2 =	seq.s32 @!p0 s5, $0x0  }
0x1f: {  	s9 =	smul.u32 $0xF7A, s1;
	s8 =	simm.s32 @!p0 $0x1BF5;
	p2 =	por !p2, p0  }
0x20: {  	[sflag:s8] =	ssyncset.s32 @!p0 $0xFFFFF086;
	s6 =	sadd.s32 @!p0 s3, s7;
	s7 =	simm.s32 @!p0 $0x108  }
0x21: {  	s3 =	sadd.s32 s3, s9;
	s6 =	sadd.s32 @!p0 $0x88, s6;
	s7 =	simm.s32 @p2 $0x1082  }
0x22: {  	[simem:s7], [sflag:s8] =	dma.local @!p0 [hbm:s6], $0xF7A  }
0x23: {  	s9 =	sor.u32 $0xD0000000, s2;
	s6 =	simm.s32 $0x108;
	_ =	swait.ge @!p0 [sflag:s8], $0x0  }
0x24: {  	s3 =	sadd.s32 $0x88, s3;
	s6 =	simm.s32 @!p1 $0x1082;
	[sflag:s4] =	ssyncset.s32 $0xFFFFF086  }
0x25: {  	[simem:s6], [sflag:s4] =	dma.local [hbm:s3], $0xF7A  }
0x26: {  	[smem:$0x3F9B] =	sst s1;
	(tag) =	ssettag s2;
	_ =	strace s9  }
0x27: {  	s1 =	sld [smem:$0x3FAB]  }
0x28: {  	s2 =	sld [smem:$0x3FAC]  }
0x29: {  	s4 =	sld [smem:$0x3FAE]  }
0x2a: {  	p0 =	seq.s32 s5, $0x0;
	s5 =	sld [smem:$0x3FAF]  }
0x2b: {  	s6 =	sld [smem:$0x3FB0]  }
0x2c: {  	s7 =	sld [smem:$0x3FB1]  }
0x2d: {  	s3 =	simm.s32 $0x108;
	s8 =	sld [smem:$0x3FB2]  }
0x2e: {  	s3 =	simm.s32 @!p0 $0x1082;
	s9 =	sld [smem:$0x3FB3]  }
0x2f: {  	lr =	sadd.s32 s0, s3;
	s0 =	sld [smem:$0x3FAA]  }
0x30: {  	s3 =	sld [smem:$0x3FAD]  }
0x31: {  	[smem:$0x3FB6] =	sst s10  }
0x32: {  	s10 =	sld [smem:$0x3FB4];
	_ =	sdelay $0x3  }
0x33: {  	p0 =	seq.s32 s10, $0x1;
	s10 =	sld [smem:$0x3FB6];
	_ =	sdelay $0x3  }
0x34: {  	[smem:$0x3FB6] =	sst s10  }
0x35: {  	s10 =	sld [smem:$0x3FB5];
	_ =	sdelay $0x3  }
0x36: {  	p1 =	seq.s32 s10, $0x1;
	s10 =	sld [smem:$0x3FB6];
	_ =	sdelay $0x3  }
0x37: {  	[smem:$0x3FB6] =	sst s10  }
0x38: {  	s10 =	sld [smem:$0x3FB7]  }
0x39: {  	_ = 	snop;
	(pc) =	sbr.ind lr, $3  }
0x3a: {  	_ = 	snop  }
0x3b: {  	_ = 	snop  }
0x3c: {  	p2 =	seq.s32 s10, $0x1;
	s10 =	sld [smem:$0x3FB6]  }
0x3d: {  	_ =	shalt  }
0x3e: {  	_ =	shalt  }
0x3f: {  	_ =	shalt  }
0x40: {  	_ =	shalt  }
0x41: {  	_ =	shalt  }
0x42: {  	_ =	shalt  }
0x43: {  	_ =	shalt  }
0x44: {  	_ =	shalt  }
0x45: {  	_ =	shalt  }
0x46: {  	_ =	shalt  }
0x47: {  	_ =	shalt  }
0x48: {  	_ =	shalt  }
0x49: {  	_ =	shalt  }
0x4a: {  	_ =	shalt  }
0x4b: {  	_ =	shalt  }
0x4c: {  	_ =	shalt  }
0x4d: {  	_ =	shalt  }
0x4e: {  	_ =	shalt  }
0x4f: {  	_ =	shalt  }
0x50: {  	_ =	shalt  }
0x51: {  	_ =	shalt  }
0x52: {  	_ =	shalt  }
0x53: {  	_ =	shalt  }
0x54: {  	_ =	shalt  }
0x55: {  	_ =	shalt  }
0x56: {  	_ =	shalt  }
0x57: {  	_ =	shalt  }
0x58: {  	_ =	shalt  }
0x59: {  	_ =	shalt  }
0x5a: {  	_ =	shalt  }
0x5b: {  	_ =	shalt  }
0x5c: {  	_ =	shalt  }
0x5d: {  	_ =	shalt  }
0x5e: {  	_ =	shalt  }
0x5f: {  	_ =	shalt  }
0x60: {  	_ =	shalt  }
0x61: {  	_ =	shalt  }
0x62: {  	_ =	shalt  }
0x63: {  	_ =	shalt  }
0x64: {  	_ =	shalt  }
0x65: {  	_ =	shalt  }
0x66: {  	_ =	shalt  }
0x67: {  	_ =	shalt  }
0x68: {  	_ =	shalt  }
0x69: {  	_ =	shalt  }
0x6a: {  	_ =	shalt  }
0x6b: {  	_ =	shalt  }
0x6c: {  	_ =	shalt  }
0x6d: {  	_ =	shalt  }
0x6e: {  	_ =	shalt  }
0x6f: {  	_ =	shalt  }
0x70: {  	_ =	shalt  }
0x71: {  	_ =	shalt  }
0x72: {  	_ =	shalt  }
0x73: {  	_ =	shalt  }
0x74: {  	_ =	shalt  }
0x75: {  	_ =	shalt  }
0x76: {  	_ =	shalt  }
0x77: {  	_ =	shalt  }
0x78: {  	_ =	shalt  }
0x79: {  	_ =	shalt  }
0x7a: {  	_ =	shalt  }
0x7b: {  	_ =	shalt  }
0x7c: {  	_ =	shalt  }
0x7d: {  	_ =	shalt  }
0x7e: {  	_ =	shalt  }
0x7f: {  	_ =	shalt  }
0x80: {  	_ =	shalt  }
0x81: {  	_ =	shalt  }
0x82: {  	_ =	shalt  }
0x83: {  	_ =	shalt  }
0x84: {  	_ =	shalt  }
0x85: {  	_ =	shalt  }
0x86: {  	_ =	shalt  }
0x87: {  	_ =	shalt  }
.Lfunc_end0:
.L_simem_size_0:
called_computation_lowered:
.L_overlay_start_0:
0x88: {  	s2 =	sld [smem:$0x3FD9]  }
0x89: {  	s3 =	sld [smem:$0x3FFE];
	_ =	sdelay $0x1  }
0x8a: {  	s1 =	srdreg.scid  }
0x8b: {  	s0 =	sand.u32 $0x1, s1  }
0x8c: {  	s17 =	sshll.u32 s0, $0xA;
	s2 =	sadd.s32 s3, s2  }
0x8d: {  	s2 =	sadd.s32 s2, s17  }
0x8e: {  	[smem:$0x3FC2] =	sst s2  }
0x8f: {  	_ = 	snop  }
0x90: {  	s2 =	sld [smem:$0x3FC5]  }
0x91: {  	s18 =	sld [smem:$0x3FC4]  }
0x92: {  	s4 =	sld [smem:$0x3FD0];
	(tm) =	ssettm $0x1  }
0x93: {  	s5 =	sld [smem:$0x3FFB];
	_ =	sdelay $0x3  }
0x94: {  	_ =	strace s5  }
0x95: {  	s5 =	sld [smem:$0x3FFC];
	_ =	sdelay $0x3  }
0x96: {  	_ =	strace s5  }
0x97: {  	s5 =	sld [smem:$0x3FFD];
	_ =	sdelay $0x3  }
0x98: {  	_ =	strace s5  }
0x99: {  	_ =	strace $0x8FFFFFFF  }
0x9a: {  	s19 =	sld [smem:$0x3FDB];
	_ =	sdelay $0x1  }
0x9b: {  	s6 =	simm.s32 $_scs_section_size  }
0x9c: {  	s7 =	simm.s32 $_size__tile_overlayer_lowered;
	s8 =	simm.s32 $_tile_overlayer_lowered  }
0x9d: {  	s22 =	simm.s32 $0x1BFF;
	s21 =	sshll.u32 s8, $0x1;
	s5 =	sadd.s32 s6, s19  }
0x9e: {  	s9 =	simm.s32 $0x0;
	s20 =	sshll.u32 s7, $0x1;
	s7 =	sadd.s32 s21, s5  }
0x9f: {  	[timem:s9], [sflag:s22] =	dma.local [hbm:s7], s20  }
0xa0: {  	_ =	swait.ge [sflag:s22], s20  }
0xa1: {  	s6 =	ssub.s32 $0x0, s20;
	[sflag:s22] =	ssyncset.done $0x0  }
0xa2: {  	[sflag:s22] =	ssyncadd.s32 s6;
	_ =	sdelay $0x1  }
0xa3: {  	s23 =	simm.s32 $0x1B8B  }
0xa4: {  	_ =	swait.ge [sflag:s23], $0x1  }
0xa5: {  	[sflag:s23] =	ssyncset.done $0x0  }
0xa6: {  	s25 =	simm.s32 $0x1B8E;
	s24 =	sld [smem:$0x3FFE];
	[sflag:s23] =	ssyncadd.s32 $0xFFFFFFFF  }
0xa7: {  	s26 =	simm.s32 $execute0_lowered;
	[smem:$0x3FD2] =	sst s25  }
0xa8: {  	s7 =	sshll.u32 s26, $0x1;
	_ =	strace $0x80000046;
	[dreg:$0x1] =	wrdreg $0xFFFFFFFF  }
0xa9: {  	s28 =	simm.s32 $_size_execute0_lowered;
	s5 =	sadd.s32 s5, s7;
	[dreg:$0x0] =	wrdreg $0x0  }
0xaa: {  	s7 =	sshll.u32 s28, $0x1;
	[dreg:$0x2] =	wrdreg s5  }
0xab: {  	[dreg:$0x3] =	wrdreg s7  }
0xac: {  	[dreg:$0x4] =	wrdreg $0xC0  }
0xad: {  	_ =	task [dreg:s9], $0x5FFFF  }
0xae: {  	[dreg:$0x1] =	wrdreg $0xFFFFFFFF  }
0xaf: {  	[dreg:$0x0] =	wrdreg $0x60  }
0xb0: {  	[dreg:$0x2] =	wrdreg s4  }
0xb1: {  	[dreg:$0x3] =	wrdreg s2  }
0xb2: {  	[dreg:$0x4] =	wrdreg s18  }
0xb3: {  	[dreg:$0x5] =	wrdreg s24  }
0xb4: {  	[dreg:$0x6] =	wrdreg $0x9  }
0xb5: {  	_ =	task.clear_ibuf [dreg:s9], $0x7FFFF;
	_ =	strace $0x90000046  }
0xb6: {  	s29 =	simm.s32 $0x9;
	_ =	strace $0x80000048  }
0xb7: {  	_ =	swait.ge [sflag:s29], $0x1  }
0xb8: {  	[sflag:s29] =	ssyncadd.s32 $0xFFFFFFFF  }
0xb9: {  	_ =	strace $0x90000048  }
0xba: {  	_ =	sfence  }
0xbb: {  	s30 =	sld [smem:$0x0];
	_ =	sdelay $0x2  }
0xbc: {  	s31 =	sshll.u32 s1, $0xD;
	s1 =	sshrl.u32 s1, $0x2  }
0xbd: {  	s3 =	sand.u32 $0x4000, s31;
	s1 =	sadd.s32 s1, s30  }
0xbe: {  	s0 =	sor.u32 s3, s0;
	s1 =	sshll.u32 s1, $0x11  }
0xbf: {  	s0 =	sor.u32 s1, s0  }
0xc0: {  	s0 =	sadd.s32 $0x8F2B, s0  }
0xc1: {  	[sflag:s0] =	ssyncadd.remote.s32 $0x1  }
0xc2: {  	_ =	sfence.sel $0xFFFF  }
0xc3: {  	[dreg:$0x0] =	wrdreg $0xFFFFFFFF;
	(pc) =	sbr.abs _section_cstart, $3  }
0xc4: {  	[dreg:$0x1] =	wrdreg $0xFFFFFFFF  }
0xc5: {  	_ =	task.clear_ibuf [dreg:s9], $0x2FFFF;
	_ =	strace $0x9FFFFFFF  }
0xc6: {  	(tm) =	ssettm $0x7FFFFFFF  }
0xc7: {  	_ =	shalt  }
tec
execute0_lowered:
.L_overlay_start_1:
0x0: {  	(tag) =	ssettag $0x1  }
0x1: {  	s0 =	rddreg [dreg:$0x1];
	s1 =	srdreg.scid  }
0x2: {  	s3 =	stileid.u32;
	s2 =	rddreg [dreg:$0x2]  }
0x3: {  	s4 =	rddreg [dreg:$0x3];
	s12 =	simm.s32 $0x4;
	s14 =	simm.s32 $0xC3800  }
0x4: {  	s15 =	simm.s32 $0x1000;
	s16 =	simm.s32 $0x3;
	s18 =	simm.s32 $0x1  }
0x5: {  	s30 =	simm.s32 $0xC000;
	s1 =	sand.u32 $0x1, s1;
	s3 =	sshll.u32 s3, $0x1  }
0x6: {  	s31 =	simm.s32 $0xD000;
	s13 =	simm.s32 $0xF90;
	s5 =	sor.u32 s1, s3  }
0x7: {  	s17 =	simm.s32 $0x0;
	s3 =	simm.s32 $0x0;
	s6 =	smul.u32 $0x480, s5  }
0x8: {  	s1 =	ssub.s32 $0x2, s1;
	[smem:$0x7FF] =	sst s3;
	s8 =	smul.u32 $0x2400, s5  }
0x9: {  	s5 =	sshll.u32 s5, $0x1;
	s10 =	sshrl.u32 s1, $0x1;
	_ =	strace $0x80000047  }
0xa: {  	s11 =	sadd.s32 s5, s4;
	s1 =	ssub.s32 s1, s10;
	s6 =	sadd.s32 $0xE700, s6  }
0xb: {  	s8 =	sshrl.u32 s8, $0x3;
	s10 =	sadd.s32 $0x4C00, s11;
	s7 =	sshrl.u32 s6, $0x3  }
0xc: {  	s5 =	sadd.s32 s0, s6;
	s0 =	sadd.s32 s0, s8;
	s9 =	sadd.s32 s7, s4  }
0xd: {  	s4 =	sadd.s32 s2, s7;
	s6 =	sadd.s32 $0xE900, s0;
	s7 =	sadd.s32 $0xEB00, s0  }
0xe: {  	s2 =	simm.s32 $0x2;
	s0 =	simm.s32 $0xB00;
	s8 =	sadd.s32 $0x1800, s9  }
0xf: {  	s9 =	sadd.s32 $0x4A00, s11;
	s11 =	smax.u32 s1, $0x1;
	s1 =	simm.s32 $0xF80  }
.LBB2_1:
0x10: {  	s19 =	rddreg [dreg:$0x0]  }
0x11: {  	[tilespmem:s3], [sflag:$0x4] =	stream.linear.gather [hbm4b:s19+s3], $0x680, $0x38;
	[tilespmem:$0x1B000] =	vst v63  }
0x12: {  	_ =	swait.ge [sflag:s12], $0x680  }
0x13: {  	[sflag:s12] =	ssyncset.done $0x0  }
0x14: {  	s25 =	simm.s32 $0x680;
	[sflag:s12] =	ssyncadd.s32 $0xFFFFF980  }
0x15: {  	[tilespmem:s25], [sflag:$0x3] =	stream.linear.gather [hbm4b:s4+s3], $0x480, $0x38;
	[tilespmem:$0x1B000] =	vst v63  }
0x16: {  	_ = 	snop  }
0x17: {  	[tilespmem:s15], [sflag:$0x1] =	stream.strided.gather [hbm4b:s5+s15], $0xD000, s14, s15, $0x38;
	[tilespmem:$0x1B000] =	vst v63  }
0x18: {  	_ =	swait.ge [sflag:s16], $0x480  }
0x19: {  	[sflag:s16] =	ssyncset.done $0x0  }
0x1a: {  	s26 =	simm.s32 $0xE000;
	[sflag:s16] =	ssyncadd.s32 $0xFFFFFB80  }
0x1b: {  	[tilespmem:s26], [sflag:$0x2] =	stream.strided.gather [hbm4b:s6+s15], $0xD000, s14, s15, $0x38;
	[tilespmem:$0x1B000] =	vst v63  }
0x1c: {  	_ =	swait.ge [sflag:s18], $0xD000  }
0x1d: {  	[sflag:s18] =	ssyncset.done $0x0  }
0x1e: {  	[sflag:s18] =	ssyncadd.s32 $0xFFFF3000  }
0x1f: {  	v0 =	vld [tilespmem:$0x740];
	_ =	sdelay $0x4  }
0x20: {  	[tilespmem:$0x1FF10] =	vst v0;
	v0 =	vld [tilespmem:$0x750];
	_ =	sdelay $0x4  }
0x21: {  	[tilespmem:$0x1FF30] =	vst v0;
	v0 =	vld [tilespmem:$0x760];
	_ =	sdelay $0x4  }
0x22: {  	[tilespmem:$0x1FF40] =	vst v0;
	v0 =	vld [tilespmem:$0x770];
	_ =	sdelay $0x4  }
0x23: {  	[tilespmem:$0x1FF50] =	vst v0;
	v0 =	vld [tilespmem:$0x780];
	_ =	sdelay $0x4  }
0x24: {  	[tilespmem:$0x1FFA0] =	vst v0;
	v0 =	vld [tilespmem:$0x790];
	_ =	sdelay $0x4  }
0x25: {  	[tilespmem:$0x1FFB0] =	vst v0;
	v0 =	vld [tilespmem:$0x7A0];
	_ =	sdelay $0x4  }
0x26: {  	[tilespmem:$0x1FFC0] =	vst v0;
	v0 =	vld [tilespmem:$0x7C0];
	_ =	sdelay $0x2  }
0x27: {  	v26 =	vld [tilespmem:$0x680]  }
0x28: {  	v32 =	vld [tilespmem:$0x690]  }
0x29: {  	[tilespmem:$0x1FFD0] =	vst v0;
	v0 =	vld [tilespmem:$0x7D0]  }
0x2a: {  	v33 =	vld [tilespmem:$0x6A0]  }
0x2b: {  	v54 =	vld [tilespmem:$0x6B0]  }
0x2c: {  	v49 =	vld [tilespmem:$0x6C0]  }
0x2d: {  	v48 =	vld [tilespmem:$0x6D0]  }
0x2e: {  	[tilespmem:$0x1FFE0] =	vst v0;
	v0 =	vld [tilespmem:$0x7E0]  }
0x2f: {  	v45 =	vld [tilespmem:$0x6E0]  }
0x30: {  	v44 =	vld [tilespmem:$0x6F0]  }
0x31: {  	v24 =	vld [tilespmem:$0x700]  }
0x32: {  	v30 =	vld [tilespmem:$0x710]  }
0x33: {  	[tilespmem:$0x1FFF0] =	vst v0;
	v0 =	vld [tilespmem:$0x800]  }
0x34: {  	v22 =	vld [tilespmem:$0x720]  }
0x35: {  	v18 =	vld [tilespmem:$0x730]  }
0x36: {  	v35 =	vld [tilespmem:$0x7B0]  }
0x37: {  	v34 =	vld [tilespmem:$0x7F0]  }
0x38: {  	[tilespmem:$0x1FE40] =	vst v0;
	v0 =	vld [tilespmem:$0x810]  }
0x39: {  	s19 =	simm.s32 $0x20;
	v53 =	vld [tilespmem:$0x870]  }
0x3a: {  	v36 =	vld [tilespmem:s19+$0x10]  }
0x3b: {  	v27 =	vld [tilespmem:s19+$0x0]  }
0x3c: {  	s20 =	sand.u32 $0xF000, s3;
	v29 =	vld [tilespmem:s19+$0xFFFFFFF0]  }
0x3d: {  	s21 =	sand.u32 $0x200, s3;
	s20 =	sadd.s32 $0x1000, s20;
	[tilespmem:$0x1FE50] =	vst v0;
	v0 =	vld [tilespmem:$0x820]  }
0x3e: {  	s21 =	sor.u32 s21, s20;
	v4 =	vld [tilespmem:s19+$0xFFFFFFE0]  }
0x3f: {  	v37 =	vld [tilespmem:s21+$0x0]  }
0x40: {  	v38 =	vld [tilespmem:s21+$0x10]  }
0x41: {  	v40 =	vld [tilespmem:s21+$0x20]  }
0x42: {  	[tilespmem:$0x1FE60] =	vst v0;
	v0 =	vld [tilespmem:$0x830]  }
0x43: {  	v55 =	vld [tilespmem:s21+$0x30]  }
0x44: {  	v56 =	vld [tilespmem:s21+$0x40]  }
0x45: {  	v57 =	vld [tilespmem:s21+$0x50]  }
0x46: {  	v58 =	vld [tilespmem:s21+$0x60]  }
0x47: {  	[tilespmem:$0x1FE70] =	vst v0;
	v0 =	vld [tilespmem:$0x840]  }
0x48: {  	v59 =	vld [tilespmem:s21+$0x70]  }
0x49: {  	v50 =	vld [tilespmem:s21+$0x400]  }
0x4a: {  	v46 =	vld [tilespmem:s21+$0x410]  }
0x4b: {  	v47 =	vld [tilespmem:s21+$0x420]  }
0x4c: {  	[tilespmem:$0x1FE80] =	vst v0;
	v0 =	vld [tilespmem:$0x850]  }
0x4d: {  	v25 =	vld [tilespmem:s21+$0x430]  }
0x4e: {  	v19 =	vld [tilespmem:s21+$0x440]  }
0x4f: {  	s22 =	simm.s32 $0x180;
	v21 =	vld [tilespmem:s21+$0x450]  }
0x50: {  	s22 =	sand.u32 $0x380, s22;
	v20 =	vld [tilespmem:s21+$0x460]  }
0x51: {  	s29 =	sor.u32 s22, s20;
	[tilespmem:$0x1FE90] =	vst v0;
	v0 =	vld [tilespmem:$0x860]  }
0x52: {  	v60 =	vld [tilespmem:s29+$0x0]  }
0x53: {  	v61 =	vld [tilespmem:s29+$0x10]  }
0x54: {  	v62 =	vld [tilespmem:s29+$0x20]  }
0x55: {  	v63 =	vld [tilespmem:s29+$0x30]  }
0x56: {  	[tilespmem:$0x1FEA0] =	vst v0;
	v0 =	vld [tilespmem:s21+$0x470]  }
0x57: {  	v14 =	vld [tilespmem:s29+$0x40]  }
0x58: {  	v15 =	vld [tilespmem:s29+$0x50]  }
0x59: {  	v16 =	vld [tilespmem:s29+$0x60]  }
0x5a: {  	v17 =	vld [tilespmem:s29+$0x70]  }
0x5b: {  	[tilespmem:$0x1FF20] =	vst v0;
	v0 =	vld [tilespmem:s29+$0x440]  }
0x5c: {  	v43 =	vld [tilespmem:s29+$0x400]  }
0x5d: {  	v41 =	vld [tilespmem:s29+$0x410]  }
0x5e: {  	s23 =	simm.s32 $0x100;
	v42 =	vld [tilespmem:s29+$0x420]  }
0x5f: {  	s22 =	sand.u32 $0x300, s23;
	v39 =	vld [tilespmem:s29+$0x430]  }
0x60: {  	s22 =	sor.u32 s22, s20;
	[tilespmem:$0x1FF60] =	vst v0;
	v0 =	vld [tilespmem:s29+$0x450]  }
0x61: {  	v6 =	vld [tilespmem:s22+$0x0]  }
0x62: {  	v8 =	vld [tilespmem:s22+$0x10]  }
0x63: {  	v7 =	vld [tilespmem:s22+$0x20]  }
0x64: {  	v9 =	vld [tilespmem:s22+$0x30]  }
0x65: {  	[tilespmem:$0x1FF70] =	vst v0;
	v0 =	vld [tilespmem:s29+$0x460]  }
0x66: {  	v10 =	vld [tilespmem:s22+$0x40]  }
0x67: {  	v12 =	vld [tilespmem:s22+$0x50]  }
0x68: {  	s24 =	simm.s32 $0x80;
	v11 =	vld [tilespmem:s22+$0x60]  }
0x69: {  	v13 =	vld [tilespmem:s22+$0x70];
	s21 =	sand.u32 $0x280, s24  }
0x6a: {  	s21 =	sor.u32 s21, s20;
	[tilespmem:$0x1FF80] =	vst v0;
	v0 =	vld [tilespmem:s29+$0x470]  }
0x6b: {  	v1 =	vld [tilespmem:s21+$0x0]  }
0x6c: {  	v2 =	vld [tilespmem:s21+$0x10]  }
0x6d: {  	v3 =	vld [tilespmem:s21+$0x20]  }
0x6e: {  	v38 =	vmul.f32 v38, v4;
	v40 =	vmul.f32 v40, v4;
	v5 =	vld [tilespmem:s21+$0x30]  }
0x6f: {  	v28 =	vld [tilespmem:s22+$0x400];
	v55 =	vmul.f32 v55, v4;
	[tilespmem:$0x1FF90] =	vst v0;
	v0 =	vmul.f32 v37, v4  }
0x70: {  	v52 =	vld [tilespmem:s22+$0x410];
	v6 =	vmul.f32 v6, v27;
	v8 =	vmul.f32 v8, v27  }
0x71: {  	v23 =	vld [tilespmem:s22+$0x420];
	v32 =	vadd.f32 v38, v32;
	v1 =	vmul.f32 v1, v29;
	v26 =	vadd.f32 v0, v26  }
0x72: {  	v51 =	vld [tilespmem:s22+$0x430];
	v33 =	vadd.f32 v40, v33;
	v2 =	vmul.f32 v2, v29;
	v3 =	vmul.f32 v3, v29  }
0x73: {  	v31 =	vld [tilespmem:s22+$0x440];
	v55 =	vadd.f32 v55, v54;
	v5 =	vmul.f32 v5, v29;
	v1 =	vadd.f32 v1, v26  }
0x74: {  	v7 =	vmul.f32 v7, v27;
	v38 =	vld [tilespmem:s22+$0x470];
	v2 =	vadd.f32 v2, v32;
	v3 =	vadd.f32 v3, v33  }
0x75: {  	v54 =	vld [tilespmem:s21+$0x410];
	v5 =	vadd.f32 v5, v55;
	v1 =	vadd.f32 v6, v1;
	v6 =	vmul.f32 v9, v27  }
0x76: {  	v40 =	vld [tilespmem:s21+$0x450];
	v2 =	vadd.f32 v8, v2;
	v3 =	vadd.f32 v7, v3  }
0x77: {  	v32 =	vld [tilespmem:s21+$0x50];
	v7 =	vmul.f32 v60, v36;
	v5 =	vadd.f32 v6, v5;
	v6 =	vmul.f32 v61, v36  }
0x78: {  	v62 =	vmul.f32 v62, v36;
	v9 =	vld [tilespmem:s21+$0x70]  }
0x79: {  	v26 =	vld [tilespmem:s21+$0x40];
	v1 =	vadd.f32 v7, v1;
	v7 =	vmul.f32 v63, v36;
	v2 =	vadd.f32 v6, v2  }
0x7a: {  	v10 =	vmul.f32 v10, v27;
	v11 =	vmul.f32 v11, v27;
	v33 =	vld [tilespmem:s21+$0x60]  }
0x7b: {  	v55 =	vld [tilespmem:s21+$0x420];
	v5 =	vadd.f32 v7, v5;
	v7 =	vmul.f32 v59, v4;
	[tilespmem:$0x1FEC0] =	vst v2;
	v2 =	vmul.f32 v57, v4  }
0x7c: {  	v8 =	vld [tilespmem:s21+$0x400];
	v62 =	vadd.f32 v62, v3;
	v32 =	vmul.f32 v32, v29;
	[tilespmem:$0x1FEB0] =	vst v1;
	v1 =	vmul.f32 v56, v4  }
0x7d: {  	v3 =	vld [tilespmem:s21+$0x430];
	v9 =	vmul.f32 v9, v29;
	v7 =	vadd.f32 v7, v44;
	v2 =	vadd.f32 v2, v48  }
0x7e: {  	p0 =	por $0x0, $0x0;
	s20 =	simm.s32 $0x1;
	v37 =	vld [tilespmem:s22+$0x450];
	v26 =	vmul.f32 v26, v29;
	[tilespmem:$0x1FED0] =	vst v5;
	v1 =	vadd.f32 v1, v49;
	v5 =	vmul.f32 v58, v4  }
0x7f: {  	s20 =	simm.s32 @!p0 $0x0;
	v0 =	vld [tilespmem:s22+$0x460];
	v7 =	vadd.f32 v9, v7;
	v9 =	vmul.f32 v12, v27;
	v2 =	vadd.f32 v32, v2  }
0x80: {  	s20 =	sshll.u32 s20, $0x9;
	v33 =	vmul.f32 v33, v29;
	v6 =	vld [tilespmem:s21+$0x440];
	v5 =	vadd.f32 v5, v45;
	v1 =	vadd.f32 v26, v1  }
0x81: {  	s20 =	sadd.s32 $0x0, s20;
	v56 =	vld [tilespmem:s21+$0x460];
	v12 =	vmul.f32 v13, v27;
	v2 =	vadd.f32 v9, v2;
	v9 =	vmul.f32 v15, v36  }
0x82: {  	s23 =	sor.u32 $0x830, s20;
	v57 =	vld [tilespmem:s21+$0x470];
	v5 =	vadd.f32 v33, v5;
	v1 =	vadd.f32 v10, v1;
	v10 =	vmul.f32 v14, v36  }
0x83: {  	s26 =	sor.u32 $0x810, s20;
	v44 =	vld [tilespmem:s23+$0x1000];
	v7 =	vadd.f32 v12, v7;
	v2 =	vadd.f32 v9, v2;
	v9 =	vmul.f32 v17, v36  }
0x84: {  	s24 =	sor.u32 $0x840, s20;
	v26 =	vld [tilespmem:s26+$0x1000];
	v5 =	vadd.f32 v11, v5;
	v63 =	vadd.f32 v10, v1;
	v1 =	vmul.f32 v16, v36  }
0x85: {  	s25 =	sor.u32 $0x800, s20;
	v45 =	vld [tilespmem:s24+$0x1000];
	v7 =	vadd.f32 v9, v7  }
0x86: {  	v8 =	vmul.f32 v8, v29;
	s29 =	sor.u32 $0x820, s20;
	v33 =	vld [tilespmem:s25+$0x1000];
	v1 =	vadd.f32 v1, v5;
	v5 =	vmul.f32 v47, v4;
	[tilespmem:$0x1FEE0] =	vst v2  }
0x87: {  	v32 =	vld [tilespmem:s29+$0x1000];
	v2 =	vmul.f32 v50, v4;
	[tilespmem:$0x1FF00] =	vst v7;
	v7 =	vmul.f32 v25, v4  }
0x88: {  	s25 =	sor.u32 $0x850, s20;
	v14 =	vld [tilespmem:$0x1FF50];
	v10 =	vmul.f32 v55, v29;
	[tilespmem:$0x1FEF0] =	vst v1;
	v1 =	vmul.f32 v46, v4;
	v5 =	vadd.f32 v5, v22  }
0x89: {  	v3 =	vmul.f32 v3, v29;
	v48 =	vld [tilespmem:s25+$0x1000];
	s25 =	sor.u32 $0xC20, s20;
	v2 =	vadd.f32 v2, v24;
	v7 =	vadd.f32 v7, v18  }
0x8a: {  	s26 =	sor.u32 $0x860, s20;
	v60 =	vld [tilespmem:s25+$0x1000];
	v9 =	vmul.f32 v54, v29;
	v1 =	vadd.f32 v1, v30;
	v5 =	vadd.f32 v10, v5  }
0x8b: {  	v46 =	vld [tilespmem:s26+$0x1000];
	s26 =	sor.u32 $0xC30, s20;
	v2 =	vadd.f32 v8, v2;
	v3 =	vadd.f32 v3, v7;
	v7 =	vmul.f32 v23, v27  }
0x8c: {  	s29 =	sor.u32 $0x870, s20;
	v61 =	vld [tilespmem:s26+$0x1000];
	v8 =	vmul.f32 v28, v27;
	v1 =	vadd.f32 v9, v1;
	v9 =	vmul.f32 v52, v27  }
0x8d: {  	s23 =	sor.u32 $0xC00, s20;
	v12 =	vmul.f32 v42, v36;
	v25 =	vld [tilespmem:s29+$0x1000];
	v10 =	vmul.f32 v51, v27;
	v5 =	vadd.f32 v7, v5  }
0x8e: {  	v30 =	vld [tilespmem:s23+$0x1000];
	v2 =	vadd.f32 v8, v2;
	v1 =	vadd.f32 v9, v1;
	v9 =	vmul.f32 v43, v36  }
0x8f: {  	s24 =	sor.u32 $0xC10, s20;
	v50 =	vadd.f32 v12, v5;
	v12 =	vld [tilespmem:$0x1FF30]  }
0x90: {  	v24 =	vld [tilespmem:s24+$0x1000];
	s24 =	sor.u32 $0xC50, s20;
	v3 =	vadd.f32 v10, v3;
	v54 =	vadd.f32 v9, v2;
	v2 =	vmul.f32 v39, v36  }
0x91: {  	v11 =	vld [tilespmem:s24+$0x1000]  }
0x92: {  	s25 =	sor.u32 $0xC60, s20;
	s23 =	sor.u32 $0xC40, s20;
	s20 =	sor.u32 $0xC70, s20;
	v9 =	vld [tilespmem:$0x1FF10];
	v42 =	vadd.f32 v2, v3;
	v2 =	vmul.f32 v21, v4  }
0x93: {  	v22 =	vld [tilespmem:s20+$0x1000];
	v7 =	vmul.f32 v41, v36  }
0x94: {  	s29 =	sand.u32 $0x7, s3;
	v2 =	vadd.f32 v2, v12;
	v12 =	vld [tilespmem:$0x1FF40]  }
0x95: {  	s22 =	sshll.u32 s29, $0x7;
	v18 =	vld [tilespmem:s25+$0x1000];
	v51 =	vadd.f32 v7, v1;
	v1 =	vmul.f32 v19, v4  }
0x96: {  	s21 =	sadd.s32 $0x0, s22;
	v28 =	vld [tilespmem:$0x1FFC0]  }
0x97: {  	v6 =	vmul.f32 v6, v29;
	s24 =	sadd.s32 $0x180, s21;
	v8 =	vld [tilespmem:s23+$0x1000];
	v3 =	vmul.f32 v20, v4;
	v1 =	vadd.f32 v1, v9  }
0x98: {  	s25 =	sor.u32 $0x830, s24;
	v23 =	vld [tilespmem:$0x1FFB0]  }
0x99: {  	v13 =	vld [tilespmem:s25+$0x1000];
	v1 =	vadd.f32 v6, v1;
	v6 =	vmul.f32 v56, v29;
	v3 =	vadd.f32 v3, v12  }
0x9a: {  	s23 =	sor.u32 $0x820, s24;
	v9 =	vld [tilespmem:$0x1FF20]  }
0x9b: {  	v0 =	vmul.f32 v0, v27;
	v10 =	vld [tilespmem:s23+$0x1000];
	s23 =	sor.u32 $0x860, s24;
	v3 =	vadd.f32 v6, v3  }
0x9c: {  	v17 =	vld [tilespmem:s23+$0x1000]  }
0x9d: {  	s26 =	sor.u32 $0x800, s24;
	v0 =	vadd.f32 v0, v3;
	v3 =	vld [tilespmem:$0x1FF60]  }
0x9e: {  	s29 =	sor.u32 $0x810, s24;
	v5 =	vld [tilespmem:s26+$0x1000];
	v12 =	vmul.f32 v40, v29  }
0x9f: {  	v7 =	vld [tilespmem:s29+$0x1000];
	v9 =	vmul.f32 v9, v4  }
0xa0: {  	s29 =	sor.u32 $0x850, s24;
	v19 =	vld [tilespmem:$0x1FF80];
	v2 =	vadd.f32 v12, v2;
	v12 =	vmul.f32 v31, v27  }
0xa1: {  	v15 =	vmul.f32 v57, v29;
	s26 =	sor.u32 $0x840, s24;
	v16 =	vld [tilespmem:s29+$0x1000];
	v9 =	vadd.f32 v9, v14  }
0xa2: {  	s25 =	sor.u32 $0x870, s24;
	v14 =	vld [tilespmem:s26+$0x1000];
	v1 =	vadd.f32 v12, v1;
	v3 =	vmul.f32 v3, v36  }
0xa3: {  	v9 =	vadd.f32 v15, v9;
	v15 =	vld [tilespmem:s25+$0x1000];
	v12 =	vmul.f32 v38, v27  }
0xa4: {  	s23 =	sand.u32 $0x3, s3;
	s26 =	sadd.s32 $0x80, s21;
	v57 =	vadd.f32 v3, v1;
	v1 =	vld [tilespmem:$0x1FF90]  }
0xa5: {  	s20 =	sshll.u32 s23, $0x8;
	s21 =	sor.u32 $0x800, s26;
	v9 =	vadd.f32 v12, v9;
	v12 =	vld [tilespmem:$0x1FF70]  }
0xa6: {  	s20 =	sadd.s32 $0x0, s20;
	v6 =	vmul.f32 v37, v27;
	s25 =	sor.u32 $0x810, s26;
	v20 =	vld [tilespmem:s21+$0x1000]  }
0xa7: {  	s29 =	sor.u32 $0xC00, s24;
	v19 =	vmul.f32 v19, v36;
	v21 =	vld [tilespmem:s25+$0x1000];
	s25 =	sadd.s32 $0x100, s20  }
0xa8: {  	v25 =	vmul.f32 v25, v4;
	v39 =	vmul.f32 v30, v4;
	v2 =	vadd.f32 v6, v2;
	v6 =	vld [tilespmem:s29+$0x1000];
	s21 =	sor.u32 $0x810, s25  }
0xa9: {  	v55 =	vadd.f32 v19, v0;
	v19 =	vmul.f32 v45, v4;
	v45 =	vld [tilespmem:s21+$0x1000];
	s21 =	sor.u32 $0xC20, s24;
	v1 =	vmul.f32 v1, v36  }
0xaa: {  	v5 =	vmul.f32 v5, v36;
	v52 =	vld [tilespmem:s21+$0x1000];
	v12 =	vmul.f32 v12, v36  }
0xab: {  	v7 =	vmul.f32 v7, v36;
	s29 =	sor.u32 $0x820, s26;
	v0 =	vmul.f32 v26, v4;
	v56 =	vadd.f32 v1, v9;
	v9 =	vld [tilespmem:$0x1FFA0]  }
0xac: {  	v40 =	vmul.f32 v24, v4;
	v24 =	vmul.f32 v8, v4;
	v58 =	vadd.f32 v12, v2;
	v2 =	vld [tilespmem:s29+$0x1000];
	s29 =	sor.u32 $0x800, s25  }
0xad: {  	v37 =	vmul.f32 v18, v4;
	v0 =	vadd.f32 v0, v23;
	v12 =	vmul.f32 v44, v4;
	v23 =	vld [tilespmem:s29+$0x1000];
	s29 =	sor.u32 $0xC10, s24  }
0xae: {  	s21 =	sor.u32 $0x850, s26;
	v21 =	vmul.f32 v21, v29;
	v3 =	vmul.f32 v33, v4;
	v30 =	vld [tilespmem:s29+$0x1000]  }
0xaf: {  	s23 =	sor.u32 $0x830, s26;
	v12 =	vadd.f32 v12, v35;
	v35 =	vmul.f32 v11, v4;
	v11 =	vld [tilespmem:s21+$0x1000];
	v1 =	vmul.f32 v32, v4  }
0xb0: {  	s22 =	sor.u32 $0x820, s25;
	v38 =	vmul.f32 v22, v4;
	v20 =	vmul.f32 v20, v29;
	v3 =	vadd.f32 v3, v9;
	v9 =	vld [tilespmem:s23+$0x1000]  }
0xb1: {  	v21 =	vadd.f32 v21, v0;
	v32 =	vmul.f32 v45, v27;
	v1 =	vadd.f32 v1, v28;
	v28 =	vld [tilespmem:s22+$0x1000];
	s23 =	sor.u32 $0x830, s25  }
0xb2: {  	v26 =	vmul.f32 v48, v4;
	s29 =	sor.u32 $0x840, s26;
	v2 =	vmul.f32 v2, v29;
	v3 =	vadd.f32 v20, v3;
	v20 =	vld [tilespmem:s23+$0x1000]  }
0xb3: {  	v48 =	vmul.f32 v46, v4;
	v23 =	vmul.f32 v23, v27;
	v8 =	vadd.f32 v32, v21;
	v21 =	vld [tilespmem:s29+$0x1000]  }
0xb4: {  	v0 =	vmul.f32 v60, v4;
	v2 =	vadd.f32 v2, v1;
	v1 =	vmul.f32 v61, v4;
	v4 =	vld [tilespmem:$0x1FFD0]  }
0xb5: {  	v46 =	vadd.f32 v7, v8;
	v8 =	vld [tilespmem:$0x1FFE0];
	s23 =	sor.u32 $0xC40, s24;
	v3 =	vadd.f32 v23, v3;
	v9 =	vmul.f32 v9, v29  }
0xb6: {  	v23 =	vld [tilespmem:s23+$0x1000];
	s23 =	sor.u32 $0x870, s26  }
0xb7: {  	s21 =	sor.u32 $0x850, s25;
	v47 =	vadd.f32 v5, v3;
	v3 =	vld [tilespmem:s23+$0x1000];
	v9 =	vadd.f32 v9, v12;
	v20 =	vmul.f32 v20, v27  }
0xb8: {  	s22 =	sor.u32 $0xC30, s24;
	v59 =	vmul.f32 v28, v27;
	v5 =	vld [tilespmem:s21+$0x1000]  }
0xb9: {  	v13 =	vmul.f32 v13, v36;
	v12 =	vld [tilespmem:s22+$0x1000];
	s22 =	sor.u32 $0x860, s26;
	v9 =	vadd.f32 v20, v9  }
0xba: {  	v10 =	vmul.f32 v10, v36;
	v2 =	vadd.f32 v59, v2;
	v20 =	vld [tilespmem:s22+$0x1000]  }
0xbb: {  	s29 =	sor.u32 $0x840, s25;
	v7 =	vmul.f32 v21, v29;
	v4 =	vadd.f32 v19, v4;
	v44 =	vadd.f32 v13, v9;
	v9 =	vld [tilespmem:$0x1FFF0]  }
0xbc: {  	v45 =	vadd.f32 v10, v2;
	v2 =	vld [tilespmem:s29+$0x1000];
	s23 =	sor.u32 $0x870, s25  }
0xbd: {  	v11 =	vmul.f32 v11, v29;
	v8 =	vadd.f32 v26, v8;
	v4 =	vadd.f32 v7, v4;
	v7 =	vld [tilespmem:s23+$0x1000];
	s22 =	sor.u32 $0x860, s25  }
0xbe: {  	v16 =	vmul.f32 v16, v36;
	v18 =	vadd.f32 v25, v34;
	v15 =	vmul.f32 v15, v36;
	s21 =	sor.u32 $0xC00, s25;
	v10 =	vld [tilespmem:s22+$0x1000]  }
0xbf: {  	v21 =	vmul.f32 v14, v36;
	s29 =	sor.u32 $0xC50, s24;
	v8 =	vadd.f32 v11, v8;
	v25 =	vld [tilespmem:s21+$0x1000];
	v5 =	vmul.f32 v5, v27  }
0xc0: {  	v22 =	vld [tilespmem:s29+$0x1000];
	s23 =	sor.u32 $0xC00, s26;
	v3 =	vmul.f32 v3, v29;
	v13 =	vmul.f32 v20, v29;
	v9 =	vadd.f32 v48, v9  }
0xc1: {  	v11 =	vmul.f32 v30, v36;
	v60 =	vld [tilespmem:s23+$0x1000];
	s22 =	sor.u32 $0xC10, s25;
	v2 =	vmul.f32 v2, v27;
	v61 =	vadd.f32 v5, v8  }
0xc2: {  	s29 =	sor.u32 $0xC10, s26;
	v19 =	vadd.f32 v13, v9;
	v13 =	vmul.f32 v17, v36;
	v17 =	vadd.f32 v3, v18;
	v18 =	vld [tilespmem:s22+$0x1000]  }
0xc3: {  	s21 =	sor.u32 $0xC20, s26;
	v14 =	vld [tilespmem:s29+$0x1000];
	v26 =	vadd.f32 v2, v4;
	v2 =	vmul.f32 v6, v36;
	v3 =	vmul.f32 v10, v27  }
0xc4: {  	s29 =	sor.u32 $0xC30, s25;
	v4 =	vmul.f32 v7, v27;
	v8 =	vld [tilespmem:s21+$0x1000];
	v5 =	vmul.f32 v25, v27;
	v33 =	vadd.f32 v16, v61  }
0xc5: {  	s23 =	sor.u32 $0xC20, s25;
	v16 =	vld [tilespmem:s29+$0x1000];
	v9 =	vmul.f32 v52, v36;
	v10 =	vmul.f32 v12, v36;
	v19 =	vadd.f32 v3, v19  }
0xc6: {  	s20 =	simm.s32 $0x800;
	s28 =	sor.u32 $0xC40, s25;
	s22 =	sor.u32 $0xC30, s26;
	v12 =	vld [tilespmem:s23+$0x1000];
	v3 =	vmul.f32 v23, v36;
	v20 =	vadd.f32 v4, v17;
	v4 =	vmul.f32 v22, v36  }
0xc7: {  	s21 =	simm.s32 $0x0;
	v34 =	vadd.f32 v21, v26;
	s23 =	simm.s32 $0x0;
	v7 =	vld [tilespmem:s22+$0x1000];
	s22 =	simm.s32 $0x0;
	v6 =	vmul.f32 v18, v27;
	v18 =	vmul.f32 v60, v29  }
.LBB2_2:
0xc8: {  	v13 =	vadd.f32 v13, v19;
	_ =	sdelay $0x1  }
0xc9: {  	[tilespmem:$0x1FE20] =	vst v13;
	v13 =	vadd.f32 v15, v20;
	v20 =	vld [tilespmem:$0x1FE60];
	_ =	sdelay $0x1  }
0xca: {  	v15 =	vld [tilespmem:$0x1FE50];
	_ =	sdelay $0x1  }
0xcb: {  	[tilespmem:$0x1FE30] =	vst v13;
	v13 =	vld [tilespmem:$0x1FE40]  }
0xcc: {  	v0 =	vadd.f32 v0, v20;
	v20 =	vld [tilespmem:$0x1FE70]  }
0xcd: {  	v8 =	vmul.f32 v8, v29  }
0xce: {  	v14 =	vmul.f32 v14, v29;
	v17 =	vld [tilespmem:s28+$0x1000];
	s28 =	sor.u32 $0xC50, s25;
	v15 =	vadd.f32 v40, v15  }
0xcf: {  	v19 =	vld [tilespmem:s28+$0x1000];
	s28 =	sor.u32 $0xC50, s26;
	v12 =	vmul.f32 v12, v27;
	v0 =	vadd.f32 v8, v0  }
0xd0: {  	s29 =	sor.u32 $0xC40, s26;
	v13 =	vadd.f32 v39, v13;
	v14 =	vadd.f32 v14, v15;
	v15 =	vld [tilespmem:s28+$0x1000]  }
0xd1: {  	v0 =	vadd.f32 v12, v0;
	v1 =	vadd.f32 v1, v20;
	v20 =	vld [tilespmem:s29+$0x1000];
	s29 =	sor.u32 $0xC70, s26  }
0xd2: {  	s19 =	sadd.s32 $0x40, s19;
	v7 =	vmul.f32 v7, v29;
	v8 =	vmul.f32 v16, v27;
	v16 =	vld [tilespmem:s29+$0x1000]  }
0xd3: {  	s28 =	sor.u32 $0xC60, s26;
	v13 =	vadd.f32 v18, v13;
	v0 =	vadd.f32 v9, v0;
	v9 =	vld [tilespmem:s19+$0x10]  }
0xd4: {  	s29 =	sor.u32 $0xC60, s25;
	v1 =	vadd.f32 v7, v1;
	v7 =	vld [tilespmem:s28+$0x1000]  }
0xd5: {  	v5 =	vadd.f32 v5, v13;
	v12 =	vld [tilespmem:s29+$0x1000];
	s29 =	sor.u32 $0xC70, s25  }
0xd6: {  	v13 =	vmul.f32 v17, v27;
	v17 =	vld [tilespmem:s29+$0x1000];
	v1 =	vadd.f32 v8, v1  }
0xd7: {  	v6 =	vadd.f32 v6, v14;
	v2 =	vadd.f32 v2, v5;
	v5 =	vld [tilespmem:$0x1FE90]  }
0xd8: {  	[tilespmem:$0x1FE60] =	vst v0;
	v0 =	vadd.f32 v10, v1;
	v1 =	vld [tilespmem:$0x1FE80]  }
0xd9: {  	s29 =	sor.u32 $0xC70, s24;
	[tilespmem:$0x1FE40] =	vst v2;
	v2 =	vadd.f32 v11, v6;
	v10 =	vld [tilespmem:$0x1FEA0]  }
0xda: {  	v6 =	vmul.f32 v7, v29;
	v7 =	vld [tilespmem:s29+$0x1000]  }
0xdb: {  	[tilespmem:$0x1FE50] =	vst v2;
	v2 =	vmul.f32 v15, v29;
	v15 =	vmul.f32 v16, v29;
	v16 =	vld [tilespmem:s19+$0x0]  }
0xdc: {  	s21 =	sadd.s32 $0x200, s21;
	s26 =	sor.u32 $0xC60, s24;
	s25 =	sand.u32 $0xF000, s20;
	v14 =	vmul.f32 v20, v29;
	v29 =	vld [tilespmem:s19+$0xFFFFFFF0];
	v5 =	vadd.f32 v35, v5  }
0xdd: {  	s24 =	sadd.s32 $0x1000, s25;
	[tilespmem:$0x1FE70] =	vst v0;
	v0 =	vld [tilespmem:s26+$0x1000];
	s26 =	sand.u32 $0x200, s21  }
0xde: {  	s25 =	sor.u32 s26, s24;
	v5 =	vadd.f32 v2, v5;
	v2 =	vld [tilespmem:s19+$0xFFFFFFE0]  }
0xdf: {  	v20 =	vld [tilespmem:s25+$0x440]  }
0xe0: {  	v8 =	vmul.f32 v19, v27;
	v21 =	vld [tilespmem:s25+$0x450];
	v1 =	vadd.f32 v24, v1  }
0xe1: {  	v11 =	vadd.f32 v38, v53;
	v22 =	vld [tilespmem:s25+$0x460];
	v10 =	vadd.f32 v37, v10  }
0xe2: {  	v12 =	vmul.f32 v12, v27;
	v23 =	vld [tilespmem:s25+$0x470];
	v5 =	vadd.f32 v8, v5;
	v1 =	vadd.f32 v14, v1  }
0xe3: {  	v8 =	vld [tilespmem:s25+$0x0];
	v6 =	vadd.f32 v6, v10;
	v10 =	vadd.f32 v15, v11;
	v11 =	vmul.f32 v17, v27  }
0xe4: {  	v7 =	vmul.f32 v7, v36;
	v0 =	vmul.f32 v0, v36;
	v36 =	vmov v9;
	v9 =	vld [tilespmem:s25+$0x410]  }
0xe5: {  	v1 =	vadd.f32 v13, v1;
	v10 =	vadd.f32 v11, v10;
	v11 =	vld [tilespmem:s25+$0x10]  }
0xe6: {  	v6 =	vadd.f32 v12, v6;
	v12 =	vld [tilespmem:s25+$0x430]  }
0xe7: {  	v1 =	vadd.f32 v3, v1;
	v3 =	vld [tilespmem:s25+$0x40]  }
0xe8: {  	v0 =	vadd.f32 v0, v6;
	v6 =	vld [tilespmem:s25+$0x70]  }
0xe9: {  	[tilespmem:$0x1FE80] =	vst v1;
	v1 =	vadd.f32 v4, v5;
	v4 =	vld [tilespmem:s25+$0x50]  }
0xea: {  	v5 =	vld [tilespmem:s25+$0x60]  }
0xeb: {  	[tilespmem:$0x1FEA0] =	vst v0;
	v0 =	vadd.f32 v7, v10;
	v7 =	vld [tilespmem:s25+$0x400]  }
0xec: {  	s29 =	sadd.s32 $0x180, s21;
	v10 =	vld [tilespmem:s25+$0x420]  }
0xed: {  	s26 =	sand.u32 $0x380, s29;
	[tilespmem:$0x1FE90] =	vst v1;
	v1 =	vld [tilespmem:s25+$0x20]  }
0xee: {  	[tilespmem:$0x1FE00] =	vst v0;
	v0 =	vld [tilespmem:s25+$0x30];
	s25 =	sor.u32 s26, s24  }
0xef: {  	v25 =	vld [tilespmem:s25+$0x0]  }
0xf0: {  	v26 =	vld [tilespmem:s25+$0x10]  }
0xf1: {  	v37 =	vld [tilespmem:s25+$0x20]  }
0xf2: {  	v32 =	vld [tilespmem:s25+$0x30]  }
0xf3: {  	[tilespmem:$0x1FE10] =	vst v33;
	v33 =	vld [tilespmem:s25+$0x40]  }
0xf4: {  	[tilespmem:$0x1FC40] =	vst v54;
	v39 =	vld [tilespmem:s25+$0x50]  }
0xf5: {  	[tilespmem:$0x1FCA0] =	vst v42;
	v41 =	vld [tilespmem:s25+$0x60]  }
0xf6: {  	[tilespmem:$0x1FDB0] =	vst v47;
	v42 =	vld [tilespmem:s25+$0x70]  }
0xf7: {  	[tilespmem:$0x1FDE0] =	vst v44;
	v44 =	vld [tilespmem:s25+$0x400]  }
0xf8: {  	[tilespmem:$0x1FDD0] =	vst v45;
	v27 =	vmov v16;
	v45 =	vld [tilespmem:s25+$0x410];
	v16 =	vmul.f32 v0, v2;
	v0 =	vmul.f32 v7, v2  }
0xf9: {  	[tilespmem:$0x1FDC0] =	vst v46;
	v46 =	vld [tilespmem:s25+$0x420]  }
0xfa: {  	v47 =	vld [tilespmem:s25+$0x430];
	[tilespmem:$0x1FC50] =	vst v0;
	v0 =	vmul.f32 v9, v2  }
0xfb: {  	[tilespmem:$0x1FC60] =	vst v51;
	v48 =	vld [tilespmem:s25+$0x440]  }
0xfc: {  	s29 =	sadd.s32 $0x100, s21;
	v49 =	vld [tilespmem:s25+$0x450];
	[tilespmem:$0x1FC70] =	vst v0;
	v0 =	vmul.f32 v10, v2  }
0xfd: {  	[tilespmem:$0x1FC80] =	vst v50;
	s26 =	sand.u32 $0x300, s29;
	v50 =	vld [tilespmem:s25+$0x460]  }
0xfe: {  	s26 =	sor.u32 s26, s24;
	v51 =	vld [tilespmem:s25+$0x470];
	[tilespmem:$0x1FC90] =	vst v0;
	v0 =	vmul.f32 v12, v2  }
0xff: {  	[tilespmem:$0x1FD30] =	vst v55;
	v54 =	vld [tilespmem:s26+$0x0]  }
0x100: {  	v55 =	vld [tilespmem:s26+$0x10];
	[tilespmem:$0x1FCB0] =	vst v0;
	v0 =	vmul.f32 v20, v2  }
0x101: {  	[tilespmem:$0x1FD10] =	vst v58;
	v58 =	vld [tilespmem:s26+$0x20]  }
0x102: {  	v59 =	vld [tilespmem:s26+$0x30];
	[tilespmem:$0x1FCF0] =	vst v0;
	v0 =	vmul.f32 v21, v2  }
0x103: {  	s29 =	sadd.s32 $0x80, s21;
	v60 =	vld [tilespmem:s26+$0x40]  }
0x104: {  	s25 =	sand.u32 $0x280, s29;
	v61 =	vld [tilespmem:s26+$0x50];
	[tilespmem:$0x1FD20] =	vst v0;
	v0 =	vmul.f32 v22, v2  }
0x105: {  	[tilespmem:$0x1FC30] =	vst v63;
	v63 =	vld [tilespmem:s26+$0x60];
	s25 =	sor.u32 s25, s24  }
0x106: {  	v15 =	vmul.f32 v3, v2;
	v3 =	vld [tilespmem:s25+$0x70];
	[tilespmem:$0x1FD40] =	vst v0;
	v0 =	vmul.f32 v23, v2  }
0x107: {  	v28 =	vld [tilespmem:s26+$0x70]  }
0x108: {  	v31 =	vld [tilespmem:s26+$0x400];
	[tilespmem:$0x1FD50] =	vst v0;
	v0 =	vmul.f32 v44, v36  }
0x109: {  	[tilespmem:$0x1FDF0] =	vst v34;
	v34 =	vld [tilespmem:s26+$0x410]  }
0x10a: {  	v30 =	vld [tilespmem:s26+$0x430];
	[tilespmem:$0x1FCC0] =	vst v0;
	v0 =	vmul.f32 v46, v36  }
0x10b: {  	v43 =	vmul.f32 v6, v2;
	v6 =	vmul.f32 v3, v29;
	v3 =	vld [tilespmem:$0x1FEB0]  }
0x10c: {  	v14 =	vmul.f32 v1, v2;
	v1 =	vld [tilespmem:s26+$0x420];
	[tilespmem:$0x1FCD0] =	vst v0;
	v0 =	vmul.f32 v47, v36  }
0x10d: {  	[tilespmem:$0x1FD60] =	vst v56;
	v18 =	vmul.f32 v8, v2;
	v38 =	vmul.f32 v32, v36;
	v32 =	vld [tilespmem:s25+$0x0]  }
0x10e: {  	v56 =	vmul.f32 v33, v36;
	v33 =	vld [tilespmem:s25+$0x10];
	[tilespmem:$0x1FCE0] =	vst v0;
	v0 =	vmul.f32 v48, v36  }
0x10f: {  	v10 =	vmul.f32 v59, v27;
	v59 =	vld [tilespmem:s25+$0x410]  }
0x110: {  	v18 =	vadd.f32 v18, v3;
	v3 =	vld [tilespmem:$0x1FEC0];
	[tilespmem:$0x1FD70] =	vst v0;
	v0 =	vmul.f32 v49, v36  }
0x111: {  	v12 =	vmul.f32 v26, v36;
	v26 =	vld [tilespmem:s26+$0x470]  }
0x112: {  	v20 =	vld [tilespmem:s26+$0x440];
	[tilespmem:$0x1FD80] =	vst v0;
	v0 =	vmul.f32 v50, v36  }
0x113: {  	v19 =	vmul.f32 v11, v2;
	v21 =	vld [tilespmem:s26+$0x450]  }
0x114: {  	p0 =	por !p0, !p0;
	s24 =	simm.s32 $0x1;
	v49 =	vld [tilespmem:s25+$0x60];
	[tilespmem:$0x1FD90] =	vst v0;
	v0 =	vmul.f32 v51, v36  }
0x115: {  	s24 =	simm.s32 @!p0 $0x0;
	v19 =	vadd.f32 v19, v3;
	v3 =	vld [tilespmem:$0x1FED0]  }
0x116: {  	s24 =	sshll.u32 s24, $0x9;
	[tilespmem:$0x1FDA0] =	vst v0;
	v0 =	vld [tilespmem:s25+$0x470]  }
0x117: {  	v17 =	vmul.f32 v5, v2;
	s24 =	sadd.s32 s24, s20;
	v40 =	vmul.f32 v25, v36;
	v23 =	vld [tilespmem:s26+$0x460]  }
0x118: {  	[tilespmem:$0x1FD00] =	vst v57;
	v57 =	vmul.f32 v39, v36;
	v52 =	vmul.f32 v41, v36;
	s26 =	sor.u32 $0x820, s24;
	v44 =	vld [tilespmem:s25+$0x30]  }
0x119: {  	v7 =	vmul.f32 v55, v27;
	v5 =	vmul.f32 v49, v29;
	v49 =	vld [tilespmem:s26+$0x1000];
	s26 =	sor.u32 $0x840, s24  }
0x11a: {  	v55 =	vmul.f32 v34, v27;
	v47 =	vmul.f32 v26, v27;
	v53 =	vld [tilespmem:s26+$0x1000];
	s26 =	sor.u32 $0x860, s24  }
0x11b: {  	v26 =	vmul.f32 v59, v29;
	v59 =	vmul.f32 v0, v29;
	v0 =	vld [tilespmem:s26+$0x1000]  }
0x11c: {  	v51 =	vmul.f32 v30, v27;
	v30 =	vmul.f32 v32, v29  }
0x11d: {  	v34 =	vmul.f32 v21, v27;
	v21 =	vmul.f32 v33, v29  }
0x11e: {  	v41 =	vmul.f32 v42, v36;
	v8 =	vmul.f32 v54, v27;
	v30 =	vadd.f32 v30, v18  }
0x11f: {  	v39 =	vld [tilespmem:s25+$0x20];
	v42 =	vmul.f32 v45, v36;
	v19 =	vadd.f32 v21, v19;
	v16 =	vadd.f32 v16, v3  }
0x120: {  	v45 =	vld [tilespmem:s25+$0x40];
	v44 =	vmul.f32 v44, v29;
	v18 =	vmul.f32 v0, v2;
	v0 =	vadd.f32 v8, v30  }
0x121: {  	v22 =	vmul.f32 v60, v27;
	v60 =	vld [tilespmem:s25+$0x420];
	v7 =	vadd.f32 v7, v19  }
0x122: {  	v16 =	vadd.f32 v44, v16;
	v50 =	vmul.f32 v1, v27;
	v1 =	vld [tilespmem:s25+$0x440];
	v0 =	vadd.f32 v40, v0  }
0x123: {  	s29 =	sor.u32 $0x800, s24;
	v9 =	vmul.f32 v58, v27;
	v58 =	vld [tilespmem:s25+$0x400]  }
0x124: {  	v33 =	vld [tilespmem:s29+$0x1000];
	s29 =	sor.u32 $0x810, s24;
	v10 =	vadd.f32 v10, v16;
	[tilespmem:$0x1FEB0] =	vst v0;
	v0 =	vadd.f32 v12, v7  }
0x125: {  	v24 =	vld [tilespmem:s29+$0x1000];
	s29 =	sor.u32 $0x830, s24  }
0x126: {  	v13 =	vmul.f32 v4, v2;
	v4 =	vmul.f32 v45, v29;
	v35 =	vld [tilespmem:s29+$0x1000];
	s29 =	sor.u32 $0x850, s24;
	[tilespmem:$0x1FEC0] =	vst v0;
	v0 =	vadd.f32 v38, v10  }
0x127: {  	v45 =	vmul.f32 v60, v29;
	v60 =	vmul.f32 v1, v29;
	v1 =	vld [tilespmem:s29+$0x1000]  }
0x128: {  	[tilespmem:$0x1FED0] =	vst v0;
	v0 =	vld [tilespmem:$0x1FC30]  }
0x129: {  	v25 =	vmul.f32 v61, v27;
	v61 =	vld [tilespmem:s25+$0x430]  }
0x12a: {  	v32 =	vld [tilespmem:s25+$0x460];
	s26 =	sor.u32 $0xC00, s24  }
0x12b: {  	v14 =	vadd.f32 v14, v62;
	v62 =	vld [tilespmem:s26+$0x1000];
	s26 =	sor.u32 $0xC20, s24  }
0x12c: {  	v39 =	vmul.f32 v39, v29;
	v21 =	vmul.f32 v1, v2;
	v1 =	vld [tilespmem:s26+$0x1000]  }
0x12d: {  	v37 =	vmul.f32 v37, v36;
	v7 =	vadd.f32 v15, v0;
	v0 =	vld [tilespmem:$0x1FEE0]  }
0x12e: {  	v54 =	vmul.f32 v31, v27;
	v14 =	vadd.f32 v39, v14;
	v31 =	vmul.f32 v20, v27;
	v20 =	vld [tilespmem:s25+$0x450]  }
0x12f: {  	v46 =	vmul.f32 v23, v27;
	v23 =	vmul.f32 v58, v29;
	v48 =	vld [tilespmem:s25+$0x50];
	s29 =	sor.u32 $0x870, s24  }
0x130: {  	v9 =	vadd.f32 v9, v14;
	v58 =	vmul.f32 v32, v29;
	v32 =	vmul.f32 v24, v2;
	v24 =	vld [tilespmem:s29+$0x1000];
	s29 =	sor.u32 $0xC10, s24  }
0x131: {  	v3 =	vld [tilespmem:s29+$0x1000];
	v39 =	vmul.f32 v62, v2  }
0x132: {  	s29 =	sor.u32 $0xC30, s24;
	v62 =	vadd.f32 v37, v9;
	v9 =	vadd.f32 v13, v0;
	v0 =	vmul.f32 v1, v2;
	v1 =	vld [tilespmem:$0x1FEF0]  }
0x133: {  	s22 =	sadd.s32 $0x4, s22;
	v44 =	vld [tilespmem:s29+$0x1000];
	s29 =	sor.u32 $0xC40, s24  }
0x134: {  	s26 =	sand.u32 $0x7, s22;
	v8 =	vld [tilespmem:s29+$0x1000];
	s29 =	sor.u32 $0xC50, s24  }
0x135: {  	v63 =	vmul.f32 v63, v27;
	s26 =	sshll.u32 s26, $0x7;
	v14 =	vld [tilespmem:s29+$0x1000];
	s29 =	sor.u32 $0xC60, s24  }
0x136: {  	v28 =	vmul.f32 v28, v27;
	s26 =	sadd.s32 s20, s26;
	v40 =	vmul.f32 v3, v2;
	v3 =	vld [tilespmem:s29+$0x1000]  }
0x137: {  	v11 =	vmul.f32 v61, v29;
	v61 =	vmul.f32 v20, v29;
	s29 =	sor.u32 $0xC70, s24;
	s24 =	sadd.s32 $0x180, s26;
	v13 =	vadd.f32 v17, v1;
	v1 =	vld [tilespmem:$0x1FF00]  }
0x138: {  	v20 =	vmul.f32 v33, v2;
	v48 =	vmul.f32 v48, v29;
	v10 =	vld [tilespmem:s29+$0x1000];
	s29 =	sor.u32 $0x800, s24  }
0x139: {  	v33 =	vmul.f32 v49, v2;
	v49 =	vmul.f32 v35, v2;
	v16 =	vld [tilespmem:s29+$0x1000];
	s29 =	sor.u32 $0x810, s24  }
0x13a: {  	v19 =	vmul.f32 v24, v2;
	v24 =	vmul.f32 v8, v2;
	v8 =	vld [tilespmem:s29+$0x1000]  }
0x13b: {  	v53 =	vmul.f32 v53, v2;
	v35 =	vmul.f32 v14, v2  }
0x13c: {  	v37 =	vmul.f32 v3, v2;
	v5 =	vadd.f32 v5, v13;
	v15 =	vadd.f32 v43, v1  }
0x13d: {  	v38 =	vmul.f32 v10, v2;
	v4 =	vadd.f32 v4, v7;
	v7 =	vadd.f32 v48, v9  }
0x13e: {  	v1 =	vmul.f32 v44, v2;
	v2 =	vadd.f32 v63, v5;
	v6 =	vadd.f32 v6, v15  }
0x13f: {  	s29 =	sor.u32 $0x820, s24;
	v3 =	vadd.f32 v22, v4;
	v22 =	vmul.f32 v8, v36;
	v8 =	vld [tilespmem:$0x1FC70];
	v4 =	vadd.f32 v25, v7  }
0x140: {  	v9 =	vld [tilespmem:s29+$0x1000];
	v2 =	vadd.f32 v52, v2;
	v5 =	vadd.f32 v28, v6  }
0x141: {  	v63 =	vadd.f32 v56, v3;
	v3 =	vadd.f32 v57, v4;
	v4 =	vld [tilespmem:$0x1FC40]  }
0x142: {  	s29 =	sor.u32 $0x830, s24;
	[tilespmem:$0x1FEF0] =	vst v2;
	v2 =	vadd.f32 v41, v5;
	v5 =	vld [tilespmem:$0x1FC50]  }
0x143: {  	v7 =	vld [tilespmem:s29+$0x1000];
	s29 =	sor.u32 $0x840, s24  }
0x144: {  	v6 =	vld [tilespmem:s29+$0x1000];
	s29 =	sor.u32 $0x850, s24  }
0x145: {  	[tilespmem:$0x1FEE0] =	vst v3;
	v3 =	vld [tilespmem:s29+$0x1000];
	s29 =	sor.u32 $0x860, s24  }
0x146: {  	[tilespmem:$0x1FF00] =	vst v2;
	v2 =	vld [tilespmem:s29+$0x1000]  }
0x147: {  	v4 =	vadd.f32 v5, v4;
	v5 =	vld [tilespmem:$0x1FC60];
	_ =	sdelay $0x1  }
0x148: {  	v10 =	vld [tilespmem:$0x1FC90]  }
0x149: {  	v25 =	vmul.f32 v9, v36;
	v9 =	vld [tilespmem:$0x1FC80]  }
0x14a: {  	s29 =	sor.u32 $0x870, s24;
	v13 =	vmul.f32 v2, v36;
	v2 =	vld [tilespmem:$0x1FCC0]  }
0x14b: {  	v5 =	vadd.f32 v8, v5;
	v8 =	vld [tilespmem:s29+$0x1000];
	s29 =	sor.u32 $0xC00, s24  }
0x14c: {  	v52 =	vmul.f32 v7, v36;
	v7 =	vld [tilespmem:s29+$0x1000]  }
0x14d: {  	v4 =	vadd.f32 v23, v4;
	_ =	sdelay $0x1  }
0x14e: {  	v12 =	vld [tilespmem:$0x1FCB0];
	v4 =	vadd.f32 v54, v4  }
0x14f: {  	v9 =	vadd.f32 v10, v9;
	v10 =	vld [tilespmem:$0x1FCA0]  }
0x150: {  	v54 =	vadd.f32 v2, v4;
	v2 =	vmul.f32 v7, v36;
	v7 =	vld [tilespmem:$0x1FCD0]  }
0x151: {  	v9 =	vadd.f32 v45, v9;
	_ =	sdelay $0x1  }
0x152: {  	v9 =	vadd.f32 v50, v9;
	s29 =	sor.u32 $0xC10, s24  }
0x153: {  	v10 =	vadd.f32 v12, v10;
	v17 =	vmul.f32 v6, v36;
	v6 =	vld [tilespmem:s29+$0x1000]  }
0x154: {  	v50 =	vadd.f32 v7, v9;
	v7 =	vld [tilespmem:$0x1FCE0]  }
0x155: {  	v10 =	vadd.f32 v11, v10;
	v5 =	vadd.f32 v26, v5;
	_ =	sdelay $0x1  }
0x156: {  	v10 =	vadd.f32 v51, v10;
	v5 =	vadd.f32 v55, v5  }
0x157: {  	v11 =	vmul.f32 v6, v36;
	v6 =	vld [tilespmem:$0x1FCF0]  }
0x158: {  	v51 =	vadd.f32 v42, v5;
	v42 =	vadd.f32 v7, v10;
	v7 =	vld [tilespmem:$0x1FD00];
	_ =	sdelay $0x1  }
0x159: {  	s29 =	sor.u32 $0xC20, s24  }
0x15a: {  	v43 =	vmul.f32 v3, v36;
	v3 =	vld [tilespmem:s29+$0x1000]  }
0x15b: {  	v9 =	vld [tilespmem:$0x1FD20]  }
0x15c: {  	v6 =	vadd.f32 v6, v7;
	v7 =	vld [tilespmem:$0x1FD10];
	_ =	sdelay $0x3  }
0x15d: {  	v10 =	vld [tilespmem:$0x1FD40]  }
0x15e: {  	v7 =	vadd.f32 v9, v7;
	v9 =	vmul.f32 v3, v36;
	v3 =	vld [tilespmem:$0x1FD30];
	_ =	sdelay $0x4  }
0x15f: {  	v30 =	vmul.f32 v16, v36;
	v16 =	vadd.f32 v10, v3;
	v3 =	vld [tilespmem:$0x1FD50]  }
0x160: {  	s29 =	sor.u32 $0xC30, s24;
	v10 =	vld [tilespmem:$0x1FD60]  }
0x161: {  	v12 =	vld [tilespmem:s29+$0x1000];
	s29 =	sor.u32 $0xC40, s24  }
0x162: {  	v15 =	vmul.f32 v8, v36;
	v8 =	vld [tilespmem:s29+$0x1000];
	_ =	sdelay $0x2  }
0x163: {  	v23 =	vadd.f32 v3, v10  }
0x164: {  	s23 =	sadd.s32 $0x2, s23  }
0x165: {  	s28 =	sand.u32 $0x3, s23;
	v3 =	vmul.f32 v8, v36;
	v8 =	vadd.f32 v58, v16;
	v16 =	vadd.f32 v59, v23  }
0x166: {  	s28 =	sshll.u32 s28, $0x8  }
0x167: {  	s28 =	sadd.s32 s20, s28;
	v16 =	vadd.f32 v47, v16;
	v47 =	vld [tilespmem:$0x1FD70]  }
0x168: {  	s25 =	sadd.s32 $0x100, s28;
	s28 =	sor.u32 $0xC50, s24;
	v6 =	vadd.f32 v60, v6  }
0x169: {  	s26 =	sadd.s32 $0x80, s26;
	v4 =	vld [tilespmem:s28+$0x1000];
	s28 =	sor.u32 $0x810, s25  }
0x16a: {  	v14 =	vld [tilespmem:s28+$0x1000];
	s28 =	sor.u32 $0x810, s26;
	v6 =	vadd.f32 v31, v6  }
0x16b: {  	v10 =	vmul.f32 v12, v36;
	v12 =	vld [tilespmem:s28+$0x1000]  }
0x16c: {  	v57 =	vadd.f32 v47, v6;
	v6 =	vld [tilespmem:$0x1FD80]  }
0x16d: {  	v7 =	vadd.f32 v61, v7;
	_ =	sdelay $0x1  }
0x16e: {  	v7 =	vadd.f32 v34, v7;
	_ =	sdelay $0x1  }
0x16f: {  	v58 =	vadd.f32 v6, v7;
	v6 =	vmul.f32 v12, v29;
	v12 =	vld [tilespmem:$0x1FD90];
	_ =	sdelay $0x2  }
0x170: {  	v48 =	vld [tilespmem:$0x1FDE0];
	s29 =	sor.u32 $0x800, s25;
	v8 =	vadd.f32 v46, v8  }
0x171: {  	v5 =	vld [tilespmem:s29+$0x1000]  }
0x172: {  	s28 =	sor.u32 $0x820, s26;
	v55 =	vadd.f32 v12, v8;
	v8 =	vld [tilespmem:$0x1FDA0]  }
0x173: {  	s29 =	sor.u32 $0x800, s26;
	v23 =	vld [tilespmem:s28+$0x1000]  }
0x174: {  	v26 =	vld [tilespmem:s29+$0x1000]  }
0x175: {  	s28 =	sor.u32 $0x830, s26;
	v12 =	vld [tilespmem:$0x1FDC0]  }
0x176: {  	v28 =	vld [tilespmem:s28+$0x1000]  }
0x177: {  	v56 =	vadd.f32 v8, v16;
	v8 =	vld [tilespmem:$0x1FDB0]  }
0x178: {  	s29 =	sor.u32 $0x840, s26;
	v16 =	vmul.f32 v23, v29;
	v23 =	vld [tilespmem:$0x1FDD0]  }
0x179: {  	v59 =	vld [tilespmem:s29+$0x1000];
	s28 =	sor.u32 $0x820, s25  }
0x17a: {  	v31 =	vld [tilespmem:s28+$0x1000];
	s28 =	sor.u32 $0x830, s25;
	v12 =	vadd.f32 v32, v12  }
0x17b: {  	v14 =	vmul.f32 v14, v27;
	v46 =	vld [tilespmem:s28+$0x1000];
	s28 =	sor.u32 $0x840, s25  }
0x17c: {  	v26 =	vmul.f32 v26, v29;
	v7 =	vld [tilespmem:s28+$0x1000];
	s28 =	sor.u32 $0x850, s25;
	v6 =	vadd.f32 v6, v12;
	v8 =	vadd.f32 v20, v8  }
0x17d: {  	v28 =	vmul.f32 v28, v29;
	v32 =	vadd.f32 v49, v48;
	v20 =	vld [tilespmem:s28+$0x1000];
	v23 =	vadd.f32 v33, v23;
	s28 =	sor.u32 $0x850, s26  }
0x17e: {  	v6 =	vadd.f32 v14, v6;
	v12 =	vld [tilespmem:s28+$0x1000];
	s28 =	sor.u32 $0x860, s26;
	v8 =	vadd.f32 v26, v8  }
0x17f: {  	v26 =	vmul.f32 v31, v27;
	v16 =	vadd.f32 v16, v23;
	v23 =	vadd.f32 v28, v32;
	v28 =	vld [tilespmem:s28+$0x1000]  }
0x180: {  	v5 =	vmul.f32 v5, v27;
	s28 =	sor.u32 $0x870, s26;
	v31 =	vmul.f32 v46, v27;
	v46 =	vadd.f32 v22, v6;
	v22 =	vld [tilespmem:$0x1FE20]  }
0x181: {  	v61 =	vmul.f32 v7, v27;
	v60 =	vld [tilespmem:s28+$0x1000];
	s28 =	sor.u32 $0x860, s25;
	v7 =	vadd.f32 v26, v16  }
0x182: {  	v5 =	vadd.f32 v5, v8;
	v8 =	vadd.f32 v31, v23;
	v16 =	vmul.f32 v20, v27;
	v20 =	vld [tilespmem:s28+$0x1000]  }
0x183: {  	v45 =	vadd.f32 v25, v7;
	v7 =	vld [tilespmem:$0x1FDF0]  }
0x184: {  	v44 =	vadd.f32 v52, v8;
	v8 =	vld [tilespmem:$0x1FE10]  }
0x185: {  	s28 =	sor.u32 $0x870, s25;
	v18 =	vadd.f32 v18, v22;
	v22 =	vld [tilespmem:$0x1FE30]  }
0x186: {  	s29 =	sor.u32 $0xC00, s26;
	v23 =	vld [tilespmem:s28+$0x1000];
	v47 =	vadd.f32 v30, v5;
	v5 =	vmul.f32 v12, v29;
	v12 =	vmul.f32 v28, v29  }
0x187: {  	s28 =	sor.u32 $0xC00, s25;
	v25 =	vld [tilespmem:s29+$0x1000]  }
0x188: {  	v6 =	vld [tilespmem:s28+$0x1000];
	s28 =	sor.u32 $0xC10, s25;
	v12 =	vadd.f32 v12, v18  }
0x189: {  	v14 =	vmul.f32 v59, v29;
	v7 =	vadd.f32 v53, v7;
	v8 =	vadd.f32 v21, v8;
	v21 =	vld [tilespmem:s28+$0x1000]  }
0x18a: {  	p1 =	sne.s32 s20, $0xC000;
	v20 =	vmul.f32 v20, v27;
	v53 =	vld [tilespmem:$0x1FE00];
	s28 =	sor.u32 $0xC10, s26;
	v19 =	vadd.f32 v19, v22;
	v22 =	vmul.f32 v60, v29  }
.Ltmp0:
0x18b: {  	v26 =	vadd.f32 v14, v7;
	v5 =	vadd.f32 v5, v8;
	v14 =	vld [tilespmem:s28+$0x1000];
	s28 =	sor.u32 $0xC20, s26;
	(pc) =	sbr.rel @p1 .LBB2_2-.Ltmp0, $4  }
0x18c: {  	v18 =	vadd.f32 v22, v19;
	v8 =	vld [tilespmem:s28+$0x1000];
	s28 =	sor.u32 $0xC30, s26;
	v22 =	vmul.f32 v23, v27;
	v19 =	vadd.f32 v20, v12  }
0x18d: {  	v4 =	vmul.f32 v4, v36;
	v7 =	vld [tilespmem:s28+$0x1000];
	v23 =	vadd.f32 v61, v26;
	v26 =	vadd.f32 v16, v5;
	s28 =	sor.u32 $0xC20, s25  }
0x18e: {  	v5 =	vmul.f32 v6, v27;
	v20 =	vadd.f32 v22, v18;
	v6 =	vmul.f32 v21, v27;
	v12 =	vld [tilespmem:s28+$0x1000];
	s28 =	sor.u32 $0xC30, s25  }
0x18f: {  	s20 =	sadd.s32 $0x800, s20;
	v18 =	vmul.f32 v25, v29;
	v16 =	vld [tilespmem:s28+$0x1000];
	s28 =	sor.u32 $0xC40, s25;
	v34 =	vadd.f32 v17, v23;
	v33 =	vadd.f32 v43, v26  }
0x190: {  	[tilespmem:$0x1F9C0] =	vst v62  }
0x191: {  	[tilespmem:$0x1FC30] =	vst v63  }
0x192: {  	[tilespmem:$0x1FC40] =	vst v54  }
0x193: {  	[tilespmem:$0x1FC60] =	vst v51  }
0x194: {  	[tilespmem:$0x1FC80] =	vst v50  }
0x195: {  	v17 =	vld [tilespmem:s28+$0x1000];
	s19 =	sor.u32 $0xC50, s25;
	[tilespmem:$0x1FCA0] =	vst v42  }
0x196: {  	s20 =	sor.u32 $0xC40, s26;
	[tilespmem:$0x1FD00] =	vst v57;
	v21 =	vld [tilespmem:s19+$0x1000]  }
0x197: {  	s22 =	sor.u32 $0xC50, s26;
	[tilespmem:$0x1FD10] =	vst v58;
	v22 =	vld [tilespmem:s20+$0x1000]  }
0x198: {  	s23 =	sor.u32 $0xC60, s26;
	[tilespmem:$0x1FD30] =	vst v55;
	v23 =	vld [tilespmem:s22+$0x1000]  }
0x199: {  	s26 =	sor.u32 $0xC70, s26;
	[tilespmem:$0x1FD60] =	vst v56;
	v25 =	vld [tilespmem:s23+$0x1000]  }
0x19a: {  	s29 =	sor.u32 $0xC60, s25;
	[tilespmem:$0x1FDB0] =	vst v47;
	v26 =	vld [tilespmem:s26+$0x1000]  }
0x19b: {  	s21 =	sor.u32 $0xC60, s24;
	[tilespmem:$0x1FDC0] =	vst v46;
	v28 =	vld [tilespmem:s29+$0x1000]  }
0x19c: {  	[tilespmem:$0x1FDD0] =	vst v45;
	s20 =	sor.u32 $0xC70, s25;
	v31 =	vld [tilespmem:s21+$0x1000]  }
0x19d: {  	[tilespmem:$0x1FDE0] =	vst v44;
	s22 =	sor.u32 $0xC70, s24;
	v30 =	vld [tilespmem:s20+$0x1000]  }
0x19e: {  	v32 =	vld [tilespmem:s22+$0x1000];
	[tilespmem:$0xB20] =	vst v62  }
0x19f: {  	[tilespmem:$0xB80] =	vst v54;
	v54 =	vadd.f32 v13, v19;
	v19 =	vadd.f32 v15, v20;
	v20 =	vld [tilespmem:$0x1FE60]  }
0x1a0: {  	[tilespmem:$0xB40] =	vst v63  }
0x1a1: {  	[tilespmem:$0xB90] =	vst v51  }
0x1a2: {  	[tilespmem:$0xBA0] =	vst v50  }
0x1a3: {  	[tilespmem:$0xBB0] =	vst v42;
	v15 =	vld [tilespmem:$0x1FE50]  }
0x1a4: {  	[tilespmem:$0xBC0] =	vst v57;
	v0 =	vadd.f32 v0, v20;
	v20 =	vld [tilespmem:$0x1FE70]  }
0x1a5: {  	v8 =	vmul.f32 v8, v29;
	v13 =	vld [tilespmem:$0x1FE40];
	[tilespmem:$0xBD0] =	vst v58  }
0x1a6: {  	[tilespmem:$0xBE0] =	vst v55  }
0x1a7: {  	[tilespmem:$0xBF0] =	vst v56;
	v12 =	vmul.f32 v12, v27;
	v0 =	vadd.f32 v8, v0  }
0x1a8: {  	v41 =	vld [tilespmem:$0x1FEB0];
	v14 =	vmul.f32 v14, v29;
	[tilespmem:$0xC00] =	vst v47;
	v15 =	vadd.f32 v40, v15  }
0x1a9: {  	v61 =	vld [tilespmem:$0x1FEC0];
	v7 =	vmul.f32 v7, v29;
	[tilespmem:$0xC10] =	vst v46;
	v0 =	vadd.f32 v12, v0;
	v1 =	vadd.f32 v1, v20  }
0x1aa: {  	v48 =	vld [tilespmem:$0x1FEE0];
	[tilespmem:$0xC20] =	vst v45;
	v13 =	vadd.f32 v39, v13;
	v14 =	vadd.f32 v14, v15  }
0x1ab: {  	[tilespmem:$0xC30] =	vst v44;
	v12 =	vadd.f32 v9, v0;
	v0 =	vld [tilespmem:$0x1FE80];
	v1 =	vadd.f32 v7, v1;
	v7 =	vmul.f32 v16, v27  }
0x1ac: {  	v49 =	vld [tilespmem:$0x1FEF0];
	[tilespmem:$0xC40] =	vst v34;
	v13 =	vadd.f32 v18, v13  }
0x1ad: {  	v52 =	vld [tilespmem:$0x1FF00];
	[tilespmem:$0xC50] =	vst v33;
	v6 =	vadd.f32 v6, v14;
	v1 =	vadd.f32 v7, v1  }
0x1ae: {  	[tilespmem:$0xC60] =	vst v54;
	v5 =	vadd.f32 v5, v13;
	v9 =	vld [tilespmem:$0x1FEA0]  }
0x1af: {  	[tilespmem:$0xC70] =	vst v19;
	v13 =	vadd.f32 v11, v6;
	v11 =	vadd.f32 v10, v1;
	v1 =	vld [tilespmem:$0x1FE90]  }
0x1b0: {  	v62 =	vld [tilespmem:$0x1FED0];
	[tilespmem:$0xB00] =	vst v41;
	v14 =	vadd.f32 v2, v5;
	v2 =	vmul.f32 v22, v29;
	v0 =	vadd.f32 v24, v0  }
0x1b1: {  	[tilespmem:$0xB10] =	vst v61  }
0x1b2: {  	[tilespmem:$0xB50] =	vst v48;
	v8 =	vmul.f32 v17, v27;
	v6 =	vmul.f32 v25, v29;
	v0 =	vadd.f32 v2, v0  }
0x1b3: {  	[tilespmem:$0xB60] =	vst v49;
	v9 =	vadd.f32 v37, v9;
	v10 =	vmul.f32 v26, v29;
	v2 =	vadd.f32 v38, v53  }
0x1b4: {  	[tilespmem:$0xB70] =	vst v52;
	v5 =	vmul.f32 v23, v29;
	v0 =	vadd.f32 v8, v0;
	v1 =	vadd.f32 v35, v1  }
0x1b5: {  	[tilespmem:$0xB30] =	vst v62;
	v6 =	vadd.f32 v6, v9;
	v2 =	vadd.f32 v10, v2;
	v8 =	vmul.f32 v30, v27  }
0x1b6: {  	[tilespmem:$0xC80] =	vst v14;
	v7 =	vmul.f32 v21, v27;
	v3 =	vadd.f32 v3, v0;
	v1 =	vadd.f32 v5, v1  }
0x1b7: {  	[tilespmem:$0xC90] =	vst v13;
	v0 =	vadd.f32 v8, v2;
	v2 =	vmul.f32 v32, v36;
	v5 =	vmul.f32 v28, v27  }
0x1b8: {  	[tilespmem:$0xCA0] =	vst v12;
	v1 =	vadd.f32 v7, v1  }
0x1b9: {  	[tilespmem:$0xCB0] =	vst v11;
	v0 =	vadd.f32 v2, v0;
	v7 =	vmul.f32 v31, v36;
	v5 =	vadd.f32 v5, v6  }
0x1ba: {  	[tilespmem:$0xCC0] =	vst v3;
	v4 =	vadd.f32 v4, v1  }
0x1bb: {  	[tilespmem:$0xCF0] =	vst v0;
	v1 =	vadd.f32 v7, v5  }
0x1bc: {  	[tilespmem:$0xCD0] =	vst v4  }
0x1bd: {  	s19 =	simm.s32 $0x0;
	[tilespmem:$0xCE0] =	vst v1  }
0x1be: {  	[tilespmem:s15], [sflag:$0x1] =	stream.linear.gather [hbm4b:s7+s19], $0x400, $0x38;
	[tilespmem:$0x1B000] =	vst v63  }
0x1bf: {  	[tilespmem:$0x1FDF0] =	vst v34;
	s23 =	sadd.s32 $0x18700, s7;
	s21 =	simm.s32 $0x2000  }
0x1c0: {  	[tilespmem:s21], [sflag:$0x1] =	stream.linear.gather [hbm4b:s23+s19], $0x400, $0x38;
	[tilespmem:$0x1B000] =	vst v63  }
0x1c1: {  	[tilespmem:$0x1FE10] =	vst v33;
	s24 =	sadd.s32 $0x30E00, s7;
	s25 =	simm.s32 $0x3000  }
0x1c2: {  	[tilespmem:s25], [sflag:$0x1] =	stream.linear.gather [hbm4b:s24+s19], $0x400, $0x38;
	[tilespmem:$0x1B000] =	vst v63  }
0x1c3: {  	s26 =	sadd.s32 $0x49500, s7;
	s29 =	simm.s32 $0x4000;
	[tilespmem:$0x1F9D0] =	vst v54  }
0x1c4: {  	[tilespmem:s29], [sflag:$0x1] =	stream.linear.gather [hbm4b:s26+s19], $0x400, $0x38;
	[tilespmem:$0x1B000] =	vst v63  }
0x1c5: {  	s22 =	sadd.s32 $0x61C00, s7;
	[tilespmem:$0x1F9E0] =	vst v19;
	s23 =	simm.s32 $0x5000  }
0x1c6: {  	[tilespmem:s23], [sflag:$0x1] =	stream.linear.gather [hbm4b:s22+s19], $0x400, $0x38;
	[tilespmem:$0x1B000] =	vst v63  }
0x1c7: {  	[tilespmem:$0x1F9F0] =	vst v14;
	s24 =	sadd.s32 $0x7A300, s7;
	s25 =	simm.s32 $0x6000  }
0x1c8: {  	[tilespmem:s25], [sflag:$0x1] =	stream.linear.gather [hbm4b:s24+s19], $0x400, $0x38;
	[tilespmem:$0x1B000] =	vst v63  }
0x1c9: {  	[tilespmem:$0x1FA00] =	vst v13;
	s26 =	sadd.s32 $0x92A00, s7;
	s29 =	simm.s32 $0x7000  }
0x1ca: {  	[tilespmem:s29], [sflag:$0x1] =	stream.linear.gather [hbm4b:s26+s19], $0x400, $0x38;
	[tilespmem:$0x1B000] =	vst v63  }
0x1cb: {  	[tilespmem:$0x1FA10] =	vst v12;
	s22 =	sadd.s32 $0xAB100, s7;
	s23 =	simm.s32 $0x8000  }
0x1cc: {  	[tilespmem:s23], [sflag:$0x1] =	stream.linear.gather [hbm4b:s22+s19], $0x400, $0x38;
	[tilespmem:$0x1B000] =	vst v63  }
0x1cd: {  	[tilespmem:$0x1FA20] =	vst v11;
	s24 =	sadd.s32 $0xC3800, s7;
	s25 =	simm.s32 $0x9000  }
0x1ce: {  	[tilespmem:s25], [sflag:$0x1] =	stream.linear.gather [hbm4b:s24+s19], $0x400, $0x38;
	[tilespmem:$0x1B000] =	vst v63  }
0x1cf: {  	[tilespmem:$0x1FA30] =	vst v3;
	s26 =	sadd.s32 $0xDBF00, s7;
	s29 =	simm.s32 $0xA000  }
0x1d0: {  	[tilespmem:s29], [sflag:$0x1] =	stream.linear.gather [hbm4b:s26+s19], $0x400, $0x38;
	[tilespmem:$0x1B000] =	vst v63  }
0x1d1: {  	[tilespmem:$0x1FA60] =	vst v0;
	s22 =	sadd.s32 $0xF4600, s7;
	s23 =	simm.s32 $0xB000  }
0x1d2: {  	[tilespmem:s23], [sflag:$0x1] =	stream.linear.gather [hbm4b:s22+s19], $0x400, $0x38;
	[tilespmem:$0x1B000] =	vst v63  }
0x1d3: {  	[tilespmem:$0x1FA40] =	vst v4;
	s24 =	sadd.s32 $0x10CD00, s7  }
0x1d4: {  	[tilespmem:s30], [sflag:$0x1] =	stream.linear.gather [hbm4b:s24+s19], $0x400, $0x38;
	[tilespmem:$0x1B000] =	vst v63  }
0x1d5: {  	[tilespmem:$0x1FA50] =	vst v1;
	s25 =	sadd.s32 $0x125400, s7  }
0x1d6: {  	[tilespmem:s31], [sflag:$0x1] =	stream.linear.gather [hbm4b:s25+s19], $0x400, $0x38;
	[tilespmem:$0x1B000] =	vst v63  }
0x1d7: {  	_ =	swait.ge [sflag:s2], $0xD000  }
0x1d8: {  	[sflag:s2] =	ssyncset.done $0x0  }
0x1d9: {  	[sflag:s2] =	ssyncadd.s32 $0xFFFF3000  }
0x1da: {  	v0 =	vld [tilespmem:$0x940];
	_ =	sdelay $0x4  }
0x1db: {  	[tilespmem:$0x1FB20] =	vst v0;
	v0 =	vld [tilespmem:$0x950];
	_ =	sdelay $0x4  }
0x1dc: {  	[tilespmem:$0x1FB40] =	vst v0;
	v0 =	vld [tilespmem:$0x960];
	_ =	sdelay $0x4  }
0x1dd: {  	[tilespmem:$0x1FB50] =	vst v0;
	v0 =	vld [tilespmem:$0x970];
	_ =	sdelay $0x4  }
0x1de: {  	[tilespmem:$0x1FB60] =	vst v0;
	v0 =	vld [tilespmem:$0x980];
	_ =	sdelay $0x4  }
0x1df: {  	[tilespmem:$0x1FBB0] =	vst v0;
	v0 =	vld [tilespmem:$0x990];
	_ =	sdelay $0x4  }
0x1e0: {  	[tilespmem:$0x1FBC0] =	vst v0;
	v0 =	vld [tilespmem:$0x9A0];
	_ =	sdelay $0x4  }
0x1e1: {  	[tilespmem:$0x1FBD0] =	vst v0;
	v0 =	vld [tilespmem:$0x9B0];
	_ =	sdelay $0x4  }
0x1e2: {  	[tilespmem:$0x1FBE0] =	vst v0;
	v0 =	vld [tilespmem:$0x9C0];
	_ =	sdelay $0x4  }
0x1e3: {  	[tilespmem:$0x1FBF0] =	vst v0;
	v0 =	vld [tilespmem:$0x9D0];
	_ =	sdelay $0x4  }
0x1e4: {  	[tilespmem:$0x1FC00] =	vst v0;
	v0 =	vld [tilespmem:$0x9E0];
	_ =	sdelay $0x4  }
0x1e5: {  	[tilespmem:$0x1FC10] =	vst v0;
	v0 =	vld [tilespmem:$0x9F0];
	_ =	sdelay $0x3  }
0x1e6: {  	v27 =	vld [tilespmem:$0x880]  }
0x1e7: {  	[tilespmem:$0x1FC20] =	vst v0;
	v0 =	vld [tilespmem:$0xA00]  }
0x1e8: {  	v44 =	vld [tilespmem:$0x890]  }
0x1e9: {  	v45 =	vld [tilespmem:$0x8A0]  }
0x1ea: {  	v26 =	vld [tilespmem:$0x8B0]  }
0x1eb: {  	v41 =	vld [tilespmem:$0x8C0]  }
0x1ec: {  	[tilespmem:$0x1FA70] =	vst v0;
	v0 =	vld [tilespmem:$0xA10]  }
0x1ed: {  	v38 =	vld [tilespmem:$0x8D0]  }
0x1ee: {  	v36 =	vld [tilespmem:$0x8E0]  }
0x1ef: {  	v33 =	vld [tilespmem:$0x8F0]  }
0x1f0: {  	v21 =	vld [tilespmem:$0x900]  }
0x1f1: {  	[tilespmem:$0x1FA80] =	vst v0;
	v0 =	vld [tilespmem:$0xA20]  }
0x1f2: {  	v19 =	vld [tilespmem:$0x910]  }
0x1f3: {  	v20 =	vld [tilespmem:$0x920]  }
0x1f4: {  	s20 =	simm.s32 $0x20;
	v22 =	vld [tilespmem:$0x930]  }
0x1f5: {  	v46 =	vld [tilespmem:s20+$0x10]  }
0x1f6: {  	[tilespmem:$0x1FA90] =	vst v0;
	v0 =	vld [tilespmem:$0xA30]  }
0x1f7: {  	s26 =	sand.u32 $0xF000, s19;
	v55 =	vld [tilespmem:s20+$0x0]  }
0x1f8: {  	s21 =	sadd.s32 $0xE000, s26;
	s22 =	sand.u32 $0x200, s19;
	v56 =	vld [tilespmem:s20+$0xFFFFFFF0]  }
0x1f9: {  	s22 =	sor.u32 s22, s21;
	v3 =	vld [tilespmem:s20+$0xFFFFFFE0]  }
0x1fa: {  	v28 =	vld [tilespmem:s22+$0x0]  }
0x1fb: {  	[tilespmem:$0x1FAA0] =	vst v0;
	v0 =	vld [tilespmem:$0xA40]  }
0x1fc: {  	v48 =	vld [tilespmem:s22+$0x10]  }
0x1fd: {  	v49 =	vld [tilespmem:s22+$0x20]  }
0x1fe: {  	v50 =	vld [tilespmem:s22+$0x30]  }
0x1ff: {  	v51 =	vld [tilespmem:s22+$0x40]  }
0x200: {  	[tilespmem:$0x1FAB0] =	vst v0;
	v0 =	vld [tilespmem:s22+$0x470]  }
0x201: {  	v30 =	vld [tilespmem:s22+$0x50]  }
0x202: {  	s23 =	simm.s32 $0x180;
	v53 =	vld [tilespmem:s22+$0x60]  }
0x203: {  	s23 =	sand.u32 $0x380, s23;
	v57 =	vld [tilespmem:s22+$0x70]  }
0x204: {  	s29 =	sor.u32 s23, s21;
	v40 =	vld [tilespmem:s22+$0x400]  }
0x205: {  	[tilespmem:$0x1FB30] =	vst v0;
	v0 =	vld [tilespmem:s29+$0x440]  }
0x206: {  	v23 =	vld [tilespmem:s22+$0x410]  }
0x207: {  	v37 =	vld [tilespmem:s22+$0x420]  }
0x208: {  	v35 =	vld [tilespmem:s22+$0x430]  }
0x209: {  	v18 =	vld [tilespmem:s22+$0x440]  }
0x20a: {  	[tilespmem:$0x1FB70] =	vst v0;
	v0 =	vld [tilespmem:s29+$0x450]  }
0x20b: {  	v34 =	vld [tilespmem:s22+$0x450]  }
0x20c: {  	v24 =	vld [tilespmem:s22+$0x460]  }
0x20d: {  	v58 =	vld [tilespmem:s29+$0x0]  }
0x20e: {  	v59 =	vld [tilespmem:s29+$0x10]  }
0x20f: {  	[tilespmem:$0x1FB80] =	vst v0;
	v0 =	vld [tilespmem:s29+$0x460]  }
0x210: {  	s25 =	simm.s32 $0x80;
	v60 =	vld [tilespmem:s29+$0x20]  }
0x211: {  	v61 =	vld [tilespmem:s29+$0x30];
	s22 =	sand.u32 $0x280, s25  }
0x212: {  	v14 =	vld [tilespmem:s29+$0x40];
	s22 =	sor.u32 s22, s21  }
0x213: {  	v1 =	vld [tilespmem:s22+$0x0]  }
0x214: {  	s24 =	simm.s32 $0x100;
	[tilespmem:$0x1FB90] =	vst v0;
	v0 =	vld [tilespmem:s29+$0x470]  }
0x215: {  	s23 =	sand.u32 $0x300, s24;
	v2 =	vld [tilespmem:s22+$0x10]  }
0x216: {  	s23 =	sor.u32 s23, s21;
	v4 =	vld [tilespmem:s22+$0x20]  }
0x217: {  	v6 =	vld [tilespmem:s23+$0x0]  }
0x218: {  	v8 =	vld [tilespmem:s23+$0x10];
	v28 =	vmul.f32 v28, v3;
	v48 =	vmul.f32 v48, v3  }
0x219: {  	v5 =	vld [tilespmem:s22+$0x30];
	[tilespmem:$0x1FBA0] =	vst v0;
	v0 =	vmul.f32 v49, v3  }
0x21a: {  	v15 =	vld [tilespmem:s29+$0x50];
	v28 =	vadd.f32 v28, v27;
	v44 =	vadd.f32 v48, v44;
	v1 =	vmul.f32 v1, v56  }
0x21b: {  	v16 =	vld [tilespmem:s29+$0x60];
	v2 =	vmul.f32 v2, v56;
	v4 =	vmul.f32 v4, v56;
	v0 =	vadd.f32 v0, v45  }
0x21c: {  	v9 =	vld [tilespmem:s23+$0x30];
	v50 =	vmul.f32 v50, v3;
	v6 =	vmul.f32 v6, v55;
	v1 =	vadd.f32 v1, v28  }
0x21d: {  	v7 =	vld [tilespmem:s23+$0x20];
	v2 =	vadd.f32 v2, v44;
	v0 =	vadd.f32 v4, v0;
	v4 =	vmul.f32 v8, v55  }
0x21e: {  	v17 =	vld [tilespmem:s29+$0x70];
	v26 =	vadd.f32 v50, v26;
	v5 =	vmul.f32 v5, v56  }
0x21f: {  	v10 =	vld [tilespmem:s23+$0x40];
	v1 =	vadd.f32 v6, v1;
	v2 =	vadd.f32 v4, v2;
	v4 =	vmul.f32 v58, v46  }
0x220: {  	v45 =	vld [tilespmem:s22+$0x40]  }
0x221: {  	v28 =	vld [tilespmem:s22+$0x50];
	v5 =	vadd.f32 v5, v26;
	v6 =	vmul.f32 v9, v55;
	v1 =	vadd.f32 v4, v1  }
0x222: {  	v7 =	vmul.f32 v7, v55;
	v44 =	vld [tilespmem:s22+$0x60]  }
0x223: {  	v32 =	vld [tilespmem:s29+$0x400];
	v5 =	vadd.f32 v6, v5;
	v4 =	vmul.f32 v61, v46;
	[tilespmem:$0x1FAC0] =	vst v1;
	v1 =	vmul.f32 v51, v3  }
0x224: {  	v47 =	vld [tilespmem:s29+$0x410];
	v26 =	vmul.f32 v60, v46;
	v6 =	vmul.f32 v59, v46;
	v0 =	vadd.f32 v7, v0  }
0x225: {  	v8 =	vld [tilespmem:s22+$0x70];
	v59 =	vmul.f32 v45, v56;
	v4 =	vadd.f32 v4, v5;
	v1 =	vadd.f32 v1, v41  }
0x226: {  	v11 =	vld [tilespmem:s23+$0x60];
	v10 =	vmul.f32 v10, v55;
	v28 =	vmul.f32 v28, v56;
	v0 =	vadd.f32 v26, v0  }
0x227: {  	v12 =	vld [tilespmem:s23+$0x50];
	v60 =	vmul.f32 v44, v56;
	[tilespmem:$0x1FAF0] =	vst v4;
	v4 =	vmul.f32 v53, v3;
	v1 =	vadd.f32 v59, v1  }
0x228: {  	v13 =	vld [tilespmem:s23+$0x70];
	v2 =	vadd.f32 v6, v2;
	v6 =	vmul.f32 v57, v3;
	[tilespmem:$0x1FAE0] =	vst v0;
	v0 =	vmul.f32 v30, v3  }
0x229: {  	v31 =	vld [tilespmem:s29+$0x420];
	v4 =	vadd.f32 v4, v36;
	v1 =	vadd.f32 v10, v1;
	v10 =	vmul.f32 v14, v46  }
0x22a: {  	v29 =	vld [tilespmem:s29+$0x430];
	v8 =	vmul.f32 v8, v56;
	v6 =	vadd.f32 v6, v33;
	v0 =	vadd.f32 v0, v38  }
0x22b: {  	v52 =	vld [tilespmem:s23+$0x400];
	v11 =	vmul.f32 v11, v55;
	v4 =	vadd.f32 v60, v4;
	v1 =	vadd.f32 v10, v1  }
0x22c: {  	v43 =	vld [tilespmem:s23+$0x410];
	v6 =	vadd.f32 v8, v6;
	v8 =	vmul.f32 v12, v55;
	v0 =	vadd.f32 v28, v0  }
0x22d: {  	v9 =	vld [tilespmem:s22+$0x400];
	v12 =	vmul.f32 v13, v55;
	v4 =	vadd.f32 v11, v4;
	[tilespmem:$0x1FB00] =	vst v1;
	v1 =	vmul.f32 v16, v46  }
0x22e: {  	v7 =	vld [tilespmem:s22+$0x410];
	v0 =	vadd.f32 v8, v0;
	v8 =	vmul.f32 v15, v46  }
0x22f: {  	v42 =	vld [tilespmem:s23+$0x420];
	v6 =	vadd.f32 v12, v6;
	v1 =	vadd.f32 v1, v4  }
0x230: {  	v39 =	vld [tilespmem:s23+$0x430];
	v57 =	vadd.f32 v8, v0;
	v0 =	vmul.f32 v40, v3;
	v8 =	vmul.f32 v17, v46  }
0x231: {  	v48 =	vld [tilespmem:s22+$0x420];
	[tilespmem:$0x1FB10] =	vst v1;
	v1 =	vmul.f32 v23, v3  }
0x232: {  	v25 =	vld [tilespmem:s23+$0x440];
	v53 =	vadd.f32 v8, v6;
	v0 =	vadd.f32 v0, v21;
	v8 =	vmul.f32 v9, v56  }
0x233: {  	v54 =	vld [tilespmem:s23+$0x450];
	v7 =	vmul.f32 v7, v56;
	v1 =	vadd.f32 v1, v19  }
0x234: {  	v27 =	vld [tilespmem:s23+$0x470];
	v4 =	vmul.f32 v37, v3;
	v0 =	vadd.f32 v8, v0  }
0x235: {  	v50 =	vld [tilespmem:s22+$0x430];
	v8 =	vmul.f32 v52, v55;
	v1 =	vadd.f32 v7, v1;
	v7 =	vmul.f32 v43, v55  }
0x236: {  	v49 =	vld [tilespmem:s23+$0x460];
	v9 =	vmul.f32 v48, v56;
	v4 =	vadd.f32 v4, v20  }
0x237: {  	p0 =	por $0x0, $0x0;
	s21 =	simm.s32 $0x1;
	v26 =	vld [tilespmem:s22+$0x460];
	v0 =	vadd.f32 v8, v0;
	v1 =	vadd.f32 v7, v1;
	v7 =	vmul.f32 v32, v46  }
0x238: {  	s21 =	simm.s32 @!p0 $0x0;
	[tilespmem:$0x1FAD0] =	vst v2;
	v2 =	vld [tilespmem:s22+$0x440];
	v8 =	vmul.f32 v42, v55;
	v4 =	vadd.f32 v9, v4  }
0x239: {  	s21 =	sshll.u32 s21, $0x9;
	v58 =	vadd.f32 v7, v0;
	v7 =	vld [tilespmem:$0x1FB20]  }
0x23a: {  	s21 =	sadd.s32 $0x0, s21;
	v5 =	vld [tilespmem:s22+$0x450];
	v4 =	vadd.f32 v8, v4;
	v8 =	vmul.f32 v47, v46  }
0x23b: {  	s24 =	sor.u32 $0x820, s21;
	v51 =	vld [tilespmem:s22+$0x470]  }
0x23c: {  	s26 =	sor.u32 $0x800, s21;
	v33 =	vld [tilespmem:s24+$0xE000];
	v59 =	vadd.f32 v8, v1;
	v1 =	vmul.f32 v18, v3  }
0x23d: {  	v41 =	vld [tilespmem:s26+$0xE000]  }
0x23e: {  	s25 =	sor.u32 $0x830, s21;
	v6 =	vmul.f32 v35, v3;
	v1 =	vadd.f32 v1, v7;
	v7 =	vld [tilespmem:$0x1FB30]  }
0x23f: {  	s26 =	sor.u32 $0x840, s21;
	v38 =	vld [tilespmem:s25+$0xE000]  }
0x240: {  	s29 =	sor.u32 $0x810, s21;
	v44 =	vld [tilespmem:s26+$0xE000];
	v10 =	vmul.f32 v50, v56;
	v6 =	vadd.f32 v6, v22  }
0x241: {  	v36 =	vld [tilespmem:s29+$0xE000];
	s29 =	sor.u32 $0x850, s21  }
0x242: {  	v61 =	vld [tilespmem:s29+$0xE000];
	v6 =	vadd.f32 v10, v6;
	v9 =	vmul.f32 v39, v55  }
0x243: {  	s24 =	sor.u32 $0x860, s21;
	v8 =	vmul.f32 v7, v3;
	v7 =	vld [tilespmem:$0x1FB40]  }
0x244: {  	s26 =	sor.u32 $0xC00, s21;
	v40 =	vld [tilespmem:s24+$0xE000];
	v6 =	vadd.f32 v9, v6;
	v0 =	vmul.f32 v29, v46  }
0x245: {  	s25 =	sor.u32 $0x870, s21;
	v21 =	vld [tilespmem:s26+$0xE000]  }
0x246: {  	s24 =	sor.u32 $0xC20, s21;
	v23 =	vld [tilespmem:s25+$0xE000];
	v43 =	vadd.f32 v0, v6;
	v0 =	vmul.f32 v34, v3  }
0x247: {  	v20 =	vld [tilespmem:s24+$0xE000]  }
0x248: {  	s25 =	sor.u32 $0xC30, s21;
	v0 =	vadd.f32 v0, v7;
	v7 =	vld [tilespmem:$0x1FB50]  }
0x249: {  	s29 =	sor.u32 $0xC10, s21;
	s26 =	sand.u32 $0x7, s19;
	v35 =	vld [tilespmem:s25+$0xE000]  }
0x24a: {  	s25 =	sshll.u32 s26, $0x7;
	s26 =	sor.u32 $0xC50, s21;
	v19 =	vld [tilespmem:s29+$0xE000]  }
0x24b: {  	s29 =	sor.u32 $0xC40, s21;
	v60 =	vld [tilespmem:s26+$0xE000];
	v6 =	vmul.f32 v24, v3  }
0x24c: {  	v37 =	vld [tilespmem:s29+$0xE000]  }
0x24d: {  	s22 =	sadd.s32 $0x0, s25;
	s29 =	sor.u32 $0xC60, s21;
	v9 =	vadd.f32 v6, v7;
	v6 =	vld [tilespmem:$0x1FB60]  }
0x24e: {  	s21 =	sor.u32 $0xC70, s21;
	s24 =	sadd.s32 $0x180, s22;
	v17 =	vld [tilespmem:s29+$0xE000]  }
0x24f: {  	v10 =	vmul.f32 v31, v46;
	s25 =	sor.u32 $0x800, s24;
	v31 =	vld [tilespmem:s21+$0xE000]  }
0x250: {  	s26 =	sor.u32 $0x810, s24;
	v11 =	vld [tilespmem:s25+$0xE000]  }
0x251: {  	s29 =	sor.u32 $0x820, s24;
	v47 =	vadd.f32 v10, v4;
	v4 =	vld [tilespmem:s26+$0xE000]  }
0x252: {  	v2 =	vmul.f32 v2, v56;
	v14 =	vmul.f32 v51, v56;
	s25 =	sor.u32 $0x830, s24;
	v10 =	vld [tilespmem:s29+$0xE000];
	v13 =	vadd.f32 v8, v6  }
0x253: {  	v5 =	vmul.f32 v5, v56;
	v12 =	vld [tilespmem:s25+$0xE000]  }
0x254: {  	v1 =	vadd.f32 v2, v1;
	v2 =	vmul.f32 v26, v56;
	v18 =	vadd.f32 v14, v13;
	v13 =	vld [tilespmem:$0x1FB70]  }
0x255: {  	s26 =	sor.u32 $0x840, s24;
	v0 =	vadd.f32 v5, v0;
	v5 =	vmul.f32 v25, v55;
	v25 =	vld [tilespmem:$0x1FBD0]  }
0x256: {  	v16 =	vmul.f32 v49, v55;
	v7 =	vld [tilespmem:s26+$0xE000];
	s26 =	sor.u32 $0x870, s24;
	v2 =	vadd.f32 v2, v9  }
0x257: {  	v15 =	vmul.f32 v54, v55;
	v9 =	vld [tilespmem:s26+$0xE000]  }
0x258: {  	s29 =	sor.u32 $0x850, s24;
	v1 =	vadd.f32 v5, v1;
	v5 =	vmul.f32 v27, v55;
	v2 =	vadd.f32 v16, v2;
	v16 =	vld [tilespmem:$0x1FB80]  }
0x259: {  	v0 =	vadd.f32 v15, v0;
	v6 =	vld [tilespmem:s29+$0xE000];
	v15 =	vmul.f32 v13, v46  }
0x25a: {  	v5 =	vadd.f32 v5, v18;
	v18 =	vld [tilespmem:$0x1FB90]  }
0x25b: {  	s25 =	sor.u32 $0x860, s24;
	v49 =	vadd.f32 v15, v1;
	v1 =	vld [tilespmem:$0x1FBA0]  }
0x25c: {  	s26 =	sadd.s32 $0x80, s22;
	v8 =	vld [tilespmem:s25+$0xE000];
	s29 =	sor.u32 $0xC00, s24;
	s25 =	sand.u32 $0x3, s19  }
0x25d: {  	s22 =	sshll.u32 s25, $0x8;
	s25 =	sor.u32 $0x810, s26;
	v14 =	vld [tilespmem:s29+$0xE000]  }
0x25e: {  	s29 =	sor.u32 $0x800, s26;
	v24 =	vld [tilespmem:s25+$0xE000]  }
0x25f: {  	s21 =	sor.u32 $0xC10, s24;
	v22 =	vld [tilespmem:s29+$0xE000];
	v18 =	vmul.f32 v18, v46  }
0x260: {  	s29 =	sor.u32 $0x820, s26;
	v13 =	vld [tilespmem:s21+$0xE000];
	v1 =	vmul.f32 v1, v46  }
0x261: {  	v16 =	vmul.f32 v16, v46;
	s21 =	sadd.s32 $0x0, s22;
	v48 =	vadd.f32 v18, v2;
	v2 =	vld [tilespmem:s29+$0xE000]  }
0x262: {  	s25 =	sadd.s32 $0x100, s21;
	v15 =	vmul.f32 v41, v3;
	v41 =	vadd.f32 v1, v5;
	v1 =	vld [tilespmem:$0x1FBB0]  }
0x263: {  	v61 =	vmul.f32 v61, v3;
	v50 =	vadd.f32 v16, v0;
	v16 =	vld [tilespmem:$0x1FBC0];
	s23 =	sor.u32 $0x800, s25  }
0x264: {  	v51 =	vmul.f32 v40, v3;
	v29 =	vmul.f32 v21, v3;
	v28 =	vld [tilespmem:s23+$0xE000]  }
0x265: {  	v63 =	vld [tilespmem:$0xA50];
	v40 =	vmul.f32 v37, v3;
	v5 =	vmul.f32 v33, v3  }
0x266: {  	v26 =	vld [tilespmem:$0x1FBE0];
	v0 =	vmul.f32 v36, v3;
	s22 =	sor.u32 $0x830, s26;
	v22 =	vmul.f32 v22, v56  }
0x267: {  	s23 =	sor.u32 $0x820, s25;
	v2 =	vmul.f32 v2, v56;
	v5 =	vadd.f32 v5, v25;
	v1 =	vadd.f32 v15, v1;
	v15 =	vld [tilespmem:s22+$0xE000]  }
0x268: {  	v11 =	vmul.f32 v11, v46;
	v0 =	vadd.f32 v0, v16;
	v16 =	vmul.f32 v38, v3;
	v27 =	vld [tilespmem:s23+$0xE000];
	s23 =	sor.u32 $0xC20, s24  }
0x269: {  	s29 =	sor.u32 $0x810, s25;
	v21 =	vld [tilespmem:s23+$0xE000];
	v2 =	vadd.f32 v2, v5;
	v5 =	vmul.f32 v28, v55;
	v1 =	vadd.f32 v22, v1  }
0x26a: {  	v36 =	vmul.f32 v19, v3;
	v24 =	vmul.f32 v24, v56;
	s23 =	sor.u32 $0xC40, s24;
	v25 =	vld [tilespmem:s29+$0xE000]  }
0x26b: {  	v18 =	vmul.f32 v44, v3;
	v16 =	vadd.f32 v16, v26;
	v52 =	vld [tilespmem:s23+$0xE000];
	s29 =	sor.u32 $0x830, s25;
	v5 =	vadd.f32 v5, v1  }
0x26c: {  	v24 =	vadd.f32 v24, v0;
	v22 =	vmul.f32 v23, v3;
	v23 =	vld [tilespmem:s29+$0xE000];
	s29 =	sor.u32 $0xC30, s24;
	v0 =	vmul.f32 v15, v56  }
0x26d: {  	v28 =	vmul.f32 v31, v3;
	v19 =	vld [tilespmem:s29+$0xE000];
	s29 =	sor.u32 $0xC50, s24;
	v1 =	vmul.f32 v35, v3;
	v39 =	vadd.f32 v11, v5  }
0x26e: {  	v54 =	vld [tilespmem:s29+$0xE000];
	v5 =	vmul.f32 v12, v46;
	v15 =	vadd.f32 v0, v16;
	v0 =	vmul.f32 v20, v3  }
0x26f: {  	v12 =	vld [tilespmem:$0x1FC10];
	v16 =	vmul.f32 v25, v55;
	v20 =	vmul.f32 v27, v55  }
0x270: {  	s23 =	sor.u32 $0x840, s26;
	v25 =	vmul.f32 v60, v3;
	v27 =	vmul.f32 v17, v3;
	v3 =	vld [tilespmem:$0x1FBF0]  }
0x271: {  	s29 =	sor.u32 $0x850, s26;
	v23 =	vmul.f32 v23, v55;
	v16 =	vadd.f32 v16, v24;
	v24 =	vld [tilespmem:s23+$0xE000]  }
0x272: {  	v10 =	vmul.f32 v10, v46;
	v2 =	vadd.f32 v20, v2;
	s23 =	sor.u32 $0x860, s26;
	v20 =	vld [tilespmem:s29+$0xE000]  }
0x273: {  	v4 =	vmul.f32 v4, v46;
	v15 =	vadd.f32 v23, v15;
	v23 =	vld [tilespmem:s23+$0xE000]  }
0x274: {  	v38 =	vadd.f32 v10, v2;
	v10 =	vld [tilespmem:$0x1FC00]  }
0x275: {  	s29 =	sor.u32 $0x870, s26;
	v44 =	vadd.f32 v4, v16;
	v16 =	vld [tilespmem:$0x1FC20]  }
0x276: {  	s23 =	sor.u32 $0x840, s25;
	v11 =	vld [tilespmem:s29+$0xE000]  }
0x277: {  	s29 =	sor.u32 $0x850, s25;
	v2 =	vld [tilespmem:s23+$0xE000]  }
0x278: {  	v37 =	vadd.f32 v5, v15;
	v5 =	vld [tilespmem:s29+$0xE000]  }
0x279: {  	v62 =	vld [tilespmem:$0xA60];
	v6 =	vmul.f32 v6, v46;
	s23 =	sor.u32 $0x860, s25;
	v3 =	vadd.f32 v18, v3;
	v4 =	vmul.f32 v24, v56  }
0x27a: {  	v17 =	vld [tilespmem:s23+$0xE000];
	v15 =	vmul.f32 v20, v56;
	v10 =	vadd.f32 v61, v10;
	v16 =	vadd.f32 v22, v16  }
0x27b: {  	v45 =	vld [tilespmem:$0xA70];
	s29 =	sor.u32 $0x870, s25;
	v3 =	vadd.f32 v4, v3;
	v4 =	vmul.f32 v23, v56;
	v22 =	vmul.f32 v7, v46  }
0x27c: {  	v12 =	vadd.f32 v51, v12;
	v18 =	vld [tilespmem:s29+$0xE000];
	s29 =	sor.u32 $0xC10, s25;
	v7 =	vmul.f32 v11, v56;
	v2 =	vmul.f32 v2, v55  }
0x27d: {  	s23 =	sor.u32 $0xC00, s25;
	v24 =	vld [tilespmem:s29+$0xE000];
	v5 =	vmul.f32 v5, v55;
	v11 =	vmul.f32 v13, v46;
	v10 =	vadd.f32 v15, v10  }
0x27e: {  	v23 =	vld [tilespmem:s23+$0xE000];
	s23 =	sor.u32 $0xC00, s26;
	v4 =	vadd.f32 v4, v12;
	v12 =	vadd.f32 v7, v16;
	v15 =	vmul.f32 v8, v46  }
0x27f: {  	s29 =	sor.u32 $0xC10, s26;
	v31 =	vld [tilespmem:s23+$0xE000];
	v60 =	vadd.f32 v2, v3;
	v16 =	vmul.f32 v9, v46;
	v3 =	vmul.f32 v17, v55  }
0x280: {  	s23 =	sor.u32 $0xC20, s26;
	v17 =	vld [tilespmem:s29+$0xE000];
	v2 =	vmul.f32 v14, v46;
	v9 =	vmul.f32 v21, v46  }
0x281: {  	s29 =	sor.u32 $0xC30, s26;
	v8 =	vld [tilespmem:s23+$0xE000];
	v61 =	vadd.f32 v5, v10;
	v5 =	vmul.f32 v18, v55;
	v20 =	vadd.f32 v3, v4  }
0x282: {  	s23 =	sor.u32 $0xC20, s25;
	v7 =	vld [tilespmem:s29+$0xE000];
	v10 =	vmul.f32 v19, v46;
	v3 =	vmul.f32 v52, v46;
	v42 =	vadd.f32 v22, v60  }
0x283: {  	s21 =	simm.s32 $0x800;
	s29 =	sor.u32 $0xC30, s25;
	v13 =	vld [tilespmem:s23+$0xE000];
	v4 =	vmul.f32 v54, v46;
	v21 =	vadd.f32 v5, v12;
	v5 =	vmul.f32 v23, v55  }
0x284: {  	s28 =	sor.u32 $0xC40, s25;
	s22 =	simm.s32 $0x0;
	s23 =	simm.s32 $0x0;
	v12 =	vld [tilespmem:s29+$0xE000];
	v34 =	vadd.f32 v6, v61;
	v6 =	vmul.f32 v24, v55;
	v14 =	vmul.f32 v31, v56  }
.LBB2_4:
0x285: {  	v15 =	vadd.f32 v15, v20;
	v20 =	vld [tilespmem:$0x1FA90];
	_ =	sdelay $0x1  }
0x286: {  	[tilespmem:$0x1F9A0] =	vst v15;
	v15 =	vadd.f32 v16, v21  }
0x287: {  	v16 =	vld [tilespmem:$0x1FA80]  }
0x288: {  	[tilespmem:$0x1F9B0] =	vst v15;
	v15 =	vld [tilespmem:$0x1FA70]  }
0x289: {  	v0 =	vadd.f32 v0, v20;
	v20 =	vld [tilespmem:$0x1FAA0];
	_ =	sdelay $0x1  }
0x28a: {  	v8 =	vmul.f32 v8, v56  }
0x28b: {  	v17 =	vmul.f32 v17, v56  }
0x28c: {  	v18 =	vld [tilespmem:s28+$0xE000];
	s28 =	sor.u32 $0xC50, s25;
	v13 =	vmul.f32 v13, v55;
	v0 =	vadd.f32 v8, v0;
	v15 =	vadd.f32 v29, v15  }
0x28d: {  	s29 =	sor.u32 $0xC40, s26;
	v19 =	vld [tilespmem:s28+$0xE000];
	v7 =	vmul.f32 v7, v56;
	v16 =	vadd.f32 v36, v16;
	v1 =	vadd.f32 v1, v20  }
0x28e: {  	s28 =	sor.u32 $0xC50, s26;
	v0 =	vadd.f32 v13, v0;
	v20 =	vld [tilespmem:s29+$0xE000];
	v14 =	vadd.f32 v14, v15  }
0x28f: {  	v8 =	vmul.f32 v12, v55;
	s29 =	sor.u32 $0xC70, s26;
	v15 =	vadd.f32 v17, v16;
	v16 =	vld [tilespmem:s28+$0xE000];
	v1 =	vadd.f32 v7, v1  }
0x290: {  	s28 =	sor.u32 $0xC60, s26;
	v12 =	vld [tilespmem:s29+$0xE000]  }
0x291: {  	s29 =	sor.u32 $0xC60, s25;
	v0 =	vadd.f32 v9, v0;
	v7 =	vld [tilespmem:s28+$0xE000];
	v1 =	vadd.f32 v8, v1  }
0x292: {  	v13 =	vld [tilespmem:s29+$0xE000];
	s29 =	sor.u32 $0xC70, s25;
	v5 =	vadd.f32 v5, v14  }
0x293: {  	v17 =	vld [tilespmem:s29+$0xE000];
	[tilespmem:$0x1FA90] =	vst v0;
	v0 =	vadd.f32 v10, v1  }
0x294: {  	s26 =	sor.u32 $0xC60, s24;
	v6 =	vadd.f32 v6, v15;
	v2 =	vadd.f32 v2, v5;
	v1 =	vld [tilespmem:$0x1FAB0]  }
0x295: {  	s20 =	sadd.s32 $0x40, s20;
	[tilespmem:$0x1FAA0] =	vst v0;
	v0 =	vld [tilespmem:s26+$0xE000]  }
0x296: {  	v9 =	vld [tilespmem:s20+$0x10];
	s29 =	sor.u32 $0xC70, s24;
	v10 =	vadd.f32 v27, v62;
	[tilespmem:$0x1FA70] =	vst v2;
	v2 =	vadd.f32 v11, v6;
	v6 =	vmul.f32 v7, v56  }
0x297: {  	s19 =	sadd.s32 $0x200, s19;
	s25 =	sand.u32 $0xF000, s21;
	v12 =	vmul.f32 v12, v56;
	v7 =	vld [tilespmem:s29+$0xE000];
	v11 =	vadd.f32 v28, v45  }
0x298: {  	s24 =	sadd.s32 $0xE000, s25;
	v13 =	vmul.f32 v13, v55;
	s26 =	sand.u32 $0x200, s19;
	[tilespmem:$0x1FA80] =	vst v2;
	v2 =	vmul.f32 v16, v56;
	v16 =	vld [tilespmem:s20+$0x0];
	v6 =	vadd.f32 v6, v10  }
0x299: {  	v15 =	vmul.f32 v20, v56;
	v56 =	vld [tilespmem:s20+$0xFFFFFFF0];
	v10 =	vadd.f32 v12, v11;
	s25 =	sor.u32 s26, s24;
	v1 =	vadd.f32 v40, v1  }
0x29a: {  	v11 =	vmul.f32 v17, v55;
	v12 =	vld [tilespmem:s25+$0x430];
	v6 =	vadd.f32 v13, v6;
	v0 =	vmul.f32 v0, v46  }
0x29b: {  	v14 =	vmul.f32 v18, v55;
	v5 =	vadd.f32 v25, v63;
	v20 =	vld [tilespmem:s25+$0x450];
	v1 =	vadd.f32 v15, v1  }
0x29c: {  	v21 =	vld [tilespmem:s25+$0x460];
	v10 =	vadd.f32 v11, v10;
	v7 =	vmul.f32 v7, v46;
	v0 =	vadd.f32 v0, v6  }
0x29d: {  	v8 =	vmul.f32 v19, v55;
	v22 =	vld [tilespmem:s25+$0x470];
	v5 =	vadd.f32 v2, v5;
	v1 =	vadd.f32 v14, v1  }
0x29e: {  	v2 =	vld [tilespmem:s20+$0xFFFFFFE0];
	[tilespmem:$0x1F830] =	vst v0;
	v0 =	vadd.f32 v7, v10  }
0x29f: {  	v11 =	vld [tilespmem:s25+$0x10];
	v5 =	vadd.f32 v8, v5;
	v1 =	vadd.f32 v3, v1  }
0x2a0: {  	[tilespmem:$0x1F820] =	vst v0;
	v0 =	vld [tilespmem:s25+$0x30]  }
0x2a1: {  	[tilespmem:$0x1FAB0] =	vst v1;
	v1 =	vadd.f32 v4, v5;
	v5 =	vld [tilespmem:s25+$0x60]  }
0x2a2: {  	v8 =	vld [tilespmem:s25+$0x0]  }
0x2a3: {  	v7 =	vld [tilespmem:s25+$0x400]  }
0x2a4: {  	v46 =	vmov v9;
	v9 =	vld [tilespmem:s25+$0x410]  }
0x2a5: {  	v6 =	vld [tilespmem:s25+$0x70]  }
0x2a6: {  	v14 =	vld [tilespmem:s25+$0x440];
	v17 =	vmul.f32 v0, v2;
	v0 =	vmul.f32 v5, v2  }
0x2a7: {  	v10 =	vld [tilespmem:s25+$0x420]  }
0x2a8: {  	s29 =	sadd.s32 $0x180, s19;
	v3 =	vld [tilespmem:s25+$0x40];
	[tilespmem:$0x1F790] =	vst v0;
	v0 =	vmul.f32 v7, v2  }
0x2a9: {  	s26 =	sand.u32 $0x380, s29;
	v4 =	vld [tilespmem:s25+$0x50];
	[tilespmem:$0x1F840] =	vst v1  }
0x2aa: {  	v1 =	vld [tilespmem:s25+$0x20];
	s25 =	sor.u32 s26, s24;
	[tilespmem:$0x1F7C0] =	vst v0;
	v0 =	vmul.f32 v9, v2  }
0x2ab: {  	[tilespmem:$0x1F800] =	vst v43;
	v23 =	vld [tilespmem:s25+$0x0]  }
0x2ac: {  	v27 =	vld [tilespmem:s25+$0x10];
	[tilespmem:$0x1F7E0] =	vst v0;
	v0 =	vmul.f32 v10, v2  }
0x2ad: {  	[tilespmem:$0x1F8E0] =	vst v41;
	v28 =	vld [tilespmem:s25+$0x20]  }
0x2ae: {  	v31 =	vld [tilespmem:s25+$0x30];
	[tilespmem:$0x1F7F0] =	vst v0;
	v0 =	vmul.f32 v12, v2  }
0x2af: {  	[tilespmem:$0x1F980] =	vst v42;
	v42 =	vld [tilespmem:s25+$0x40]  }
0x2b0: {  	v33 =	vld [tilespmem:s25+$0x50];
	[tilespmem:$0x1F810] =	vst v0;
	v0 =	vmul.f32 v14, v2  }
0x2b1: {  	[tilespmem:$0x1F960] =	vst v38;
	v43 =	vld [tilespmem:s25+$0x60]  }
0x2b2: {  	v36 =	vld [tilespmem:s25+$0x70];
	[tilespmem:$0x1F890] =	vst v0;
	v0 =	vmul.f32 v20, v2  }
0x2b3: {  	[tilespmem:$0x1F970] =	vst v37;
	v37 =	vld [tilespmem:s25+$0x400]  }
0x2b4: {  	v38 =	vld [tilespmem:s25+$0x410];
	[tilespmem:$0x1F8B0] =	vst v0;
	v0 =	vmul.f32 v21, v2  }
0x2b5: {  	[tilespmem:$0x1F940] =	vst v39;
	v39 =	vld [tilespmem:s25+$0x420]  }
0x2b6: {  	v40 =	vld [tilespmem:s25+$0x430];
	[tilespmem:$0x1F8D0] =	vst v0;
	v0 =	vmul.f32 v22, v2  }
0x2b7: {  	[tilespmem:$0x1F950] =	vst v44;
	v41 =	vld [tilespmem:s25+$0x440]  }
0x2b8: {  	s29 =	sadd.s32 $0x100, s19;
	v44 =	vld [tilespmem:s25+$0x450];
	[tilespmem:$0x1F8F0] =	vst v0;
	v0 =	vmul.f32 v37, v46  }
0x2b9: {  	[tilespmem:$0x1F8C0] =	vst v48;
	s26 =	sand.u32 $0x300, s29;
	v45 =	vld [tilespmem:s25+$0x460]  }
0x2ba: {  	s26 =	sor.u32 s26, s24;
	v48 =	vld [tilespmem:s25+$0x470];
	[tilespmem:$0x1F850] =	vst v0;
	v0 =	vmul.f32 v39, v46  }
0x2bb: {  	[tilespmem:$0x1F880] =	vst v49;
	v49 =	vld [tilespmem:s26+$0x0]  }
0x2bc: {  	v62 =	vld [tilespmem:s26+$0x410];
	[tilespmem:$0x1F860] =	vst v0;
	v0 =	vmul.f32 v40, v46  }
0x2bd: {  	v63 =	vld [tilespmem:s26+$0x420]  }
0x2be: {  	v24 =	vld [tilespmem:s26+$0x430];
	[tilespmem:$0x1F870] =	vst v0;
	v0 =	vmul.f32 v41, v46  }
0x2bf: {  	[tilespmem:$0x1F8A0] =	vst v50;
	v13 =	vmul.f32 v1, v2;
	v1 =	vld [tilespmem:s26+$0x460]  }
0x2c0: {  	v50 =	vld [tilespmem:s26+$0x10];
	[tilespmem:$0x1F900] =	vst v0;
	v0 =	vmul.f32 v44, v46  }
0x2c1: {  	[tilespmem:$0x1F7A0] =	vst v53;
	v51 =	vld [tilespmem:s26+$0x20]  }
0x2c2: {  	v55 =	vmov v16;
	v53 =	vld [tilespmem:s26+$0x30];
	[tilespmem:$0x1F910] =	vst v0;
	v0 =	vmul.f32 v45, v46  }
0x2c3: {  	[tilespmem:$0x1F780] =	vst v57;
	v57 =	vld [tilespmem:s26+$0x40];
	v45 =	vmul.f32 v62, v55;
	v62 =	vmul.f32 v63, v55  }
0x2c4: {  	v63 =	vmul.f32 v24, v55;
	v24 =	vmul.f32 v1, v55;
	v1 =	vld [tilespmem:$0x1FAC0]  }
0x2c5: {  	v52 =	vld [tilespmem:s26+$0x50]  }
0x2c6: {  	v54 =	vld [tilespmem:s26+$0x60]  }
0x2c7: {  	v29 =	vmul.f32 v8, v2;
	v60 =	vld [tilespmem:s26+$0x70]  }
0x2c8: {  	s29 =	sadd.s32 $0x80, s19;
	v61 =	vld [tilespmem:s26+$0x400]  }
0x2c9: {  	s25 =	sand.u32 $0x280, s29;
	v29 =	vadd.f32 v29, v1;
	v1 =	vld [tilespmem:$0x1FAD0]  }
0x2ca: {  	s25 =	sor.u32 s25, s24;
	v32 =	vld [tilespmem:s26+$0x470]  }
0x2cb: {  	v35 =	vld [tilespmem:s25+$0x0]  }
0x2cc: {  	[tilespmem:$0x1F990] =	vst v34;
	v34 =	vmul.f32 v11, v2;
	v25 =	vld [tilespmem:s25+$0x470];
	v18 =	vmul.f32 v42, v46  }
0x2cd: {  	v42 =	vmul.f32 v43, v46;
	v43 =	vmul.f32 v36, v46;
	v36 =	vld [tilespmem:s25+$0x20]  }
0x2ce: {  	v34 =	vadd.f32 v34, v1;
	v1 =	vld [tilespmem:$0x1FAE0]  }
0x2cf: {  	p0 =	por !p0, !p0;
	s24 =	simm.s32 $0x1;
	v14 =	vmul.f32 v33, v46;
	v33 =	vld [tilespmem:s25+$0x10]  }
0x2d0: {  	s24 =	simm.s32 @!p0 $0x0;
	v20 =	vld [tilespmem:s26+$0x440]  }
0x2d1: {  	s24 =	sshll.u32 s24, $0x9;
	v21 =	vld [tilespmem:s26+$0x450]  }
0x2d2: {  	s24 =	sadd.s32 s24, s21;
	v40 =	vmul.f32 v49, v55;
	v49 =	vld [tilespmem:s25+$0x70]  }
0x2d3: {  	s26 =	sor.u32 $0x820, s24;
	v13 =	vadd.f32 v13, v1;
	v1 =	vld [tilespmem:$0x1FAF0]  }
0x2d4: {  	v12 =	vmov v47;
	v47 =	vld [tilespmem:s26+$0xE000];
	s26 =	sor.u32 $0x840, s24  }
0x2d5: {  	v10 =	vmul.f32 v23, v46;
	v23 =	vmul.f32 v52, v55;
	v52 =	vld [tilespmem:s26+$0xE000]  }
0x2d6: {  	v16 =	vmul.f32 v4, v2;
	v4 =	vmul.f32 v35, v56;
	s26 =	sor.u32 $0x860, s24;
	v37 =	vld [tilespmem:s25+$0x30]  }
0x2d7: {  	v7 =	vmul.f32 v49, v56;
	v49 =	vmul.f32 v25, v56;
	v25 =	vld [tilespmem:s26+$0xE000];
	s26 =	sor.u32 $0xC00, s24  }
0x2d8: {  	v11 =	vmul.f32 v27, v46;
	v27 =	vmul.f32 v28, v46;
	v17 =	vadd.f32 v17, v1;
	v1 =	vld [tilespmem:s26+$0xE000]  }
0x2d9: {  	v28 =	vmul.f32 v31, v46;
	v35 =	vmul.f32 v33, v56;
	v4 =	vadd.f32 v4, v29  }
0x2da: {  	v31 =	vmul.f32 v38, v46;
	v36 =	vmul.f32 v36, v56  }
0x2db: {  	v41 =	vmul.f32 v50, v55;
	v4 =	vadd.f32 v40, v4;
	v29 =	vadd.f32 v35, v34  }
0x2dc: {  	v8 =	vmul.f32 v51, v55;
	v37 =	vmul.f32 v37, v56;
	v13 =	vadd.f32 v36, v13  }
0x2dd: {  	v38 =	vld [tilespmem:s25+$0x40];
	v40 =	vadd.f32 v41, v29;
	v29 =	vmul.f32 v1, v2;
	v1 =	vadd.f32 v10, v4  }
0x2de: {  	v9 =	vmul.f32 v53, v55;
	v51 =	vld [tilespmem:s25+$0x410];
	v8 =	vadd.f32 v8, v13  }
0x2df: {  	s29 =	sor.u32 $0x800, s24;
	v53 =	vmul.f32 v54, v55;
	v54 =	vld [tilespmem:s25+$0x460];
	v17 =	vadd.f32 v37, v17;
	[tilespmem:$0x1FAC0] =	vst v1;
	v1 =	vadd.f32 v11, v40  }
0x2e0: {  	v26 =	vld [tilespmem:s29+$0xE000];
	v22 =	vmul.f32 v57, v55  }
0x2e1: {  	v57 =	vmul.f32 v60, v55;
	v60 =	vld [tilespmem:s25+$0x440];
	v9 =	vadd.f32 v9, v17;
	[tilespmem:$0x1FAD0] =	vst v1;
	v1 =	vadd.f32 v27, v8  }
0x2e2: {  	v39 =	vld [tilespmem:s25+$0x50];
	[tilespmem:$0x1F920] =	vst v0;
	v0 =	vmul.f32 v48, v46  }
0x2e3: {  	v48 =	vld [tilespmem:s25+$0x60];
	[tilespmem:$0x1FAE0] =	vst v1;
	v1 =	vadd.f32 v28, v9  }
0x2e4: {  	[tilespmem:$0x1F930] =	vst v0;
	v0 =	vld [tilespmem:s25+$0x450]  }
0x2e5: {  	[tilespmem:$0x1FAF0] =	vst v1;
	v1 =	vld [tilespmem:$0x1FB00]  }
0x2e6: {  	s29 =	sor.u32 $0x810, s24;
	v50 =	vld [tilespmem:s25+$0x400]  }
0x2e7: {  	v19 =	vmul.f32 v6, v2;
	v5 =	vmul.f32 v39, v56;
	v39 =	vld [tilespmem:s29+$0xE000];
	s29 =	sor.u32 $0x830, s24  }
0x2e8: {  	v15 =	vmul.f32 v3, v2;
	v44 =	vmul.f32 v61, v55;
	v30 =	vld [tilespmem:s29+$0xE000];
	s29 =	sor.u32 $0x850, s24  }
0x2e9: {  	v61 =	vmul.f32 v51, v56;
	v51 =	vmul.f32 v0, v56;
	v0 =	vld [tilespmem:s29+$0xE000]  }
0x2ea: {  	v6 =	vmul.f32 v48, v56;
	v48 =	vmul.f32 v54, v56;
	s29 =	sor.u32 $0x870, s24;
	v4 =	vadd.f32 v15, v1;
	v1 =	vld [tilespmem:$0x1F780]  }
0x2eb: {  	v54 =	vmul.f32 v26, v2;
	v26 =	vmul.f32 v47, v2;
	v47 =	vld [tilespmem:s29+$0xE000];
	s29 =	sor.u32 $0xC10, s24  }
0x2ec: {  	v3 =	vld [tilespmem:s29+$0xE000];
	s29 =	sor.u32 $0xC30, s24  }
0x2ed: {  	v34 =	vmul.f32 v25, v2;
	v25 =	vld [tilespmem:s29+$0xE000]  }
0x2ee: {  	v10 =	vld [tilespmem:$0x1F790]  }
0x2ef: {  	v33 =	vmul.f32 v50, v56;
	v50 =	vmul.f32 v60, v56;
	s29 =	sor.u32 $0xC40, s24;
	v8 =	vadd.f32 v16, v1;
	v1 =	vld [tilespmem:$0x1FB10]  }
0x2f0: {  	s22 =	sadd.s32 $0x4, s22;
	v60 =	vmul.f32 v39, v2;
	v39 =	vmul.f32 v30, v2;
	v41 =	vld [tilespmem:s29+$0xE000];
	s26 =	sor.u32 $0xC20, s24  }
0x2f1: {  	v30 =	vmul.f32 v52, v2;
	v52 =	vmul.f32 v0, v2;
	s29 =	sor.u32 $0xC50, s24;
	v0 =	vld [tilespmem:s26+$0xE000];
	s26 =	sand.u32 $0x7, s22  }
0x2f2: {  	v13 =	vld [tilespmem:s29+$0xE000];
	s29 =	sor.u32 $0xC60, s24;
	s26 =	sshll.u32 s26, $0x7  }
0x2f3: {  	v36 =	vmul.f32 v3, v2;
	v3 =	vld [tilespmem:s29+$0xE000];
	s26 =	sadd.s32 s21, s26  }
0x2f4: {  	s29 =	sor.u32 $0xC70, s24;
	s24 =	sadd.s32 $0x180, s26;
	v10 =	vadd.f32 v10, v1;
	v1 =	vld [tilespmem:$0x1F7A0]  }
0x2f5: {  	v9 =	vld [tilespmem:s29+$0xE000];
	s29 =	sor.u32 $0x800, s24  }
0x2f6: {  	v38 =	vmul.f32 v38, v56;
	v15 =	vld [tilespmem:s29+$0xE000];
	s29 =	sor.u32 $0x810, s24  }
0x2f7: {  	v5 =	vadd.f32 v5, v8;
	v8 =	vld [tilespmem:s29+$0xE000]  }
0x2f8: {  	v4 =	vadd.f32 v38, v4  }
0x2f9: {  	v35 =	vmul.f32 v47, v2;
	v0 =	vmul.f32 v0, v2;
	v11 =	vadd.f32 v19, v1  }
0x2fa: {  	v40 =	vmul.f32 v41, v2;
	v27 =	vmul.f32 v3, v2;
	v3 =	vadd.f32 v22, v4  }
0x2fb: {  	v28 =	vmul.f32 v9, v2;
	s29 =	sor.u32 $0x820, s24;
	v6 =	vadd.f32 v6, v10;
	v7 =	vadd.f32 v7, v11  }
0x2fc: {  	v4 =	vadd.f32 v23, v5;
	v10 =	vld [tilespmem:s29+$0xE000];
	v22 =	vmul.f32 v8, v46;
	v1 =	vmul.f32 v25, v2  }
0x2fd: {  	[tilespmem:$0x1F7B0] =	vst v58;
	v8 =	vld [tilespmem:$0x1F7E0];
	v25 =	vmul.f32 v13, v2;
	v2 =	vadd.f32 v53, v6;
	v6 =	vadd.f32 v57, v7  }
0x2fe: {  	v57 =	vadd.f32 v14, v4;
	v4 =	vld [tilespmem:$0x1F7B0]  }
0x2ff: {  	s29 =	sor.u32 $0x830, s24;
	v53 =	vadd.f32 v43, v6;
	v6 =	vld [tilespmem:$0x1F7C0]  }
0x300: {  	v3 =	vadd.f32 v18, v3;
	v11 =	vld [tilespmem:s29+$0xE000];
	s29 =	sor.u32 $0x840, s24  }
0x301: {  	[tilespmem:$0x1F7D0] =	vst v59;
	v2 =	vadd.f32 v42, v2;
	v7 =	vld [tilespmem:s29+$0xE000];
	s29 =	sor.u32 $0x850, s24  }
0x302: {  	[tilespmem:$0x1FB00] =	vst v3;
	v3 =	vld [tilespmem:s29+$0xE000];
	s29 =	sor.u32 $0x860, s24  }
0x303: {  	[tilespmem:$0x1FB10] =	vst v2;
	v2 =	vld [tilespmem:s29+$0xE000]  }
0x304: {  	v4 =	vadd.f32 v6, v4;
	v6 =	vld [tilespmem:$0x1F7D0];
	_ =	sdelay $0x1  }
0x305: {  	v58 =	vld [tilespmem:s25+$0x420]  }
0x306: {  	v9 =	vld [tilespmem:$0x1F7F0]  }
0x307: {  	v5 =	vmul.f32 v15, v46;
	s29 =	sor.u32 $0x870, s24;
	v15 =	vmul.f32 v2, v46;
	v2 =	vld [tilespmem:$0x1F850]  }
0x308: {  	v6 =	vadd.f32 v8, v6;
	v8 =	vld [tilespmem:s29+$0xE000];
	s29 =	sor.u32 $0xC00, s24  }
0x309: {  	v42 =	vmul.f32 v11, v46;
	v11 =	vld [tilespmem:s29+$0xE000]  }
0x30a: {  	v4 =	vadd.f32 v33, v4  }
0x30b: {  	v59 =	vld [tilespmem:s25+$0x430]  }
0x30c: {  	v58 =	vmul.f32 v58, v56;
	v9 =	vadd.f32 v9, v12;
	v12 =	vld [tilespmem:$0x1F810];
	v4 =	vadd.f32 v44, v4  }
0x30d: {  	v23 =	vmul.f32 v10, v46;
	v10 =	vld [tilespmem:$0x1F800]  }
0x30e: {  	v9 =	vadd.f32 v58, v9;
	v58 =	vadd.f32 v2, v4;
	v2 =	vmul.f32 v11, v46;
	v11 =	vld [tilespmem:$0x1F860];
	_ =	sdelay $0x2  }
0x30f: {  	v9 =	vadd.f32 v62, v9;
	s29 =	sor.u32 $0xC10, s24  }
0x310: {  	v59 =	vmul.f32 v59, v56;
	v10 =	vadd.f32 v12, v10;
	v18 =	vmul.f32 v7, v46;
	v7 =	vld [tilespmem:s29+$0xE000]  }
0x311: {  	v47 =	vadd.f32 v11, v9;
	v9 =	vld [tilespmem:$0x1F870]  }
0x312: {  	v10 =	vadd.f32 v59, v10;
	_ =	sdelay $0x1  }
0x313: {  	v10 =	vadd.f32 v63, v10  }
0x314: {  	v11 =	vmul.f32 v7, v46;
	v7 =	vld [tilespmem:$0x1F880]  }
0x315: {  	v43 =	vadd.f32 v9, v10;
	v9 =	vld [tilespmem:$0x1F890];
	_ =	sdelay $0x1  }
0x316: {  	s29 =	sor.u32 $0xC20, s24  }
0x317: {  	v19 =	vmul.f32 v3, v46;
	v3 =	vld [tilespmem:s29+$0xE000]  }
0x318: {  	v10 =	vld [tilespmem:$0x1F8B0]  }
0x319: {  	v7 =	vadd.f32 v9, v7;
	v9 =	vld [tilespmem:$0x1F8A0];
	_ =	sdelay $0x4  }
0x31a: {  	v13 =	vadd.f32 v10, v9;
	v9 =	vmul.f32 v3, v46;
	v3 =	vld [tilespmem:$0x1F8C0]  }
0x31b: {  	v10 =	vld [tilespmem:$0x1F8D0];
	_ =	sdelay $0x2  }
0x31c: {  	s29 =	sor.u32 $0xC30, s24  }
0x31d: {  	v12 =	vld [tilespmem:s29+$0xE000]  }
0x31e: {  	s23 =	sadd.s32 $0x2, s23;
	v17 =	vadd.f32 v10, v3;
	v3 =	vld [tilespmem:$0x1F8E0]  }
0x31f: {  	s28 =	sand.u32 $0x3, s23;
	v6 =	vadd.f32 v61, v6;
	s29 =	sor.u32 $0xC40, s24;
	v10 =	vld [tilespmem:$0x1F8F0]  }
0x320: {  	s28 =	sshll.u32 s28, $0x8;
	v16 =	vmul.f32 v8, v46;
	v8 =	vld [tilespmem:s29+$0xE000]  }
0x321: {  	s28 =	sadd.s32 s21, s28;
	v41 =	vld [tilespmem:$0x1F900];
	v6 =	vadd.f32 v45, v6  }
0x322: {  	v20 =	vmul.f32 v20, v55;
	s25 =	sadd.s32 $0x100, s28;
	s28 =	sor.u32 $0xC50, s24;
	v7 =	vadd.f32 v50, v7  }
0x323: {  	s26 =	sadd.s32 $0x80, s26;
	v4 =	vld [tilespmem:s28+$0xE000];
	s28 =	sor.u32 $0x810, s25;
	v59 =	vadd.f32 v31, v6  }
0x324: {  	v14 =	vld [tilespmem:s28+$0xE000];
	s28 =	sor.u32 $0x810, s26;
	v7 =	vadd.f32 v20, v7;
	v31 =	vadd.f32 v10, v3;
	v10 =	vmul.f32 v12, v46  }
0x325: {  	v12 =	vadd.f32 v51, v13;
	v13 =	vld [tilespmem:s28+$0xE000];
	v3 =	vmul.f32 v8, v46;
	v8 =	vadd.f32 v48, v17  }
0x326: {  	v17 =	vadd.f32 v49, v31;
	v49 =	vadd.f32 v41, v7;
	v7 =	vld [tilespmem:$0x1F910]  }
0x327: {  	v21 =	vmul.f32 v21, v55;
	_ =	sdelay $0x1  }
0x328: {  	v62 =	vld [tilespmem:$0x1F830];
	v12 =	vadd.f32 v21, v12  }
0x329: {  	v63 =	vld [tilespmem:$0x1F840]  }
0x32a: {  	v50 =	vadd.f32 v7, v12;
	v7 =	vmul.f32 v13, v56;
	v13 =	vld [tilespmem:$0x1F920]  }
0x32b: {  	v45 =	vld [tilespmem:$0x1F820];
	s29 =	sor.u32 $0x800, s25  }
0x32c: {  	v6 =	vld [tilespmem:s29+$0xE000];
	s29 =	sor.u32 $0x800, s26  }
0x32d: {  	v44 =	vld [tilespmem:s29+$0xE000];
	v8 =	vadd.f32 v24, v8  }
0x32e: {  	v51 =	vld [tilespmem:$0x1F970]  }
0x32f: {  	s28 =	sor.u32 $0x820, s26;
	v48 =	vadd.f32 v13, v8;
	v8 =	vld [tilespmem:$0x1F930]  }
0x330: {  	v32 =	vmul.f32 v32, v55;
	v31 =	vld [tilespmem:s28+$0xE000]  }
0x331: {  	v13 =	vld [tilespmem:$0x1F950]  }
0x332: {  	s28 =	sor.u32 $0x830, s26;
	v21 =	vmul.f32 v44, v56;
	v44 =	vld [tilespmem:$0x1F960];
	v17 =	vadd.f32 v32, v17  }
0x333: {  	v61 =	vld [tilespmem:s28+$0xE000]  }
0x334: {  	s28 =	sor.u32 $0x820, s25;
	v41 =	vadd.f32 v8, v17;
	v8 =	vld [tilespmem:$0x1F940]  }
0x335: {  	v20 =	vld [tilespmem:s28+$0xE000];
	s28 =	sor.u32 $0x830, s25  }
0x336: {  	v24 =	vld [tilespmem:s28+$0xE000];
	s28 =	sor.u32 $0x840, s25;
	v13 =	vadd.f32 v60, v13  }
0x337: {  	v12 =	vld [tilespmem:s28+$0xE000];
	s28 =	sor.u32 $0x850, s25  }
0x338: {  	v14 =	vmul.f32 v14, v55;
	s29 =	sor.u32 $0x840, s26;
	v17 =	vmul.f32 v31, v56;
	v31 =	vld [tilespmem:s28+$0xE000];
	v7 =	vadd.f32 v7, v13  }
0x339: {  	v26 =	vadd.f32 v26, v44;
	v60 =	vld [tilespmem:s29+$0xE000];
	s28 =	sor.u32 $0x850, s26;
	v8 =	vadd.f32 v54, v8  }
0x33a: {  	v6 =	vmul.f32 v6, v55;
	v13 =	vld [tilespmem:s28+$0xE000];
	s28 =	sor.u32 $0x860, s26;
	v7 =	vadd.f32 v14, v7  }
0x33b: {  	v20 =	vmul.f32 v20, v55;
	v17 =	vadd.f32 v17, v26;
	v26 =	vld [tilespmem:s28+$0xE000];
	s28 =	sor.u32 $0x870, s26;
	v8 =	vadd.f32 v21, v8  }
0x33c: {  	v32 =	vadd.f32 v39, v51;
	v54 =	vmul.f32 v61, v56;
	v61 =	vld [tilespmem:s28+$0xE000];
	v44 =	vadd.f32 v22, v7  }
0x33d: {  	v7 =	vld [tilespmem:$0x1F980];
	v6 =	vadd.f32 v6, v8;
	v8 =	vadd.f32 v20, v17  }
0x33e: {  	v22 =	vld [tilespmem:$0x1F9A0]  }
0x33f: {  	v24 =	vmul.f32 v24, v55;
	v21 =	vadd.f32 v54, v32;
	v38 =	vadd.f32 v23, v8;
	v8 =	vld [tilespmem:$0x1F990]  }
0x340: {  	s28 =	sor.u32 $0x860, s25;
	v23 =	vld [tilespmem:$0x1F9B0]  }
0x341: {  	v4 =	vmul.f32 v4, v46;
	v14 =	vadd.f32 v24, v21;
	v21 =	vld [tilespmem:s28+$0xE000];
	s28 =	sor.u32 $0x870, s25  }
0x342: {  	v20 =	vmul.f32 v31, v55;
	v17 =	vmul.f32 v60, v56;
	v24 =	vld [tilespmem:s28+$0xE000];
	s28 =	sor.u32 $0xC00, s25;
	v39 =	vadd.f32 v5, v6  }
0x343: {  	v5 =	vmul.f32 v13, v56;
	v6 =	vld [tilespmem:s28+$0xE000];
	s28 =	sor.u32 $0xC10, s25;
	v37 =	vadd.f32 v42, v14;
	v7 =	vadd.f32 v30, v7  }
0x344: {  	s29 =	sor.u32 $0xC00, s26;
	v13 =	vmul.f32 v26, v56;
	v22 =	vadd.f32 v34, v22;
	v14 =	vld [tilespmem:s28+$0xE000];
	v8 =	vadd.f32 v52, v8  }
0x345: {  	p1 =	sne.s32 s21, $0xC000;
	v26 =	vmul.f32 v61, v56;
	v30 =	vld [tilespmem:s29+$0xE000];
	s28 =	sor.u32 $0xC10, s26;
	v31 =	vadd.f32 v17, v7;
	v23 =	vadd.f32 v35, v23  }
.Ltmp1:
0x346: {  	v12 =	vmul.f32 v12, v55;
	v17 =	vld [tilespmem:s28+$0xE000];
	s28 =	sor.u32 $0xC20, s26;
	v13 =	vadd.f32 v13, v22;
	v5 =	vadd.f32 v5, v8;
	(pc) =	sbr.rel @p1 .LBB2_4-.Ltmp1, $4  }
0x347: {  	v21 =	vmul.f32 v21, v55;
	v22 =	vadd.f32 v26, v23;
	v8 =	vld [tilespmem:s28+$0xE000];
	s28 =	sor.u32 $0xC30, s26;
	v23 =	vmul.f32 v24, v55  }
0x348: {  	v24 =	vadd.f32 v12, v31;
	v7 =	vld [tilespmem:s28+$0xE000];
	s28 =	sor.u32 $0xC20, s25;
	v26 =	vadd.f32 v20, v5;
	v5 =	vmul.f32 v6, v55  }
0x349: {  	v20 =	vadd.f32 v21, v13;
	v21 =	vadd.f32 v23, v22;
	v6 =	vmul.f32 v14, v55;
	v13 =	vld [tilespmem:s28+$0xE000];
	s28 =	sor.u32 $0xC30, s25  }
0x34a: {  	s21 =	sadd.s32 $0x800, s21;
	v14 =	vmul.f32 v30, v56;
	v42 =	vadd.f32 v18, v24;
	v12 =	vld [tilespmem:s28+$0xE000];
	s28 =	sor.u32 $0xC40, s25;
	v34 =	vadd.f32 v19, v26  }
0x34b: {  	[tilespmem:$0x1F780] =	vst v57  }
0x34c: {  	[tilespmem:$0x1F7A0] =	vst v53  }
0x34d: {  	[tilespmem:$0x1F7B0] =	vst v58  }
0x34e: {  	[tilespmem:$0x1F7D0] =	vst v59  }
0x34f: {  	[tilespmem:$0x1F6D0] =	vst v47  }
0x350: {  	[tilespmem:$0x1F800] =	vst v43  }
0x351: {  	[tilespmem:$0x1F880] =	vst v49  }
0x352: {  	v18 =	vld [tilespmem:s28+$0xE000];
	s19 =	sor.u32 $0xC50, s25;
	[tilespmem:$0x1F8A0] =	vst v50  }
0x353: {  	s20 =	sor.u32 $0xC40, s26;
	[tilespmem:$0x1F8C0] =	vst v48;
	v19 =	vld [tilespmem:s19+$0xE000]  }
0x354: {  	s28 =	sor.u32 $0xC50, s26;
	[tilespmem:$0x1F8E0] =	vst v41;
	v22 =	vld [tilespmem:s20+$0xE000]  }
0x355: {  	s29 =	sor.u32 $0xC60, s26;
	[tilespmem:$0x1F940] =	vst v39;
	v23 =	vld [tilespmem:s28+$0xE000]  }
0x356: {  	s21 =	sor.u32 $0xC60, s25;
	[tilespmem:$0x1F950] =	vst v44;
	v24 =	vld [tilespmem:s29+$0xE000]  }
0x357: {  	s22 =	sor.u32 $0xC70, s25;
	[tilespmem:$0x1F960] =	vst v38;
	v30 =	vld [tilespmem:s21+$0xE000]  }
0x358: {  	s23 =	sor.u32 $0xC60, s24;
	[tilespmem:$0x1F970] =	vst v37;
	v31 =	vld [tilespmem:s22+$0xE000]  }
0x359: {  	s24 =	sor.u32 $0xC70, s24;
	v32 =	vld [tilespmem:s23+$0xE000];
	[tilespmem:$0x1F980] =	vst v42  }
0x35a: {  	s20 =	sor.u32 $0xC70, s26;
	v33 =	vld [tilespmem:s24+$0xE000];
	[tilespmem:$0x1F990] =	vst v34  }
0x35b: {  	v26 =	vld [tilespmem:s20+$0xE000];
	[tilespmem:$0xD50] =	vst v57  }
0x35c: {  	[tilespmem:$0xD70] =	vst v53  }
0x35d: {  	[tilespmem:$0xD80] =	vst v58  }
0x35e: {  	[tilespmem:$0xD90] =	vst v59  }
0x35f: {  	[tilespmem:$0xDA0] =	vst v47  }
0x360: {  	[tilespmem:$0xDB0] =	vst v43  }
0x361: {  	[tilespmem:$0xDC0] =	vst v49  }
0x362: {  	[tilespmem:$0xDD0] =	vst v50  }
0x363: {  	[tilespmem:$0xDE0] =	vst v48  }
0x364: {  	v43 =	vadd.f32 v15, v20;
	v20 =	vld [tilespmem:$0x1FA90];
	[tilespmem:$0xDF0] =	vst v41  }
0x365: {  	[tilespmem:$0xE00] =	vst v39  }
0x366: {  	[tilespmem:$0xE10] =	vst v44  }
0x367: {  	v35 =	vld [tilespmem:$0x1FAC0];
	[tilespmem:$0xE20] =	vst v38  }
0x368: {  	v47 =	vld [tilespmem:$0x1FA70];
	[tilespmem:$0xE30] =	vst v37  }
0x369: {  	v21 =	vadd.f32 v16, v21;
	[tilespmem:$0xE40] =	vst v42;
	v0 =	vadd.f32 v0, v20;
	v20 =	vld [tilespmem:$0x1FAA0]  }
0x36a: {  	v8 =	vmul.f32 v8, v56;
	v49 =	vld [tilespmem:$0x1FA80];
	[tilespmem:$0xE50] =	vst v34  }
0x36b: {  	v51 =	vld [tilespmem:$0x1FAD0];
	[tilespmem:$0x1F6F0] =	vst v21  }
0x36c: {  	v52 =	vld [tilespmem:$0x1FAE0];
	[tilespmem:$0xE70] =	vst v21;
	v13 =	vmul.f32 v13, v55;
	v0 =	vadd.f32 v8, v0  }
0x36d: {  	v54 =	vld [tilespmem:$0x1FAF0];
	[tilespmem:$0x1F6E0] =	vst v43;
	v16 =	vadd.f32 v29, v47  }
0x36e: {  	v60 =	vld [tilespmem:$0x1FB00];
	v7 =	vmul.f32 v7, v56;
	[tilespmem:$0xE60] =	vst v43;
	v0 =	vadd.f32 v13, v0;
	v1 =	vadd.f32 v1, v20  }
0x36f: {  	v61 =	vld [tilespmem:$0x1FB10];
	v15 =	vmul.f32 v17, v56;
	[tilespmem:$0xD00] =	vst v35;
	v17 =	vadd.f32 v36, v49;
	v14 =	vadd.f32 v14, v16  }
0x370: {  	[tilespmem:$0xD10] =	vst v51;
	v1 =	vadd.f32 v7, v1;
	v7 =	vmul.f32 v12, v55;
	v12 =	vadd.f32 v9, v0;
	v0 =	vld [tilespmem:$0x1FAB0]  }
0x371: {  	[tilespmem:$0xD20] =	vst v52;
	v15 =	vadd.f32 v15, v17;
	v5 =	vadd.f32 v5, v14  }
0x372: {  	[tilespmem:$0xD30] =	vst v54  }
0x373: {  	[tilespmem:$0xD40] =	vst v60;
	v6 =	vadd.f32 v6, v15;
	v14 =	vadd.f32 v2, v5  }
0x374: {  	[tilespmem:$0xD60] =	vst v61;
	v8 =	vmul.f32 v18, v55;
	v1 =	vadd.f32 v7, v1  }
0x375: {  	v13 =	vadd.f32 v11, v6;
	v2 =	vmul.f32 v22, v56;
	[tilespmem:$0x1F700] =	vst v14;
	v0 =	vadd.f32 v40, v0  }
0x376: {  	v5 =	vmul.f32 v23, v56;
	[tilespmem:$0xE80] =	vst v14;
	v11 =	vadd.f32 v10, v1;
	v1 =	vadd.f32 v25, v63  }
0x377: {  	v6 =	vmul.f32 v24, v56;
	v9 =	vadd.f32 v27, v62;
	[tilespmem:$0x1F710] =	vst v13;
	v0 =	vadd.f32 v2, v0  }
0x378: {  	[tilespmem:$0xE90] =	vst v13;
	v7 =	vmul.f32 v19, v55;
	v1 =	vadd.f32 v5, v1  }
0x379: {  	v6 =	vadd.f32 v6, v9;
	[tilespmem:$0x1F720] =	vst v12;
	v5 =	vmul.f32 v30, v55;
	v0 =	vadd.f32 v8, v0  }
0x37a: {  	[tilespmem:$0xEA0] =	vst v12;
	v2 =	vadd.f32 v28, v45;
	v1 =	vadd.f32 v7, v1  }
0x37b: {  	v10 =	vmul.f32 v26, v56;
	[tilespmem:$0x1F730] =	vst v11;
	v5 =	vadd.f32 v5, v6;
	v6 =	vadd.f32 v3, v0  }
0x37c: {  	[tilespmem:$0xEB0] =	vst v11;
	v7 =	vmul.f32 v32, v46  }
0x37d: {  	v2 =	vadd.f32 v10, v2;
	v8 =	vmul.f32 v31, v55;
	v3 =	vadd.f32 v4, v1;
	[tilespmem:$0x1F740] =	vst v6  }
0x37e: {  	[tilespmem:$0xEC0] =	vst v6  }
0x37f: {  	v0 =	vadd.f32 v8, v2;
	v2 =	vmul.f32 v33, v46;
	v1 =	vadd.f32 v7, v5;
	[tilespmem:$0x1F750] =	vst v3  }
0x380: {  	[tilespmem:$0xED0] =	vst v3  }
0x381: {  	v0 =	vadd.f32 v2, v0;
	[tilespmem:$0x1F760] =	vst v1  }
0x382: {  	[tilespmem:$0xEE0] =	vst v1  }
0x383: {  	[tilespmem:$0x1F770] =	vst v0  }
0x384: {  	[tilespmem:$0xEF0] =	vst v0  }
0x385: {  	_ =	swait.ge [sflag:s18], $0x3400  }
0x386: {  	[sflag:s18] =	ssyncset.done $0x0  }
0x387: {  	[sflag:s18] =	ssyncadd.s32 $0xFFFFCC00  }
0x388: {  	v55 =	vld [tilespmem:$0xA80]  }
0x389: {  	v23 =	vld [tilespmem:$0xA90]  }
0x38a: {  	v60 =	vld [tilespmem:$0xAA0]  }
0x38b: {  	v59 =	vld [tilespmem:$0xAB0]  }
0x38c: {  	v31 =	vld [tilespmem:$0xAC0]  }
0x38d: {  	v29 =	vld [tilespmem:$0xAD0]  }
0x38e: {  	v28 =	vld [tilespmem:$0xAE0]  }
0x38f: {  	s23 =	simm.s32 $0x20;
	v27 =	vld [tilespmem:$0xAF0]  }
0x390: {  	s24 =	simm.s32 $0x0;
	v57 =	vld [tilespmem:s23+$0x10]  }
0x391: {  	s25 =	simm.s32 $0x180;
	s26 =	sand.u32 $0xF000, s24;
	v58 =	vld [tilespmem:s23+$0x0]  }
0x392: {  	s19 =	sand.u32 $0x380, s25;
	s22 =	sadd.s32 $0x1000, s26;
	v63 =	vld [tilespmem:s23+$0xFFFFFFF0]  }
0x393: {  	s19 =	sor.u32 s19, s22;
	v30 =	vld [tilespmem:s23+$0xFFFFFFE0]  }
0x394: {  	v0 =	vld [tilespmem:s19+$0x0]  }
0x395: {  	v1 =	vld [tilespmem:s19+$0x10]  }
0x396: {  	v2 =	vld [tilespmem:s19+$0x20]  }
0x397: {  	s28 =	simm.s32 $0x100;
	v3 =	vld [tilespmem:s19+$0x30]  }
0x398: {  	s20 =	sand.u32 $0x300, s28;
	v4 =	vld [tilespmem:s19+$0x40]  }
0x399: {  	s20 =	sor.u32 s20, s22;
	v5 =	vld [tilespmem:s19+$0x50]  }
0x39a: {  	v6 =	vld [tilespmem:s20+$0x0]  }
0x39b: {  	v7 =	vld [tilespmem:s20+$0x10]  }
0x39c: {  	v9 =	vld [tilespmem:s20+$0x20]  }
0x39d: {  	s21 =	simm.s32 $0x80;
	v10 =	vld [tilespmem:s20+$0x30]  }
0x39e: {  	s21 =	sand.u32 $0x280, s21;
	v11 =	vld [tilespmem:s20+$0x40]  }
0x39f: {  	s29 =	simm.s32 $0x0;
	s21 =	sor.u32 s21, s22;
	v12 =	vld [tilespmem:s20+$0x50]  }
0x3a0: {  	s25 =	sand.u32 $0x200, s29;
	v13 =	vld [tilespmem:s21+$0x0]  }
0x3a1: {  	s22 =	sor.u32 s25, s22;
	v14 =	vld [tilespmem:s21+$0x10]  }
0x3a2: {  	v15 =	vld [tilespmem:s22+$0x0];
	v62 =	vmul.f32 v0, v57;
	v56 =	vmul.f32 v1, v57  }
0x3a3: {  	v50 =	vld [tilespmem:s22+$0x20];
	v24 =	vmul.f32 v2, v57;
	v61 =	vmul.f32 v3, v57  }
0x3a4: {  	v1 =	vld [tilespmem:s22+$0x10];
	v26 =	vmul.f32 v4, v57;
	v25 =	vmul.f32 v5, v57  }
0x3a5: {  	v51 =	vld [tilespmem:s22+$0x30];
	v5 =	vmul.f32 v6, v58;
	v4 =	vmul.f32 v7, v58  }
0x3a6: {  	v8 =	vld [tilespmem:s21+$0x20];
	v3 =	vmul.f32 v9, v58;
	v2 =	vmul.f32 v10, v58  }
0x3a7: {  	v7 =	vld [tilespmem:s21+$0x30];
	v22 =	vmul.f32 v11, v58;
	v54 =	vmul.f32 v12, v58  }
0x3a8: {  	v10 =	vmul.f32 v13, v63;
	v9 =	vmul.f32 v14, v63;
	v0 =	vld [tilespmem:s21+$0x40]  }
0x3a9: {  	v14 =	vmul.f32 v15, v30;
	v13 =	vmul.f32 v1, v30;
	v1 =	vld [tilespmem:s21+$0x50]  }
0x3aa: {  	s25 =	simm.s32 $0x380;
	v12 =	vmul.f32 v50, v30;
	v11 =	vmul.f32 v51, v30;
	v6 =	vld [tilespmem:s22+$0x40]  }
.LBB2_6:
0x3ab: {  	p0 =	sne.s32 s25, $0x3180;
	v14 =	vadd.f32 v14, v55;
	v13 =	vadd.f32 v13, v23;
	v15 =	vld [tilespmem:s22+$0x50];
	v8 =	vmul.f32 v8, v63  }
0x3ac: {  	v12 =	vadd.f32 v12, v60;
	v11 =	vadd.f32 v11, v59;
	v16 =	vld [tilespmem:s22+$0x60];
	v7 =	vmul.f32 v7, v63  }
0x3ad: {  	v17 =	vld [tilespmem:s22+$0x70];
	v10 =	vadd.f32 v10, v14;
	v9 =	vadd.f32 v9, v13;
	v0 =	vmul.f32 v0, v63  }
0x3ae: {  	v8 =	vadd.f32 v8, v12;
	v7 =	vadd.f32 v7, v11;
	v1 =	vmul.f32 v1, v63;
	v11 =	vld [tilespmem:s21+$0x60]  }
0x3af: {  	v6 =	vmul.f32 v6, v30;
	v12 =	vld [tilespmem:s21+$0x70];
	v5 =	vadd.f32 v5, v10;
	v4 =	vadd.f32 v4, v9  }
0x3b0: {  	v9 =	vmul.f32 v15, v30;
	v3 =	vadd.f32 v3, v8;
	v2 =	vadd.f32 v2, v7;
	v7 =	vld [tilespmem:s20+$0x60]  }
0x3b1: {  	v8 =	vmul.f32 v16, v30;
	v10 =	vld [tilespmem:s20+$0x70];
	v55 =	vadd.f32 v62, v5;
	v23 =	vadd.f32 v56, v4  }
0x3b2: {  	v4 =	vmul.f32 v17, v30;
	v60 =	vadd.f32 v24, v3;
	v59 =	vadd.f32 v61, v2;
	v2 =	vld [tilespmem:s19+$0x60]  }
0x3b3: {  	s23 =	sadd.s32 $0x40, s23;
	v3 =	vadd.f32 v6, v31;
	v5 =	vadd.f32 v9, v29;
	v6 =	vmul.f32 v11, v63;
	v9 =	vld [tilespmem:s19+$0x70]  }
0x3b4: {  	s24 =	sadd.s32 $0x800, s24;
	v8 =	vadd.f32 v8, v28;
	v11 =	vld [tilespmem:s23+$0x10];
	v4 =	vadd.f32 v4, v27;
	v12 =	vmul.f32 v12, v63  }
0x3b5: {  	s19 =	sand.u32 $0xF000, s24;
	v0 =	vadd.f32 v0, v3;
	v1 =	vadd.f32 v1, v5;
	v13 =	vld [tilespmem:s23+$0x0];
	v3 =	vmul.f32 v7, v58  }
0x3b6: {  	s22 =	sadd.s32 $0x1000, s19;
	s19 =	sand.u32 $0x380, s25;
	v5 =	vadd.f32 v6, v8;
	v63 =	vld [tilespmem:s23+$0xFFFFFFF0];
	v4 =	vadd.f32 v12, v4;
	v6 =	vmul.f32 v10, v58  }
0x3b7: {  	s19 =	sor.u32 s19, s22;
	v0 =	vadd.f32 v22, v0;
	v1 =	vadd.f32 v54, v1;
	v30 =	vld [tilespmem:s23+$0xFFFFFFE0];
	v2 =	vmul.f32 v2, v57  }
0x3b8: {  	v3 =	vadd.f32 v3, v5;
	v7 =	vld [tilespmem:s19+$0x0];
	v4 =	vadd.f32 v6, v4;
	v5 =	vmul.f32 v9, v57  }
0x3b9: {  	v31 =	vadd.f32 v26, v0;
	v29 =	vadd.f32 v25, v1;
	v6 =	vld [tilespmem:s19+$0x10];
	v57 =	vmov v11  }
0x3ba: {  	v28 =	vadd.f32 v2, v3;
	v0 =	vld [tilespmem:s19+$0x20];
	v27 =	vadd.f32 v5, v4;
	v58 =	vmov v13  }
0x3bb: {  	s20 =	sadd.s32 $0xFFFFFF80, s25;
	v1 =	vld [tilespmem:s19+$0x30]  }
0x3bc: {  	s20 =	sand.u32 $0x300, s20;
	v2 =	vld [tilespmem:s19+$0x40]  }
0x3bd: {  	s20 =	sor.u32 s20, s22;
	v3 =	vld [tilespmem:s19+$0x50]  }
0x3be: {  	v4 =	vld [tilespmem:s20+$0x0]  }
0x3bf: {  	v8 =	vld [tilespmem:s20+$0x10]  }
0x3c0: {  	v9 =	vld [tilespmem:s20+$0x20]  }
0x3c1: {  	s21 =	sadd.s32 $0xFFFFFF00, s25;
	v10 =	vld [tilespmem:s20+$0x30]  }
0x3c2: {  	s21 =	sand.u32 $0x280, s21;
	v11 =	vld [tilespmem:s20+$0x40]  }
0x3c3: {  	s26 =	sadd.s32 $0xFFFFFE80, s25;
	s21 =	sor.u32 s21, s22;
	v12 =	vld [tilespmem:s20+$0x50]  }
0x3c4: {  	s26 =	sand.u32 $0x200, s26;
	v13 =	vld [tilespmem:s21+$0x0]  }
0x3c5: {  	s22 =	sor.u32 s26, s22;
	v14 =	vld [tilespmem:s21+$0x10]  }
0x3c6: {  	v62 =	vmul.f32 v7, v57;
	v56 =	vmul.f32 v6, v57;
	v15 =	vld [tilespmem:s22+$0x0]  }
0x3c7: {  	v24 =	vmul.f32 v0, v57;
	v61 =	vmul.f32 v1, v57;
	v6 =	vld [tilespmem:s22+$0x10]  }
0x3c8: {  	v26 =	vmul.f32 v2, v57;
	v25 =	vmul.f32 v3, v57;
	v16 =	vld [tilespmem:s22+$0x20]  }
0x3c9: {  	v5 =	vmul.f32 v4, v58;
	v4 =	vmul.f32 v8, v58;
	v17 =	vld [tilespmem:s22+$0x30]  }
.Ltmp2:
0x3ca: {  	v3 =	vmul.f32 v9, v58;
	v2 =	vmul.f32 v10, v58;
	v8 =	vld [tilespmem:s21+$0x20];
	(pc) =	sbr.rel @p0 .LBB2_6-.Ltmp2, $4  }
0x3cb: {  	v22 =	vmul.f32 v11, v58;
	v54 =	vmul.f32 v12, v58;
	v7 =	vld [tilespmem:s21+$0x30]  }
0x3cc: {  	v10 =	vmul.f32 v13, v63;
	v9 =	vmul.f32 v14, v63;
	v0 =	vld [tilespmem:s21+$0x40]  }
0x3cd: {  	v14 =	vmul.f32 v15, v30;
	v13 =	vmul.f32 v6, v30;
	v1 =	vld [tilespmem:s21+$0x50]  }
0x3ce: {  	s25 =	sadd.s32 $0x200, s25;
	v12 =	vmul.f32 v16, v30;
	v11 =	vmul.f32 v17, v30;
	v6 =	vld [tilespmem:s22+$0x40]  }
0x3cf: {  	v17 =	vld [tilespmem:$0x1FEB0]  }
0x3d0: {  	v19 =	vld [tilespmem:$0x1FEC0]  }
0x3d1: {  	v18 =	vld [tilespmem:$0x1F9C0]  }
0x3d2: {  	v20 =	vld [tilespmem:$0x1FED0]  }
0x3d3: {  	v21 =	vld [tilespmem:$0x1FC30]  }
0x3d4: {  	v32 =	vld [tilespmem:$0x1FEE0]  }
0x3d5: {  	v33 =	vld [tilespmem:$0x1FEF0];
	v15 =	vmax.f32 v17, v19  }
0x3d6: {  	v34 =	vld [tilespmem:$0x1FF00];
	v15 =	vmax.f32 v15, v18  }
0x3d7: {  	v38 =	vld [tilespmem:$0x1FC40];
	v15 =	vmax.f32 v15, v20  }
0x3d8: {  	v37 =	vld [tilespmem:$0x1FC60];
	v15 =	vmax.f32 v15, v21  }
0x3d9: {  	v36 =	vld [tilespmem:$0x1FC80];
	v15 =	vmax.f32 v15, v32  }
0x3da: {  	v35 =	vld [tilespmem:$0x1FCA0];
	v15 =	vmax.f32 v15, v33  }
0x3db: {  	v41 =	vld [tilespmem:$0x1FD00];
	v15 =	vmax.f32 v15, v34  }
0x3dc: {  	v42 =	vld [tilespmem:$0x1FD10];
	v15 =	vmax.f32 v15, v38  }
0x3dd: {  	v39 =	vld [tilespmem:$0x1FD30];
	v15 =	vmax.f32 v15, v37  }
0x3de: {  	v40 =	vld [tilespmem:$0x1FD60];
	v15 =	vmax.f32 v15, v36  }
0x3df: {  	v46 =	vld [tilespmem:$0x1FDB0];
	v15 =	vmax.f32 v15, v35  }
0x3e0: {  	v45 =	vld [tilespmem:$0x1FDC0];
	v15 =	vmax.f32 v15, v41  }
0x3e1: {  	v44 =	vld [tilespmem:$0x1FDD0];
	v15 =	vmax.f32 v15, v42  }
0x3e2: {  	v43 =	vld [tilespmem:$0x1FDE0];
	v15 =	vmax.f32 v15, v39  }
0x3e3: {  	v48 =	vld [tilespmem:$0x1FDF0];
	v15 =	vmax.f32 v15, v40  }
0x3e4: {  	v47 =	vld [tilespmem:$0x1FE10];
	v15 =	vmax.f32 v15, v46  }
0x3e5: {  	v52 =	vld [tilespmem:$0x1F9D0];
	v15 =	vmax.f32 v15, v45  }
0x3e6: {  	v49 =	vld [tilespmem:$0x1F9E0];
	v15 =	vmax.f32 v15, v44  }
0x3e7: {  	v50 =	vld [tilespmem:$0x1F9F0];
	v15 =	vmax.f32 v15, v43  }
0x3e8: {  	v51 =	vld [tilespmem:$0x1FA00];
	v15 =	vmax.f32 v15, v48  }
0x3e9: {  	v53 =	vld [tilespmem:$0x1FA10];
	v15 =	vmax.f32 v15, v47  }
0x3ea: {  	v16 =	vld [tilespmem:$0x1FA20];
	v15 =	vmax.f32 v15, v52  }
0x3eb: {  	v15 =	vmax.f32 v15, v49  }
0x3ec: {  	v15 =	vmax.f32 v15, v50  }
0x3ed: {  	v15 =	vmax.f32 v15, v51  }
0x3ee: {  	v15 =	vmax.f32 v15, v53  }
0x3ef: {  	v15 =	vmax.f32 v15, v16;
	v16 =	vld [tilespmem:$0x1FA30];
	_ =	sdelay $0x4  }
0x3f0: {  	v15 =	vmax.f32 v15, v16;
	v16 =	vld [tilespmem:$0x1FA40];
	_ =	sdelay $0x4  }
0x3f1: {  	v15 =	vmax.f32 v15, v16;
	v16 =	vld [tilespmem:$0x1FA50];
	_ =	sdelay $0x4  }
0x3f2: {  	v15 =	vmax.f32 v15, v16;
	v16 =	vld [tilespmem:$0x1FA60];
	_ =	sdelay $0x4  }
0x3f3: {  	v15 =	vmax.f32 v15, v16  }
0x3f4: {  	v16 =	vmax.f32 v15, $-1.000000020e+30  }
0x3f5: {  	v15 =	vsub.f32 $-1.000000020e+30, v16;
	_ =	sdelay $0x1  }
0x3f6: {  	v17 =	vsub.f32 v17, v16;
	v15 =	vmul.f32 $1.442695020e+00, v15;
	_ =	sdelay $0x1  }
0x3f7: {  	(erf) = vpow2.f32 v15;
	v15 =	vmul.f32 $1.442695020e+00, v17;
	v17 =	vsub.f32 v19, v16;
	_ =	sdelay $0x1  }
0x3f8: {  	(erf) = vpow2.f32 v15;
	v15 =	vmul.f32 $1.442695020e+00, v17;
	v17 =	vsub.f32 v18, v16;
	_ =	sdelay $0x1  }
0x3f9: {  	v20 =	vsub.f32 v20, v16;
	(erf) = vpow2.f32 v15;
	v15 =	vmul.f32 $1.442695020e+00, v17;
	_ =	sdelay $0x1  }
0x3fa: {  	(erf) = vpow2.f32 v15;
	v15 =	vmul.f32 $1.442695020e+00, v20;
	v20 =	vsub.f32 v21, v16  }
0x3fb: {  	v21 =	vsub.f32 v32, v16  }
0x3fc: {  	(erf) = vpow2.f32 v15;
	v15 =	vmul.f32 $1.442695020e+00, v20  }
0x3fd: {  	v17 =	vmul.f32 $1.442695020e+00, v21;
	v21 =	vsub.f32 v33, v16;
	v32 =	vpop (erf)  }
0x3fe: {  	(erf) = vpow2.f32 v15;
	v15 =	vmul.f32 $0.0e+00, v32  }
0x3ff: {  	v34 =	vsub.f32 v34, v16;
	v33 =	vmul.f32 $1.442695020e+00, v21;
	v32 =	vpop (erf);
	(erf) = vpow2.f32 v17  }
0x400: {  	v15 =	vadd.f32 v15, v32  }
0x401: {  	(erf) = vpow2.f32 v33;
	v32 =	vmul.f32 $1.442695020e+00, v34;
	v33 =	vsub.f32 v38, v16;
	v21 =	vpop (erf)  }
0x402: {  	v15 =	vadd.f32 v15, v21  }
0x403: {  	v38 =	vmul.f32 $1.442695020e+00, v33;
	v21 =	vsub.f32 v37, v16;
	v34 =	vpop (erf)  }
0x404: {  	(erf) = vpow2.f32 v32;
	v15 =	vadd.f32 v15, v34;
	v34 =	vsub.f32 v36, v16  }
0x405: {  	v33 =	vmul.f32 $1.442695020e+00, v21;
	v32 =	vpop (erf)  }
0x406: {  	(erf) = vpow2.f32 v38;
	v15 =	vadd.f32 v15, v32;
	v37 =	vmul.f32 $1.442695020e+00, v34  }
0x407: {  	v36 =	vpop (erf);
	(erf) = vpow2.f32 v33  }
0x408: {  	v15 =	vadd.f32 v15, v36;
	v21 =	vpop (erf);
	(erf) = vpow2.f32 v37  }
0x409: {  	v38 =	vsub.f32 v35, v16  }
0x40a: {  	v33 =	vsub.f32 v41, v16;
	v15 =	vadd.f32 v15, v21  }
0x40b: {  	v32 =	vmul.f32 $1.442695020e+00, v38;
	v36 =	vsub.f32 v42, v16;
	v34 =	vpop (erf)  }
0x40c: {  	v41 =	vsub.f32 v39, v16;
	v35 =	vmul.f32 $1.442695020e+00, v33;
	v15 =	vadd.f32 v15, v34  }
0x40d: {  	(erf) = vpow2.f32 v32;
	v32 =	vsub.f32 v40, v16;
	v38 =	vmul.f32 $1.442695020e+00, v36;
	v37 =	vpop (erf)  }
0x40e: {  	v21 =	vmul.f32 $1.442695020e+00, v41;
	(erf) = vpow2.f32 v35;
	v15 =	vadd.f32 v15, v37  }
0x40f: {  	v34 =	vmul.f32 $1.442695020e+00, v32;
	v42 =	vpop (erf);
	(erf) = vpow2.f32 v38  }
0x410: {  	v15 =	vadd.f32 v15, v42;
	v33 =	vpop (erf);
	(erf) = vpow2.f32 v21  }
0x411: {  	v36 =	vpop (erf);
	(erf) = vpow2.f32 v34;
	v34 =	vld [tilespmem:$0x1FAD0]  }
0x412: {  	v15 =	vadd.f32 v15, v33;
	v33 =	vld [tilespmem:$0x1FAC0]  }
0x413: {  	v32 =	vld [tilespmem:$0x1FAE0];
	_ =	sdelay $0x1  }
0x414: {  	v35 =	vsub.f32 v46, v16;
	v38 =	vsub.f32 v45, v16  }
0x415: {  	v21 =	vld [tilespmem:$0x1FAF0];
	v15 =	vadd.f32 v15, v36  }
0x416: {  	v37 =	vmul.f32 $1.442695020e+00, v35;
	v41 =	vmul.f32 $1.442695020e+00, v38;
	v38 =	vld [tilespmem:$0x1FB00];
	v39 =	vpop (erf);
	v40 =	vmax.f32 v33, v34  }
0x417: {  	v36 =	vld [tilespmem:$0x1F780];
	v15 =	vadd.f32 v15, v39;
	v42 =	vmax.f32 v40, v32  }
0x418: {  	v45 =	vsub.f32 v44, v16;
	(erf) = vpow2.f32 v37;
	v46 =	vpop (erf)  }
0x419: {  	(erf) = vpow2.f32 v41;
	v15 =	vadd.f32 v15, v46  }
0x41a: {  	v37 =	vld [tilespmem:$0x1FB10];
	v41 =	vsub.f32 v43, v16;
	v40 =	vmul.f32 $1.442695020e+00, v45;
	v18 =	vmax.f32 v42, v21;
	v42 =	vpop (erf)  }
0x41b: {  	v43 =	vsub.f32 v48, v16;
	v39 =	vld [tilespmem:$0x1F800];
	v35 =	vmax.f32 v18, v38;
	v15 =	vadd.f32 v15, v42  }
0x41c: {  	v44 =	vmul.f32 $1.442695020e+00, v41;
	v17 =	vmax.f32 v35, v36;
	(erf) = vpow2.f32 v40;
	v35 =	vld [tilespmem:$0x1F7A0];
	v45 =	vpop (erf)  }
0x41d: {  	v48 =	vsub.f32 v47, v16;
	v41 =	vld [tilespmem:$0x1F7B0];
	v15 =	vadd.f32 v15, v45  }
0x41e: {  	v46 =	vmul.f32 $1.442695020e+00, v43;
	v43 =	vsub.f32 v52, v16;
	(erf) = vpow2.f32 v44;
	v42 =	vld [tilespmem:$0x1F7D0];
	v40 =	vpop (erf)  }
0x41f: {  	v18 =	vmul.f32 $1.442695020e+00, v48;
	v15 =	vadd.f32 v15, v40;
	v40 =	vld [tilespmem:$0x1F6D0]  }
0x420: {  	v52 =	vmul.f32 $1.442695020e+00, v43;
	v43 =	vld [tilespmem:$0x1F8E0];
	v17 =	vmax.f32 v17, v37;
	(erf) = vpow2.f32 v46  }
0x421: {  	v48 =	vpop (erf);
	v45 =	vld [tilespmem:$0x1F880];
	v17 =	vmax.f32 v17, v35  }
0x422: {  	v46 =	vld [tilespmem:$0x1F8A0];
	(erf) = vpow2.f32 v18;
	v17 =	vmax.f32 v17, v41;
	v15 =	vadd.f32 v15, v48  }
0x423: {  	v47 =	vsub.f32 v50, v16;
	v44 =	vld [tilespmem:$0x1F8C0];
	v17 =	vmax.f32 v17, v42;
	v48 =	vsub.f32 v49, v16;
	v49 =	vpop (erf)  }
0x424: {  	v18 =	vsub.f32 v53, v16;
	v53 =	vld [tilespmem:$0x1FA20];
	v15 =	vadd.f32 v15, v49;
	v17 =	vmax.f32 v17, v40  }
0x425: {  	(erf) = vpow2.f32 v52;
	v52 =	vmul.f32 $1.442695020e+00, v48;
	v49 =	vld [tilespmem:$0x1F940];
	v50 =	vpop (erf);
	v17 =	vmax.f32 v17, v39  }
0x426: {  	v20 =	vsub.f32 v51, v16;
	v15 =	vadd.f32 v15, v50;
	v50 =	vld [tilespmem:$0x1F950];
	v17 =	vmax.f32 v17, v45  }
0x427: {  	v48 =	vld [tilespmem:$0x1F960];
	(erf) = vpow2.f32 v52;
	v52 =	vmul.f32 $1.442695020e+00, v47;
	v47 =	vpop (erf);
	v17 =	vmax.f32 v17, v46  }
0x428: {  	v15 =	vadd.f32 v15, v47;
	v47 =	vld [tilespmem:$0x1F970];
	v17 =	vmax.f32 v17, v44  }
0x429: {  	v19 =	vmul.f32 $1.442695020e+00, v20;
	v51 =	vpop (erf);
	(erf) = vpow2.f32 v52;
	v52 =	vld [tilespmem:$0x1F980];
	v17 =	vmax.f32 v17, v43  }
0x42a: {  	v15 =	vadd.f32 v15, v51;
	v51 =	vld [tilespmem:$0x1F990];
	v17 =	vmax.f32 v17, v49  }
0x42b: {  	v20 =	vpop (erf);
	(erf) = vpow2.f32 v19;
	v19 =	vsub.f32 v53, v16;
	v53 =	vld [tilespmem:$0x1F6E0];
	v17 =	vmax.f32 v17, v50  }
0x42c: {  	v15 =	vadd.f32 v15, v20;
	v20 =	vld [tilespmem:$0x1F6F0];
	v17 =	vmax.f32 v17, v48  }
0x42d: {  	v17 =	vmax.f32 v17, v47  }
0x42e: {  	v18 =	vmul.f32 $1.442695020e+00, v18;
	v17 =	vmax.f32 v17, v52  }
0x42f: {  	v17 =	vmax.f32 v17, v51  }
0x430: {  	(erf) = vpow2.f32 v18;
	v18 =	vmul.f32 $1.442695020e+00, v19;
	v19 =	vld [tilespmem:$0x1F700];
	v17 =	vmax.f32 v17, v53  }
0x431: {  	v17 =	vmax.f32 v17, v20;
	v20 =	vld [tilespmem:$0x1F710];
	_ =	sdelay $0x3  }
0x432: {  	v17 =	vmax.f32 v17, v19  }
0x433: {  	v17 =	vmax.f32 v17, v20;
	v20 =	vld [tilespmem:$0x1F720];
	_ =	sdelay $0x4  }
0x434: {  	v17 =	vmax.f32 v17, v20;
	v20 =	vld [tilespmem:$0x1F730];
	_ =	sdelay $0x2  }
0x435: {  	v19 =	vpop (erf)  }
0x436: {  	v15 =	vadd.f32 v15, v19  }
0x437: {  	v19 =	vld [tilespmem:$0x1FA30];
	v17 =	vmax.f32 v17, v20;
	v20 =	vpop (erf)  }
0x438: {  	v15 =	vadd.f32 v15, v20;
	v20 =	vld [tilespmem:$0x1F740]  }
0x439: {  	(erf) = vpow2.f32 v18;
	v18 =	vld [tilespmem:$0x1FA40];
	_ =	sdelay $0x2  }
0x43a: {  	v19 =	vsub.f32 v19, v16  }
0x43b: {  	v17 =	vmax.f32 v17, v20;
	v20 =	vld [tilespmem:$0x1F750]  }
0x43c: {  	v18 =	vsub.f32 v18, v16;
	v19 =	vmul.f32 $1.442695020e+00, v19;
	_ =	sdelay $0x1  }
0x43d: {  	v18 =	vmul.f32 $1.442695020e+00, v18;
	(erf) = vpow2.f32 v19;
	v19 =	vld [tilespmem:$0x1FA50];
	_ =	sdelay $0x1  }
0x43e: {  	v17 =	vmax.f32 v17, v20;
	v20 =	vpop (erf);
	(erf) = vpow2.f32 v18;
	v18 =	vld [tilespmem:$0x1F760];
	_ =	sdelay $0x2  }
0x43f: {  	v19 =	vsub.f32 v19, v16  }
0x440: {  	v15 =	vadd.f32 v15, v20;
	v20 =	vld [tilespmem:$0x1F770]  }
0x441: {  	v17 =	vmax.f32 v17, v18;
	v18 =	vmul.f32 $1.442695020e+00, v19;
	v19 =	vld [tilespmem:$0x1FA60];
	_ =	sdelay $0x4  }
0x442: {  	v17 =	vmax.f32 v17, v20;
	v20 =	vpop (erf);
	v19 =	vsub.f32 v19, v16  }
0x443: {  	v20 =	vadd.f32 v15, v20;
	v15 =	vmax.f32 v16, v17  }
0x444: {  	(erf) = vpow2.f32 v18;
	v18 =	vpop (erf);
	v16 =	vsub.f32 v16, v15;
	v17 =	vmul.f32 $1.442695020e+00, v19  }
0x445: {  	v18 =	vadd.f32 v20, v18  }
0x446: {  	v16 =	vmul.f32 $1.442695020e+00, v16;
	(erf) = vpow2.f32 v17;
	v17 =	vsub.f32 v33, v15;
	v33 =	vpop (erf)  }
0x447: {  	v18 =	vadd.f32 v18, v33  }
0x448: {  	(erf) = vpow2.f32 v16;
	v33 =	vsub.f32 v34, v15;
	v34 =	vpop (erf);
	v16 =	vmul.f32 $1.442695020e+00, v17  }
0x449: {  	v18 =	vadd.f32 v18, v34  }
0x44a: {  	(erf) = vpow2.f32 v16;
	v16 =	vmul.f32 $1.442695020e+00, v33;
	v33 =	vsub.f32 v32, v15  }
0x44b: {  	v14 =	vadd.f32 v14, v55;
	v34 =	vpop (erf)  }
0x44c: {  	v18 =	vadd.f32 v18, v34;
	v32 =	vmul.f32 $1.442695020e+00, v33;
	v33 =	vsub.f32 v21, v15  }
0x44d: {  	v13 =	vadd.f32 v13, v23;
	v12 =	vadd.f32 v12, v60;
	v34 =	vpop (erf);
	(erf) = vpow2.f32 v16  }
0x44e: {  	v8 =	vmul.f32 v8, v63;
	v11 =	vadd.f32 v11, v59;
	v18 =	vadd.f32 v18, v34  }
0x44f: {  	(erf) = vpow2.f32 v32;
	v21 =	vmul.f32 $1.442695020e+00, v33;
	v32 =	vsub.f32 v38, v15  }
0x450: {  	v7 =	vmul.f32 v7, v63;
	v10 =	vadd.f32 v10, v14;
	v36 =	vsub.f32 v36, v15;
	v33 =	vpop (erf)  }
0x451: {  	(erf) = vpow2.f32 v21;
	v34 =	vmul.f32 $1.442695020e+00, v32;
	v18 =	vadd.f32 v18, v33  }
0x452: {  	v9 =	vadd.f32 v9, v13;
	v8 =	vadd.f32 v8, v12;
	v21 =	vmul.f32 $1.442695020e+00, v36;
	v38 =	vpop (erf)  }
0x453: {  	v32 =	vsub.f32 v37, v15;
	(erf) = vpow2.f32 v34;
	v18 =	vmul.f32 v38, v18  }
0x454: {  	v7 =	vadd.f32 v7, v11;
	v35 =	vsub.f32 v35, v15;
	v33 =	vpop (erf)  }
0x455: {  	v17 =	vmul.f32 $1.442695020e+00, v32;
	(erf) = vpow2.f32 v21;
	v18 =	vadd.f32 v18, v33  }
0x456: {  	v5 =	vadd.f32 v5, v10;
	v4 =	vadd.f32 v4, v9;
	v36 =	vmul.f32 $1.442695020e+00, v35;
	v34 =	vpop (erf)  }
0x457: {  	v37 =	vsub.f32 v41, v15;
	(erf) = vpow2.f32 v17;
	v16 =	vadd.f32 v18, v34  }
0x458: {  	v8 =	vadd.f32 v3, v8;
	v41 =	vsub.f32 v42, v15;
	v38 =	vpop (erf)  }
0x459: {  	v42 =	vmul.f32 $1.442695020e+00, v37;
	(erf) = vpow2.f32 v36;
	v16 =	vadd.f32 v16, v38  }
0x45a: {  	v7 =	vadd.f32 v2, v7;
	v60 =	vsub.f32 v40, v15;
	v55 =	vpop (erf)  }
0x45b: {  	v59 =	vmul.f32 $1.442695020e+00, v41;
	(erf) = vpow2.f32 v42;
	v14 =	vadd.f32 v16, v55  }
0x45c: {  	v6 =	vmul.f32 v6, v30;
	v2 =	vadd.f32 v62, v5;
	v23 =	vsub.f32 v39, v15;
	v19 =	vpop (erf)  }
0x45d: {  	v20 =	vmul.f32 $1.442695020e+00, v60;
	(erf) = vpow2.f32 v59;
	v13 =	vadd.f32 v14, v19  }
0x45e: {  	v6 =	vadd.f32 v6, v31;
	v35 =	vsub.f32 v45, v15;
	v21 =	vpop (erf)  }
0x45f: {  	v62 =	vld [tilespmem:s22+$0x50];
	v34 =	vmul.f32 $1.442695020e+00, v23;
	(erf) = vpow2.f32 v20;
	v32 =	vadd.f32 v13, v21  }
0x460: {  	v0 =	vmul.f32 v0, v63;
	v5 =	vadd.f32 v61, v7;
	v39 =	vsub.f32 v46, v15;
	v33 =	vpop (erf)  }
0x461: {  	v38 =	vmul.f32 $1.442695020e+00, v35;
	(erf) = vpow2.f32 v34;
	v36 =	vadd.f32 v32, v33  }
0x462: {  	v0 =	vadd.f32 v0, v6;
	v45 =	vsub.f32 v44, v15;
	v37 =	vpop (erf)  }
0x463: {  	v42 =	vmul.f32 $1.442695020e+00, v39;
	(erf) = vpow2.f32 v38;
	v40 =	vadd.f32 v36, v37  }
0x464: {  	v0 =	vadd.f32 v22, v0;
	v9 =	vmul.f32 v62, v30;
	v59 =	vsub.f32 v43, v15;
	v41 =	vpop (erf)  }
0x465: {  	v55 =	vmul.f32 $1.442695020e+00, v45;
	(erf) = vpow2.f32 v42;
	v3 =	vadd.f32 v40, v41  }
0x466: {  	v1 =	vmul.f32 v1, v63;
	v9 =	vadd.f32 v9, v29;
	v17 =	vsub.f32 v49, v15;
	v46 =	vpop (erf)  }
0x467: {  	v11 =	vmul.f32 $1.442695020e+00, v59;
	(erf) = vpow2.f32 v55;
	v60 =	vadd.f32 v3, v46  }
0x468: {  	v1 =	vadd.f32 v1, v9;
	v20 =	vsub.f32 v50, v15;
	v19 =	vmul.f32 $1.442695020e+00, v17;
	v16 =	vpop (erf)  }
0x469: {  	v33 =	vsub.f32 v48, v15;
	(erf) = vpow2.f32 v11;
	v10 =	vadd.f32 v60, v16  }
0x46a: {  	v49 =	vld [tilespmem:$0x1F6F0];
	v3 =	vadd.f32 v56, v4;
	v4 =	vadd.f32 v24, v8;
	v23 =	vpop (erf)  }
0x46b: {  	v18 =	vld [tilespmem:s22+$0x60];
	(erf) = vpow2.f32 v19;
	v24 =	vmul.f32 $1.442695020e+00, v20;
	v7 =	vadd.f32 v10, v23  }
0x46c: {  	v0 =	vadd.f32 v26, v0;
	v1 =	vadd.f32 v54, v1;
	v12 =	vmul.f32 $1.442695020e+00, v33;
	v32 =	vpop (erf)  }
0x46d: {  	v21 =	vld [tilespmem:s22+$0x70];
	v36 =	vsub.f32 v47, v15;
	(erf) = vpow2.f32 v24;
	v7 =	vadd.f32 v7, v32  }
0x46e: {  	v1 =	vadd.f32 v25, v1;
	v39 =	vsub.f32 v52, v15;
	v37 =	vld [tilespmem:s21+$0x60];
	v35 =	vpop (erf);
	(erf) = vpow2.f32 v12  }
0x46f: {  	v52 =	vld [tilespmem:s19+$0x60];
	v17 =	vsub.f32 v49, v15;
	v13 =	vmul.f32 $1.442695020e+00, v36;
	v7 =	vadd.f32 v7, v35  }
0x470: {  	v14 =	vmul.f32 $1.442695020e+00, v39;
	v34 =	vmul.f32 v18, v30;
	v42 =	vsub.f32 v51, v15;
	v40 =	vld [tilespmem:s21+$0x70];
	v38 =	vpop (erf)  }
0x471: {  	v59 =	vld [tilespmem:$0x1F710];
	v50 =	vmul.f32 $1.442695020e+00, v17;
	(erf) = vpow2.f32 v13;
	v7 =	vadd.f32 v7, v38  }
0x472: {  	v45 =	vsub.f32 v53, v15;
	v51 =	vld [tilespmem:$0x1F700];
	v44 =	vmul.f32 $1.442695020e+00, v42;
	v8 =	vmul.f32 v21, v30;
	v41 =	vpop (erf)  }
0x473: {  	v47 =	vld [tilespmem:s20+$0x70];
	v11 =	vmul.f32 v37, v63;
	(erf) = vpow2.f32 v14;
	v7 =	vadd.f32 v7, v41  }
0x474: {  	v46 =	vld [tilespmem:s20+$0x60];
	v8 =	vadd.f32 v8, v27;
	v16 =	vmul.f32 $1.442695020e+00, v45;
	v25 =	vmax.f32 v2, v3;
	v43 =	vpop (erf)  }
0x475: {  	v62 =	vld [tilespmem:$0x1F720];
	v12 =	vmul.f32 v40, v63;
	(erf) = vpow2.f32 v44;
	v7 =	vadd.f32 v7, v43  }
0x476: {  	v19 =	vld [tilespmem:$0x1F730];
	v63 =	vmul.f32 v52, v57;
	v10 =	vadd.f32 v34, v28;
	v48 =	vpop (erf);
	(erf) = vpow2.f32 v16  }
0x477: {  	v20 =	vld [tilespmem:$0x1F740];
	v14 =	vsub.f32 v51, v15;
	v53 =	vpop (erf);
	(erf) = vpow2.f32 v50;
	v7 =	vadd.f32 v7, v48  }
0x478: {  	v13 =	vmul.f32 v47, v58;
	v8 =	vadd.f32 v12, v8;
	v16 =	vsub.f32 v59, v15  }
0x479: {  	v6 =	vmul.f32 v46, v58;
	v55 =	vmul.f32 $1.442695020e+00, v14;
	v7 =	vadd.f32 v7, v53  }
0x47a: {  	v24 =	vld [tilespmem:$0x1F750];
	v10 =	vadd.f32 v11, v10;
	v58 =	vpop (erf);
	v61 =	vmul.f32 $1.442695020e+00, v16;
	v16 =	vsub.f32 v62, v15  }
0x47b: {  	v56 =	vld [tilespmem:s19+$0x70];
	v14 =	vsub.f32 v19, v15;
	(erf) = vpow2.f32 v55;
	v7 =	vadd.f32 v7, v58  }
0x47c: {  	v6 =	vadd.f32 v6, v10;
	v10 =	vsub.f32 v20, v15;
	v18 =	vmul.f32 $1.442695020e+00, v16;
	v60 =	vpop (erf)  }
0x47d: {  	v27 =	vld [tilespmem:$0x1F760];
	v22 =	vmul.f32 $1.442695020e+00, v14;
	(erf) = vpow2.f32 v61;
	v7 =	vadd.f32 v7, v60  }
0x47e: {  	v8 =	vadd.f32 v13, v8;
	v10 =	vmul.f32 $1.442695020e+00, v10;
	v17 =	vpop (erf);
	(erf) = vpow2.f32 v18  }
0x47f: {  	v32 =	vld [tilespmem:$0x1F770];
	v13 =	vsub.f32 v24, v15;
	v21 =	vpop (erf);
	(erf) = vpow2.f32 v22;
	v7 =	vadd.f32 v7, v17  }
0x480: {  	v12 =	vmul.f32 v56, v57;
	v23 =	vpop (erf);
	(erf) = vpow2.f32 v10;
	v10 =	vmax.f32 v25, v4  }
0x481: {  	v13 =	vmul.f32 $1.442695020e+00, v13;
	v28 =	vmax.f32 v10, v5;
	v7 =	vadd.f32 v7, v21  }
0x482: {  	v6 =	vadd.f32 v63, v6;
	v14 =	vsub.f32 v27, v15;
	v9 =	vmax.f32 v28, v0  }
0x483: {  	v8 =	vadd.f32 v12, v8;
	v9 =	vmax.f32 v9, v1;
	v7 =	vadd.f32 v7, v23  }
0x484: {  	v11 =	vsub.f32 v32, v15;
	v29 =	vmul.f32 $1.442695020e+00, v14;
	v26 =	vpop (erf);
	v9 =	vmax.f32 v9, v6  }
0x485: {  	(erf) = vpow2.f32 v13;
	v9 =	vmax.f32 v9, v8;
	v7 =	vadd.f32 v7, v26  }
0x486: {  	v11 =	vmul.f32 $1.442695020e+00, v11;
	v30 =	vpop (erf);
	v9 =	vmax.f32 v15, v9  }
0x487: {  	(erf) = vpow2.f32 v29;
	v31 =	vpop (erf);
	v34 =	vsub.f32 v15, v9;
	v7 =	vadd.f32 v7, v30  }
0x488: {  	v37 =	vsub.f32 v2, v9;
	v33 =	vpop (erf)  }
0x489: {  	v35 =	vpop (erf);
	(erf) = vpow2.f32 v11;
	v36 =	vmul.f32 $1.442695020e+00, v34;
	v7 =	vadd.f32 v7, v31  }
0x48a: {  	v40 =	vsub.f32 v3, v9;
	v41 =	vsub.f32 v4, v9  }
0x48b: {  	v39 =	vmul.f32 $1.442695020e+00, v37;
	(erf) = vpow2.f32 v36;
	v7 =	vadd.f32 v7, v33  }
0x48c: {  	v44 =	vsub.f32 v5, v9;
	v45 =	vsub.f32 v0, v9  }
0x48d: {  	v43 =	vmul.f32 $1.442695020e+00, v40;
	(erf) = vpow2.f32 v39;
	v7 =	vadd.f32 v7, v35  }
0x48e: {  	v47 =	vsub.f32 v1, v9;
	v49 =	vsub.f32 v6, v9;
	v10 =	vmul.f32 $1.442695020e+00, v41;
	v38 =	vpop (erf)  }
0x48f: {  	v46 =	vmul.f32 $1.442695020e+00, v44;
	(erf) = vpow2.f32 v43;
	v7 =	vadd.f32 v7, v38  }
0x490: {  	v51 =	vsub.f32 v8, v9;
	v48 =	vmul.f32 $1.442695020e+00, v45;
	v42 =	vpop (erf);
	(erf) = vpow2.f32 v10  }
0x491: {  	v50 =	vmul.f32 $1.442695020e+00, v47;
	(erf) = vpow2.f32 v46;
	v7 =	vadd.f32 v7, v42  }
0x492: {  	v13 =	vmul.f32 $1.442695020e+00, v49;
	(erf) = vpow2.f32 v48;
	v52 =	vpop (erf)  }
0x493: {  	v53 =	vmul.f32 $1.442695020e+00, v51;
	(erf) = vpow2.f32 v50;
	v7 =	vadd.f32 v7, v52  }
0x494: {  	(erf) = vpow2.f32 v13;
	v54 =	vpop (erf)  }
0x495: {  	(erf) = vpow2.f32 v53;
	v7 =	vmul.f32 v54, v7  }
0x496: {  	[tilespmem:$0xF00] =	vst v2;
	v55 =	vpop (erf)  }
0x497: {  	[tilespmem:$0xF30] =	vst v5;
	v2 =	vadd.f32 v7, v55  }
0x498: {  	[tilespmem:$0xF40] =	vst v0;
	v56 =	vpop (erf)  }
0x499: {  	[tilespmem:$0xF50] =	vst v1;
	v57 =	vpop (erf);
	v2 =	vadd.f32 v2, v56  }
0x49a: {  	[tilespmem:$0xF10] =	vst v3;
	v58 =	vpop (erf)  }
0x49b: {  	[tilespmem:$0xF20] =	vst v4;
	v60 =	vpop (erf);
	v59 =	vadd.f32 v2, v57  }
0x49c: {  	[tilespmem:$0xF70] =	vst v8;
	v61 =	vpop (erf)  }
0x49d: {  	[tilespmem:$0xF60] =	vst v6;
	v62 =	vpop (erf);
	v0 =	vadd.f32 v59, v58  }
0x49e: {  	[hbm4b:s8+s3] =	stream.linear.scatter [tilespmem:s0], [sflag:$0x4], $0x480, $0x38;
	v63 =	vpop (erf);
	[tilespmem:$0x1B000] =	vst v63  }
0x49f: {  	_ =	swait.ge [sflag:s12], $0x480;
	v0 =	vadd.f32 v0, v60  }
0x4a0: {  	[sflag:s12] =	ssyncset.done $0x0  }
0x4a1: {  	[sflag:s12] =	ssyncadd.s32 $0xFFFFFB80;
	v0 =	vadd.f32 v0, v61  }
0x4a2: {  	[tilespmem:$0xF80] =	vst v9  }
0x4a3: {  	[hbm4b:s9+s3] =	stream.linear.scatter [tilespmem:s1], [sflag:$0x4], $0x10, $0x38;
	v0 =	vadd.f32 v0, v62;
	[tilespmem:$0x1B000] =	vst v63  }
0x4a4: {  	_ =	swait.ge [sflag:s12], $0x10  }
0x4a5: {  	s17 =	sadd.s32 $0x1, s17;
	[sflag:s12] =	ssyncset.done $0x0;
	v0 =	vadd.f32 v0, v63  }
0x4a6: {  	p0 =	sne.s32 s17, s11;
	[sflag:s12] =	ssyncadd.s32 $0xFFFFFFF0  }
.Ltmp3:
0x4a7: {  	[tilespmem:$0xF90] =	vst v0;
	(pc) =	sbr.rel @p0 .LBB2_1-.Ltmp3, $4  }
0x4a8: {  	[hbm4b:s10+s3] =	stream.linear.scatter [tilespmem:s13], [sflag:$0x4], $0x10, $0x38;
	[tilespmem:$0x1B000] =	vst v63  }
0x4a9: {  	_ =	swait.ge [sflag:s12], $0x10  }
0x4aa: {  	[sflag:s12] =	ssyncset.done $0x0  }
0x4ab: {  	[sflag:s12] =	ssyncadd.s32 $0xFFFFFFF0  }
0x4ac: {  	_ =	sfence.sel $0x180000  }
0x4ad: {  	[bflag:$0x0] =	sbarrier.arrive $0xFFFF  }
0x4ae: {  	_ =	strace $0x90000047  }
0x4af: {  	s0 =	stileid.u32;
	[bflag:$0x2] =	sbarrier.arrive $0xFFFF  }
0x4b0: {  	p0 =	sne.s32 s0, $0x0;
	s0 =	rddreg [dreg:$0x4]  }
0x4b1: {  	s0 =	sadd.s32 @!p0 $0x100000, s0  }
0x4b2: {  	[sflag:s0] =	ssyncadd.tile.s32 @!p0 $0x1;
	_ =	shalt  }
.Lfunc_end2:
_tile_overlayer_lowered:
.L_overlay_start_2:
0x4b3: {  	(tag) =	ssettag $0x2  }
0x4b4: {  	s0 =	rddreg [dreg:$0x0];
	s2 =	stileid.u32  }
0x4b5: {  	s1 =	rddreg [dreg:$0x1];
	p0 =	sne.s32 s2, $0x0  }
0x4b6: {  	s3 =	rddreg [dreg:$0x2];
	[bflag:$0x3] =	sbarrier.arrive $0xFFFF;
	s2 =	simm.s32 @!p0 $0x1C04  }
0x4b7: {  	[timem:s3], [sflag:s2] =	dma.local @!p0 [hbm:s0], s1  }
0x4b8: {  	s0 =	simm.s32 @!p0 $0x4  }
0x4b9: {  	_ =	swait.ge @!p0 [sflag:s0], s1  }
0x4ba: {  	s1 =	ssub.s32 @!p0 $0x0, s1;
	[sflag:s0] =	ssyncset.done @!p0 $0x0  }
0x4bb: {  	[sflag:s0] =	ssyncadd.s32 @!p0 s1  }
0x4bc: {  	[bflag:$0x3] =	sbarrier.arrive $0xFFFF  }
0x4bd: {  	_ =	shalt  }

</sc_bundles>
